<compile_context>
chip_gen: v7x
topology: tpu7x:2x2x1
jax: 0.10.2.dev20260603
libtpu: 0.0.44.dev20260713+nightly
codegen_flags: <defaults>
</compile_context>

<pallas_src>
import functools

import jax
import jax.numpy as jnp
from jax import lax
from jax.experimental import pallas as pl
from jax.experimental.pallas import tpu as pltpu
from jax.experimental.pallas import tpu_sc as plsc

N = 10000
D = 128
D_OUT = 64
E = 320000
EPS = 1e-5

NC = 2
NS = 16
NW = NC * NS
EPW = E // NW
CHUNK = 40
NCHUNK = EPW // CHUNK
NP = 10240
RPT = NP // NS


def _spmm_sc(feat, row2, col2, w2, zeros):
    mesh = plsc.VectorSubcoreMesh(core_axis_name="c", subcore_axis_name="s")
    NBUF = 4

    @functools.partial(
        pl.kernel,
        out_type=jax.ShapeDtypeStruct((NC, N, D), jnp.float32),
        mesh=mesh,
        scratch_types=[
            pltpu.VMEM_SHARED((N, D), jnp.float32),
            pltpu.VMEM((EPW,), jnp.int32),
            pltpu.VMEM((EPW,), jnp.int32),
            pltpu.VMEM((EPW,), jnp.float32),
            pltpu.VMEM((CHUNK, D), jnp.float32),
            pltpu.VMEM((CHUNK, D), jnp.float32),
            pltpu.VMEM((CHUNK, D), jnp.float32),
            pltpu.VMEM((CHUNK, D), jnp.float32),
            pltpu.SemaphoreType.DMA,
            pltpu.SemaphoreType.DMA,
            pltpu.SemaphoreType.DMA,
            pltpu.SemaphoreType.DMA,
            pltpu.SemaphoreType.DMA,
            pltpu.SemaphoreType.DMA,
            pltpu.SemaphoreType.DMA,
            pltpu.SemaphoreType.DMA,
        ],
    )
    def k(feat_hbm, row_hbm, col_hbm, w_hbm, zero_hbm, out_hbm,
          acc, rowv, colv, wv, r0b, r1b, r2b, r3b,
          sg0, sg1, sg2, sg3, ss0, ss1, ss2, ss3):
        cid = lax.axis_index("c")
        sid = lax.axis_index("s")
        wid = cid * NS + sid
        z0 = sid * 624

        @pl.when(sid < NS - 1)
        def _():
            pltpu.sync_copy(zero_hbm.at[pl.ds(z0, 624)],
                            acc.at[pl.ds(z0, 624)])

        @pl.when(sid == NS - 1)
        def _():
            pltpu.sync_copy(zero_hbm.at[pl.ds(9360, 640)],
                            acc.at[pl.ds(9360, 640)])

        pltpu.sync_copy(row_hbm.at[wid], rowv)
        pltpu.sync_copy(col_hbm.at[wid], colv)
        pltpu.sync_copy(w_hbm.at[wid], wv)
        plsc.subcore_barrier()

        bufs = (r0b, r1b, r2b, r3b)
        gsems = (sg0, sg1, sg2, sg3)
        ssems = (ss0, ss1, ss2, ss3)

        def issue_gather(kc, b):
            idx = colv.at[pl.ds(kc * CHUNK, CHUNK)]
            pltpu.async_copy(feat_hbm.at[idx], bufs[b], gsems[b])

        def drain_gather(b):
            pltpu.make_async_copy(
                feat_hbm.at[pl.ds(0, CHUNK)], bufs[b], gsems[b]).wait()

        def issue_scatter(kc, b):
            idx = rowv.at[pl.ds(kc * CHUNK, CHUNK)]
            pltpu.async_copy(bufs[b], acc.at[idx], ssems[b], add=True)

        def drain_scatter(b):
            pltpu.make_async_copy(
                feat_hbm.at[pl.ds(0, CHUNK)], bufs[b], ssems[b]).wait()

        def compute(kc, b):
            rows = bufs[b]
            base = kc * CHUNK

            def grp_body(g, c):
                wvec = wv[pl.ds(base + g * 8, 16)]

                def edge_body(e, c2):
                    for u in range(2):
                        i = g * 8 + e * 2 + u
                        s = wvec[jnp.full((16,), e * 2 + u, jnp.int32)]
                        for j in range(D // 16):
                            rows[i, pl.ds(j * 16, 16)] = (
                                rows[i, pl.ds(j * 16, 16)] * s)
                    return c2

                return lax.fori_loop(0, 4, edge_body, c)

            lax.fori_loop(0, CHUNK // 8, grp_body, 0)

        issue_gather(0, 0)
        issue_gather(1, 1)
        issue_gather(2, 2)

        def step(kc, kq, j):
            b = j
            bp = (j + 3) % NBUF
            drain_gather(b)
            compute(kc, b)
            issue_scatter(kc, b)
            if j == 0:
                @pl.when(kq > 0)
                def _():
                    drain_scatter(bp)

                issue_gather(kc + 3, bp)
            else:
                drain_scatter(bp)

                @pl.when(kc + 3 < NCHUNK)
                def _():
                    issue_gather(kc + 3, bp)

        def quad(kq, carry):
            for j in range(NBUF):
                step(kq * NBUF + j, kq, j)
            return carry

        lax.fori_loop(0, NCHUNK // NBUF, quad, 0)

        for t in range(NCHUNK - (NCHUNK // NBUF) * NBUF):
            kc = (NCHUNK // NBUF) * NBUF + t
            b = kc % NBUF
            drain_gather(b)
            compute(kc, b)
            issue_scatter(kc, b)
            drain_scatter((b + 3) % NBUF)
        drain_scatter((NCHUNK - 1) % NBUF)

        plsc.subcore_barrier()

        @pl.when(sid < NS - 1)
        def _():
            pltpu.sync_copy(acc.at[pl.ds(z0, 624)],
                            out_hbm.at[cid, pl.ds(z0, 624)])

        @pl.when(sid == NS - 1)
        def _():
            pltpu.sync_copy(acc.at[pl.ds(9360, 640)],
                            out_hbm.at[cid, pl.ds(9360, 640)])

    return k(feat, row2, col2, w2, zeros)


def _fuse1(z1, w1, b1, gamma, beta):
    def body(zr, w1r, b1r, gr, br, out):
        z = zr[0] + zr[1]
        z = lax.dot_general(z, w1r[...], (((1,), (1,)), ((), ())),
                            preferred_element_type=jnp.float32)
        z = z + b1r[...]
        mean = jnp.mean(z, axis=0, keepdims=True)
        zc = z - mean
        var = jnp.mean(zc * zc, axis=0, keepdims=True)
        h = zc * lax.rsqrt(var + EPS) * gr[...] + br[...]
        out[...] = jnp.maximum(h, 0.0)

    return pl.pallas_call(
        body,
        out_shape=jax.ShapeDtypeStruct((N, D), jnp.float32),
    )(z1, w1, b1.reshape(1, D), gamma.reshape(1, D), beta.reshape(1, D))


def _fuse2(z2, wc, bc):
    def body(zr, wcr, bcr, out):
        z = zr[0] + zr[1]
        z = lax.dot_general(z, wcr[...], (((1,), (1,)), ((), ())),
                            preferred_element_type=jnp.float32)
        z = z + bcr[...]
        m = jnp.max(z, axis=1, keepdims=True)
        zs = z - m
        lse = jnp.log(jnp.sum(jnp.exp(zs), axis=1, keepdims=True))
        out[...] = zs - lse

    return pl.pallas_call(
        body,
        out_shape=jax.ShapeDtypeStruct((N, D_OUT), jnp.float32),
    )(z2, wc, bc.reshape(1, D_OUT))


def kernel(x, edge_index, edge_weight, W1, b1, gamma, beta, Wc, bc):
    row2 = edge_index[0].astype(jnp.int32).reshape(NW, EPW)
    col2 = edge_index[1].astype(jnp.int32).reshape(NW, EPW)
    w2 = edge_weight.reshape(NW, EPW)
    zeros = jnp.zeros((N, D), jnp.float32)
    z1 = _spmm_sc(x, row2, col2, w2, zeros)
    h = _fuse1(z1, W1, b1, gamma, beta)
    z2 = _spmm_sc(h, row2, col2, w2, zeros)
    return _fuse2(z2, Wc, bc)

# --- scband reference (transcript-rebuilt; emitter-appended) ---
"""Pipeline reference for scband-gcn-classifier-81570018885760 (READ-ONLY COPY).

The authoritative reference and input builder live on the scoring server;
editing this copy changes nothing except your own understanding.
"""

import jax, jax.numpy as jnp
import numpy as np

N = 10000
E = 320000
D_IN = 128
D_H = 128
D_OUT = 64
EPS = 1e-5


def setup_inputs(seed: int = 0) -> dict:
    key = jax.random.key(seed)
    ks = jax.random.split(key, 10)
    x = jax.random.normal(ks[0], (N, D_IN), dtype=jnp.float32)
    edge_index = jax.random.randint(ks[1], (2, E), 0, N)
    edge_weight = jax.random.uniform(ks[2], (E,), dtype=jnp.float32)
    W1 = jax.random.normal(ks[3], (D_H, D_IN), dtype=jnp.float32) * 0.05
    b1 = jnp.zeros((D_H,), dtype=jnp.float32)
    gamma = jnp.ones((D_H,), dtype=jnp.float32)
    beta = jnp.zeros((D_H,), dtype=jnp.float32)
    Wc = jax.random.normal(ks[4], (D_OUT, D_H), dtype=jnp.float32) * 0.05
    bc = jnp.zeros((D_OUT,), dtype=jnp.float32)
    return {"x": x, "edge_index": edge_index, "edge_weight": edge_weight,
            "W1": W1, "b1": b1, "gamma": gamma, "beta": beta, "Wc": Wc, "bc": bc}


def reference(x, edge_index, edge_weight, W1, b1, gamma, beta, Wc, bc):
    # sparse transition_matrix (COO: row=edge_index[0], col=edge_index[1], val=edge_weight)
    row = edge_index[0]
    col = edge_index[1]

    def spmm(feat):
        msg = edge_weight[:, None] * jnp.take(feat, col, axis=0)
        return jax.ops.segment_sum(msg, row, num_segments=N)

    # z = sparse.mm(A, x)
    z = spmm(x)
    # fc1
    z = z @ W1.T + b1
    # bn1 (training-mode batch statistics, biased variance)
    mean = jnp.mean(z, axis=0)
    var = jnp.var(z, axis=0)
    z = (z - mean) / jnp.sqrt(var + EPS) * gamma + beta
    # ReLU (dropout p=0.0 is identity)
    z = jax.nn.relu(z)
    # z = sparse.mm(A, z)
    z = spmm(z)
    # clf
    z = z @ Wc.T + bc
    # log softmax
    return jax.nn.log_softmax(z, axis=1)

if __name__ == "__main__":
    import jax
    _d = setup_inputs()
    print(jax.jit(kernel)(*tuple(_d.values())))

</pallas_src>

<mosaic_0001>
#map = affine_map<(d0, d1) -> (0, 0)>
#map1 = affine_map<(d0, d1) -> (0, 0, 0)>
module attributes {stable_mosaic.version = 14 : i64} {
  func.func @k(%arg0: i32, %arg1: i32, %arg2: memref<10000x128xf32, #tpu.memory_space<hbm>>, %arg3: memref<32x10000xi32, #tpu.memory_space<hbm>>, %arg4: memref<32x10000xi32, #tpu.memory_space<hbm>>, %arg5: memref<32x10000xf32, #tpu.memory_space<hbm>>, %arg6: memref<10000x128xf32, #tpu.memory_space<hbm>>, %arg7: memref<2x10000x128xf32, #tpu.memory_space<hbm>>, %arg8: memref<10000x128xf32, #tpu.memory_space<vmem_shared>>, %arg9: memref<10000xi32, #tpu.memory_space<vmem>>, %arg10: memref<10000xi32, #tpu.memory_space<vmem>>, %arg11: memref<10000xf32, #tpu.memory_space<vmem>>, %arg12: memref<40x128xf32, #tpu.memory_space<vmem>>, %arg13: memref<40x128xf32, #tpu.memory_space<vmem>>, %arg14: memref<40x128xf32, #tpu.memory_space<vmem>>, %arg15: memref<40x128xf32, #tpu.memory_space<vmem>>, %arg16: memref<!tpu.dma_semaphore, #tpu.memory_space<semaphore_mem>>, %arg17: memref<!tpu.dma_semaphore, #tpu.memory_space<semaphore_mem>>, %arg18: memref<!tpu.dma_semaphore, #tpu.memory_space<semaphore_mem>>, %arg19: memref<!tpu.dma_semaphore, #tpu.memory_space<semaphore_mem>>, %arg20: memref<!tpu.dma_semaphore, #tpu.memory_space<semaphore_mem>>, %arg21: memref<!tpu.dma_semaphore, #tpu.memory_space<semaphore_mem>>, %arg22: memref<!tpu.dma_semaphore, #tpu.memory_space<semaphore_mem>>, %arg23: memref<!tpu.dma_semaphore, #tpu.memory_space<semaphore_mem>>) attributes {dimension_semantics = [#tpu.dimension_semantics<core_parallel>, #tpu.dimension_semantics<subcore_parallel>], iteration_bounds = array<i64: 2, 16>, scalar_prefetch = 0 : i64, scratch_operands = 16 : i64, tpu.core_type = #tpu.core_type<sc_vector_subcore>, window_params = [{transform_indices = #map}, {transform_indices = #map}, {transform_indices = #map}, {transform_indices = #map}, {transform_indices = #map}, {transform_indices = #map1}]} {
    %mul3A = arith.constant 16 : i32
    %mul3A_0 = arith.muli %arg0, %mul3A : i32
    %add3A = arith.addi %mul3A_0, %arg1 : i32
    %mul3A_1 = arith.constant 624 : i32
    %mul3A_2 = arith.muli %arg1, %mul3A_1 : i32
    %lt3A = arith.constant 15 : i32
    %lt3A_3 = arith.cmpi slt, %arg1, %lt3A : i32
    %convert_element_type3A = arith.extui %lt3A_3 : i1 to i32
    %cond3A = arith.constant 0 : i32
    %cond3A_4 = arith.cmpi ne, %convert_element_type3A, %cond3A : i32
    scf.if %cond3A_4 {
      "tpu.region"() ({
        %run_scoped3A = tpu.sem_alloc : memref<!tpu.dma_semaphore, #tpu.memory_space<semaphore_mem>>
        %dma_start3A_90 = arith.constant 0 : i32
        %dma_start3A_91 = tpu.memref_slice %arg8[%mul3A_2, %dma_start3A_90] : memref<10000x128xf32, #tpu.memory_space<vmem_shared>> -> memref<624x128xf32, #tpu.memory_space<vmem_shared>>
        %dma_start3A_92 = arith.constant 0 : i32
        %dma_start3A_93 = tpu.memref_slice %arg6[%mul3A_2, %dma_start3A_92] : memref<10000x128xf32, #tpu.memory_space<hbm>> -> memref<624x128xf32, #tpu.memory_space<hbm>>
        tpu.enqueue_dma source(%dma_start3A_93 : memref<624x128xf32, #tpu.memory_space<hbm>>) target(%dma_start3A_91 : memref<624x128xf32, #tpu.memory_space<vmem_shared>>) target_semaphore(%run_scoped3A : memref<!tpu.dma_semaphore, #tpu.memory_space<semaphore_mem>>)
        %dma_wait3A_94 = arith.constant 0 : i32
        %dma_wait3A_95 = tpu.memref_slice %arg8[%mul3A_2, %dma_wait3A_94] : memref<10000x128xf32, #tpu.memory_space<vmem_shared>> -> memref<624x128xf32, #tpu.memory_space<vmem_shared>>
        %dma_wait3A_96 = arith.constant 0 : i32
        %dma_wait3A_97 = tpu.memref_slice %arg6[%mul3A_2, %dma_wait3A_96] : memref<10000x128xf32, #tpu.memory_space<hbm>> -> memref<624x128xf32, #tpu.memory_space<hbm>>
        tpu.wait_dma2 semaphore(%run_scoped3A : memref<!tpu.dma_semaphore, #tpu.memory_space<semaphore_mem>>) src(%dma_wait3A_97 : memref<624x128xf32, #tpu.memory_space<hbm>>) dst(%dma_wait3A_95 : memref<624x128xf32, #tpu.memory_space<vmem_shared>>)
        tpu.yield
      }) : () -> ()
    } else {
    }
    %eq3A = arith.constant 15 : i32
    %eq3A_5 = arith.cmpi eq, %arg1, %eq3A : i32
    %convert_element_type3A_6 = arith.extui %eq3A_5 : i1 to i32
    %cond3A_7 = arith.constant 0 : i32
    %cond3A_8 = arith.cmpi ne, %convert_element_type3A_6, %cond3A_7 : i32
    scf.if %cond3A_8 {
      "tpu.region"() ({
        %run_scoped3A = tpu.sem_alloc : memref<!tpu.dma_semaphore, #tpu.memory_space<semaphore_mem>>
        %dma_start3A_90 = arith.constant 9360 : i32
        %dma_start3A_91 = arith.constant 0 : i32
        %dma_start3A_92 = tpu.memref_slice %arg8[%dma_start3A_90, %dma_start3A_91] : memref<10000x128xf32, #tpu.memory_space<vmem_shared>> -> memref<640x128xf32, #tpu.memory_space<vmem_shared>>
        %dma_start3A_93 = arith.constant 9360 : i32
        %dma_start3A_94 = arith.constant 0 : i32
        %dma_start3A_95 = tpu.memref_slice %arg6[%dma_start3A_93, %dma_start3A_94] : memref<10000x128xf32, #tpu.memory_space<hbm>> -> memref<640x128xf32, #tpu.memory_space<hbm>>
        tpu.enqueue_dma source(%dma_start3A_95 : memref<640x128xf32, #tpu.memory_space<hbm>>) target(%dma_start3A_92 : memref<640x128xf32, #tpu.memory_space<vmem_shared>>) target_semaphore(%run_scoped3A : memref<!tpu.dma_semaphore, #tpu.memory_space<semaphore_mem>>)
        %dma_wait3A_96 = arith.constant 9360 : i32
        %dma_wait3A_97 = arith.constant 0 : i32
        %dma_wait3A_98 = tpu.memref_slice %arg8[%dma_wait3A_96, %dma_wait3A_97] : memref<10000x128xf32, #tpu.memory_space<vmem_shared>> -> memref<640x128xf32, #tpu.memory_space<vmem_shared>>
        %dma_wait3A_99 = arith.constant 9360 : i32
        %dma_wait3A_100 = arith.constant 0 : i32
        %dma_wait3A_101 = tpu.memref_slice %arg6[%dma_wait3A_99, %dma_wait3A_100] : memref<10000x128xf32, #tpu.memory_space<hbm>> -> memref<640x128xf32, #tpu.memory_space<hbm>>
        tpu.wait_dma2 semaphore(%run_scoped3A : memref<!tpu.dma_semaphore, #tpu.memory_space<semaphore_mem>>) src(%dma_wait3A_101 : memref<640x128xf32, #tpu.memory_space<hbm>>) dst(%dma_wait3A_98 : memref<640x128xf32, #tpu.memory_space<vmem_shared>>)
        tpu.yield
      }) : () -> ()
    } else {
    }
    "tpu.region"() ({
      %run_scoped3A = tpu.sem_alloc : memref<!tpu.dma_semaphore, #tpu.memory_space<semaphore_mem>>
      %dma_start3A_90 = arith.constant 0 : i32
      %dma_start3A_91 = tpu.memref_slice %arg3[%add3A, %dma_start3A_90] : memref<32x10000xi32, #tpu.memory_space<hbm>> -> memref<1x10000xi32, #tpu.memory_space<hbm>>
      %dma_start3A_92 = tpu.memref_squeeze %dma_start3A_91 : memref<1x10000xi32, #tpu.memory_space<hbm>> -> memref<10000xi32, #tpu.memory_space<hbm>>
      %dma_start3A_93 = arith.constant 0 : i32
      %dma_start3A_94 = tpu.memref_slice %arg3[%add3A, %dma_start3A_93] : memref<32x10000xi32, #tpu.memory_space<hbm>> -> memref<1x10000xi32, #tpu.memory_space<hbm>>
      %dma_start3A_95 = tpu.memref_squeeze %dma_start3A_94 : memref<1x10000xi32, #tpu.memory_space<hbm>> -> memref<10000xi32, #tpu.memory_space<hbm>>
      tpu.enqueue_dma source(%dma_start3A_95 : memref<10000xi32, #tpu.memory_space<hbm>>) target(%arg9 : memref<10000xi32, #tpu.memory_space<vmem>>) target_semaphore(%run_scoped3A : memref<!tpu.dma_semaphore, #tpu.memory_space<semaphore_mem>>)
      %dma_wait3A_96 = arith.constant 0 : i32
      %dma_wait3A_97 = tpu.memref_slice %arg3[%add3A, %dma_wait3A_96] : memref<32x10000xi32, #tpu.memory_space<hbm>> -> memref<1x10000xi32, #tpu.memory_space<hbm>>
      %dma_wait3A_98 = tpu.memref_squeeze %dma_wait3A_97 : memref<1x10000xi32, #tpu.memory_space<hbm>> -> memref<10000xi32, #tpu.memory_space<hbm>>
      %dma_wait3A_99 = arith.constant 0 : i32
      %dma_wait3A_100 = tpu.memref_slice %arg3[%add3A, %dma_wait3A_99] : memref<32x10000xi32, #tpu.memory_space<hbm>> -> memref<1x10000xi32, #tpu.memory_space<hbm>>
      %dma_wait3A_101 = tpu.memref_squeeze %dma_wait3A_100 : memref<1x10000xi32, #tpu.memory_space<hbm>> -> memref<10000xi32, #tpu.memory_space<hbm>>
      tpu.wait_dma2 semaphore(%run_scoped3A : memref<!tpu.dma_semaphore, #tpu.memory_space<semaphore_mem>>) src(%dma_wait3A_101 : memref<10000xi32, #tpu.memory_space<hbm>>) dst(%arg9 : memref<10000xi32, #tpu.memory_space<vmem>>)
      tpu.yield
    }) : () -> ()
    "tpu.region"() ({
      %run_scoped3A = tpu.sem_alloc : memref<!tpu.dma_semaphore, #tpu.memory_space<semaphore_mem>>
      %dma_start3A_90 = arith.constant 0 : i32
      %dma_start3A_91 = tpu.memref_slice %arg4[%add3A, %dma_start3A_90] : memref<32x10000xi32, #tpu.memory_space<hbm>> -> memref<1x10000xi32, #tpu.memory_space<hbm>>
      %dma_start3A_92 = tpu.memref_squeeze %dma_start3A_91 : memref<1x10000xi32, #tpu.memory_space<hbm>> -> memref<10000xi32, #tpu.memory_space<hbm>>
      %dma_start3A_93 = arith.constant 0 : i32
      %dma_start3A_94 = tpu.memref_slice %arg4[%add3A, %dma_start3A_93] : memref<32x10000xi32, #tpu.memory_space<hbm>> -> memref<1x10000xi32, #tpu.memory_space<hbm>>
      %dma_start3A_95 = tpu.memref_squeeze %dma_start3A_94 : memref<1x10000xi32, #tpu.memory_space<hbm>> -> memref<10000xi32, #tpu.memory_space<hbm>>
      tpu.enqueue_dma source(%dma_start3A_95 : memref<10000xi32, #tpu.memory_space<hbm>>) target(%arg10 : memref<10000xi32, #tpu.memory_space<vmem>>) target_semaphore(%run_scoped3A : memref<!tpu.dma_semaphore, #tpu.memory_space<semaphore_mem>>)
      %dma_wait3A_96 = arith.constant 0 : i32
      %dma_wait3A_97 = tpu.memref_slice %arg4[%add3A, %dma_wait3A_96] : memref<32x10000xi32, #tpu.memory_space<hbm>> -> memref<1x10000xi32, #tpu.memory_space<hbm>>
      %dma_wait3A_98 = tpu.memref_squeeze %dma_wait3A_97 : memref<1x10000xi32, #tpu.memory_space<hbm>> -> memref<10000xi32, #tpu.memory_space<hbm>>
      %dma_wait3A_99 = arith.constant 0 : i32
      %dma_wait3A_100 = tpu.memref_slice %arg4[%add3A, %dma_wait3A_99] : memref<32x10000xi32, #tpu.memory_space<hbm>> -> memref<1x10000xi32, #tpu.memory_space<hbm>>
      %dma_wait3A_101 = tpu.memref_squeeze %dma_wait3A_100 : memref<1x10000xi32, #tpu.memory_space<hbm>> -> memref<10000xi32, #tpu.memory_space<hbm>>
      tpu.wait_dma2 semaphore(%run_scoped3A : memref<!tpu.dma_semaphore, #tpu.memory_space<semaphore_mem>>) src(%dma_wait3A_101 : memref<10000xi32, #tpu.memory_space<hbm>>) dst(%arg10 : memref<10000xi32, #tpu.memory_space<vmem>>)
      tpu.yield
    }) : () -> ()
    "tpu.region"() ({
      %run_scoped3A = tpu.sem_alloc : memref<!tpu.dma_semaphore, #tpu.memory_space<semaphore_mem>>
      %dma_start3A_90 = arith.constant 0 : i32
      %dma_start3A_91 = tpu.memref_slice %arg5[%add3A, %dma_start3A_90] : memref<32x10000xf32, #tpu.memory_space<hbm>> -> memref<1x10000xf32, #tpu.memory_space<hbm>>
      %dma_start3A_92 = tpu.memref_squeeze %dma_start3A_91 : memref<1x10000xf32, #tpu.memory_space<hbm>> -> memref<10000xf32, #tpu.memory_space<hbm>>
      %dma_start3A_93 = arith.constant 0 : i32
      %dma_start3A_94 = tpu.memref_slice %arg5[%add3A, %dma_start3A_93] : memref<32x10000xf32, #tpu.memory_space<hbm>> -> memref<1x10000xf32, #tpu.memory_space<hbm>>
      %dma_start3A_95 = tpu.memref_squeeze %dma_start3A_94 : memref<1x10000xf32, #tpu.memory_space<hbm>> -> memref<10000xf32, #tpu.memory_space<hbm>>
      tpu.enqueue_dma source(%dma_start3A_95 : memref<10000xf32, #tpu.memory_space<hbm>>) target(%arg11 : memref<10000xf32, #tpu.memory_space<vmem>>) target_semaphore(%run_scoped3A : memref<!tpu.dma_semaphore, #tpu.memory_space<semaphore_mem>>)
      %dma_wait3A_96 = arith.constant 0 : i32
      %dma_wait3A_97 = tpu.memref_slice %arg5[%add3A, %dma_wait3A_96] : memref<32x10000xf32, #tpu.memory_space<hbm>> -> memref<1x10000xf32, #tpu.memory_space<hbm>>
      %dma_wait3A_98 = tpu.memref_squeeze %dma_wait3A_97 : memref<1x10000xf32, #tpu.memory_space<hbm>> -> memref<10000xf32, #tpu.memory_space<hbm>>
      %dma_wait3A_99 = arith.constant 0 : i32
      %dma_wait3A_100 = tpu.memref_slice %arg5[%add3A, %dma_wait3A_99] : memref<32x10000xf32, #tpu.memory_space<hbm>> -> memref<1x10000xf32, #tpu.memory_space<hbm>>
      %dma_wait3A_101 = tpu.memref_squeeze %dma_wait3A_100 : memref<1x10000xf32, #tpu.memory_space<hbm>> -> memref<10000xf32, #tpu.memory_space<hbm>>
      tpu.wait_dma2 semaphore(%run_scoped3A : memref<!tpu.dma_semaphore, #tpu.memory_space<semaphore_mem>>) src(%dma_wait3A_101 : memref<10000xf32, #tpu.memory_space<hbm>>) dst(%arg11 : memref<10000xf32, #tpu.memory_space<vmem>>)
      tpu.yield
    }) : () -> ()
    %barrier3A = arith.constant 0 : index
    tpu.barrier barrier_id(%barrier3A)
    %dma_start3A = arith.constant 0 : i32
    %dma_start3A_9 = tpu.memref_slice %arg10[%dma_start3A] : memref<10000xi32, #tpu.memory_space<vmem>> -> memref<40xi32, #tpu.memory_space<vmem>>
    %dma_start3A_10 = arith.constant 0 : i32
    %dma_start3A_11 = arith.constant 0 : i32
    %dma_start3A_12 = tpu.memref_slice %arg2[%dma_start3A_10, %dma_start3A_11] : memref<10000x128xf32, #tpu.memory_space<hbm>> -> memref<10000x128xf32, #tpu.memory_space<hbm>>
    tpu.enqueue_indirect_dma source(%dma_start3A_12 : memref<10000x128xf32, #tpu.memory_space<hbm>>) target(%arg12 : memref<40x128xf32, #tpu.memory_space<vmem>>) offsets(%dma_start3A_9 : memref<40xi32, #tpu.memory_space<vmem>>) semaphore(%arg16 : memref<!tpu.dma_semaphore, #tpu.memory_space<semaphore_mem>>)
    %dma_start3A_13 = arith.constant 40 : i32
    %dma_start3A_14 = tpu.memref_slice %arg10[%dma_start3A_13] : memref<10000xi32, #tpu.memory_space<vmem>> -> memref<40xi32, #tpu.memory_space<vmem>>
    %dma_start3A_15 = arith.constant 0 : i32
    %dma_start3A_16 = arith.constant 0 : i32
    %dma_start3A_17 = tpu.memref_slice %arg2[%dma_start3A_15, %dma_start3A_16] : memref<10000x128xf32, #tpu.memory_space<hbm>> -> memref<10000x128xf32, #tpu.memory_space<hbm>>
    tpu.enqueue_indirect_dma source(%dma_start3A_17 : memref<10000x128xf32, #tpu.memory_space<hbm>>) target(%arg13 : memref<40x128xf32, #tpu.memory_space<vmem>>) offsets(%dma_start3A_14 : memref<40xi32, #tpu.memory_space<vmem>>) semaphore(%arg17 : memref<!tpu.dma_semaphore, #tpu.memory_space<semaphore_mem>>)
    %dma_start3A_18 = arith.constant 80 : i32
    %dma_start3A_19 = tpu.memref_slice %arg10[%dma_start3A_18] : memref<10000xi32, #tpu.memory_space<vmem>> -> memref<40xi32, #tpu.memory_space<vmem>>
    %dma_start3A_20 = arith.constant 0 : i32
    %dma_start3A_21 = arith.constant 0 : i32
    %dma_start3A_22 = tpu.memref_slice %arg2[%dma_start3A_20, %dma_start3A_21] : memref<10000x128xf32, #tpu.memory_space<hbm>> -> memref<10000x128xf32, #tpu.memory_space<hbm>>
    tpu.enqueue_indirect_dma source(%dma_start3A_22 : memref<10000x128xf32, #tpu.memory_space<hbm>>) target(%arg14 : memref<40x128xf32, #tpu.memory_space<vmem>>) offsets(%dma_start3A_19 : memref<40xi32, #tpu.memory_space<vmem>>) semaphore(%arg18 : memref<!tpu.dma_semaphore, #tpu.memory_space<semaphore_mem>>)
    %scan3A = arith.constant 0 : i32
    %scan3A_23 = arith.constant 0 : i32
    %scan3A_24 = arith.constant 62 : i32
    %scan3A_25 = arith.addi %scan3A_23, %scan3A_24 : i32
    %scan3A_26 = arith.constant 1 : i32
    scf.for %scan3A_90 = %scan3A_23 to %scan3A_25 step %scan3A_26  : i32 {
      %mul3A_91 = arith.constant 4 : i32
      %mul3A_92 = arith.muli %scan3A_90, %mul3A_91 : i32
      %add3A_93 = arith.constant 0 : i32
      %add3A_94 = arith.addi %mul3A_92, %add3A_93 : i32
      %dma_wait3A_95 = arith.constant 0 : i32
      %dma_wait3A_96 = arith.constant 0 : i32
      %dma_wait3A_97 = tpu.memref_slice %arg2[%dma_wait3A_95, %dma_wait3A_96] : memref<10000x128xf32, #tpu.memory_space<hbm>> -> memref<40x128xf32, #tpu.memory_space<hbm>>
      %dma_wait3A_98 = arith.constant 0 : i32
      %dma_wait3A_99 = arith.constant 0 : i32
      %dma_wait3A_100 = tpu.memref_slice %arg2[%dma_wait3A_98, %dma_wait3A_99] : memref<10000x128xf32, #tpu.memory_space<hbm>> -> memref<40x128xf32, #tpu.memory_space<hbm>>
      tpu.wait_dma2 semaphore(%arg16 : memref<!tpu.dma_semaphore, #tpu.memory_space<semaphore_mem>>) src(%dma_wait3A_100 : memref<40x128xf32, #tpu.memory_space<hbm>>) dst(%arg12 : memref<40x128xf32, #tpu.memory_space<vmem>>)
      %mul3A_101 = arith.constant 40 : i32
      %mul3A_102 = arith.muli %add3A_94, %mul3A_101 : i32
      %scan3A_103 = arith.constant 0 : i32
      %scan3A_104 = arith.constant 0 : i32
      %scan3A_105 = arith.constant 5 : i32
      %scan3A_106 = arith.addi %scan3A_104, %scan3A_105 : i32
      %scan3A_107 = arith.constant 1 : i32
      scf.for %scan3A_238 = %scan3A_104 to %scan3A_106 step %scan3A_107  : i32 {
        %mul3A_239 = arith.constant 8 : i32
        %mul3A_240 = arith.muli %scan3A_238, %mul3A_239 : i32
        %add3A_241 = arith.addi %mul3A_102, %mul3A_240 : i32
        %get3A = arith.index_cast %add3A_241 : i32 to index
        %get3A_242 = tpu.vector_load %arg11[%get3A] {strides = array<i32>} : memref<10000xf32, #tpu.memory_space<vmem>>, vector<16xf32>,
        %get3A_243 = vector.shape_cast %get3A_242 : vector<16xf32> to vector<16xf32>
        %scan3A_244 = arith.constant 0 : i32
        %scan3A_245 = arith.constant 4 : i32
        %scan3A_246 = arith.addi %scan3A_244, %scan3A_245 : i32
        %scan3A_247 = arith.constant 1 : i32
        scf.for %scan3A_249 = %scan3A_244 to %scan3A_246 step %scan3A_247  : i32 {
          %mul3A_250 = arith.constant 8 : i32
          %mul3A_251 = arith.muli %scan3A_238, %mul3A_250 : i32
          %mul3A_252 = arith.constant 2 : i32
          %mul3A_253 = arith.muli %scan3A_249, %mul3A_252 : i32
          %add3A_254 = arith.addi %mul3A_251, %mul3A_253 : i32
          %add3A_255 = arith.constant 0 : i32
          %add3A_256 = arith.addi %add3A_254, %add3A_255 : i32
          %mul3A_257 = arith.constant 2 : i32
          %mul3A_258 = arith.muli %scan3A_249, %mul3A_257 : i32
          %add3A_259 = arith.constant 0 : i32
          %add3A_260 = arith.addi %mul3A_258, %add3A_259 : i32
          %broadcast_in_dim3A = vector.broadcast %add3A_260 : i32 to vector<16xi32>
          %lt3A_261 = arith.constant 0 : i32
          %lt3A_262 = vector.broadcast %lt3A_261 : i32 to vector<16xi32>
          %lt3A_263 = arith.cmpi slt, %broadcast_in_dim3A, %lt3A_262 : vector<16xi32>
          %add3A_264 = arith.constant 16 : i32
          %add3A_265 = vector.broadcast %add3A_264 : i32 to vector<16xi32>
          %add3A_266 = arith.addi %broadcast_in_dim3A, %add3A_265 : vector<16xi32>
          %select_n3A = arith.select %lt3A_263, %add3A_266, %broadcast_in_dim3A : vector<16xi1>, vector<16xi32>
          %broadcast_in_dim3A_267 = vector.shape_cast %select_n3A : vector<16xi32> to vector<16x1xi32>
          %gather3A = vector.shape_cast %broadcast_in_dim3A_267 : vector<16x1xi32> to vector<16xi32>
          %gather3A_268 = tpu.dynamic_gather %get3A_243[%gather3A] in [0] : vector<16xf32>, vector<16xi32> -> vector<16xf32>
          %get3A_269 = arith.index_cast %add3A_256 : i32 to index
          %get3A_270 = arith.constant 0 : index
          %get3A_271 = tpu.vector_load %arg12[%get3A_269, %get3A_270] {strides = array<i32>} : memref<40x128xf32, #tpu.memory_space<vmem>>, vector<1x16xf32>,
          %get3A_272 = vector.shape_cast %get3A_271 : vector<1x16xf32> to vector<16xf32>
          %mul3A_273 = arith.mulf %get3A_272, %gather3A_268 : vector<16xf32>
          %swap3A = arith.index_cast %add3A_256 : i32 to index
          %swap3A_274 = arith.constant 0 : index
          %swap3A_275 = tpu.vector_load %arg12[%swap3A, %swap3A_274] {strides = array<i32>} : memref<40x128xf32, #tpu.memory_space<vmem>>, vector<1x16xf32>,
          %swap3A_276 = vector.shape_cast %swap3A_275 : vector<1x16xf32> to vector<16xf32>
          %swap3A_277 = vector.shape_cast %mul3A_273 : vector<16xf32> to vector<1x16xf32>
          tpu.vector_store %arg12[%swap3A, %swap3A_274], %swap3A_277 {strides = array<i32>} : memref<40x128xf32, #tpu.memory_space<vmem>>, vector<1x16xf32>,
          %get3A_278 = arith.index_cast %add3A_256 : i32 to index
          %get3A_279 = arith.constant 16 : index
          %get3A_280 = tpu.vector_load %arg12[%get3A_278, %get3A_279] {strides = array<i32>} : memref<40x128xf32, #tpu.memory_space<vmem>>, vector<1x16xf32>,
          %get3A_281 = vector.shape_cast %get3A_280 : vector<1x16xf32> to vector<16xf32>
          %mul3A_282 = arith.mulf %get3A_281, %gather3A_268 : vector<16xf32>
          %swap3A_283 = arith.index_cast %add3A_256 : i32 to index
          %swap3A_284 = arith.constant 16 : index
          %swap3A_285 = tpu.vector_load %arg12[%swap3A_283, %swap3A_284] {strides = array<i32>} : memref<40x128xf32, #tpu.memory_space<vmem>>, vector<1x16xf32>,
          %swap3A_286 = vector.shape_cast %swap3A_285 : vector<1x16xf32> to vector<16xf32>
          %swap3A_287 = vector.shape_cast %mul3A_282 : vector<16xf32> to vector<1x16xf32>
          tpu.vector_store %arg12[%swap3A_283, %swap3A_284], %swap3A_287 {strides = array<i32>} : memref<40x128xf32, #tpu.memory_space<vmem>>, vector<1x16xf32>,
          %get3A_288 = arith.index_cast %add3A_256 : i32 to index
          %get3A_289 = arith.constant 32 : index
          %get3A_290 = tpu.vector_load %arg12[%get3A_288, %get3A_289] {strides = array<i32>} : memref<40x128xf32, #tpu.memory_space<vmem>>, vector<1x16xf32>,
          %get3A_291 = vector.shape_cast %get3A_290 : vector<1x16xf32> to vector<16xf32>
          %mul3A_292 = arith.mulf %get3A_291, %gather3A_268 : vector<16xf32>
          %swap3A_293 = arith.index_cast %add3A_256 : i32 to index
          %swap3A_294 = arith.constant 32 : index
          %swap3A_295 = tpu.vector_load %arg12[%swap3A_293, %swap3A_294] {strides = array<i32>} : memref<40x128xf32, #tpu.memory_space<vmem>>, vector<1x16xf32>,
          %swap3A_296 = vector.shape_cast %swap3A_295 : vector<1x16xf32> to vector<16xf32>
          %swap3A_297 = vector.shape_cast %mul3A_292 : vector<16xf32> to vector<1x16xf32>
          tpu.vector_store %arg12[%swap3A_293, %swap3A_294], %swap3A_297 {strides = array<i32>} : memref<40x128xf32, #tpu.memory_space<vmem>>, vector<1x16xf32>,
          %get3A_298 = arith.index_cast %add3A_256 : i32 to index
          %get3A_299 = arith.constant 48 : index
          %get3A_300 = tpu.vector_load %arg12[%get3A_298, %get3A_299] {strides = array<i32>} : memref<40x128xf32, #tpu.memory_space<vmem>>, vector<1x16xf32>,
          %get3A_301 = vector.shape_cast %get3A_300 : vector<1x16xf32> to vector<16xf32>
          %mul3A_302 = arith.mulf %get3A_301, %gather3A_268 : vector<16xf32>
          %swap3A_303 = arith.index_cast %add3A_256 : i32 to index
          %swap3A_304 = arith.constant 48 : index
          %swap3A_305 = tpu.vector_load %arg12[%swap3A_303, %swap3A_304] {strides = array<i32>} : memref<40x128xf32, #tpu.memory_space<vmem>>, vector<1x16xf32>,
          %swap3A_306 = vector.shape_cast %swap3A_305 : vector<1x16xf32> to vector<16xf32>
          %swap3A_307 = vector.shape_cast %mul3A_302 : vector<16xf32> to vector<1x16xf32>
          tpu.vector_store %arg12[%swap3A_303, %swap3A_304], %swap3A_307 {strides = array<i32>} : memref<40x128xf32, #tpu.memory_space<vmem>>, vector<1x16xf32>,
          %get3A_308 = arith.index_cast %add3A_256 : i32 to index
          %get3A_309 = arith.constant 64 : index
          %get3A_310 = tpu.vector_load %arg12[%get3A_308, %get3A_309] {strides = array<i32>} : memref<40x128xf32, #tpu.memory_space<vmem>>, vector<1x16xf32>,
          %get3A_311 = vector.shape_cast %get3A_310 : vector<1x16xf32> to vector<16xf32>
          %mul3A_312 = arith.mulf %get3A_311, %gather3A_268 : vector<16xf32>
          %swap3A_313 = arith.index_cast %add3A_256 : i32 to index
          %swap3A_314 = arith.constant 64 : index
          %swap3A_315 = tpu.vector_load %arg12[%swap3A_313, %swap3A_314] {strides = array<i32>} : memref<40x128xf32, #tpu.memory_space<vmem>>, vector<1x16xf32>,
          %swap3A_316 = vector.shape_cast %swap3A_315 : vector<1x16xf32> to vector<16xf32>
          %swap3A_317 = vector.shape_cast %mul3A_312 : vector<16xf32> to vector<1x16xf32>
          tpu.vector_store %arg12[%swap3A_313, %swap3A_314], %swap3A_317 {strides = array<i32>} : memref<40x128xf32, #tpu.memory_space<vmem>>, vector<1x16xf32>,
          %get3A_318 = arith.index_cast %add3A_256 : i32 to index
          %get3A_319 = arith.constant 80 : index
          %get3A_320 = tpu.vector_load %arg12[%get3A_318, %get3A_319] {strides = array<i32>} : memref<40x128xf32, #tpu.memory_space<vmem>>, vector<1x16xf32>,
          %get3A_321 = vector.shape_cast %get3A_320 : vector<1x16xf32> to vector<16xf32>
          %mul3A_322 = arith.mulf %get3A_321, %gather3A_268 : vector<16xf32>
          %swap3A_323 = arith.index_cast %add3A_256 : i32 to index
          %swap3A_324 = arith.constant 80 : index
          %swap3A_325 = tpu.vector_load %arg12[%swap3A_323, %swap3A_324] {strides = array<i32>} : memref<40x128xf32, #tpu.memory_space<vmem>>, vector<1x16xf32>,
          %swap3A_326 = vector.shape_cast %swap3A_325 : vector<1x16xf32> to vector<16xf32>
          %swap3A_327 = vector.shape_cast %mul3A_322 : vector<16xf32> to vector<1x16xf32>
          tpu.vector_store %arg12[%swap3A_323, %swap3A_324], %swap3A_327 {strides = array<i32>} : memref<40x128xf32, #tpu.memory_space<vmem>>, vector<1x16xf32>,
          %get3A_328 = arith.index_cast %add3A_256 : i32 to index
          %get3A_329 = arith.constant 96 : index
          %get3A_330 = tpu.vector_load %arg12[%get3A_328, %get3A_329] {strides = array<i32>} : memref<40x128xf32, #tpu.memory_space<vmem>>, vector<1x16xf32>,
          %get3A_331 = vector.shape_cast %get3A_330 : vector<1x16xf32> to vector<16xf32>
          %mul3A_332 = arith.mulf %get3A_331, %gather3A_268 : vector<16xf32>
          %swap3A_333 = arith.index_cast %add3A_256 : i32 to index
          %swap3A_334 = arith.constant 96 : index
          %swap3A_335 = tpu.vector_load %arg12[%swap3A_333, %swap3A_334] {strides = array<i32>} : memref<40x128xf32, #tpu.memory_space<vmem>>, vector<1x16xf32>,
          %swap3A_336 = vector.shape_cast %swap3A_335 : vector<1x16xf32> to vector<16xf32>
          %swap3A_337 = vector.shape_cast %mul3A_332 : vector<16xf32> to vector<1x16xf32>
          tpu.vector_store %arg12[%swap3A_333, %swap3A_334], %swap3A_337 {strides = array<i32>} : memref<40x128xf32, #tpu.memory_space<vmem>>, vector<1x16xf32>,
          %get3A_338 = arith.index_cast %add3A_256 : i32 to index
          %get3A_339 = arith.constant 112 : index
          %get3A_340 = tpu.vector_load %arg12[%get3A_338, %get3A_339] {strides = array<i32>} : memref<40x128xf32, #tpu.memory_space<vmem>>, vector<1x16xf32>,
          %get3A_341 = vector.shape_cast %get3A_340 : vector<1x16xf32> to vector<16xf32>
          %mul3A_342 = arith.mulf %get3A_341, %gather3A_268 : vector<16xf32>
          %swap3A_343 = arith.index_cast %add3A_256 : i32 to index
          %swap3A_344 = arith.constant 112 : index
          %swap3A_345 = tpu.vector_load %arg12[%swap3A_343, %swap3A_344] {strides = array<i32>} : memref<40x128xf32, #tpu.memory_space<vmem>>, vector<1x16xf32>,
          %swap3A_346 = vector.shape_cast %swap3A_345 : vector<1x16xf32> to vector<16xf32>
          %swap3A_347 = vector.shape_cast %mul3A_342 : vector<16xf32> to vector<1x16xf32>
          tpu.vector_store %arg12[%swap3A_343, %swap3A_344], %swap3A_347 {strides = array<i32>} : memref<40x128xf32, #tpu.memory_space<vmem>>, vector<1x16xf32>,
          %mul3A_348 = arith.constant 8 : i32
          %mul3A_349 = arith.muli %scan3A_238, %mul3A_348 : i32
          %mul3A_350 = arith.constant 2 : i32
          %mul3A_351 = arith.muli %scan3A_249, %mul3A_350 : i32
          %add3A_352 = arith.addi %mul3A_349, %mul3A_351 : i32
          %add3A_353 = arith.constant 1 : i32
          %add3A_354 = arith.addi %add3A_352, %add3A_353 : i32
          %mul3A_355 = arith.constant 2 : i32
          %mul3A_356 = arith.muli %scan3A_249, %mul3A_355 : i32
          %add3A_357 = arith.constant 1 : i32
          %add3A_358 = arith.addi %mul3A_356, %add3A_357 : i32
          %broadcast_in_dim3A_359 = vector.broadcast %add3A_358 : i32 to vector<16xi32>
          %lt3A_360 = arith.constant 0 : i32
          %lt3A_361 = vector.broadcast %lt3A_360 : i32 to vector<16xi32>
          %lt3A_362 = arith.cmpi slt, %broadcast_in_dim3A_359, %lt3A_361 : vector<16xi32>
          %add3A_363 = arith.constant 16 : i32
          %add3A_364 = vector.broadcast %add3A_363 : i32 to vector<16xi32>
          %add3A_365 = arith.addi %broadcast_in_dim3A_359, %add3A_364 : vector<16xi32>
          %select_n3A_366 = arith.select %lt3A_362, %add3A_365, %broadcast_in_dim3A_359 : vector<16xi1>, vector<16xi32>
          %broadcast_in_dim3A_367 = vector.shape_cast %select_n3A_366 : vector<16xi32> to vector<16x1xi32>
          %gather3A_368 = vector.shape_cast %broadcast_in_dim3A_367 : vector<16x1xi32> to vector<16xi32>
          %gather3A_369 = tpu.dynamic_gather %get3A_243[%gather3A_368] in [0] : vector<16xf32>, vector<16xi32> -> vector<16xf32>
          %get3A_370 = arith.index_cast %add3A_354 : i32 to index
          %get3A_371 = arith.constant 0 : index
          %get3A_372 = tpu.vector_load %arg12[%get3A_370, %get3A_371] {strides = array<i32>} : memref<40x128xf32, #tpu.memory_space<vmem>>, vector<1x16xf32>,
          %get3A_373 = vector.shape_cast %get3A_372 : vector<1x16xf32> to vector<16xf32>
          %mul3A_374 = arith.mulf %get3A_373, %gather3A_369 : vector<16xf32>
          %swap3A_375 = arith.index_cast %add3A_354 : i32 to index
          %swap3A_376 = arith.constant 0 : index
          %swap3A_377 = tpu.vector_load %arg12[%swap3A_375, %swap3A_376] {strides = array<i32>} : memref<40x128xf32, #tpu.memory_space<vmem>>, vector<1x16xf32>,
          %swap3A_378 = vector.shape_cast %swap3A_377 : vector<1x16xf32> to vector<16xf32>
          %swap3A_379 = vector.shape_cast %mul3A_374 : vector<16xf32> to vector<1x16xf32>
          tpu.vector_store %arg12[%swap3A_375, %swap3A_376], %swap3A_379 {strides = array<i32>} : memref<40x128xf32, #tpu.memory_space<vmem>>, vector<1x16xf32>,
          %get3A_380 = arith.index_cast %add3A_354 : i32 to index
          %get3A_381 = arith.constant 16 : index
          %get3A_382 = tpu.vector_load %arg12[%get3A_380, %get3A_381] {strides = array<i32>} : memref<40x128xf32, #tpu.memory_space<vmem>>, vector<1x16xf32>,
          %get3A_383 = vector.shape_cast %get3A_382 : vector<1x16xf32> to vector<16xf32>
          %mul3A_384 = arith.mulf %get3A_383, %gather3A_369 : vector<16xf32>
          %swap3A_385 = arith.index_cast %add3A_354 : i32 to index
          %swap3A_386 = arith.constant 16 : index
          %swap3A_387 = tpu.vector_load %arg12[%swap3A_385, %swap3A_386] {strides = array<i32>} : memref<40x128xf32, #tpu.memory_space<vmem>>, vector<1x16xf32>,
          %swap3A_388 = vector.shape_cast %swap3A_387 : vector<1x16xf32> to vector<16xf32>
          %swap3A_389 = vector.shape_cast %mul3A_384 : vector<16xf32> to vector<1x16xf32>
          tpu.vector_store %arg12[%swap3A_385, %swap3A_386], %swap3A_389 {strides = array<i32>} : memref<40x128xf32, #tpu.memory_space<vmem>>, vector<1x16xf32>,
          %get3A_390 = arith.index_cast %add3A_354 : i32 to index
          %get3A_391 = arith.constant 32 : index
          %get3A_392 = tpu.vector_load %arg12[%get3A_390, %get3A_391] {strides = array<i32>} : memref<40x128xf32, #tpu.memory_space<vmem>>, vector<1x16xf32>,
          %get3A_393 = vector.shape_cast %get3A_392 : vector<1x16xf32> to vector<16xf32>
          %mul3A_394 = arith.mulf %get3A_393, %gather3A_369 : vector<16xf32>
          %swap3A_395 = arith.index_cast %add3A_354 : i32 to index
          %swap3A_396 = arith.constant 32 : index
          %swap3A_397 = tpu.vector_load %arg12[%swap3A_395, %swap3A_396] {strides = array<i32>} : memref<40x128xf32, #tpu.memory_space<vmem>>, vector<1x16xf32>,
          %swap3A_398 = vector.shape_cast %swap3A_397 : vector<1x16xf32> to vector<16xf32>
          %swap3A_399 = vector.shape_cast %mul3A_394 : vector<16xf32> to vector<1x16xf32>
          tpu.vector_store %arg12[%swap3A_395, %swap3A_396], %swap3A_399 {strides = array<i32>} : memref<40x128xf32, #tpu.memory_space<vmem>>, vector<1x16xf32>,
          %get3A_400 = arith.index_cast %add3A_354 : i32 to index
          %get3A_401 = arith.constant 48 : index
          %get3A_402 = tpu.vector_load %arg12[%get3A_400, %get3A_401] {strides = array<i32>} : memref<40x128xf32, #tpu.memory_space<vmem>>, vector<1x16xf32>,
          %get3A_403 = vector.shape_cast %get3A_402 : vector<1x16xf32> to vector<16xf32>
          %mul3A_404 = arith.mulf %get3A_403, %gather3A_369 : vector<16xf32>
          %swap3A_405 = arith.index_cast %add3A_354 : i32 to index
          %swap3A_406 = arith.constant 48 : index
          %swap3A_407 = tpu.vector_load %arg12[%swap3A_405, %swap3A_406] {strides = array<i32>} : memref<40x128xf32, #tpu.memory_space<vmem>>, vector<1x16xf32>,
          %swap3A_408 = vector.shape_cast %swap3A_407 : vector<1x16xf32> to vector<16xf32>
          %swap3A_409 = vector.shape_cast %mul3A_404 : vector<16xf32> to vector<1x16xf32>
          tpu.vector_store %arg12[%swap3A_405, %swap3A_406], %swap3A_409 {strides = array<i32>} : memref<40x128xf32, #tpu.memory_space<vmem>>, vector<1x16xf32>,
          %get3A_410 = arith.index_cast %add3A_354 : i32 to index
          %get3A_411 = arith.constant 64 : index
          %get3A_412 = tpu.vector_load %arg12[%get3A_410, %get3A_411] {strides = array<i32>} : memref<40x128xf32, #tpu.memory_space<vmem>>, vector<1x16xf32>,
          %get3A_413 = vector.shape_cast %get3A_412 : vector<1x16xf32> to vector<16xf32>
          %mul3A_414 = arith.mulf %get3A_413, %gather3A_369 : vector<16xf32>
          %swap3A_415 = arith.index_cast %add3A_354 : i32 to index
          %swap3A_416 = arith.constant 64 : index
          %swap3A_417 = tpu.vector_load %arg12[%swap3A_415, %swap3A_416] {strides = array<i32>} : memref<40x128xf32, #tpu.memory_space<vmem>>, vector<1x16xf32>,
          %swap3A_418 = vector.shape_cast %swap3A_417 : vector<1x16xf32> to vector<16xf32>
          %swap3A_419 = vector.shape_cast %mul3A_414 : vector<16xf32> to vector<1x16xf32>
          tpu.vector_store %arg12[%swap3A_415, %swap3A_416], %swap3A_419 {strides = array<i32>} : memref<40x128xf32, #tpu.memory_space<vmem>>, vector<1x16xf32>,
          %get3A_420 = arith.index_cast %add3A_354 : i32 to index
          %get3A_421 = arith.constant 80 : index
          %get3A_422 = tpu.vector_load %arg12[%get3A_420, %get3A_421] {strides = array<i32>} : memref<40x128xf32, #tpu.memory_space<vmem>>, vector<1x16xf32>,
          %get3A_423 = vector.shape_cast %get3A_422 : vector<1x16xf32> to vector<16xf32>
          %mul3A_424 = arith.mulf %get3A_423, %gather3A_369 : vector<16xf32>
          %swap3A_425 = arith.index_cast %add3A_354 : i32 to index
          %swap3A_426 = arith.constant 80 : index
          %swap3A_427 = tpu.vector_load %arg12[%swap3A_425, %swap3A_426] {strides = array<i32>} : memref<40x128xf32, #tpu.memory_space<vmem>>, vector<1x16xf32>,
          %swap3A_428 = vector.shape_cast %swap3A_427 : vector<1x16xf32> to vector<16xf32>
          %swap3A_429 = vector.shape_cast %mul3A_424 : vector<16xf32> to vector<1x16xf32>
          tpu.vector_store %arg12[%swap3A_425, %swap3A_426], %swap3A_429 {strides = array<i32>} : memref<40x128xf32, #tpu.memory_space<vmem>>, vector<1x16xf32>,
          %get3A_430 = arith.index_cast %add3A_354 : i32 to index
          %get3A_431 = arith.constant 96 : index
          %get3A_432 = tpu.vector_load %arg12[%get3A_430, %get3A_431] {strides = array<i32>} : memref<40x128xf32, #tpu.memory_space<vmem>>, vector<1x16xf32>,
          %get3A_433 = vector.shape_cast %get3A_432 : vector<1x16xf32> to vector<16xf32>
          %mul3A_434 = arith.mulf %get3A_433, %gather3A_369 : vector<16xf32>
          %swap3A_435 = arith.index_cast %add3A_354 : i32 to index
          %swap3A_436 = arith.constant 96 : index
          %swap3A_437 = tpu.vector_load %arg12[%swap3A_435, %swap3A_436] {strides = array<i32>} : memref<40x128xf32, #tpu.memory_space<vmem>>, vector<1x16xf32>,
          %swap3A_438 = vector.shape_cast %swap3A_437 : vector<1x16xf32> to vector<16xf32>
          %swap3A_439 = vector.shape_cast %mul3A_434 : vector<16xf32> to vector<1x16xf32>
          tpu.vector_store %arg12[%swap3A_435, %swap3A_436], %swap3A_439 {strides = array<i32>} : memref<40x128xf32, #tpu.memory_space<vmem>>, vector<1x16xf32>,
          %get3A_440 = arith.index_cast %add3A_354 : i32 to index
          %get3A_441 = arith.constant 112 : index
          %get3A_442 = tpu.vector_load %arg12[%get3A_440, %get3A_441] {strides = array<i32>} : memref<40x128xf32, #tpu.memory_space<vmem>>, vector<1x16xf32>,
          %get3A_443 = vector.shape_cast %get3A_442 : vector<1x16xf32> to vector<16xf32>
          %mul3A_444 = arith.mulf %get3A_443, %gather3A_369 : vector<16xf32>
          %swap3A_445 = arith.index_cast %add3A_354 : i32 to index
          %swap3A_446 = arith.constant 112 : index
          %swap3A_447 = tpu.vector_load %arg12[%swap3A_445, %swap3A_446] {strides = array<i32>} : memref<40x128xf32, #tpu.memory_space<vmem>>, vector<1x16xf32>,
          %swap3A_448 = vector.shape_cast %swap3A_447 : vector<1x16xf32> to vector<16xf32>
          %swap3A_449 = vector.shape_cast %mul3A_444 : vector<16xf32> to vector<1x16xf32>
          tpu.vector_store %arg12[%swap3A_445, %swap3A_446], %swap3A_449 {strides = array<i32>} : memref<40x128xf32, #tpu.memory_space<vmem>>, vector<1x16xf32>,
        }
        %scan3A_248 = arith.constant 4 : i32
      }
      %scan3A_108 = arith.constant 5 : i32
      %mul3A_109 = arith.constant 40 : i32
      %mul3A_110 = arith.muli %add3A_94, %mul3A_109 : i32
      %dma_start3A_111 = tpu.memref_slice %arg9[%mul3A_110] : memref<10000xi32, #tpu.memory_space<vmem>> -> memref<40xi32, #tpu.memory_space<vmem>>
      %dma_start3A_112 = arith.constant 0 : i32
      %dma_start3A_113 = arith.constant 0 : i32
      %dma_start3A_114 = tpu.memref_slice %arg8[%dma_start3A_112, %dma_start3A_113] : memref<10000x128xf32, #tpu.memory_space<vmem_shared>> -> memref<10000x128xf32, #tpu.memory_space<vmem_shared>>
      tpu.enqueue_indirect_dma source(%arg12 : memref<40x128xf32, #tpu.memory_space<vmem>>) target(%dma_start3A_114 : memref<10000x128xf32, #tpu.memory_space<vmem_shared>>) offsets(%dma_start3A_111 : memref<40xi32, #tpu.memory_space<vmem>>) semaphore(%arg20 : memref<!tpu.dma_semaphore, #tpu.memory_space<semaphore_mem>>) {add = true}
      %gt3A = arith.constant 0 : i32
      %gt3A_115 = arith.cmpi sgt, %scan3A_90, %gt3A : i32
      %convert_element_type3A_116 = arith.extui %gt3A_115 : i1 to i32
      %cond3A_117 = arith.constant 0 : i32
      %cond3A_118 = arith.cmpi ne, %convert_element_type3A_116, %cond3A_117 : i32
      scf.if %cond3A_118 {
        %dma_wait3A_238 = arith.constant 0 : i32
        %dma_wait3A_239 = arith.constant 0 : i32
        %dma_wait3A_240 = tpu.memref_slice %arg2[%dma_wait3A_238, %dma_wait3A_239] : memref<10000x128xf32, #tpu.memory_space<hbm>> -> memref<40x128xf32, #tpu.memory_space<hbm>>
        %dma_wait3A_241 = arith.constant 0 : i32
        %dma_wait3A_242 = arith.constant 0 : i32
        %dma_wait3A_243 = tpu.memref_slice %arg2[%dma_wait3A_241, %dma_wait3A_242] : memref<10000x128xf32, #tpu.memory_space<hbm>> -> memref<40x128xf32, #tpu.memory_space<hbm>>
        tpu.wait_dma2 semaphore(%arg23 : memref<!tpu.dma_semaphore, #tpu.memory_space<semaphore_mem>>) src(%dma_wait3A_243 : memref<40x128xf32, #tpu.memory_space<hbm>>) dst(%arg15 : memref<40x128xf32, #tpu.memory_space<vmem>>)
      } else {
      }
      %add3A_119 = arith.constant 3 : i32
      %add3A_120 = arith.addi %add3A_94, %add3A_119 : i32
      %mul3A_121 = arith.constant 40 : i32
      %mul3A_122 = arith.muli %add3A_120, %mul3A_121 : i32
      %dma_start3A_123 = tpu.memref_slice %arg10[%mul3A_122] : memref<10000xi32, #tpu.memory_space<vmem>> -> memref<40xi32, #tpu.memory_space<vmem>>
      %dma_start3A_124 = arith.constant 0 : i32
      %dma_start3A_125 = arith.constant 0 : i32
      %dma_start3A_126 = tpu.memref_slice %arg2[%dma_start3A_124, %dma_start3A_125] : memref<10000x128xf32, #tpu.memory_space<hbm>> -> memref<10000x128xf32, #tpu.memory_space<hbm>>
      tpu.enqueue_indirect_dma source(%dma_start3A_126 : memref<10000x128xf32, #tpu.memory_space<hbm>>) target(%arg15 : memref<40x128xf32, #tpu.memory_space<vmem>>) offsets(%dma_start3A_123 : memref<40xi32, #tpu.memory_space<vmem>>) semaphore(%arg19 : memref<!tpu.dma_semaphore, #tpu.memory_space<semaphore_mem>>)
      %mul3A_127 = arith.constant 4 : i32
      %mul3A_128 = arith.muli %scan3A_90, %mul3A_127 : i32
      %add3A_129 = arith.constant 1 : i32
      %add3A_130 = arith.addi %mul3A_128, %add3A_129 : i32
      %dma_wait3A_131 = arith.constant 0 : i32
      %dma_wait3A_132 = arith.constant 0 : i32
      %dma_wait3A_133 = tpu.memref_slice %arg2[%dma_wait3A_131, %dma_wait3A_132] : memref<10000x128xf32, #tpu.memory_space<hbm>> -> memref<40x128xf32, #tpu.memory_space<hbm>>
      %dma_wait3A_134 = arith.constant 0 : i32
      %dma_wait3A_135 = arith.constant 0 : i32
      %dma_wait3A_136 = tpu.memref_slice %arg2[%dma_wait3A_134, %dma_wait3A_135] : memref<10000x128xf32, #tpu.memory_space<hbm>> -> memref<40x128xf32, #tpu.memory_space<hbm>>
      tpu.wait_dma2 semaphore(%arg17 : memref<!tpu.dma_semaphore, #tpu.memory_space<semaphore_mem>>) src(%dma_wait3A_136 : memref<40x128xf32, #tpu.memory_space<hbm>>) dst(%arg13 : memref<40x128xf32, #tpu.memory_space<vmem>>)
      %mul3A_137 = arith.constant 40 : i32
      %mul3A_138 = arith.muli %add3A_130, %mul3A_137 : i32
      %scan3A_139 = arith.constant 0 : i32
      %scan3A_140 = arith.constant 0 : i32
      %scan3A_141 = arith.constant 5 : i32
      %scan3A_142 = arith.addi %scan3A_140, %scan3A_141 : i32
      %scan3A_143 = arith.constant 1 : i32
      scf.for %scan3A_238 = %scan3A_140 to %scan3A_142 step %scan3A_143  : i32 {
        %mul3A_239 = arith.constant 8 : i32
        %mul3A_240 = arith.muli %scan3A_238, %mul3A_239 : i32
        %add3A_241 = arith.addi %mul3A_138, %mul3A_240 : i32
        %get3A = arith.index_cast %add3A_241 : i32 to index
        %get3A_242 = tpu.vector_load %arg11[%get3A] {strides = array<i32>} : memref<10000xf32, #tpu.memory_space<vmem>>, vector<16xf32>,
        %get3A_243 = vector.shape_cast %get3A_242 : vector<16xf32> to vector<16xf32>
        %scan3A_244 = arith.constant 0 : i32
        %scan3A_245 = arith.constant 4 : i32
        %scan3A_246 = arith.addi %scan3A_244, %scan3A_245 : i32
        %scan3A_247 = arith.constant 1 : i32
        scf.for %scan3A_249 = %scan3A_244 to %scan3A_246 step %scan3A_247  : i32 {
          %mul3A_250 = arith.constant 8 : i32
          %mul3A_251 = arith.muli %scan3A_238, %mul3A_250 : i32
          %mul3A_252 = arith.constant 2 : i32
          %mul3A_253 = arith.muli %scan3A_249, %mul3A_252 : i32
          %add3A_254 = arith.addi %mul3A_251, %mul3A_253 : i32
          %add3A_255 = arith.constant 0 : i32
          %add3A_256 = arith.addi %add3A_254, %add3A_255 : i32
          %mul3A_257 = arith.constant 2 : i32
          %mul3A_258 = arith.muli %scan3A_249, %mul3A_257 : i32
          %add3A_259 = arith.constant 0 : i32
          %add3A_260 = arith.addi %mul3A_258, %add3A_259 : i32
          %broadcast_in_dim3A = vector.broadcast %add3A_260 : i32 to vector<16xi32>
          %lt3A_261 = arith.constant 0 : i32
          %lt3A_262 = vector.broadcast %lt3A_261 : i32 to vector<16xi32>
          %lt3A_263 = arith.cmpi slt, %broadcast_in_dim3A, %lt3A_262 : vector<16xi32>
          %add3A_264 = arith.constant 16 : i32
          %add3A_265 = vector.broadcast %add3A_264 : i32 to vector<16xi32>
          %add3A_266 = arith.addi %broadcast_in_dim3A, %add3A_265 : vector<16xi32>
          %select_n3A = arith.select %lt3A_263, %add3A_266, %broadcast_in_dim3A : vector<16xi1>, vector<16xi32>
          %broadcast_in_dim3A_267 = vector.shape_cast %select_n3A : vector<16xi32> to vector<16x1xi32>
          %gather3A = vector.shape_cast %broadcast_in_dim3A_267 : vector<16x1xi32> to vector<16xi32>
          %gather3A_268 = tpu.dynamic_gather %get3A_243[%gather3A] in [0] : vector<16xf32>, vector<16xi32> -> vector<16xf32>
          %get3A_269 = arith.index_cast %add3A_256 : i32 to index
          %get3A_270 = arith.constant 0 : index
          %get3A_271 = tpu.vector_load %arg13[%get3A_269, %get3A_270] {strides = array<i32>} : memref<40x128xf32, #tpu.memory_space<vmem>>, vector<1x16xf32>,
          %get3A_272 = vector.shape_cast %get3A_271 : vector<1x16xf32> to vector<16xf32>
          %mul3A_273 = arith.mulf %get3A_272, %gather3A_268 : vector<16xf32>
          %swap3A = arith.index_cast %add3A_256 : i32 to index
          %swap3A_274 = arith.constant 0 : index
          %swap3A_275 = tpu.vector_load %arg13[%swap3A, %swap3A_274] {strides = array<i32>} : memref<40x128xf32, #tpu.memory_space<vmem>>, vector<1x16xf32>,
          %swap3A_276 = vector.shape_cast %swap3A_275 : vector<1x16xf32> to vector<16xf32>
          %swap3A_277 = vector.shape_cast %mul3A_273 : vector<16xf32> to vector<1x16xf32>
          tpu.vector_store %arg13[%swap3A, %swap3A_274], %swap3A_277 {strides = array<i32>} : memref<40x128xf32, #tpu.memory_space<vmem>>, vector<1x16xf32>,
          %get3A_278 = arith.index_cast %add3A_256 : i32 to index
          %get3A_279 = arith.constant 16 : index
          %get3A_280 = tpu.vector_load %arg13[%get3A_278, %get3A_279] {strides = array<i32>} : memref<40x128xf32, #tpu.memory_space<vmem>>, vector<1x16xf32>,
          %get3A_281 = vector.shape_cast %get3A_280 : vector<1x16xf32> to vector<16xf32>
          %mul3A_282 = arith.mulf %get3A_281, %gather3A_268 : vector<16xf32>
          %swap3A_283 = arith.index_cast %add3A_256 : i32 to index
          %swap3A_284 = arith.constant 16 : index
          %swap3A_285 = tpu.vector_load %arg13[%swap3A_283, %swap3A_284] {strides = array<i32>} : memref<40x128xf32, #tpu.memory_space<vmem>>, vector<1x16xf32>,
          %swap3A_286 = vector.shape_cast %swap3A_285 : vector<1x16xf32> to vector<16xf32>
          %swap3A_287 = vector.shape_cast %mul3A_282 : vector<16xf32> to vector<1x16xf32>
          tpu.vector_store %arg13[%swap3A_283, %swap3A_284], %swap3A_287 {strides = array<i32>} : memref<40x128xf32, #tpu.memory_space<vmem>>, vector<1x16xf32>,
          %get3A_288 = arith.index_cast %add3A_256 : i32 to index
          %get3A_289 = arith.constant 32 : index
          %get3A_290 = tpu.vector_load %arg13[%get3A_288, %get3A_289] {strides = array<i32>} : memref<40x128xf32, #tpu.memory_space<vmem>>, vector<1x16xf32>,
          %get3A_291 = vector.shape_cast %get3A_290 : vector<1x16xf32> to vector<16xf32>
          %mul3A_292 = arith.mulf %get3A_291, %gather3A_268 : vector<16xf32>
          %swap3A_293 = arith.index_cast %add3A_256 : i32 to index
          %swap3A_294 = arith.constant 32 : index
          %swap3A_295 = tpu.vector_load %arg13[%swap3A_293, %swap3A_294] {strides = array<i32>} : memref<40x128xf32, #tpu.memory_space<vmem>>, vector<1x16xf32>,
          %swap3A_296 = vector.shape_cast %swap3A_295 : vector<1x16xf32> to vector<16xf32>
          %swap3A_297 = vector.shape_cast %mul3A_292 : vector<16xf32> to vector<1x16xf32>
          tpu.vector_store %arg13[%swap3A_293, %swap3A_294], %swap3A_297 {strides = array<i32>} : memref<40x128xf32, #tpu.memory_space<vmem>>, vector<1x16xf32>,
          %get3A_298 = arith.index_cast %add3A_256 : i32 to index
          %get3A_299 = arith.constant 48 : index
          %get3A_300 = tpu.vector_load %arg13[%get3A_298, %get3A_299] {strides = array<i32>} : memref<40x128xf32, #tpu.memory_space<vmem>>, vector<1x16xf32>,
          %get3A_301 = vector.shape_cast %get3A_300 : vector<1x16xf32> to vector<16xf32>
          %mul3A_302 = arith.mulf %get3A_301, %gather3A_268 : vector<16xf32>
          %swap3A_303 = arith.index_cast %add3A_256 : i32 to index
          %swap3A_304 = arith.constant 48 : index
          %swap3A_305 = tpu.vector_load %arg13[%swap3A_303, %swap3A_304] {strides = array<i32>} : memref<40x128xf32, #tpu.memory_space<vmem>>, vector<1x16xf32>,
          %swap3A_306 = vector.shape_cast %swap3A_305 : vector<1x16xf32> to vector<16xf32>
          %swap3A_307 = vector.shape_cast %mul3A_302 : vector<16xf32> to vector<1x16xf32>
          tpu.vector_store %arg13[%swap3A_303, %swap3A_304], %swap3A_307 {strides = array<i32>} : memref<40x128xf32, #tpu.memory_space<vmem>>, vector<1x16xf32>,
          %get3A_308 = arith.index_cast %add3A_256 : i32 to index
          %get3A_309 = arith.constant 64 : index
          %get3A_310 = tpu.vector_load %arg13[%get3A_308, %get3A_309] {strides = array<i32>} : memref<40x128xf32, #tpu.memory_space<vmem>>, vector<1x16xf32>,
          %get3A_311 = vector.shape_cast %get3A_310 : vector<1x16xf32> to vector<16xf32>
          %mul3A_312 = arith.mulf %get3A_311, %gather3A_268 : vector<16xf32>
          %swap3A_313 = arith.index_cast %add3A_256 : i32 to index
          %swap3A_314 = arith.constant 64 : index
          %swap3A_315 = tpu.vector_load %arg13[%swap3A_313, %swap3A_314] {strides = array<i32>} : memref<40x128xf32, #tpu.memory_space<vmem>>, vector<1x16xf32>,
          %swap3A_316 = vector.shape_cast %swap3A_315 : vector<1x16xf32> to vector<16xf32>
          %swap3A_317 = vector.shape_cast %mul3A_312 : vector<16xf32> to vector<1x16xf32>
          tpu.vector_store %arg13[%swap3A_313, %swap3A_314], %swap3A_317 {strides = array<i32>} : memref<40x128xf32, #tpu.memory_space<vmem>>, vector<1x16xf32>,
          %get3A_318 = arith.index_cast %add3A_256 : i32 to index
          %get3A_319 = arith.constant 80 : index
          %get3A_320 = tpu.vector_load %arg13[%get3A_318, %get3A_319] {strides = array<i32>} : memref<40x128xf32, #tpu.memory_space<vmem>>, vector<1x16xf32>,
          %get3A_321 = vector.shape_cast %get3A_320 : vector<1x16xf32> to vector<16xf32>
          %mul3A_322 = arith.mulf %get3A_321, %gather3A_268 : vector<16xf32>
          %swap3A_323 = arith.index_cast %add3A_256 : i32 to index
          %swap3A_324 = arith.constant 80 : index
          %swap3A_325 = tpu.vector_load %arg13[%swap3A_323, %swap3A_324] {strides = array<i32>} : memref<40x128xf32, #tpu.memory_space<vmem>>, vector<1x16xf32>,
          %swap3A_326 = vector.shape_cast %swap3A_325 : vector<1x16xf32> to vector<16xf32>
          %swap3A_327 = vector.shape_cast %mul3A_322 : vector<16xf32> to vector<1x16xf32>
          tpu.vector_store %arg13[%swap3A_323, %swap3A_324], %swap3A_327 {strides = array<i32>} : memref<40x128xf32, #tpu.memory_space<vmem>>, vector<1x16xf32>,
          %get3A_328 = arith.index_cast %add3A_256 : i32 to index
          %get3A_329 = arith.constant 96 : index
          %get3A_330 = tpu.vector_load %arg13[%get3A_328, %get3A_329] {strides = array<i32>} : memref<40x128xf32, #tpu.memory_space<vmem>>, vector<1x16xf32>,
          %get3A_331 = vector.shape_cast %get3A_330 : vector<1x16xf32> to vector<16xf32>
          %mul3A_332 = arith.mulf %get3A_331, %gather3A_268 : vector<16xf32>
          %swap3A_333 = arith.index_cast %add3A_256 : i32 to index
          %swap3A_334 = arith.constant 96 : index
          %swap3A_335 = tpu.vector_load %arg13[%swap3A_333, %swap3A_334] {strides = array<i32>} : memref<40x128xf32, #tpu.memory_space<vmem>>, vector<1x16xf32>,
          %swap3A_336 = vector.shape_cast %swap3A_335 : vector<1x16xf32> to vector<16xf32>
          %swap3A_337 = vector.shape_cast %mul3A_332 : vector<16xf32> to vector<1x16xf32>
          tpu.vector_store %arg13[%swap3A_333, %swap3A_334], %swap3A_337 {strides = array<i32>} : memref<40x128xf32, #tpu.memory_space<vmem>>, vector<1x16xf32>,
          %get3A_338 = arith.index_cast %add3A_256 : i32 to index
          %get3A_339 = arith.constant 112 : index
          %get3A_340 = tpu.vector_load %arg13[%get3A_338, %get3A_339] {strides = array<i32>} : memref<40x128xf32, #tpu.memory_space<vmem>>, vector<1x16xf32>,
          %get3A_341 = vector.shape_cast %get3A_340 : vector<1x16xf32> to vector<16xf32>
          %mul3A_342 = arith.mulf %get3A_341, %gather3A_268 : vector<16xf32>
          %swap3A_343 = arith.index_cast %add3A_256 : i32 to index
          %swap3A_344 = arith.constant 112 : index
          %swap3A_345 = tpu.vector_load %arg13[%swap3A_343, %swap3A_344] {strides = array<i32>} : memref<40x128xf32, #tpu.memory_space<vmem>>, vector<1x16xf32>,
          %swap3A_346 = vector.shape_cast %swap3A_345 : vector<1x16xf32> to vector<16xf32>
          %swap3A_347 = vector.shape_cast %mul3A_342 : vector<16xf32> to vector<1x16xf32>
          tpu.vector_store %arg13[%swap3A_343, %swap3A_344], %swap3A_347 {strides = array<i32>} : memref<40x128xf32, #tpu.memory_space<vmem>>, vector<1x16xf32>,
          %mul3A_348 = arith.constant 8 : i32
          %mul3A_349 = arith.muli %scan3A_238, %mul3A_348 : i32
          %mul3A_350 = arith.constant 2 : i32
          %mul3A_351 = arith.muli %scan3A_249, %mul3A_350 : i32
          %add3A_352 = arith.addi %mul3A_349, %mul3A_351 : i32
          %add3A_353 = arith.constant 1 : i32
          %add3A_354 = arith.addi %add3A_352, %add3A_353 : i32
          %mul3A_355 = arith.constant 2 : i32
          %mul3A_356 = arith.muli %scan3A_249, %mul3A_355 : i32
          %add3A_357 = arith.constant 1 : i32
          %add3A_358 = arith.addi %mul3A_356, %add3A_357 : i32
          %broadcast_in_dim3A_359 = vector.broadcast %add3A_358 : i32 to vector<16xi32>
          %lt3A_360 = arith.constant 0 : i32
          %lt3A_361 = vector.broadcast %lt3A_360 : i32 to vector<16xi32>
          %lt3A_362 = arith.cmpi slt, %broadcast_in_dim3A_359, %lt3A_361 : vector<16xi32>
          %add3A_363 = arith.constant 16 : i32
          %add3A_364 = vector.broadcast %add3A_363 : i32 to vector<16xi32>
          %add3A_365 = arith.addi %broadcast_in_dim3A_359, %add3A_364 : vector<16xi32>
          %select_n3A_366 = arith.select %lt3A_362, %add3A_365, %broadcast_in_dim3A_359 : vector<16xi1>, vector<16xi32>
          %broadcast_in_dim3A_367 = vector.shape_cast %select_n3A_366 : vector<16xi32> to vector<16x1xi32>
          %gather3A_368 = vector.shape_cast %broadcast_in_dim3A_367 : vector<16x1xi32> to vector<16xi32>
          %gather3A_369 = tpu.dynamic_gather %get3A_243[%gather3A_368] in [0] : vector<16xf32>, vector<16xi32> -> vector<16xf32>
          %get3A_370 = arith.index_cast %add3A_354 : i32 to index
          %get3A_371 = arith.constant 0 : index
          %get3A_372 = tpu.vector_load %arg13[%get3A_370, %get3A_371] {strides = array<i32>} : memref<40x128xf32, #tpu.memory_space<vmem>>, vector<1x16xf32>,
          %get3A_373 = vector.shape_cast %get3A_372 : vector<1x16xf32> to vector<16xf32>
          %mul3A_374 = arith.mulf %get3A_373, %gather3A_369 : vector<16xf32>
          %swap3A_375 = arith.index_cast %add3A_354 : i32 to index
          %swap3A_376 = arith.constant 0 : index
          %swap3A_377 = tpu.vector_load %arg13[%swap3A_375, %swap3A_376] {strides = array<i32>} : memref<40x128xf32, #tpu.memory_space<vmem>>, vector<1x16xf32>,
          %swap3A_378 = vector.shape_cast %swap3A_377 : vector<1x16xf32> to vector<16xf32>
          %swap3A_379 = vector.shape_cast %mul3A_374 : vector<16xf32> to vector<1x16xf32>
          tpu.vector_store %arg13[%swap3A_375, %swap3A_376], %swap3A_379 {strides = array<i32>} : memref<40x128xf32, #tpu.memory_space<vmem>>, vector<1x16xf32>,
          %get3A_380 = arith.index_cast %add3A_354 : i32 to index
          %get3A_381 = arith.constant 16 : index
          %get3A_382 = tpu.vector_load %arg13[%get3A_380, %get3A_381] {strides = array<i32>} : memref<40x128xf32, #tpu.memory_space<vmem>>, vector<1x16xf32>,
          %get3A_383 = vector.shape_cast %get3A_382 : vector<1x16xf32> to vector<16xf32>
          %mul3A_384 = arith.mulf %get3A_383, %gather3A_369 : vector<16xf32>
          %swap3A_385 = arith.index_cast %add3A_354 : i32 to index
          %swap3A_386 = arith.constant 16 : index
          %swap3A_387 = tpu.vector_load %arg13[%swap3A_385, %swap3A_386] {strides = array<i32>} : memref<40x128xf32, #tpu.memory_space<vmem>>, vector<1x16xf32>,
          %swap3A_388 = vector.shape_cast %swap3A_387 : vector<1x16xf32> to vector<16xf32>
          %swap3A_389 = vector.shape_cast %mul3A_384 : vector<16xf32> to vector<1x16xf32>
          tpu.vector_store %arg13[%swap3A_385, %swap3A_386], %swap3A_389 {strides = array<i32>} : memref<40x128xf32, #tpu.memory_space<vmem>>, vector<1x16xf32>,
          %get3A_390 = arith.index_cast %add3A_354 : i32 to index
          %get3A_391 = arith.constant 32 : index
          %get3A_392 = tpu.vector_load %arg13[%get3A_390, %get3A_391] {strides = array<i32>} : memref<40x128xf32, #tpu.memory_space<vmem>>, vector<1x16xf32>,
          %get3A_393 = vector.shape_cast %get3A_392 : vector<1x16xf32> to vector<16xf32>
          %mul3A_394 = arith.mulf %get3A_393, %gather3A_369 : vector<16xf32>
          %swap3A_395 = arith.index_cast %add3A_354 : i32 to index
          %swap3A_396 = arith.constant 32 : index
          %swap3A_397 = tpu.vector_load %arg13[%swap3A_395, %swap3A_396] {strides = array<i32>} : memref<40x128xf32, #tpu.memory_space<vmem>>, vector<1x16xf32>,
          %swap3A_398 = vector.shape_cast %swap3A_397 : vector<1x16xf32> to vector<16xf32>
          %swap3A_399 = vector.shape_cast %mul3A_394 : vector<16xf32> to vector<1x16xf32>
          tpu.vector_store %arg13[%swap3A_395, %swap3A_396], %swap3A_399 {strides = array<i32>} : memref<40x128xf32, #tpu.memory_space<vmem>>, vector<1x16xf32>,
          %get3A_400 = arith.index_cast %add3A_354 : i32 to index
          %get3A_401 = arith.constant 48 : index
          %get3A_402 = tpu.vector_load %arg13[%get3A_400, %get3A_401] {strides = array<i32>} : memref<40x128xf32, #tpu.memory_space<vmem>>, vector<1x16xf32>,
          %get3A_403 = vector.shape_cast %get3A_402 : vector<1x16xf32> to vector<16xf32>
          %mul3A_404 = arith.mulf %get3A_403, %gather3A_369 : vector<16xf32>
          %swap3A_405 = arith.index_cast %add3A_354 : i32 to index
          %swap3A_406 = arith.constant 48 : index
          %swap3A_407 = tpu.vector_load %arg13[%swap3A_405, %swap3A_406] {strides = array<i32>} : memref<40x128xf32, #tpu.memory_space<vmem>>, vector<1x16xf32>,
          %swap3A_408 = vector.shape_cast %swap3A_407 : vector<1x16xf32> to vector<16xf32>
          %swap3A_409 = vector.shape_cast %mul3A_404 : vector<16xf32> to vector<1x16xf32>
          tpu.vector_store %arg13[%swap3A_405, %swap3A_406], %swap3A_409 {strides = array<i32>} : memref<40x128xf32, #tpu.memory_space<vmem>>, vector<1x16xf32>,
          %get3A_410 = arith.index_cast %add3A_354 : i32 to index
          %get3A_411 = arith.constant 64 : index
          %get3A_412 = tpu.vector_load %arg13[%get3A_410, %get3A_411] {strides = array<i32>} : memref<40x128xf32, #tpu.memory_space<vmem>>, vector<1x16xf32>,
          %get3A_413 = vector.shape_cast %get3A_412 : vector<1x16xf32> to vector<16xf32>
          %mul3A_414 = arith.mulf %get3A_413, %gather3A_369 : vector<16xf32>
          %swap3A_415 = arith.index_cast %add3A_354 : i32 to index
          %swap3A_416 = arith.constant 64 : index
          %swap3A_417 = tpu.vector_load %arg13[%swap3A_415, %swap3A_416] {strides = array<i32>} : memref<40x128xf32, #tpu.memory_space<vmem>>, vector<1x16xf32>,
          %swap3A_418 = vector.shape_cast %swap3A_417 : vector<1x16xf32> to vector<16xf32>
          %swap3A_419 = vector.shape_cast %mul3A_414 : vector<16xf32> to vector<1x16xf32>
          tpu.vector_store %arg13[%swap3A_415, %swap3A_416], %swap3A_419 {strides = array<i32>} : memref<40x128xf32, #tpu.memory_space<vmem>>, vector<1x16xf32>,
          %get3A_420 = arith.index_cast %add3A_354 : i32 to index
          %get3A_421 = arith.constant 80 : index
          %get3A_422 = tpu.vector_load %arg13[%get3A_420, %get3A_421] {strides = array<i32>} : memref<40x128xf32, #tpu.memory_space<vmem>>, vector<1x16xf32>,
          %get3A_423 = vector.shape_cast %get3A_422 : vector<1x16xf32> to vector<16xf32>
          %mul3A_424 = arith.mulf %get3A_423, %gather3A_369 : vector<16xf32>
          %swap3A_425 = arith.index_cast %add3A_354 : i32 to index
          %swap3A_426 = arith.constant 80 : index
          %swap3A_427 = tpu.vector_load %arg13[%swap3A_425, %swap3A_426] {strides = array<i32>} : memref<40x128xf32, #tpu.memory_space<vmem>>, vector<1x16xf32>,
          %swap3A_428 = vector.shape_cast %swap3A_427 : vector<1x16xf32> to vector<16xf32>
          %swap3A_429 = vector.shape_cast %mul3A_424 : vector<16xf32> to vector<1x16xf32>
          tpu.vector_store %arg13[%swap3A_425, %swap3A_426], %swap3A_429 {strides = array<i32>} : memref<40x128xf32, #tpu.memory_space<vmem>>, vector<1x16xf32>,
          %get3A_430 = arith.index_cast %add3A_354 : i32 to index
          %get3A_431 = arith.constant 96 : index
          %get3A_432 = tpu.vector_load %arg13[%get3A_430, %get3A_431] {strides = array<i32>} : memref<40x128xf32, #tpu.memory_space<vmem>>, vector<1x16xf32>,
          %get3A_433 = vector.shape_cast %get3A_432 : vector<1x16xf32> to vector<16xf32>
          %mul3A_434 = arith.mulf %get3A_433, %gather3A_369 : vector<16xf32>
          %swap3A_435 = arith.index_cast %add3A_354 : i32 to index
          %swap3A_436 = arith.constant 96 : index
          %swap3A_437 = tpu.vector_load %arg13[%swap3A_435, %swap3A_436] {strides = array<i32>} : memref<40x128xf32, #tpu.memory_space<vmem>>, vector<1x16xf32>,
          %swap3A_438 = vector.shape_cast %swap3A_437 : vector<1x16xf32> to vector<16xf32>
          %swap3A_439 = vector.shape_cast %mul3A_434 : vector<16xf32> to vector<1x16xf32>
          tpu.vector_store %arg13[%swap3A_435, %swap3A_436], %swap3A_439 {strides = array<i32>} : memref<40x128xf32, #tpu.memory_space<vmem>>, vector<1x16xf32>,
          %get3A_440 = arith.index_cast %add3A_354 : i32 to index
          %get3A_441 = arith.constant 112 : index
          %get3A_442 = tpu.vector_load %arg13[%get3A_440, %get3A_441] {strides = array<i32>} : memref<40x128xf32, #tpu.memory_space<vmem>>, vector<1x16xf32>,
          %get3A_443 = vector.shape_cast %get3A_442 : vector<1x16xf32> to vector<16xf32>
          %mul3A_444 = arith.mulf %get3A_443, %gather3A_369 : vector<16xf32>
          %swap3A_445 = arith.index_cast %add3A_354 : i32 to index
          %swap3A_446 = arith.constant 112 : index
          %swap3A_447 = tpu.vector_load %arg13[%swap3A_445, %swap3A_446] {strides = array<i32>} : memref<40x128xf32, #tpu.memory_space<vmem>>, vector<1x16xf32>,
          %swap3A_448 = vector.shape_cast %swap3A_447 : vector<1x16xf32> to vector<16xf32>
          %swap3A_449 = vector.shape_cast %mul3A_444 : vector<16xf32> to vector<1x16xf32>
          tpu.vector_store %arg13[%swap3A_445, %swap3A_446], %swap3A_449 {strides = array<i32>} : memref<40x128xf32, #tpu.memory_space<vmem>>, vector<1x16xf32>,
        }
        %scan3A_248 = arith.constant 4 : i32
      }
      %scan3A_144 = arith.constant 5 : i32
      %mul3A_145 = arith.constant 40 : i32
      %mul3A_146 = arith.muli %add3A_130, %mul3A_145 : i32
      %dma_start3A_147 = tpu.memref_slice %arg9[%mul3A_146] : memref<10000xi32, #tpu.memory_space<vmem>> -> memref<40xi32, #tpu.memory_space<vmem>>
      %dma_start3A_148 = arith.constant 0 : i32
      %dma_start3A_149 = arith.constant 0 : i32
      %dma_start3A_150 = tpu.memref_slice %arg8[%dma_start3A_148, %dma_start3A_149] : memref<10000x128xf32, #tpu.memory_space<vmem_shared>> -> memref<10000x128xf32, #tpu.memory_space<vmem_shared>>
      tpu.enqueue_indirect_dma source(%arg13 : memref<40x128xf32, #tpu.memory_space<vmem>>) target(%dma_start3A_150 : memref<10000x128xf32, #tpu.memory_space<vmem_shared>>) offsets(%dma_start3A_147 : memref<40xi32, #tpu.memory_space<vmem>>) semaphore(%arg21 : memref<!tpu.dma_semaphore, #tpu.memory_space<semaphore_mem>>) {add = true}
      %dma_wait3A_151 = arith.constant 0 : i32
      %dma_wait3A_152 = arith.constant 0 : i32
      %dma_wait3A_153 = tpu.memref_slice %arg2[%dma_wait3A_151, %dma_wait3A_152] : memref<10000x128xf32, #tpu.memory_space<hbm>> -> memref<40x128xf32, #tpu.memory_space<hbm>>
      %dma_wait3A_154 = arith.constant 0 : i32
      %dma_wait3A_155 = arith.constant 0 : i32
      %dma_wait3A_156 = tpu.memref_slice %arg2[%dma_wait3A_154, %dma_wait3A_155] : memref<10000x128xf32, #tpu.memory_space<hbm>> -> memref<40x128xf32, #tpu.memory_space<hbm>>
      tpu.wait_dma2 semaphore(%arg20 : memref<!tpu.dma_semaphore, #tpu.memory_space<semaphore_mem>>) src(%dma_wait3A_156 : memref<40x128xf32, #tpu.memory_space<hbm>>) dst(%arg12 : memref<40x128xf32, #tpu.memory_space<vmem>>)
      %add3A_157 = arith.constant 3 : i32
      %add3A_158 = arith.addi %add3A_130, %add3A_157 : i32
      %lt3A_159 = arith.constant 250 : i32
      %lt3A_160 = arith.cmpi slt, %add3A_158, %lt3A_159 : i32
      %convert_element_type3A_161 = arith.extui %lt3A_160 : i1 to i32
      %cond3A_162 = arith.constant 0 : i32
      %cond3A_163 = arith.cmpi ne, %convert_element_type3A_161, %cond3A_162 : i32
      scf.if %cond3A_163 {
        %add3A_238 = arith.constant 3 : i32
        %add3A_239 = arith.addi %add3A_130, %add3A_238 : i32
        %mul3A_240 = arith.constant 40 : i32
        %mul3A_241 = arith.muli %add3A_239, %mul3A_240 : i32
        %dma_start3A_242 = tpu.memref_slice %arg10[%mul3A_241] : memref<10000xi32, #tpu.memory_space<vmem>> -> memref<40xi32, #tpu.memory_space<vmem>>
        %dma_start3A_243 = arith.constant 0 : i32
        %dma_start3A_244 = arith.constant 0 : i32
        %dma_start3A_245 = tpu.memref_slice %arg2[%dma_start3A_243, %dma_start3A_244] : memref<10000x128xf32, #tpu.memory_space<hbm>> -> memref<10000x128xf32, #tpu.memory_space<hbm>>
        tpu.enqueue_indirect_dma source(%dma_start3A_245 : memref<10000x128xf32, #tpu.memory_space<hbm>>) target(%arg12 : memref<40x128xf32, #tpu.memory_space<vmem>>) offsets(%dma_start3A_242 : memref<40xi32, #tpu.memory_space<vmem>>) semaphore(%arg16 : memref<!tpu.dma_semaphore, #tpu.memory_space<semaphore_mem>>)
      } else {
      }
      %mul3A_164 = arith.constant 4 : i32
      %mul3A_165 = arith.muli %scan3A_90, %mul3A_164 : i32
      %add3A_166 = arith.constant 2 : i32
      %add3A_167 = arith.addi %mul3A_165, %add3A_166 : i32
      %dma_wait3A_168 = arith.constant 0 : i32
      %dma_wait3A_169 = arith.constant 0 : i32
      %dma_wait3A_170 = tpu.memref_slice %arg2[%dma_wait3A_168, %dma_wait3A_169] : memref<10000x128xf32, #tpu.memory_space<hbm>> -> memref<40x128xf32, #tpu.memory_space<hbm>>
      %dma_wait3A_171 = arith.constant 0 : i32
      %dma_wait3A_172 = arith.constant 0 : i32
      %dma_wait3A_173 = tpu.memref_slice %arg2[%dma_wait3A_171, %dma_wait3A_172] : memref<10000x128xf32, #tpu.memory_space<hbm>> -> memref<40x128xf32, #tpu.memory_space<hbm>>
      tpu.wait_dma2 semaphore(%arg18 : memref<!tpu.dma_semaphore, #tpu.memory_space<semaphore_mem>>) src(%dma_wait3A_173 : memref<40x128xf32, #tpu.memory_space<hbm>>) dst(%arg14 : memref<40x128xf32, #tpu.memory_space<vmem>>)
      %mul3A_174 = arith.constant 40 : i32
      %mul3A_175 = arith.muli %add3A_167, %mul3A_174 : i32
      %scan3A_176 = arith.constant 0 : i32
      %scan3A_177 = arith.constant 0 : i32
      %scan3A_178 = arith.constant 5 : i32
      %scan3A_179 = arith.addi %scan3A_177, %scan3A_178 : i32
      %scan3A_180 = arith.constant 1 : i32
      scf.for %scan3A_238 = %scan3A_177 to %scan3A_179 step %scan3A_180  : i32 {
        %mul3A_239 = arith.constant 8 : i32
        %mul3A_240 = arith.muli %scan3A_238, %mul3A_239 : i32
        %add3A_241 = arith.addi %mul3A_175, %mul3A_240 : i32
        %get3A = arith.index_cast %add3A_241 : i32 to index
        %get3A_242 = tpu.vector_load %arg11[%get3A] {strides = array<i32>} : memref<10000xf32, #tpu.memory_space<vmem>>, vector<16xf32>,
        %get3A_243 = vector.shape_cast %get3A_242 : vector<16xf32> to vector<16xf32>
        %scan3A_244 = arith.constant 0 : i32
        %scan3A_245 = arith.constant 4 : i32
        %scan3A_246 = arith.addi %scan3A_244, %scan3A_245 : i32
        %scan3A_247 = arith.constant 1 : i32
        scf.for %scan3A_249 = %scan3A_244 to %scan3A_246 step %scan3A_247  : i32 {
          %mul3A_250 = arith.constant 8 : i32
          %mul3A_251 = arith.muli %scan3A_238, %mul3A_250 : i32
          %mul3A_252 = arith.constant 2 : i32
          %mul3A_253 = arith.muli %scan3A_249, %mul3A_252 : i32
          %add3A_254 = arith.addi %mul3A_251, %mul3A_253 : i32
          %add3A_255 = arith.constant 0 : i32
          %add3A_256 = arith.addi %add3A_254, %add3A_255 : i32
          %mul3A_257 = arith.constant 2 : i32
          %mul3A_258 = arith.muli %scan3A_249, %mul3A_257 : i32
          %add3A_259 = arith.constant 0 : i32
          %add3A_260 = arith.addi %mul3A_258, %add3A_259 : i32
          %broadcast_in_dim3A = vector.broadcast %add3A_260 : i32 to vector<16xi32>
          %lt3A_261 = arith.constant 0 : i32
          %lt3A_262 = vector.broadcast %lt3A_261 : i32 to vector<16xi32>
          %lt3A_263 = arith.cmpi slt, %broadcast_in_dim3A, %lt3A_262 : vector<16xi32>
          %add3A_264 = arith.constant 16 : i32
          %add3A_265 = vector.broadcast %add3A_264 : i32 to vector<16xi32>
          %add3A_266 = arith.addi %broadcast_in_dim3A, %add3A_265 : vector<16xi32>
          %select_n3A = arith.select %lt3A_263, %add3A_266, %broadcast_in_dim3A : vector<16xi1>, vector<16xi32>
          %broadcast_in_dim3A_267 = vector.shape_cast %select_n3A : vector<16xi32> to vector<16x1xi32>
          %gather3A = vector.shape_cast %broadcast_in_dim3A_267 : vector<16x1xi32> to vector<16xi32>
          %gather3A_268 = tpu.dynamic_gather %get3A_243[%gather3A] in [0] : vector<16xf32>, vector<16xi32> -> vector<16xf32>
          %get3A_269 = arith.index_cast %add3A_256 : i32 to index
          %get3A_270 = arith.constant 0 : index
          %get3A_271 = tpu.vector_load %arg14[%get3A_269, %get3A_270] {strides = array<i32>} : memref<40x128xf32, #tpu.memory_space<vmem>>, vector<1x16xf32>,
          %get3A_272 = vector.shape_cast %get3A_271 : vector<1x16xf32> to vector<16xf32>
          %mul3A_273 = arith.mulf %get3A_272, %gather3A_268 : vector<16xf32>
          %swap3A = arith.index_cast %add3A_256 : i32 to index
          %swap3A_274 = arith.constant 0 : index
          %swap3A_275 = tpu.vector_load %arg14[%swap3A, %swap3A_274] {strides = array<i32>} : memref<40x128xf32, #tpu.memory_space<vmem>>, vector<1x16xf32>,
          %swap3A_276 = vector.shape_cast %swap3A_275 : vector<1x16xf32> to vector<16xf32>
          %swap3A_277 = vector.shape_cast %mul3A_273 : vector<16xf32> to vector<1x16xf32>
          tpu.vector_store %arg14[%swap3A, %swap3A_274], %swap3A_277 {strides = array<i32>} : memref<40x128xf32, #tpu.memory_space<vmem>>, vector<1x16xf32>,
          %get3A_278 = arith.index_cast %add3A_256 : i32 to index
          %get3A_279 = arith.constant 16 : index
          %get3A_280 = tpu.vector_load %arg14[%get3A_278, %get3A_279] {strides = array<i32>} : memref<40x128xf32, #tpu.memory_space<vmem>>, vector<1x16xf32>,
          %get3A_281 = vector.shape_cast %get3A_280 : vector<1x16xf32> to vector<16xf32>
          %mul3A_282 = arith.mulf %get3A_281, %gather3A_268 : vector<16xf32>
          %swap3A_283 = arith.index_cast %add3A_256 : i32 to index
          %swap3A_284 = arith.constant 16 : index
          %swap3A_285 = tpu.vector_load %arg14[%swap3A_283, %swap3A_284] {strides = array<i32>} : memref<40x128xf32, #tpu.memory_space<vmem>>, vector<1x16xf32>,
          %swap3A_286 = vector.shape_cast %swap3A_285 : vector<1x16xf32> to vector<16xf32>
          %swap3A_287 = vector.shape_cast %mul3A_282 : vector<16xf32> to vector<1x16xf32>
          tpu.vector_store %arg14[%swap3A_283, %swap3A_284], %swap3A_287 {strides = array<i32>} : memref<40x128xf32, #tpu.memory_space<vmem>>, vector<1x16xf32>,
          %get3A_288 = arith.index_cast %add3A_256 : i32 to index
          %get3A_289 = arith.constant 32 : index
          %get3A_290 = tpu.vector_load %arg14[%get3A_288, %get3A_289] {strides = array<i32>} : memref<40x128xf32, #tpu.memory_space<vmem>>, vector<1x16xf32>,
          %get3A_291 = vector.shape_cast %get3A_290 : vector<1x16xf32> to vector<16xf32>
          %mul3A_292 = arith.mulf %get3A_291, %gather3A_268 : vector<16xf32>
          %swap3A_293 = arith.index_cast %add3A_256 : i32 to index
          %swap3A_294 = arith.constant 32 : index
          %swap3A_295 = tpu.vector_load %arg14[%swap3A_293, %swap3A_294] {strides = array<i32>} : memref<40x128xf32, #tpu.memory_space<vmem>>, vector<1x16xf32>,
          %swap3A_296 = vector.shape_cast %swap3A_295 : vector<1x16xf32> to vector<16xf32>
          %swap3A_297 = vector.shape_cast %mul3A_292 : vector<16xf32> to vector<1x16xf32>
          tpu.vector_store %arg14[%swap3A_293, %swap3A_294], %swap3A_297 {strides = array<i32>} : memref<40x128xf32, #tpu.memory_space<vmem>>, vector<1x16xf32>,
          %get3A_298 = arith.index_cast %add3A_256 : i32 to index
          %get3A_299 = arith.constant 48 : index
          %get3A_300 = tpu.vector_load %arg14[%get3A_298, %get3A_299] {strides = array<i32>} : memref<40x128xf32, #tpu.memory_space<vmem>>, vector<1x16xf32>,
          %get3A_301 = vector.shape_cast %get3A_300 : vector<1x16xf32> to vector<16xf32>
          %mul3A_302 = arith.mulf %get3A_301, %gather3A_268 : vector<16xf32>
          %swap3A_303 = arith.index_cast %add3A_256 : i32 to index
          %swap3A_304 = arith.constant 48 : index
          %swap3A_305 = tpu.vector_load %arg14[%swap3A_303, %swap3A_304] {strides = array<i32>} : memref<40x128xf32, #tpu.memory_space<vmem>>, vector<1x16xf32>,
          %swap3A_306 = vector.shape_cast %swap3A_305 : vector<1x16xf32> to vector<16xf32>
          %swap3A_307 = vector.shape_cast %mul3A_302 : vector<16xf32> to vector<1x16xf32>
          tpu.vector_store %arg14[%swap3A_303, %swap3A_304], %swap3A_307 {strides = array<i32>} : memref<40x128xf32, #tpu.memory_space<vmem>>, vector<1x16xf32>,
          %get3A_308 = arith.index_cast %add3A_256 : i32 to index
          %get3A_309 = arith.constant 64 : index
          %get3A_310 = tpu.vector_load %arg14[%get3A_308, %get3A_309] {strides = array<i32>} : memref<40x128xf32, #tpu.memory_space<vmem>>, vector<1x16xf32>,
          %get3A_311 = vector.shape_cast %get3A_310 : vector<1x16xf32> to vector<16xf32>
          %mul3A_312 = arith.mulf %get3A_311, %gather3A_268 : vector<16xf32>
          %swap3A_313 = arith.index_cast %add3A_256 : i32 to index
          %swap3A_314 = arith.constant 64 : index
          %swap3A_315 = tpu.vector_load %arg14[%swap3A_313, %swap3A_314] {strides = array<i32>} : memref<40x128xf32, #tpu.memory_space<vmem>>, vector<1x16xf32>,
          %swap3A_316 = vector.shape_cast %swap3A_315 : vector<1x16xf32> to vector<16xf32>
          %swap3A_317 = vector.shape_cast %mul3A_312 : vector<16xf32> to vector<1x16xf32>
          tpu.vector_store %arg14[%swap3A_313, %swap3A_314], %swap3A_317 {strides = array<i32>} : memref<40x128xf32, #tpu.memory_space<vmem>>, vector<1x16xf32>,
          %get3A_318 = arith.index_cast %add3A_256 : i32 to index
          %get3A_319 = arith.constant 80 : index
          %get3A_320 = tpu.vector_load %arg14[%get3A_318, %get3A_319] {strides = array<i32>} : memref<40x128xf32, #tpu.memory_space<vmem>>, vector<1x16xf32>,
          %get3A_321 = vector.shape_cast %get3A_320 : vector<1x16xf32> to vector<16xf32>
          %mul3A_322 = arith.mulf %get3A_321, %gather3A_268 : vector<16xf32>
          %swap3A_323 = arith.index_cast %add3A_256 : i32 to index
          %swap3A_324 = arith.constant 80 : index
          %swap3A_325 = tpu.vector_load %arg14[%swap3A_323, %swap3A_324] {strides = array<i32>} : memref<40x128xf32, #tpu.memory_space<vmem>>, vector<1x16xf32>,
          %swap3A_326 = vector.shape_cast %swap3A_325 : vector<1x16xf32> to vector<16xf32>
          %swap3A_327 = vector.shape_cast %mul3A_322 : vector<16xf32> to vector<1x16xf32>
          tpu.vector_store %arg14[%swap3A_323, %swap3A_324], %swap3A_327 {strides = array<i32>} : memref<40x128xf32, #tpu.memory_space<vmem>>, vector<1x16xf32>,
          %get3A_328 = arith.index_cast %add3A_256 : i32 to index
          %get3A_329 = arith.constant 96 : index
          %get3A_330 = tpu.vector_load %arg14[%get3A_328, %get3A_329] {strides = array<i32>} : memref<40x128xf32, #tpu.memory_space<vmem>>, vector<1x16xf32>,
          %get3A_331 = vector.shape_cast %get3A_330 : vector<1x16xf32> to vector<16xf32>
          %mul3A_332 = arith.mulf %get3A_331, %gather3A_268 : vector<16xf32>
          %swap3A_333 = arith.index_cast %add3A_256 : i32 to index
          %swap3A_334 = arith.constant 96 : index
          %swap3A_335 = tpu.vector_load %arg14[%swap3A_333, %swap3A_334] {strides = array<i32>} : memref<40x128xf32, #tpu.memory_space<vmem>>, vector<1x16xf32>,
          %swap3A_336 = vector.shape_cast %swap3A_335 : vector<1x16xf32> to vector<16xf32>
          %swap3A_337 = vector.shape_cast %mul3A_332 : vector<16xf32> to vector<1x16xf32>
          tpu.vector_store %arg14[%swap3A_333, %swap3A_334], %swap3A_337 {strides = array<i32>} : memref<40x128xf32, #tpu.memory_space<vmem>>, vector<1x16xf32>,
          %get3A_338 = arith.index_cast %add3A_256 : i32 to index
          %get3A_339 = arith.constant 112 : index
          %get3A_340 = tpu.vector_load %arg14[%get3A_338, %get3A_339] {strides = array<i32>} : memref<40x128xf32, #tpu.memory_space<vmem>>, vector<1x16xf32>,
          %get3A_341 = vector.shape_cast %get3A_340 : vector<1x16xf32> to vector<16xf32>
          %mul3A_342 = arith.mulf %get3A_341, %gather3A_268 : vector<16xf32>
          %swap3A_343 = arith.index_cast %add3A_256 : i32 to index
          %swap3A_344 = arith.constant 112 : index
          %swap3A_345 = tpu.vector_load %arg14[%swap3A_343, %swap3A_344] {strides = array<i32>} : memref<40x128xf32, #tpu.memory_space<vmem>>, vector<1x16xf32>,
          %swap3A_346 = vector.shape_cast %swap3A_345 : vector<1x16xf32> to vector<16xf32>
          %swap3A_347 = vector.shape_cast %mul3A_342 : vector<16xf32> to vector<1x16xf32>
          tpu.vector_store %arg14[%swap3A_343, %swap3A_344], %swap3A_347 {strides = array<i32>} : memref<40x128xf32, #tpu.memory_space<vmem>>, vector<1x16xf32>,
          %mul3A_348 = arith.constant 8 : i32
          %mul3A_349 = arith.muli %scan3A_238, %mul3A_348 : i32
          %mul3A_350 = arith.constant 2 : i32
          %mul3A_351 = arith.muli %scan3A_249, %mul3A_350 : i32
          %add3A_352 = arith.addi %mul3A_349, %mul3A_351 : i32
          %add3A_353 = arith.constant 1 : i32
          %add3A_354 = arith.addi %add3A_352, %add3A_353 : i32
          %mul3A_355 = arith.constant 2 : i32
          %mul3A_356 = arith.muli %scan3A_249, %mul3A_355 : i32
          %add3A_357 = arith.constant 1 : i32
          %add3A_358 = arith.addi %mul3A_356, %add3A_357 : i32
          %broadcast_in_dim3A_359 = vector.broadcast %add3A_358 : i32 to vector<16xi32>
          %lt3A_360 = arith.constant 0 : i32
          %lt3A_361 = vector.broadcast %lt3A_360 : i32 to vector<16xi32>
          %lt3A_362 = arith.cmpi slt, %broadcast_in_dim3A_359, %lt3A_361 : vector<16xi32>
          %add3A_363 = arith.constant 16 : i32
          %add3A_364 = vector.broadcast %add3A_363 : i32 to vector<16xi32>
          %add3A_365 = arith.addi %broadcast_in_dim3A_359, %add3A_364 : vector<16xi32>
          %select_n3A_366 = arith.select %lt3A_362, %add3A_365, %broadcast_in_dim3A_359 : vector<16xi1>, vector<16xi32>
          %broadcast_in_dim3A_367 = vector.shape_cast %select_n3A_366 : vector<16xi32> to vector<16x1xi32>
          %gather3A_368 = vector.shape_cast %broadcast_in_dim3A_367 : vector<16x1xi32> to vector<16xi32>
          %gather3A_369 = tpu.dynamic_gather %get3A_243[%gather3A_368] in [0] : vector<16xf32>, vector<16xi32> -> vector<16xf32>
          %get3A_370 = arith.index_cast %add3A_354 : i32 to index
          %get3A_371 = arith.constant 0 : index
          %get3A_372 = tpu.vector_load %arg14[%get3A_370, %get3A_371] {strides = array<i32>} : memref<40x128xf32, #tpu.memory_space<vmem>>, vector<1x16xf32>,
          %get3A_373 = vector.shape_cast %get3A_372 : vector<1x16xf32> to vector<16xf32>
          %mul3A_374 = arith.mulf %get3A_373, %gather3A_369 : vector<16xf32>
          %swap3A_375 = arith.index_cast %add3A_354 : i32 to index
          %swap3A_376 = arith.constant 0 : index
          %swap3A_377 = tpu.vector_load %arg14[%swap3A_375, %swap3A_376] {strides = array<i32>} : memref<40x128xf32, #tpu.memory_space<vmem>>, vector<1x16xf32>,
          %swap3A_378 = vector.shape_cast %swap3A_377 : vector<1x16xf32> to vector<16xf32>
          %swap3A_379 = vector.shape_cast %mul3A_374 : vector<16xf32> to vector<1x16xf32>
          tpu.vector_store %arg14[%swap3A_375, %swap3A_376], %swap3A_379 {strides = array<i32>} : memref<40x128xf32, #tpu.memory_space<vmem>>, vector<1x16xf32>,
          %get3A_380 = arith.index_cast %add3A_354 : i32 to index
          %get3A_381 = arith.constant 16 : index
          %get3A_382 = tpu.vector_load %arg14[%get3A_380, %get3A_381] {strides = array<i32>} : memref<40x128xf32, #tpu.memory_space<vmem>>, vector<1x16xf32>,
          %get3A_383 = vector.shape_cast %get3A_382 : vector<1x16xf32> to vector<16xf32>
          %mul3A_384 = arith.mulf %get3A_383, %gather3A_369 : vector<16xf32>
          %swap3A_385 = arith.index_cast %add3A_354 : i32 to index
          %swap3A_386 = arith.constant 16 : index
          %swap3A_387 = tpu.vector_load %arg14[%swap3A_385, %swap3A_386] {strides = array<i32>} : memref<40x128xf32, #tpu.memory_space<vmem>>, vector<1x16xf32>,
          %swap3A_388 = vector.shape_cast %swap3A_387 : vector<1x16xf32> to vector<16xf32>
          %swap3A_389 = vector.shape_cast %mul3A_384 : vector<16xf32> to vector<1x16xf32>
          tpu.vector_store %arg14[%swap3A_385, %swap3A_386], %swap3A_389 {strides = array<i32>} : memref<40x128xf32, #tpu.memory_space<vmem>>, vector<1x16xf32>,
          %get3A_390 = arith.index_cast %add3A_354 : i32 to index
          %get3A_391 = arith.constant 32 : index
          %get3A_392 = tpu.vector_load %arg14[%get3A_390, %get3A_391] {strides = array<i32>} : memref<40x128xf32, #tpu.memory_space<vmem>>, vector<1x16xf32>,
          %get3A_393 = vector.shape_cast %get3A_392 : vector<1x16xf32> to vector<16xf32>
          %mul3A_394 = arith.mulf %get3A_393, %gather3A_369 : vector<16xf32>
          %swap3A_395 = arith.index_cast %add3A_354 : i32 to index
          %swap3A_396 = arith.constant 32 : index
          %swap3A_397 = tpu.vector_load %arg14[%swap3A_395, %swap3A_396] {strides = array<i32>} : memref<40x128xf32, #tpu.memory_space<vmem>>, vector<1x16xf32>,
          %swap3A_398 = vector.shape_cast %swap3A_397 : vector<1x16xf32> to vector<16xf32>
          %swap3A_399 = vector.shape_cast %mul3A_394 : vector<16xf32> to vector<1x16xf32>
          tpu.vector_store %arg14[%swap3A_395, %swap3A_396], %swap3A_399 {strides = array<i32>} : memref<40x128xf32, #tpu.memory_space<vmem>>, vector<1x16xf32>,
          %get3A_400 = arith.index_cast %add3A_354 : i32 to index
          %get3A_401 = arith.constant 48 : index
          %get3A_402 = tpu.vector_load %arg14[%get3A_400, %get3A_401] {strides = array<i32>} : memref<40x128xf32, #tpu.memory_space<vmem>>, vector<1x16xf32>,
          %get3A_403 = vector.shape_cast %get3A_402 : vector<1x16xf32> to vector<16xf32>
          %mul3A_404 = arith.mulf %get3A_403, %gather3A_369 : vector<16xf32>
          %swap3A_405 = arith.index_cast %add3A_354 : i32 to index
          %swap3A_406 = arith.constant 48 : index
          %swap3A_407 = tpu.vector_load %arg14[%swap3A_405, %swap3A_406] {strides = array<i32>} : memref<40x128xf32, #tpu.memory_space<vmem>>, vector<1x16xf32>,
          %swap3A_408 = vector.shape_cast %swap3A_407 : vector<1x16xf32> to vector<16xf32>
          %swap3A_409 = vector.shape_cast %mul3A_404 : vector<16xf32> to vector<1x16xf32>
          tpu.vector_store %arg14[%swap3A_405, %swap3A_406], %swap3A_409 {strides = array<i32>} : memref<40x128xf32, #tpu.memory_space<vmem>>, vector<1x16xf32>,
          %get3A_410 = arith.index_cast %add3A_354 : i32 to index
          %get3A_411 = arith.constant 64 : index
          %get3A_412 = tpu.vector_load %arg14[%get3A_410, %get3A_411] {strides = array<i32>} : memref<40x128xf32, #tpu.memory_space<vmem>>, vector<1x16xf32>,
          %get3A_413 = vector.shape_cast %get3A_412 : vector<1x16xf32> to vector<16xf32>
          %mul3A_414 = arith.mulf %get3A_413, %gather3A_369 : vector<16xf32>
          %swap3A_415 = arith.index_cast %add3A_354 : i32 to index
          %swap3A_416 = arith.constant 64 : index
          %swap3A_417 = tpu.vector_load %arg14[%swap3A_415, %swap3A_416] {strides = array<i32>} : memref<40x128xf32, #tpu.memory_space<vmem>>, vector<1x16xf32>,
          %swap3A_418 = vector.shape_cast %swap3A_417 : vector<1x16xf32> to vector<16xf32>
          %swap3A_419 = vector.shape_cast %mul3A_414 : vector<16xf32> to vector<1x16xf32>
          tpu.vector_store %arg14[%swap3A_415, %swap3A_416], %swap3A_419 {strides = array<i32>} : memref<40x128xf32, #tpu.memory_space<vmem>>, vector<1x16xf32>,
          %get3A_420 = arith.index_cast %add3A_354 : i32 to index
          %get3A_421 = arith.constant 80 : index
          %get3A_422 = tpu.vector_load %arg14[%get3A_420, %get3A_421] {strides = array<i32>} : memref<40x128xf32, #tpu.memory_space<vmem>>, vector<1x16xf32>,
          %get3A_423 = vector.shape_cast %get3A_422 : vector<1x16xf32> to vector<16xf32>
          %mul3A_424 = arith.mulf %get3A_423, %gather3A_369 : vector<16xf32>
          %swap3A_425 = arith.index_cast %add3A_354 : i32 to index
          %swap3A_426 = arith.constant 80 : index
          %swap3A_427 = tpu.vector_load %arg14[%swap3A_425, %swap3A_426] {strides = array<i32>} : memref<40x128xf32, #tpu.memory_space<vmem>>, vector<1x16xf32>,
          %swap3A_428 = vector.shape_cast %swap3A_427 : vector<1x16xf32> to vector<16xf32>
          %swap3A_429 = vector.shape_cast %mul3A_424 : vector<16xf32> to vector<1x16xf32>
          tpu.vector_store %arg14[%swap3A_425, %swap3A_426], %swap3A_429 {strides = array<i32>} : memref<40x128xf32, #tpu.memory_space<vmem>>, vector<1x16xf32>,
          %get3A_430 = arith.index_cast %add3A_354 : i32 to index
          %get3A_431 = arith.constant 96 : index
          %get3A_432 = tpu.vector_load %arg14[%get3A_430, %get3A_431] {strides = array<i32>} : memref<40x128xf32, #tpu.memory_space<vmem>>, vector<1x16xf32>,
          %get3A_433 = vector.shape_cast %get3A_432 : vector<1x16xf32> to vector<16xf32>
          %mul3A_434 = arith.mulf %get3A_433, %gather3A_369 : vector<16xf32>
          %swap3A_435 = arith.index_cast %add3A_354 : i32 to index
          %swap3A_436 = arith.constant 96 : index
          %swap3A_437 = tpu.vector_load %arg14[%swap3A_435, %swap3A_436] {strides = array<i32>} : memref<40x128xf32, #tpu.memory_space<vmem>>, vector<1x16xf32>,
          %swap3A_438 = vector.shape_cast %swap3A_437 : vector<1x16xf32> to vector<16xf32>
          %swap3A_439 = vector.shape_cast %mul3A_434 : vector<16xf32> to vector<1x16xf32>
          tpu.vector_store %arg14[%swap3A_435, %swap3A_436], %swap3A_439 {strides = array<i32>} : memref<40x128xf32, #tpu.memory_space<vmem>>, vector<1x16xf32>,
          %get3A_440 = arith.index_cast %add3A_354 : i32 to index
          %get3A_441 = arith.constant 112 : index
          %get3A_442 = tpu.vector_load %arg14[%get3A_440, %get3A_441] {strides = array<i32>} : memref<40x128xf32, #tpu.memory_space<vmem>>, vector<1x16xf32>,
          %get3A_443 = vector.shape_cast %get3A_442 : vector<1x16xf32> to vector<16xf32>
          %mul3A_444 = arith.mulf %get3A_443, %gather3A_369 : vector<16xf32>
          %swap3A_445 = arith.index_cast %add3A_354 : i32 to index
          %swap3A_446 = arith.constant 112 : index
          %swap3A_447 = tpu.vector_load %arg14[%swap3A_445, %swap3A_446] {strides = array<i32>} : memref<40x128xf32, #tpu.memory_space<vmem>>, vector<1x16xf32>,
          %swap3A_448 = vector.shape_cast %swap3A_447 : vector<1x16xf32> to vector<16xf32>
          %swap3A_449 = vector.shape_cast %mul3A_444 : vector<16xf32> to vector<1x16xf32>
          tpu.vector_store %arg14[%swap3A_445, %swap3A_446], %swap3A_449 {strides = array<i32>} : memref<40x128xf32, #tpu.memory_space<vmem>>, vector<1x16xf32>,
        }
        %scan3A_248 = arith.constant 4 : i32
      }
      %scan3A_181 = arith.constant 5 : i32
      %mul3A_182 = arith.constant 40 : i32
      %mul3A_183 = arith.muli %add3A_167, %mul3A_182 : i32
      %dma_start3A_184 = tpu.memref_slice %arg9[%mul3A_183] : memref<10000xi32, #tpu.memory_space<vmem>> -> memref<40xi32, #tpu.memory_space<vmem>>
      %dma_start3A_185 = arith.constant 0 : i32
      %dma_start3A_186 = arith.constant 0 : i32
      %dma_start3A_187 = tpu.memref_slice %arg8[%dma_start3A_185, %dma_start3A_186] : memref<10000x128xf32, #tpu.memory_space<vmem_shared>> -> memref<10000x128xf32, #tpu.memory_space<vmem_shared>>
      tpu.enqueue_indirect_dma source(%arg14 : memref<40x128xf32, #tpu.memory_space<vmem>>) target(%dma_start3A_187 : memref<10000x128xf32, #tpu.memory_space<vmem_shared>>) offsets(%dma_start3A_184 : memref<40xi32, #tpu.memory_space<vmem>>) semaphore(%arg22 : memref<!tpu.dma_semaphore, #tpu.memory_space<semaphore_mem>>) {add = true}
      %dma_wait3A_188 = arith.constant 0 : i32
      %dma_wait3A_189 = arith.constant 0 : i32
      %dma_wait3A_190 = tpu.memref_slice %arg2[%dma_wait3A_188, %dma_wait3A_189] : memref<10000x128xf32, #tpu.memory_space<hbm>> -> memref<40x128xf32, #tpu.memory_space<hbm>>
      %dma_wait3A_191 = arith.constant 0 : i32
      %dma_wait3A_192 = arith.constant 0 : i32
      %dma_wait3A_193 = tpu.memref_slice %arg2[%dma_wait3A_191, %dma_wait3A_192] : memref<10000x128xf32, #tpu.memory_space<hbm>> -> memref<40x128xf32, #tpu.memory_space<hbm>>
      tpu.wait_dma2 semaphore(%arg21 : memref<!tpu.dma_semaphore, #tpu.memory_space<semaphore_mem>>) src(%dma_wait3A_193 : memref<40x128xf32, #tpu.memory_space<hbm>>) dst(%arg13 : memref<40x128xf32, #tpu.memory_space<vmem>>)
      %add3A_194 = arith.constant 3 : i32
      %add3A_195 = arith.addi %add3A_167, %add3A_194 : i32
      %lt3A_196 = arith.constant 250 : i32
      %lt3A_197 = arith.cmpi slt, %add3A_195, %lt3A_196 : i32
      %convert_element_type3A_198 = arith.extui %lt3A_197 : i1 to i32
      %cond3A_199 = arith.constant 0 : i32
      %cond3A_200 = arith.cmpi ne, %convert_element_type3A_198, %cond3A_199 : i32
      scf.if %cond3A_200 {
        %add3A_238 = arith.constant 3 : i32
        %add3A_239 = arith.addi %add3A_167, %add3A_238 : i32
        %mul3A_240 = arith.constant 40 : i32
        %mul3A_241 = arith.muli %add3A_239, %mul3A_240 : i32
        %dma_start3A_242 = tpu.memref_slice %arg10[%mul3A_241] : memref<10000xi32, #tpu.memory_space<vmem>> -> memref<40xi32, #tpu.memory_space<vmem>>
        %dma_start3A_243 = arith.constant 0 : i32
        %dma_start3A_244 = arith.constant 0 : i32
        %dma_start3A_245 = tpu.memref_slice %arg2[%dma_start3A_243, %dma_start3A_244] : memref<10000x128xf32, #tpu.memory_space<hbm>> -> memref<10000x128xf32, #tpu.memory_space<hbm>>
        tpu.enqueue_indirect_dma source(%dma_start3A_245 : memref<10000x128xf32, #tpu.memory_space<hbm>>) target(%arg13 : memref<40x128xf32, #tpu.memory_space<vmem>>) offsets(%dma_start3A_242 : memref<40xi32, #tpu.memory_space<vmem>>) semaphore(%arg17 : memref<!tpu.dma_semaphore, #tpu.memory_space<semaphore_mem>>)
      } else {
      }
      %mul3A_201 = arith.constant 4 : i32
      %mul3A_202 = arith.muli %scan3A_90, %mul3A_201 : i32
      %add3A_203 = arith.constant 3 : i32
      %add3A_204 = arith.addi %mul3A_202, %add3A_203 : i32
      %dma_wait3A_205 = arith.constant 0 : i32
      %dma_wait3A_206 = arith.constant 0 : i32
      %dma_wait3A_207 = tpu.memref_slice %arg2[%dma_wait3A_205, %dma_wait3A_206] : memref<10000x128xf32, #tpu.memory_space<hbm>> -> memref<40x128xf32, #tpu.memory_space<hbm>>
      %dma_wait3A_208 = arith.constant 0 : i32
      %dma_wait3A_209 = arith.constant 0 : i32
      %dma_wait3A_210 = tpu.memref_slice %arg2[%dma_wait3A_208, %dma_wait3A_209] : memref<10000x128xf32, #tpu.memory_space<hbm>> -> memref<40x128xf32, #tpu.memory_space<hbm>>
      tpu.wait_dma2 semaphore(%arg19 : memref<!tpu.dma_semaphore, #tpu.memory_space<semaphore_mem>>) src(%dma_wait3A_210 : memref<40x128xf32, #tpu.memory_space<hbm>>) dst(%arg15 : memref<40x128xf32, #tpu.memory_space<vmem>>)
      %mul3A_211 = arith.constant 40 : i32
      %mul3A_212 = arith.muli %add3A_204, %mul3A_211 : i32
      %scan3A_213 = arith.constant 0 : i32
      %scan3A_214 = arith.constant 0 : i32
      %scan3A_215 = arith.constant 5 : i32
      %scan3A_216 = arith.addi %scan3A_214, %scan3A_215 : i32
      %scan3A_217 = arith.constant 1 : i32
      scf.for %scan3A_238 = %scan3A_214 to %scan3A_216 step %scan3A_217  : i32 {
        %mul3A_239 = arith.constant 8 : i32
        %mul3A_240 = arith.muli %scan3A_238, %mul3A_239 : i32
        %add3A_241 = arith.addi %mul3A_212, %mul3A_240 : i32
        %get3A = arith.index_cast %add3A_241 : i32 to index
        %get3A_242 = tpu.vector_load %arg11[%get3A] {strides = array<i32>} : memref<10000xf32, #tpu.memory_space<vmem>>, vector<16xf32>,
        %get3A_243 = vector.shape_cast %get3A_242 : vector<16xf32> to vector<16xf32>
        %scan3A_244 = arith.constant 0 : i32
        %scan3A_245 = arith.constant 4 : i32
        %scan3A_246 = arith.addi %scan3A_244, %scan3A_245 : i32
        %scan3A_247 = arith.constant 1 : i32
        scf.for %scan3A_249 = %scan3A_244 to %scan3A_246 step %scan3A_247  : i32 {
          %mul3A_250 = arith.constant 8 : i32
          %mul3A_251 = arith.muli %scan3A_238, %mul3A_250 : i32
          %mul3A_252 = arith.constant 2 : i32
          %mul3A_253 = arith.muli %scan3A_249, %mul3A_252 : i32
          %add3A_254 = arith.addi %mul3A_251, %mul3A_253 : i32
          %add3A_255 = arith.constant 0 : i32
          %add3A_256 = arith.addi %add3A_254, %add3A_255 : i32
          %mul3A_257 = arith.constant 2 : i32
          %mul3A_258 = arith.muli %scan3A_249, %mul3A_257 : i32
          %add3A_259 = arith.constant 0 : i32
          %add3A_260 = arith.addi %mul3A_258, %add3A_259 : i32
          %broadcast_in_dim3A = vector.broadcast %add3A_260 : i32 to vector<16xi32>
          %lt3A_261 = arith.constant 0 : i32
          %lt3A_262 = vector.broadcast %lt3A_261 : i32 to vector<16xi32>
          %lt3A_263 = arith.cmpi slt, %broadcast_in_dim3A, %lt3A_262 : vector<16xi32>
          %add3A_264 = arith.constant 16 : i32
          %add3A_265 = vector.broadcast %add3A_264 : i32 to vector<16xi32>
          %add3A_266 = arith.addi %broadcast_in_dim3A, %add3A_265 : vector<16xi32>
          %select_n3A = arith.select %lt3A_263, %add3A_266, %broadcast_in_dim3A : vector<16xi1>, vector<16xi32>
          %broadcast_in_dim3A_267 = vector.shape_cast %select_n3A : vector<16xi32> to vector<16x1xi32>
          %gather3A = vector.shape_cast %broadcast_in_dim3A_267 : vector<16x1xi32> to vector<16xi32>
          %gather3A_268 = tpu.dynamic_gather %get3A_243[%gather3A] in [0] : vector<16xf32>, vector<16xi32> -> vector<16xf32>
          %get3A_269 = arith.index_cast %add3A_256 : i32 to index
          %get3A_270 = arith.constant 0 : index
          %get3A_271 = tpu.vector_load %arg15[%get3A_269, %get3A_270] {strides = array<i32>} : memref<40x128xf32, #tpu.memory_space<vmem>>, vector<1x16xf32>,
          %get3A_272 = vector.shape_cast %get3A_271 : vector<1x16xf32> to vector<16xf32>
          %mul3A_273 = arith.mulf %get3A_272, %gather3A_268 : vector<16xf32>
          %swap3A = arith.index_cast %add3A_256 : i32 to index
          %swap3A_274 = arith.constant 0 : index
          %swap3A_275 = tpu.vector_load %arg15[%swap3A, %swap3A_274] {strides = array<i32>} : memref<40x128xf32, #tpu.memory_space<vmem>>, vector<1x16xf32>,
          %swap3A_276 = vector.shape_cast %swap3A_275 : vector<1x16xf32> to vector<16xf32>
          %swap3A_277 = vector.shape_cast %mul3A_273 : vector<16xf32> to vector<1x16xf32>
          tpu.vector_store %arg15[%swap3A, %swap3A_274], %swap3A_277 {strides = array<i32>} : memref<40x128xf32, #tpu.memory_space<vmem>>, vector<1x16xf32>,
          %get3A_278 = arith.index_cast %add3A_256 : i32 to index
          %get3A_279 = arith.constant 16 : index
          %get3A_280 = tpu.vector_load %arg15[%get3A_278, %get3A_279] {strides = array<i32>} : memref<40x128xf32, #tpu.memory_space<vmem>>, vector<1x16xf32>,
          %get3A_281 = vector.shape_cast %get3A_280 : vector<1x16xf32> to vector<16xf32>
          %mul3A_282 = arith.mulf %get3A_281, %gather3A_268 : vector<16xf32>
          %swap3A_283 = arith.index_cast %add3A_256 : i32 to index
          %swap3A_284 = arith.constant 16 : index
          %swap3A_285 = tpu.vector_load %arg15[%swap3A_283, %swap3A_284] {strides = array<i32>} : memref<40x128xf32, #tpu.memory_space<vmem>>, vector<1x16xf32>,
          %swap3A_286 = vector.shape_cast %swap3A_285 : vector<1x16xf32> to vector<16xf32>
          %swap3A_287 = vector.shape_cast %mul3A_282 : vector<16xf32> to vector<1x16xf32>
          tpu.vector_store %arg15[%swap3A_283, %swap3A_284], %swap3A_287 {strides = array<i32>} : memref<40x128xf32, #tpu.memory_space<vmem>>, vector<1x16xf32>,
          %get3A_288 = arith.index_cast %add3A_256 : i32 to index
          %get3A_289 = arith.constant 32 : index
          %get3A_290 = tpu.vector_load %arg15[%get3A_288, %get3A_289] {strides = array<i32>} : memref<40x128xf32, #tpu.memory_space<vmem>>, vector<1x16xf32>,
          %get3A_291 = vector.shape_cast %get3A_290 : vector<1x16xf32> to vector<16xf32>
          %mul3A_292 = arith.mulf %get3A_291, %gather3A_268 : vector<16xf32>
          %swap3A_293 = arith.index_cast %add3A_256 : i32 to index
          %swap3A_294 = arith.constant 32 : index
          %swap3A_295 = tpu.vector_load %arg15[%swap3A_293, %swap3A_294] {strides = array<i32>} : memref<40x128xf32, #tpu.memory_space<vmem>>, vector<1x16xf32>,
          %swap3A_296 = vector.shape_cast %swap3A_295 : vector<1x16xf32> to vector<16xf32>
          %swap3A_297 = vector.shape_cast %mul3A_292 : vector<16xf32> to vector<1x16xf32>
          tpu.vector_store %arg15[%swap3A_293, %swap3A_294], %swap3A_297 {strides = array<i32>} : memref<40x128xf32, #tpu.memory_space<vmem>>, vector<1x16xf32>,
          %get3A_298 = arith.index_cast %add3A_256 : i32 to index
          %get3A_299 = arith.constant 48 : index
          %get3A_300 = tpu.vector_load %arg15[%get3A_298, %get3A_299] {strides = array<i32>} : memref<40x128xf32, #tpu.memory_space<vmem>>, vector<1x16xf32>,
          %get3A_301 = vector.shape_cast %get3A_300 : vector<1x16xf32> to vector<16xf32>
          %mul3A_302 = arith.mulf %get3A_301, %gather3A_268 : vector<16xf32>
          %swap3A_303 = arith.index_cast %add3A_256 : i32 to index
          %swap3A_304 = arith.constant 48 : index
          %swap3A_305 = tpu.vector_load %arg15[%swap3A_303, %swap3A_304] {strides = array<i32>} : memref<40x128xf32, #tpu.memory_space<vmem>>, vector<1x16xf32>,
          %swap3A_306 = vector.shape_cast %swap3A_305 : vector<1x16xf32> to vector<16xf32>
          %swap3A_307 = vector.shape_cast %mul3A_302 : vector<16xf32> to vector<1x16xf32>
          tpu.vector_store %arg15[%swap3A_303, %swap3A_304], %swap3A_307 {strides = array<i32>} : memref<40x128xf32, #tpu.memory_space<vmem>>, vector<1x16xf32>,
          %get3A_308 = arith.index_cast %add3A_256 : i32 to index
          %get3A_309 = arith.constant 64 : index
          %get3A_310 = tpu.vector_load %arg15[%get3A_308, %get3A_309] {strides = array<i32>} : memref<40x128xf32, #tpu.memory_space<vmem>>, vector<1x16xf32>,
          %get3A_311 = vector.shape_cast %get3A_310 : vector<1x16xf32> to vector<16xf32>
          %mul3A_312 = arith.mulf %get3A_311, %gather3A_268 : vector<16xf32>
          %swap3A_313 = arith.index_cast %add3A_256 : i32 to index
          %swap3A_314 = arith.constant 64 : index
          %swap3A_315 = tpu.vector_load %arg15[%swap3A_313, %swap3A_314] {strides = array<i32>} : memref<40x128xf32, #tpu.memory_space<vmem>>, vector<1x16xf32>,
          %swap3A_316 = vector.shape_cast %swap3A_315 : vector<1x16xf32> to vector<16xf32>
          %swap3A_317 = vector.shape_cast %mul3A_312 : vector<16xf32> to vector<1x16xf32>
          tpu.vector_store %arg15[%swap3A_313, %swap3A_314], %swap3A_317 {strides = array<i32>} : memref<40x128xf32, #tpu.memory_space<vmem>>, vector<1x16xf32>,
          %get3A_318 = arith.index_cast %add3A_256 : i32 to index
          %get3A_319 = arith.constant 80 : index
          %get3A_320 = tpu.vector_load %arg15[%get3A_318, %get3A_319] {strides = array<i32>} : memref<40x128xf32, #tpu.memory_space<vmem>>, vector<1x16xf32>,
          %get3A_321 = vector.shape_cast %get3A_320 : vector<1x16xf32> to vector<16xf32>
          %mul3A_322 = arith.mulf %get3A_321, %gather3A_268 : vector<16xf32>
          %swap3A_323 = arith.index_cast %add3A_256 : i32 to index
          %swap3A_324 = arith.constant 80 : index
          %swap3A_325 = tpu.vector_load %arg15[%swap3A_323, %swap3A_324] {strides = array<i32>} : memref<40x128xf32, #tpu.memory_space<vmem>>, vector<1x16xf32>,
          %swap3A_326 = vector.shape_cast %swap3A_325 : vector<1x16xf32> to vector<16xf32>
          %swap3A_327 = vector.shape_cast %mul3A_322 : vector<16xf32> to vector<1x16xf32>
          tpu.vector_store %arg15[%swap3A_323, %swap3A_324], %swap3A_327 {strides = array<i32>} : memref<40x128xf32, #tpu.memory_space<vmem>>, vector<1x16xf32>,
          %get3A_328 = arith.index_cast %add3A_256 : i32 to index
          %get3A_329 = arith.constant 96 : index
          %get3A_330 = tpu.vector_load %arg15[%get3A_328, %get3A_329] {strides = array<i32>} : memref<40x128xf32, #tpu.memory_space<vmem>>, vector<1x16xf32>,
          %get3A_331 = vector.shape_cast %get3A_330 : vector<1x16xf32> to vector<16xf32>
          %mul3A_332 = arith.mulf %get3A_331, %gather3A_268 : vector<16xf32>
          %swap3A_333 = arith.index_cast %add3A_256 : i32 to index
          %swap3A_334 = arith.constant 96 : index
          %swap3A_335 = tpu.vector_load %arg15[%swap3A_333, %swap3A_334] {strides = array<i32>} : memref<40x128xf32, #tpu.memory_space<vmem>>, vector<1x16xf32>,
          %swap3A_336 = vector.shape_cast %swap3A_335 : vector<1x16xf32> to vector<16xf32>
          %swap3A_337 = vector.shape_cast %mul3A_332 : vector<16xf32> to vector<1x16xf32>
          tpu.vector_store %arg15[%swap3A_333, %swap3A_334], %swap3A_337 {strides = array<i32>} : memref<40x128xf32, #tpu.memory_space<vmem>>, vector<1x16xf32>,
          %get3A_338 = arith.index_cast %add3A_256 : i32 to index
          %get3A_339 = arith.constant 112 : index
          %get3A_340 = tpu.vector_load %arg15[%get3A_338, %get3A_339] {strides = array<i32>} : memref<40x128xf32, #tpu.memory_space<vmem>>, vector<1x16xf32>,
          %get3A_341 = vector.shape_cast %get3A_340 : vector<1x16xf32> to vector<16xf32>
          %mul3A_342 = arith.mulf %get3A_341, %gather3A_268 : vector<16xf32>
          %swap3A_343 = arith.index_cast %add3A_256 : i32 to index
          %swap3A_344 = arith.constant 112 : index
          %swap3A_345 = tpu.vector_load %arg15[%swap3A_343, %swap3A_344] {strides = array<i32>} : memref<40x128xf32, #tpu.memory_space<vmem>>, vector<1x16xf32>,
          %swap3A_346 = vector.shape_cast %swap3A_345 : vector<1x16xf32> to vector<16xf32>
          %swap3A_347 = vector.shape_cast %mul3A_342 : vector<16xf32> to vector<1x16xf32>
          tpu.vector_store %arg15[%swap3A_343, %swap3A_344], %swap3A_347 {strides = array<i32>} : memref<40x128xf32, #tpu.memory_space<vmem>>, vector<1x16xf32>,
          %mul3A_348 = arith.constant 8 : i32
          %mul3A_349 = arith.muli %scan3A_238, %mul3A_348 : i32
          %mul3A_350 = arith.constant 2 : i32
          %mul3A_351 = arith.muli %scan3A_249, %mul3A_350 : i32
          %add3A_352 = arith.addi %mul3A_349, %mul3A_351 : i32
          %add3A_353 = arith.constant 1 : i32
          %add3A_354 = arith.addi %add3A_352, %add3A_353 : i32
          %mul3A_355 = arith.constant 2 : i32
          %mul3A_356 = arith.muli %scan3A_249, %mul3A_355 : i32
          %add3A_357 = arith.constant 1 : i32
          %add3A_358 = arith.addi %mul3A_356, %add3A_357 : i32
          %broadcast_in_dim3A_359 = vector.broadcast %add3A_358 : i32 to vector<16xi32>
          %lt3A_360 = arith.constant 0 : i32
          %lt3A_361 = vector.broadcast %lt3A_360 : i32 to vector<16xi32>
          %lt3A_362 = arith.cmpi slt, %broadcast_in_dim3A_359, %lt3A_361 : vector<16xi32>
          %add3A_363 = arith.constant 16 : i32
          %add3A_364 = vector.broadcast %add3A_363 : i32 to vector<16xi32>
          %add3A_365 = arith.addi %broadcast_in_dim3A_359, %add3A_364 : vector<16xi32>
          %select_n3A_366 = arith.select %lt3A_362, %add3A_365, %broadcast_in_dim3A_359 : vector<16xi1>, vector<16xi32>
          %broadcast_in_dim3A_367 = vector.shape_cast %select_n3A_366 : vector<16xi32> to vector<16x1xi32>
          %gather3A_368 = vector.shape_cast %broadcast_in_dim3A_367 : vector<16x1xi32> to vector<16xi32>
          %gather3A_369 = tpu.dynamic_gather %get3A_243[%gather3A_368] in [0] : vector<16xf32>, vector<16xi32> -> vector<16xf32>
          %get3A_370 = arith.index_cast %add3A_354 : i32 to index
          %get3A_371 = arith.constant 0 : index
          %get3A_372 = tpu.vector_load %arg15[%get3A_370, %get3A_371] {strides = array<i32>} : memref<40x128xf32, #tpu.memory_space<vmem>>, vector<1x16xf32>,
          %get3A_373 = vector.shape_cast %get3A_372 : vector<1x16xf32> to vector<16xf32>
          %mul3A_374 = arith.mulf %get3A_373, %gather3A_369 : vector<16xf32>
          %swap3A_375 = arith.index_cast %add3A_354 : i32 to index
          %swap3A_376 = arith.constant 0 : index
          %swap3A_377 = tpu.vector_load %arg15[%swap3A_375, %swap3A_376] {strides = array<i32>} : memref<40x128xf32, #tpu.memory_space<vmem>>, vector<1x16xf32>,
          %swap3A_378 = vector.shape_cast %swap3A_377 : vector<1x16xf32> to vector<16xf32>
          %swap3A_379 = vector.shape_cast %mul3A_374 : vector<16xf32> to vector<1x16xf32>
          tpu.vector_store %arg15[%swap3A_375, %swap3A_376], %swap3A_379 {strides = array<i32>} : memref<40x128xf32, #tpu.memory_space<vmem>>, vector<1x16xf32>,
          %get3A_380 = arith.index_cast %add3A_354 : i32 to index
          %get3A_381 = arith.constant 16 : index
          %get3A_382 = tpu.vector_load %arg15[%get3A_380, %get3A_381] {strides = array<i32>} : memref<40x128xf32, #tpu.memory_space<vmem>>, vector<1x16xf32>,
          %get3A_383 = vector.shape_cast %get3A_382 : vector<1x16xf32> to vector<16xf32>
          %mul3A_384 = arith.mulf %get3A_383, %gather3A_369 : vector<16xf32>
          %swap3A_385 = arith.index_cast %add3A_354 : i32 to index
          %swap3A_386 = arith.constant 16 : index
          %swap3A_387 = tpu.vector_load %arg15[%swap3A_385, %swap3A_386] {strides = array<i32>} : memref<40x128xf32, #tpu.memory_space<vmem>>, vector<1x16xf32>,
          %swap3A_388 = vector.shape_cast %swap3A_387 : vector<1x16xf32> to vector<16xf32>
          %swap3A_389 = vector.shape_cast %mul3A_384 : vector<16xf32> to vector<1x16xf32>
          tpu.vector_store %arg15[%swap3A_385, %swap3A_386], %swap3A_389 {strides = array<i32>} : memref<40x128xf32, #tpu.memory_space<vmem>>, vector<1x16xf32>,
          %get3A_390 = arith.index_cast %add3A_354 : i32 to index
          %get3A_391 = arith.constant 32 : index
          %get3A_392 = tpu.vector_load %arg15[%get3A_390, %get3A_391] {strides = array<i32>} : memref<40x128xf32, #tpu.memory_space<vmem>>, vector<1x16xf32>,
          %get3A_393 = vector.shape_cast %get3A_392 : vector<1x16xf32> to vector<16xf32>
          %mul3A_394 = arith.mulf %get3A_393, %gather3A_369 : vector<16xf32>
          %swap3A_395 = arith.index_cast %add3A_354 : i32 to index
          %swap3A_396 = arith.constant 32 : index
          %swap3A_397 = tpu.vector_load %arg15[%swap3A_395, %swap3A_396] {strides = array<i32>} : memref<40x128xf32, #tpu.memory_space<vmem>>, vector<1x16xf32>,
          %swap3A_398 = vector.shape_cast %swap3A_397 : vector<1x16xf32> to vector<16xf32>
          %swap3A_399 = vector.shape_cast %mul3A_394 : vector<16xf32> to vector<1x16xf32>
          tpu.vector_store %arg15[%swap3A_395, %swap3A_396], %swap3A_399 {strides = array<i32>} : memref<40x128xf32, #tpu.memory_space<vmem>>, vector<1x16xf32>,
          %get3A_400 = arith.index_cast %add3A_354 : i32 to index
          %get3A_401 = arith.constant 48 : index
          %get3A_402 = tpu.vector_load %arg15[%get3A_400, %get3A_401] {strides = array<i32>} : memref<40x128xf32, #tpu.memory_space<vmem>>, vector<1x16xf32>,
          %get3A_403 = vector.shape_cast %get3A_402 : vector<1x16xf32> to vector<16xf32>
          %mul3A_404 = arith.mulf %get3A_403, %gather3A_369 : vector<16xf32>
          %swap3A_405 = arith.index_cast %add3A_354 : i32 to index
          %swap3A_406 = arith.constant 48 : index
          %swap3A_407 = tpu.vector_load %arg15[%swap3A_405, %swap3A_406] {strides = array<i32>} : memref<40x128xf32, #tpu.memory_space<vmem>>, vector<1x16xf32>,
          %swap3A_408 = vector.shape_cast %swap3A_407 : vector<1x16xf32> to vector<16xf32>
          %swap3A_409 = vector.shape_cast %mul3A_404 : vector<16xf32> to vector<1x16xf32>
          tpu.vector_store %arg15[%swap3A_405, %swap3A_406], %swap3A_409 {strides = array<i32>} : memref<40x128xf32, #tpu.memory_space<vmem>>, vector<1x16xf32>,
          %get3A_410 = arith.index_cast %add3A_354 : i32 to index
          %get3A_411 = arith.constant 64 : index
          %get3A_412 = tpu.vector_load %arg15[%get3A_410, %get3A_411] {strides = array<i32>} : memref<40x128xf32, #tpu.memory_space<vmem>>, vector<1x16xf32>,
          %get3A_413 = vector.shape_cast %get3A_412 : vector<1x16xf32> to vector<16xf32>
          %mul3A_414 = arith.mulf %get3A_413, %gather3A_369 : vector<16xf32>
          %swap3A_415 = arith.index_cast %add3A_354 : i32 to index
          %swap3A_416 = arith.constant 64 : index
          %swap3A_417 = tpu.vector_load %arg15[%swap3A_415, %swap3A_416] {strides = array<i32>} : memref<40x128xf32, #tpu.memory_space<vmem>>, vector<1x16xf32>,
          %swap3A_418 = vector.shape_cast %swap3A_417 : vector<1x16xf32> to vector<16xf32>
          %swap3A_419 = vector.shape_cast %mul3A_414 : vector<16xf32> to vector<1x16xf32>
          tpu.vector_store %arg15[%swap3A_415, %swap3A_416], %swap3A_419 {strides = array<i32>} : memref<40x128xf32, #tpu.memory_space<vmem>>, vector<1x16xf32>,
          %get3A_420 = arith.index_cast %add3A_354 : i32 to index
          %get3A_421 = arith.constant 80 : index
          %get3A_422 = tpu.vector_load %arg15[%get3A_420, %get3A_421] {strides = array<i32>} : memref<40x128xf32, #tpu.memory_space<vmem>>, vector<1x16xf32>,
          %get3A_423 = vector.shape_cast %get3A_422 : vector<1x16xf32> to vector<16xf32>
          %mul3A_424 = arith.mulf %get3A_423, %gather3A_369 : vector<16xf32>
          %swap3A_425 = arith.index_cast %add3A_354 : i32 to index
          %swap3A_426 = arith.constant 80 : index
          %swap3A_427 = tpu.vector_load %arg15[%swap3A_425, %swap3A_426] {strides = array<i32>} : memref<40x128xf32, #tpu.memory_space<vmem>>, vector<1x16xf32>,
          %swap3A_428 = vector.shape_cast %swap3A_427 : vector<1x16xf32> to vector<16xf32>
          %swap3A_429 = vector.shape_cast %mul3A_424 : vector<16xf32> to vector<1x16xf32>
          tpu.vector_store %arg15[%swap3A_425, %swap3A_426], %swap3A_429 {strides = array<i32>} : memref<40x128xf32, #tpu.memory_space<vmem>>, vector<1x16xf32>,
          %get3A_430 = arith.index_cast %add3A_354 : i32 to index
          %get3A_431 = arith.constant 96 : index
          %get3A_432 = tpu.vector_load %arg15[%get3A_430, %get3A_431] {strides = array<i32>} : memref<40x128xf32, #tpu.memory_space<vmem>>, vector<1x16xf32>,
          %get3A_433 = vector.shape_cast %get3A_432 : vector<1x16xf32> to vector<16xf32>
          %mul3A_434 = arith.mulf %get3A_433, %gather3A_369 : vector<16xf32>
          %swap3A_435 = arith.index_cast %add3A_354 : i32 to index
          %swap3A_436 = arith.constant 96 : index
          %swap3A_437 = tpu.vector_load %arg15[%swap3A_435, %swap3A_436] {strides = array<i32>} : memref<40x128xf32, #tpu.memory_space<vmem>>, vector<1x16xf32>,
          %swap3A_438 = vector.shape_cast %swap3A_437 : vector<1x16xf32> to vector<16xf32>
          %swap3A_439 = vector.shape_cast %mul3A_434 : vector<16xf32> to vector<1x16xf32>
          tpu.vector_store %arg15[%swap3A_435, %swap3A_436], %swap3A_439 {strides = array<i32>} : memref<40x128xf32, #tpu.memory_space<vmem>>, vector<1x16xf32>,
          %get3A_440 = arith.index_cast %add3A_354 : i32 to index
          %get3A_441 = arith.constant 112 : index
          %get3A_442 = tpu.vector_load %arg15[%get3A_440, %get3A_441] {strides = array<i32>} : memref<40x128xf32, #tpu.memory_space<vmem>>, vector<1x16xf32>,
          %get3A_443 = vector.shape_cast %get3A_442 : vector<1x16xf32> to vector<16xf32>
          %mul3A_444 = arith.mulf %get3A_443, %gather3A_369 : vector<16xf32>
          %swap3A_445 = arith.index_cast %add3A_354 : i32 to index
          %swap3A_446 = arith.constant 112 : index
          %swap3A_447 = tpu.vector_load %arg15[%swap3A_445, %swap3A_446] {strides = array<i32>} : memref<40x128xf32, #tpu.memory_space<vmem>>, vector<1x16xf32>,
          %swap3A_448 = vector.shape_cast %swap3A_447 : vector<1x16xf32> to vector<16xf32>
          %swap3A_449 = vector.shape_cast %mul3A_444 : vector<16xf32> to vector<1x16xf32>
          tpu.vector_store %arg15[%swap3A_445, %swap3A_446], %swap3A_449 {strides = array<i32>} : memref<40x128xf32, #tpu.memory_space<vmem>>, vector<1x16xf32>,
        }
        %scan3A_248 = arith.constant 4 : i32
      }
      %scan3A_218 = arith.constant 5 : i32
      %mul3A_219 = arith.constant 40 : i32
      %mul3A_220 = arith.muli %add3A_204, %mul3A_219 : i32
      %dma_start3A_221 = tpu.memref_slice %arg9[%mul3A_220] : memref<10000xi32, #tpu.memory_space<vmem>> -> memref<40xi32, #tpu.memory_space<vmem>>
      %dma_start3A_222 = arith.constant 0 : i32
      %dma_start3A_223 = arith.constant 0 : i32
      %dma_start3A_224 = tpu.memref_slice %arg8[%dma_start3A_222, %dma_start3A_223] : memref<10000x128xf32, #tpu.memory_space<vmem_shared>> -> memref<10000x128xf32, #tpu.memory_space<vmem_shared>>
      tpu.enqueue_indirect_dma source(%arg15 : memref<40x128xf32, #tpu.memory_space<vmem>>) target(%dma_start3A_224 : memref<10000x128xf32, #tpu.memory_space<vmem_shared>>) offsets(%dma_start3A_221 : memref<40xi32, #tpu.memory_space<vmem>>) semaphore(%arg23 : memref<!tpu.dma_semaphore, #tpu.memory_space<semaphore_mem>>) {add = true}
      %dma_wait3A_225 = arith.constant 0 : i32
      %dma_wait3A_226 = arith.constant 0 : i32
      %dma_wait3A_227 = tpu.memref_slice %arg2[%dma_wait3A_225, %dma_wait3A_226] : memref<10000x128xf32, #tpu.memory_space<hbm>> -> memref<40x128xf32, #tpu.memory_space<hbm>>
      %dma_wait3A_228 = arith.constant 0 : i32
      %dma_wait3A_229 = arith.constant 0 : i32
      %dma_wait3A_230 = tpu.memref_slice %arg2[%dma_wait3A_228, %dma_wait3A_229] : memref<10000x128xf32, #tpu.memory_space<hbm>> -> memref<40x128xf32, #tpu.memory_space<hbm>>
      tpu.wait_dma2 semaphore(%arg22 : memref<!tpu.dma_semaphore, #tpu.memory_space<semaphore_mem>>) src(%dma_wait3A_230 : memref<40x128xf32, #tpu.memory_space<hbm>>) dst(%arg14 : memref<40x128xf32, #tpu.memory_space<vmem>>)
      %add3A_231 = arith.constant 3 : i32
      %add3A_232 = arith.addi %add3A_204, %add3A_231 : i32
      %lt3A_233 = arith.constant 250 : i32
      %lt3A_234 = arith.cmpi slt, %add3A_232, %lt3A_233 : i32
      %convert_element_type3A_235 = arith.extui %lt3A_234 : i1 to i32
      %cond3A_236 = arith.constant 0 : i32
      %cond3A_237 = arith.cmpi ne, %convert_element_type3A_235, %cond3A_236 : i32
      scf.if %cond3A_237 {
        %add3A_238 = arith.constant 3 : i32
        %add3A_239 = arith.addi %add3A_204, %add3A_238 : i32
        %mul3A_240 = arith.constant 40 : i32
        %mul3A_241 = arith.muli %add3A_239, %mul3A_240 : i32
        %dma_start3A_242 = tpu.memref_slice %arg10[%mul3A_241] : memref<10000xi32, #tpu.memory_space<vmem>> -> memref<40xi32, #tpu.memory_space<vmem>>
        %dma_start3A_243 = arith.constant 0 : i32
        %dma_start3A_244 = arith.constant 0 : i32
        %dma_start3A_245 = tpu.memref_slice %arg2[%dma_start3A_243, %dma_start3A_244] : memref<10000x128xf32, #tpu.memory_space<hbm>> -> memref<10000x128xf32, #tpu.memory_space<hbm>>
        tpu.enqueue_indirect_dma source(%dma_start3A_245 : memref<10000x128xf32, #tpu.memory_space<hbm>>) target(%arg14 : memref<40x128xf32, #tpu.memory_space<vmem>>) offsets(%dma_start3A_242 : memref<40xi32, #tpu.memory_space<vmem>>) semaphore(%arg18 : memref<!tpu.dma_semaphore, #tpu.memory_space<semaphore_mem>>)
      } else {
      }
    }
    %scan3A_27 = arith.constant 62 : i32
    %dma_wait3A = arith.constant 0 : i32
    %dma_wait3A_28 = arith.constant 0 : i32
    %dma_wait3A_29 = tpu.memref_slice %arg2[%dma_wait3A, %dma_wait3A_28] : memref<10000x128xf32, #tpu.memory_space<hbm>> -> memref<40x128xf32, #tpu.memory_space<hbm>>
    %dma_wait3A_30 = arith.constant 0 : i32
    %dma_wait3A_31 = arith.constant 0 : i32
    %dma_wait3A_32 = tpu.memref_slice %arg2[%dma_wait3A_30, %dma_wait3A_31] : memref<10000x128xf32, #tpu.memory_space<hbm>> -> memref<40x128xf32, #tpu.memory_space<hbm>>
    tpu.wait_dma2 semaphore(%arg16 : memref<!tpu.dma_semaphore, #tpu.memory_space<semaphore_mem>>) src(%dma_wait3A_32 : memref<40x128xf32, #tpu.memory_space<hbm>>) dst(%arg12 : memref<40x128xf32, #tpu.memory_space<vmem>>)
    %scan3A_33 = arith.constant 0 : i32
    %scan3A_34 = arith.constant 0 : i32
    %scan3A_35 = arith.constant 5 : i32
    %scan3A_36 = arith.addi %scan3A_34, %scan3A_35 : i32
    %scan3A_37 = arith.constant 1 : i32
    scf.for %scan3A_90 = %scan3A_34 to %scan3A_36 step %scan3A_37  : i32 {
      %mul3A_91 = arith.constant 8 : i32
      %mul3A_92 = arith.muli %scan3A_90, %mul3A_91 : i32
      %add3A_93 = arith.constant 9920 : i32
      %add3A_94 = arith.addi %add3A_93, %mul3A_92 : i32
      %get3A = arith.index_cast %add3A_94 : i32 to index
      %get3A_95 = tpu.vector_load %arg11[%get3A] {strides = array<i32>} : memref<10000xf32, #tpu.memory_space<vmem>>, vector<16xf32>,
      %get3A_96 = vector.shape_cast %get3A_95 : vector<16xf32> to vector<16xf32>
      %scan3A_97 = arith.constant 0 : i32
      %scan3A_98 = arith.constant 4 : i32
      %scan3A_99 = arith.addi %scan3A_97, %scan3A_98 : i32
      %scan3A_100 = arith.constant 1 : i32
      scf.for %scan3A_102 = %scan3A_97 to %scan3A_99 step %scan3A_100  : i32 {
        %mul3A_103 = arith.constant 8 : i32
        %mul3A_104 = arith.muli %scan3A_90, %mul3A_103 : i32
        %mul3A_105 = arith.constant 2 : i32
        %mul3A_106 = arith.muli %scan3A_102, %mul3A_105 : i32
        %add3A_107 = arith.addi %mul3A_104, %mul3A_106 : i32
        %add3A_108 = arith.constant 0 : i32
        %add3A_109 = arith.addi %add3A_107, %add3A_108 : i32
        %mul3A_110 = arith.constant 2 : i32
        %mul3A_111 = arith.muli %scan3A_102, %mul3A_110 : i32
        %add3A_112 = arith.constant 0 : i32
        %add3A_113 = arith.addi %mul3A_111, %add3A_112 : i32
        %broadcast_in_dim3A = vector.broadcast %add3A_113 : i32 to vector<16xi32>
        %lt3A_114 = arith.constant 0 : i32
        %lt3A_115 = vector.broadcast %lt3A_114 : i32 to vector<16xi32>
        %lt3A_116 = arith.cmpi slt, %broadcast_in_dim3A, %lt3A_115 : vector<16xi32>
        %add3A_117 = arith.constant 16 : i32
        %add3A_118 = vector.broadcast %add3A_117 : i32 to vector<16xi32>
        %add3A_119 = arith.addi %broadcast_in_dim3A, %add3A_118 : vector<16xi32>
        %select_n3A = arith.select %lt3A_116, %add3A_119, %broadcast_in_dim3A : vector<16xi1>, vector<16xi32>
        %broadcast_in_dim3A_120 = vector.shape_cast %select_n3A : vector<16xi32> to vector<16x1xi32>
        %gather3A = vector.shape_cast %broadcast_in_dim3A_120 : vector<16x1xi32> to vector<16xi32>
        %gather3A_121 = tpu.dynamic_gather %get3A_96[%gather3A] in [0] : vector<16xf32>, vector<16xi32> -> vector<16xf32>
        %get3A_122 = arith.index_cast %add3A_109 : i32 to index
        %get3A_123 = arith.constant 0 : index
        %get3A_124 = tpu.vector_load %arg12[%get3A_122, %get3A_123] {strides = array<i32>} : memref<40x128xf32, #tpu.memory_space<vmem>>, vector<1x16xf32>,
        %get3A_125 = vector.shape_cast %get3A_124 : vector<1x16xf32> to vector<16xf32>
        %mul3A_126 = arith.mulf %get3A_125, %gather3A_121 : vector<16xf32>
        %swap3A = arith.index_cast %add3A_109 : i32 to index
        %swap3A_127 = arith.constant 0 : index
        %swap3A_128 = tpu.vector_load %arg12[%swap3A, %swap3A_127] {strides = array<i32>} : memref<40x128xf32, #tpu.memory_space<vmem>>, vector<1x16xf32>,
        %swap3A_129 = vector.shape_cast %swap3A_128 : vector<1x16xf32> to vector<16xf32>
        %swap3A_130 = vector.shape_cast %mul3A_126 : vector<16xf32> to vector<1x16xf32>
        tpu.vector_store %arg12[%swap3A, %swap3A_127], %swap3A_130 {strides = array<i32>} : memref<40x128xf32, #tpu.memory_space<vmem>>, vector<1x16xf32>,
        %get3A_131 = arith.index_cast %add3A_109 : i32 to index
        %get3A_132 = arith.constant 16 : index
        %get3A_133 = tpu.vector_load %arg12[%get3A_131, %get3A_132] {strides = array<i32>} : memref<40x128xf32, #tpu.memory_space<vmem>>, vector<1x16xf32>,
        %get3A_134 = vector.shape_cast %get3A_133 : vector<1x16xf32> to vector<16xf32>
        %mul3A_135 = arith.mulf %get3A_134, %gather3A_121 : vector<16xf32>
        %swap3A_136 = arith.index_cast %add3A_109 : i32 to index
        %swap3A_137 = arith.constant 16 : index
        %swap3A_138 = tpu.vector_load %arg12[%swap3A_136, %swap3A_137] {strides = array<i32>} : memref<40x128xf32, #tpu.memory_space<vmem>>, vector<1x16xf32>,
        %swap3A_139 = vector.shape_cast %swap3A_138 : vector<1x16xf32> to vector<16xf32>
        %swap3A_140 = vector.shape_cast %mul3A_135 : vector<16xf32> to vector<1x16xf32>
        tpu.vector_store %arg12[%swap3A_136, %swap3A_137], %swap3A_140 {strides = array<i32>} : memref<40x128xf32, #tpu.memory_space<vmem>>, vector<1x16xf32>,
        %get3A_141 = arith.index_cast %add3A_109 : i32 to index
        %get3A_142 = arith.constant 32 : index
        %get3A_143 = tpu.vector_load %arg12[%get3A_141, %get3A_142] {strides = array<i32>} : memref<40x128xf32, #tpu.memory_space<vmem>>, vector<1x16xf32>,
        %get3A_144 = vector.shape_cast %get3A_143 : vector<1x16xf32> to vector<16xf32>
        %mul3A_145 = arith.mulf %get3A_144, %gather3A_121 : vector<16xf32>
        %swap3A_146 = arith.index_cast %add3A_109 : i32 to index
        %swap3A_147 = arith.constant 32 : index
        %swap3A_148 = tpu.vector_load %arg12[%swap3A_146, %swap3A_147] {strides = array<i32>} : memref<40x128xf32, #tpu.memory_space<vmem>>, vector<1x16xf32>,
        %swap3A_149 = vector.shape_cast %swap3A_148 : vector<1x16xf32> to vector<16xf32>
        %swap3A_150 = vector.shape_cast %mul3A_145 : vector<16xf32> to vector<1x16xf32>
        tpu.vector_store %arg12[%swap3A_146, %swap3A_147], %swap3A_150 {strides = array<i32>} : memref<40x128xf32, #tpu.memory_space<vmem>>, vector<1x16xf32>,
        %get3A_151 = arith.index_cast %add3A_109 : i32 to index
        %get3A_152 = arith.constant 48 : index
        %get3A_153 = tpu.vector_load %arg12[%get3A_151, %get3A_152] {strides = array<i32>} : memref<40x128xf32, #tpu.memory_space<vmem>>, vector<1x16xf32>,
        %get3A_154 = vector.shape_cast %get3A_153 : vector<1x16xf32> to vector<16xf32>
        %mul3A_155 = arith.mulf %get3A_154, %gather3A_121 : vector<16xf32>
        %swap3A_156 = arith.index_cast %add3A_109 : i32 to index
        %swap3A_157 = arith.constant 48 : index
        %swap3A_158 = tpu.vector_load %arg12[%swap3A_156, %swap3A_157] {strides = array<i32>} : memref<40x128xf32, #tpu.memory_space<vmem>>, vector<1x16xf32>,
        %swap3A_159 = vector.shape_cast %swap3A_158 : vector<1x16xf32> to vector<16xf32>
        %swap3A_160 = vector.shape_cast %mul3A_155 : vector<16xf32> to vector<1x16xf32>
        tpu.vector_store %arg12[%swap3A_156, %swap3A_157], %swap3A_160 {strides = array<i32>} : memref<40x128xf32, #tpu.memory_space<vmem>>, vector<1x16xf32>,
        %get3A_161 = arith.index_cast %add3A_109 : i32 to index
        %get3A_162 = arith.constant 64 : index
        %get3A_163 = tpu.vector_load %arg12[%get3A_161, %get3A_162] {strides = array<i32>} : memref<40x128xf32, #tpu.memory_space<vmem>>, vector<1x16xf32>,
        %get3A_164 = vector.shape_cast %get3A_163 : vector<1x16xf32> to vector<16xf32>
        %mul3A_165 = arith.mulf %get3A_164, %gather3A_121 : vector<16xf32>
        %swap3A_166 = arith.index_cast %add3A_109 : i32 to index
        %swap3A_167 = arith.constant 64 : index
        %swap3A_168 = tpu.vector_load %arg12[%swap3A_166, %swap3A_167] {strides = array<i32>} : memref<40x128xf32, #tpu.memory_space<vmem>>, vector<1x16xf32>,
        %swap3A_169 = vector.shape_cast %swap3A_168 : vector<1x16xf32> to vector<16xf32>
        %swap3A_170 = vector.shape_cast %mul3A_165 : vector<16xf32> to vector<1x16xf32>
        tpu.vector_store %arg12[%swap3A_166, %swap3A_167], %swap3A_170 {strides = array<i32>} : memref<40x128xf32, #tpu.memory_space<vmem>>, vector<1x16xf32>,
        %get3A_171 = arith.index_cast %add3A_109 : i32 to index
        %get3A_172 = arith.constant 80 : index
        %get3A_173 = tpu.vector_load %arg12[%get3A_171, %get3A_172] {strides = array<i32>} : memref<40x128xf32, #tpu.memory_space<vmem>>, vector<1x16xf32>,
        %get3A_174 = vector.shape_cast %get3A_173 : vector<1x16xf32> to vector<16xf32>
        %mul3A_175 = arith.mulf %get3A_174, %gather3A_121 : vector<16xf32>
        %swap3A_176 = arith.index_cast %add3A_109 : i32 to index
        %swap3A_177 = arith.constant 80 : index
        %swap3A_178 = tpu.vector_load %arg12[%swap3A_176, %swap3A_177] {strides = array<i32>} : memref<40x128xf32, #tpu.memory_space<vmem>>, vector<1x16xf32>,
        %swap3A_179 = vector.shape_cast %swap3A_178 : vector<1x16xf32> to vector<16xf32>
        %swap3A_180 = vector.shape_cast %mul3A_175 : vector<16xf32> to vector<1x16xf32>
        tpu.vector_store %arg12[%swap3A_176, %swap3A_177], %swap3A_180 {strides = array<i32>} : memref<40x128xf32, #tpu.memory_space<vmem>>, vector<1x16xf32>,
        %get3A_181 = arith.index_cast %add3A_109 : i32 to index
        %get3A_182 = arith.constant 96 : index
        %get3A_183 = tpu.vector_load %arg12[%get3A_181, %get3A_182] {strides = array<i32>} : memref<40x128xf32, #tpu.memory_space<vmem>>, vector<1x16xf32>,
        %get3A_184 = vector.shape_cast %get3A_183 : vector<1x16xf32> to vector<16xf32>
        %mul3A_185 = arith.mulf %get3A_184, %gather3A_121 : vector<16xf32>
        %swap3A_186 = arith.index_cast %add3A_109 : i32 to index
        %swap3A_187 = arith.constant 96 : index
        %swap3A_188 = tpu.vector_load %arg12[%swap3A_186, %swap3A_187] {strides = array<i32>} : memref<40x128xf32, #tpu.memory_space<vmem>>, vector<1x16xf32>,
        %swap3A_189 = vector.shape_cast %swap3A_188 : vector<1x16xf32> to vector<16xf32>
        %swap3A_190 = vector.shape_cast %mul3A_185 : vector<16xf32> to vector<1x16xf32>
        tpu.vector_store %arg12[%swap3A_186, %swap3A_187], %swap3A_190 {strides = array<i32>} : memref<40x128xf32, #tpu.memory_space<vmem>>, vector<1x16xf32>,
        %get3A_191 = arith.index_cast %add3A_109 : i32 to index
        %get3A_192 = arith.constant 112 : index
        %get3A_193 = tpu.vector_load %arg12[%get3A_191, %get3A_192] {strides = array<i32>} : memref<40x128xf32, #tpu.memory_space<vmem>>, vector<1x16xf32>,
        %get3A_194 = vector.shape_cast %get3A_193 : vector<1x16xf32> to vector<16xf32>
        %mul3A_195 = arith.mulf %get3A_194, %gather3A_121 : vector<16xf32>
        %swap3A_196 = arith.index_cast %add3A_109 : i32 to index
        %swap3A_197 = arith.constant 112 : index
        %swap3A_198 = tpu.vector_load %arg12[%swap3A_196, %swap3A_197] {strides = array<i32>} : memref<40x128xf32, #tpu.memory_space<vmem>>, vector<1x16xf32>,
        %swap3A_199 = vector.shape_cast %swap3A_198 : vector<1x16xf32> to vector<16xf32>
        %swap3A_200 = vector.shape_cast %mul3A_195 : vector<16xf32> to vector<1x16xf32>
        tpu.vector_store %arg12[%swap3A_196, %swap3A_197], %swap3A_200 {strides = array<i32>} : memref<40x128xf32, #tpu.memory_space<vmem>>, vector<1x16xf32>,
        %mul3A_201 = arith.constant 8 : i32
        %mul3A_202 = arith.muli %scan3A_90, %mul3A_201 : i32
        %mul3A_203 = arith.constant 2 : i32
        %mul3A_204 = arith.muli %scan3A_102, %mul3A_203 : i32
        %add3A_205 = arith.addi %mul3A_202, %mul3A_204 : i32
        %add3A_206 = arith.constant 1 : i32
        %add3A_207 = arith.addi %add3A_205, %add3A_206 : i32
        %mul3A_208 = arith.constant 2 : i32
        %mul3A_209 = arith.muli %scan3A_102, %mul3A_208 : i32
        %add3A_210 = arith.constant 1 : i32
        %add3A_211 = arith.addi %mul3A_209, %add3A_210 : i32
        %broadcast_in_dim3A_212 = vector.broadcast %add3A_211 : i32 to vector<16xi32>
        %lt3A_213 = arith.constant 0 : i32
        %lt3A_214 = vector.broadcast %lt3A_213 : i32 to vector<16xi32>
        %lt3A_215 = arith.cmpi slt, %broadcast_in_dim3A_212, %lt3A_214 : vector<16xi32>
        %add3A_216 = arith.constant 16 : i32
        %add3A_217 = vector.broadcast %add3A_216 : i32 to vector<16xi32>
        %add3A_218 = arith.addi %broadcast_in_dim3A_212, %add3A_217 : vector<16xi32>
        %select_n3A_219 = arith.select %lt3A_215, %add3A_218, %broadcast_in_dim3A_212 : vector<16xi1>, vector<16xi32>
        %broadcast_in_dim3A_220 = vector.shape_cast %select_n3A_219 : vector<16xi32> to vector<16x1xi32>
        %gather3A_221 = vector.shape_cast %broadcast_in_dim3A_220 : vector<16x1xi32> to vector<16xi32>
        %gather3A_222 = tpu.dynamic_gather %get3A_96[%gather3A_221] in [0] : vector<16xf32>, vector<16xi32> -> vector<16xf32>
        %get3A_223 = arith.index_cast %add3A_207 : i32 to index
        %get3A_224 = arith.constant 0 : index
        %get3A_225 = tpu.vector_load %arg12[%get3A_223, %get3A_224] {strides = array<i32>} : memref<40x128xf32, #tpu.memory_space<vmem>>, vector<1x16xf32>,
        %get3A_226 = vector.shape_cast %get3A_225 : vector<1x16xf32> to vector<16xf32>
        %mul3A_227 = arith.mulf %get3A_226, %gather3A_222 : vector<16xf32>
        %swap3A_228 = arith.index_cast %add3A_207 : i32 to index
        %swap3A_229 = arith.constant 0 : index
        %swap3A_230 = tpu.vector_load %arg12[%swap3A_228, %swap3A_229] {strides = array<i32>} : memref<40x128xf32, #tpu.memory_space<vmem>>, vector<1x16xf32>,
        %swap3A_231 = vector.shape_cast %swap3A_230 : vector<1x16xf32> to vector<16xf32>
        %swap3A_232 = vector.shape_cast %mul3A_227 : vector<16xf32> to vector<1x16xf32>
        tpu.vector_store %arg12[%swap3A_228, %swap3A_229], %swap3A_232 {strides = array<i32>} : memref<40x128xf32, #tpu.memory_space<vmem>>, vector<1x16xf32>,
        %get3A_233 = arith.index_cast %add3A_207 : i32 to index
        %get3A_234 = arith.constant 16 : index
        %get3A_235 = tpu.vector_load %arg12[%get3A_233, %get3A_234] {strides = array<i32>} : memref<40x128xf32, #tpu.memory_space<vmem>>, vector<1x16xf32>,
        %get3A_236 = vector.shape_cast %get3A_235 : vector<1x16xf32> to vector<16xf32>
        %mul3A_237 = arith.mulf %get3A_236, %gather3A_222 : vector<16xf32>
        %swap3A_238 = arith.index_cast %add3A_207 : i32 to index
        %swap3A_239 = arith.constant 16 : index
        %swap3A_240 = tpu.vector_load %arg12[%swap3A_238, %swap3A_239] {strides = array<i32>} : memref<40x128xf32, #tpu.memory_space<vmem>>, vector<1x16xf32>,
        %swap3A_241 = vector.shape_cast %swap3A_240 : vector<1x16xf32> to vector<16xf32>
        %swap3A_242 = vector.shape_cast %mul3A_237 : vector<16xf32> to vector<1x16xf32>
        tpu.vector_store %arg12[%swap3A_238, %swap3A_239], %swap3A_242 {strides = array<i32>} : memref<40x128xf32, #tpu.memory_space<vmem>>, vector<1x16xf32>,
        %get3A_243 = arith.index_cast %add3A_207 : i32 to index
        %get3A_244 = arith.constant 32 : index
        %get3A_245 = tpu.vector_load %arg12[%get3A_243, %get3A_244] {strides = array<i32>} : memref<40x128xf32, #tpu.memory_space<vmem>>, vector<1x16xf32>,
        %get3A_246 = vector.shape_cast %get3A_245 : vector<1x16xf32> to vector<16xf32>
        %mul3A_247 = arith.mulf %get3A_246, %gather3A_222 : vector<16xf32>
        %swap3A_248 = arith.index_cast %add3A_207 : i32 to index
        %swap3A_249 = arith.constant 32 : index
        %swap3A_250 = tpu.vector_load %arg12[%swap3A_248, %swap3A_249] {strides = array<i32>} : memref<40x128xf32, #tpu.memory_space<vmem>>, vector<1x16xf32>,
        %swap3A_251 = vector.shape_cast %swap3A_250 : vector<1x16xf32> to vector<16xf32>
        %swap3A_252 = vector.shape_cast %mul3A_247 : vector<16xf32> to vector<1x16xf32>
        tpu.vector_store %arg12[%swap3A_248, %swap3A_249], %swap3A_252 {strides = array<i32>} : memref<40x128xf32, #tpu.memory_space<vmem>>, vector<1x16xf32>,
        %get3A_253 = arith.index_cast %add3A_207 : i32 to index
        %get3A_254 = arith.constant 48 : index
        %get3A_255 = tpu.vector_load %arg12[%get3A_253, %get3A_254] {strides = array<i32>} : memref<40x128xf32, #tpu.memory_space<vmem>>, vector<1x16xf32>,
        %get3A_256 = vector.shape_cast %get3A_255 : vector<1x16xf32> to vector<16xf32>
        %mul3A_257 = arith.mulf %get3A_256, %gather3A_222 : vector<16xf32>
        %swap3A_258 = arith.index_cast %add3A_207 : i32 to index
        %swap3A_259 = arith.constant 48 : index
        %swap3A_260 = tpu.vector_load %arg12[%swap3A_258, %swap3A_259] {strides = array<i32>} : memref<40x128xf32, #tpu.memory_space<vmem>>, vector<1x16xf32>,
        %swap3A_261 = vector.shape_cast %swap3A_260 : vector<1x16xf32> to vector<16xf32>
        %swap3A_262 = vector.shape_cast %mul3A_257 : vector<16xf32> to vector<1x16xf32>
        tpu.vector_store %arg12[%swap3A_258, %swap3A_259], %swap3A_262 {strides = array<i32>} : memref<40x128xf32, #tpu.memory_space<vmem>>, vector<1x16xf32>,
        %get3A_263 = arith.index_cast %add3A_207 : i32 to index
        %get3A_264 = arith.constant 64 : index
        %get3A_265 = tpu.vector_load %arg12[%get3A_263, %get3A_264] {strides = array<i32>} : memref<40x128xf32, #tpu.memory_space<vmem>>, vector<1x16xf32>,
        %get3A_266 = vector.shape_cast %get3A_265 : vector<1x16xf32> to vector<16xf32>
        %mul3A_267 = arith.mulf %get3A_266, %gather3A_222 : vector<16xf32>
        %swap3A_268 = arith.index_cast %add3A_207 : i32 to index
        %swap3A_269 = arith.constant 64 : index
        %swap3A_270 = tpu.vector_load %arg12[%swap3A_268, %swap3A_269] {strides = array<i32>} : memref<40x128xf32, #tpu.memory_space<vmem>>, vector<1x16xf32>,
        %swap3A_271 = vector.shape_cast %swap3A_270 : vector<1x16xf32> to vector<16xf32>
        %swap3A_272 = vector.shape_cast %mul3A_267 : vector<16xf32> to vector<1x16xf32>
        tpu.vector_store %arg12[%swap3A_268, %swap3A_269], %swap3A_272 {strides = array<i32>} : memref<40x128xf32, #tpu.memory_space<vmem>>, vector<1x16xf32>,
        %get3A_273 = arith.index_cast %add3A_207 : i32 to index
        %get3A_274 = arith.constant 80 : index
        %get3A_275 = tpu.vector_load %arg12[%get3A_273, %get3A_274] {strides = array<i32>} : memref<40x128xf32, #tpu.memory_space<vmem>>, vector<1x16xf32>,
        %get3A_276 = vector.shape_cast %get3A_275 : vector<1x16xf32> to vector<16xf32>
        %mul3A_277 = arith.mulf %get3A_276, %gather3A_222 : vector<16xf32>
        %swap3A_278 = arith.index_cast %add3A_207 : i32 to index
        %swap3A_279 = arith.constant 80 : index
        %swap3A_280 = tpu.vector_load %arg12[%swap3A_278, %swap3A_279] {strides = array<i32>} : memref<40x128xf32, #tpu.memory_space<vmem>>, vector<1x16xf32>,
        %swap3A_281 = vector.shape_cast %swap3A_280 : vector<1x16xf32> to vector<16xf32>
        %swap3A_282 = vector.shape_cast %mul3A_277 : vector<16xf32> to vector<1x16xf32>
        tpu.vector_store %arg12[%swap3A_278, %swap3A_279], %swap3A_282 {strides = array<i32>} : memref<40x128xf32, #tpu.memory_space<vmem>>, vector<1x16xf32>,
        %get3A_283 = arith.index_cast %add3A_207 : i32 to index
        %get3A_284 = arith.constant 96 : index
        %get3A_285 = tpu.vector_load %arg12[%get3A_283, %get3A_284] {strides = array<i32>} : memref<40x128xf32, #tpu.memory_space<vmem>>, vector<1x16xf32>,
        %get3A_286 = vector.shape_cast %get3A_285 : vector<1x16xf32> to vector<16xf32>
        %mul3A_287 = arith.mulf %get3A_286, %gather3A_222 : vector<16xf32>
        %swap3A_288 = arith.index_cast %add3A_207 : i32 to index
        %swap3A_289 = arith.constant 96 : index
        %swap3A_290 = tpu.vector_load %arg12[%swap3A_288, %swap3A_289] {strides = array<i32>} : memref<40x128xf32, #tpu.memory_space<vmem>>, vector<1x16xf32>,
        %swap3A_291 = vector.shape_cast %swap3A_290 : vector<1x16xf32> to vector<16xf32>
        %swap3A_292 = vector.shape_cast %mul3A_287 : vector<16xf32> to vector<1x16xf32>
        tpu.vector_store %arg12[%swap3A_288, %swap3A_289], %swap3A_292 {strides = array<i32>} : memref<40x128xf32, #tpu.memory_space<vmem>>, vector<1x16xf32>,
        %get3A_293 = arith.index_cast %add3A_207 : i32 to index
        %get3A_294 = arith.constant 112 : index
        %get3A_295 = tpu.vector_load %arg12[%get3A_293, %get3A_294] {strides = array<i32>} : memref<40x128xf32, #tpu.memory_space<vmem>>, vector<1x16xf32>,
        %get3A_296 = vector.shape_cast %get3A_295 : vector<1x16xf32> to vector<16xf32>
        %mul3A_297 = arith.mulf %get3A_296, %gather3A_222 : vector<16xf32>
        %swap3A_298 = arith.index_cast %add3A_207 : i32 to index
        %swap3A_299 = arith.constant 112 : index
        %swap3A_300 = tpu.vector_load %arg12[%swap3A_298, %swap3A_299] {strides = array<i32>} : memref<40x128xf32, #tpu.memory_space<vmem>>, vector<1x16xf32>,
        %swap3A_301 = vector.shape_cast %swap3A_300 : vector<1x16xf32> to vector<16xf32>
        %swap3A_302 = vector.shape_cast %mul3A_297 : vector<16xf32> to vector<1x16xf32>
        tpu.vector_store %arg12[%swap3A_298, %swap3A_299], %swap3A_302 {strides = array<i32>} : memref<40x128xf32, #tpu.memory_space<vmem>>, vector<1x16xf32>,
      }
      %scan3A_101 = arith.constant 4 : i32
    }
    %scan3A_38 = arith.constant 5 : i32
    %dma_start3A_39 = arith.constant 9920 : i32
    %dma_start3A_40 = tpu.memref_slice %arg9[%dma_start3A_39] : memref<10000xi32, #tpu.memory_space<vmem>> -> memref<40xi32, #tpu.memory_space<vmem>>
    %dma_start3A_41 = arith.constant 0 : i32
    %dma_start3A_42 = arith.constant 0 : i32
    %dma_start3A_43 = tpu.memref_slice %arg8[%dma_start3A_41, %dma_start3A_42] : memref<10000x128xf32, #tpu.memory_space<vmem_shared>> -> memref<10000x128xf32, #tpu.memory_space<vmem_shared>>
    tpu.enqueue_indirect_dma source(%arg12 : memref<40x128xf32, #tpu.memory_space<vmem>>) target(%dma_start3A_43 : memref<10000x128xf32, #tpu.memory_space<vmem_shared>>) offsets(%dma_start3A_40 : memref<40xi32, #tpu.memory_space<vmem>>) semaphore(%arg20 : memref<!tpu.dma_semaphore, #tpu.memory_space<semaphore_mem>>) {add = true}
    %dma_wait3A_44 = arith.constant 0 : i32
    %dma_wait3A_45 = arith.constant 0 : i32
    %dma_wait3A_46 = tpu.memref_slice %arg2[%dma_wait3A_44, %dma_wait3A_45] : memref<10000x128xf32, #tpu.memory_space<hbm>> -> memref<40x128xf32, #tpu.memory_space<hbm>>
    %dma_wait3A_47 = arith.constant 0 : i32
    %dma_wait3A_48 = arith.constant 0 : i32
    %dma_wait3A_49 = tpu.memref_slice %arg2[%dma_wait3A_47, %dma_wait3A_48] : memref<10000x128xf32, #tpu.memory_space<hbm>> -> memref<40x128xf32, #tpu.memory_space<hbm>>
    tpu.wait_dma2 semaphore(%arg23 : memref<!tpu.dma_semaphore, #tpu.memory_space<semaphore_mem>>) src(%dma_wait3A_49 : memref<40x128xf32, #tpu.memory_space<hbm>>) dst(%arg15 : memref<40x128xf32, #tpu.memory_space<vmem>>)
    %dma_wait3A_50 = arith.constant 0 : i32
    %dma_wait3A_51 = arith.constant 0 : i32
    %dma_wait3A_52 = tpu.memref_slice %arg2[%dma_wait3A_50, %dma_wait3A_51] : memref<10000x128xf32, #tpu.memory_space<hbm>> -> memref<40x128xf32, #tpu.memory_space<hbm>>
    %dma_wait3A_53 = arith.constant 0 : i32
    %dma_wait3A_54 = arith.constant 0 : i32
    %dma_wait3A_55 = tpu.memref_slice %arg2[%dma_wait3A_53, %dma_wait3A_54] : memref<10000x128xf32, #tpu.memory_space<hbm>> -> memref<40x128xf32, #tpu.memory_space<hbm>>
    tpu.wait_dma2 semaphore(%arg17 : memref<!tpu.dma_semaphore, #tpu.memory_space<semaphore_mem>>) src(%dma_wait3A_55 : memref<40x128xf32, #tpu.memory_space<hbm>>) dst(%arg13 : memref<40x128xf32, #tpu.memory_space<vmem>>)
    %scan3A_56 = arith.constant 0 : i32
    %scan3A_57 = arith.constant 0 : i32
    %scan3A_58 = arith.constant 5 : i32
    %scan3A_59 = arith.addi %scan3A_57, %scan3A_58 : i32
    %scan3A_60 = arith.constant 1 : i32
    scf.for %scan3A_90 = %scan3A_57 to %scan3A_59 step %scan3A_60  : i32 {
      %mul3A_91 = arith.constant 8 : i32
      %mul3A_92 = arith.muli %scan3A_90, %mul3A_91 : i32
      %add3A_93 = arith.constant 9960 : i32
      %add3A_94 = arith.addi %add3A_93, %mul3A_92 : i32
      %get3A = arith.index_cast %add3A_94 : i32 to index
      %get3A_95 = tpu.vector_load %arg11[%get3A] {strides = array<i32>} : memref<10000xf32, #tpu.memory_space<vmem>>, vector<16xf32>,
      %get3A_96 = vector.shape_cast %get3A_95 : vector<16xf32> to vector<16xf32>
      %scan3A_97 = arith.constant 0 : i32
      %scan3A_98 = arith.constant 4 : i32
      %scan3A_99 = arith.addi %scan3A_97, %scan3A_98 : i32
      %scan3A_100 = arith.constant 1 : i32
      scf.for %scan3A_102 = %scan3A_97 to %scan3A_99 step %scan3A_100  : i32 {
        %mul3A_103 = arith.constant 8 : i32
        %mul3A_104 = arith.muli %scan3A_90, %mul3A_103 : i32
        %mul3A_105 = arith.constant 2 : i32
        %mul3A_106 = arith.muli %scan3A_102, %mul3A_105 : i32
        %add3A_107 = arith.addi %mul3A_104, %mul3A_106 : i32
        %add3A_108 = arith.constant 0 : i32
        %add3A_109 = arith.addi %add3A_107, %add3A_108 : i32
        %mul3A_110 = arith.constant 2 : i32
        %mul3A_111 = arith.muli %scan3A_102, %mul3A_110 : i32
        %add3A_112 = arith.constant 0 : i32
        %add3A_113 = arith.addi %mul3A_111, %add3A_112 : i32
        %broadcast_in_dim3A = vector.broadcast %add3A_113 : i32 to vector<16xi32>
        %lt3A_114 = arith.constant 0 : i32
        %lt3A_115 = vector.broadcast %lt3A_114 : i32 to vector<16xi32>
        %lt3A_116 = arith.cmpi slt, %broadcast_in_dim3A, %lt3A_115 : vector<16xi32>
        %add3A_117 = arith.constant 16 : i32
        %add3A_118 = vector.broadcast %add3A_117 : i32 to vector<16xi32>
        %add3A_119 = arith.addi %broadcast_in_dim3A, %add3A_118 : vector<16xi32>
        %select_n3A = arith.select %lt3A_116, %add3A_119, %broadcast_in_dim3A : vector<16xi1>, vector<16xi32>
        %broadcast_in_dim3A_120 = vector.shape_cast %select_n3A : vector<16xi32> to vector<16x1xi32>
        %gather3A = vector.shape_cast %broadcast_in_dim3A_120 : vector<16x1xi32> to vector<16xi32>
        %gather3A_121 = tpu.dynamic_gather %get3A_96[%gather3A] in [0] : vector<16xf32>, vector<16xi32> -> vector<16xf32>
        %get3A_122 = arith.index_cast %add3A_109 : i32 to index
        %get3A_123 = arith.constant 0 : index
        %get3A_124 = tpu.vector_load %arg13[%get3A_122, %get3A_123] {strides = array<i32>} : memref<40x128xf32, #tpu.memory_space<vmem>>, vector<1x16xf32>,
        %get3A_125 = vector.shape_cast %get3A_124 : vector<1x16xf32> to vector<16xf32>
        %mul3A_126 = arith.mulf %get3A_125, %gather3A_121 : vector<16xf32>
        %swap3A = arith.index_cast %add3A_109 : i32 to index
        %swap3A_127 = arith.constant 0 : index
        %swap3A_128 = tpu.vector_load %arg13[%swap3A, %swap3A_127] {strides = array<i32>} : memref<40x128xf32, #tpu.memory_space<vmem>>, vector<1x16xf32>,
        %swap3A_129 = vector.shape_cast %swap3A_128 : vector<1x16xf32> to vector<16xf32>
        %swap3A_130 = vector.shape_cast %mul3A_126 : vector<16xf32> to vector<1x16xf32>
        tpu.vector_store %arg13[%swap3A, %swap3A_127], %swap3A_130 {strides = array<i32>} : memref<40x128xf32, #tpu.memory_space<vmem>>, vector<1x16xf32>,
        %get3A_131 = arith.index_cast %add3A_109 : i32 to index
        %get3A_132 = arith.constant 16 : index
        %get3A_133 = tpu.vector_load %arg13[%get3A_131, %get3A_132] {strides = array<i32>} : memref<40x128xf32, #tpu.memory_space<vmem>>, vector<1x16xf32>,
        %get3A_134 = vector.shape_cast %get3A_133 : vector<1x16xf32> to vector<16xf32>
        %mul3A_135 = arith.mulf %get3A_134, %gather3A_121 : vector<16xf32>
        %swap3A_136 = arith.index_cast %add3A_109 : i32 to index
        %swap3A_137 = arith.constant 16 : index
        %swap3A_138 = tpu.vector_load %arg13[%swap3A_136, %swap3A_137] {strides = array<i32>} : memref<40x128xf32, #tpu.memory_space<vmem>>, vector<1x16xf32>,
        %swap3A_139 = vector.shape_cast %swap3A_138 : vector<1x16xf32> to vector<16xf32>
        %swap3A_140 = vector.shape_cast %mul3A_135 : vector<16xf32> to vector<1x16xf32>
        tpu.vector_store %arg13[%swap3A_136, %swap3A_137], %swap3A_140 {strides = array<i32>} : memref<40x128xf32, #tpu.memory_space<vmem>>, vector<1x16xf32>,
        %get3A_141 = arith.index_cast %add3A_109 : i32 to index
        %get3A_142 = arith.constant 32 : index
        %get3A_143 = tpu.vector_load %arg13[%get3A_141, %get3A_142] {strides = array<i32>} : memref<40x128xf32, #tpu.memory_space<vmem>>, vector<1x16xf32>,
        %get3A_144 = vector.shape_cast %get3A_143 : vector<1x16xf32> to vector<16xf32>
        %mul3A_145 = arith.mulf %get3A_144, %gather3A_121 : vector<16xf32>
        %swap3A_146 = arith.index_cast %add3A_109 : i32 to index
        %swap3A_147 = arith.constant 32 : index
        %swap3A_148 = tpu.vector_load %arg13[%swap3A_146, %swap3A_147] {strides = array<i32>} : memref<40x128xf32, #tpu.memory_space<vmem>>, vector<1x16xf32>,
        %swap3A_149 = vector.shape_cast %swap3A_148 : vector<1x16xf32> to vector<16xf32>
        %swap3A_150 = vector.shape_cast %mul3A_145 : vector<16xf32> to vector<1x16xf32>
        tpu.vector_store %arg13[%swap3A_146, %swap3A_147], %swap3A_150 {strides = array<i32>} : memref<40x128xf32, #tpu.memory_space<vmem>>, vector<1x16xf32>,
        %get3A_151 = arith.index_cast %add3A_109 : i32 to index
        %get3A_152 = arith.constant 48 : index
        %get3A_153 = tpu.vector_load %arg13[%get3A_151, %get3A_152] {strides = array<i32>} : memref<40x128xf32, #tpu.memory_space<vmem>>, vector<1x16xf32>,
        %get3A_154 = vector.shape_cast %get3A_153 : vector<1x16xf32> to vector<16xf32>
        %mul3A_155 = arith.mulf %get3A_154, %gather3A_121 : vector<16xf32>
        %swap3A_156 = arith.index_cast %add3A_109 : i32 to index
        %swap3A_157 = arith.constant 48 : index
        %swap3A_158 = tpu.vector_load %arg13[%swap3A_156, %swap3A_157] {strides = array<i32>} : memref<40x128xf32, #tpu.memory_space<vmem>>, vector<1x16xf32>,
        %swap3A_159 = vector.shape_cast %swap3A_158 : vector<1x16xf32> to vector<16xf32>
        %swap3A_160 = vector.shape_cast %mul3A_155 : vector<16xf32> to vector<1x16xf32>
        tpu.vector_store %arg13[%swap3A_156, %swap3A_157], %swap3A_160 {strides = array<i32>} : memref<40x128xf32, #tpu.memory_space<vmem>>, vector<1x16xf32>,
        %get3A_161 = arith.index_cast %add3A_109 : i32 to index
        %get3A_162 = arith.constant 64 : index
        %get3A_163 = tpu.vector_load %arg13[%get3A_161, %get3A_162] {strides = array<i32>} : memref<40x128xf32, #tpu.memory_space<vmem>>, vector<1x16xf32>,
        %get3A_164 = vector.shape_cast %get3A_163 : vector<1x16xf32> to vector<16xf32>
        %mul3A_165 = arith.mulf %get3A_164, %gather3A_121 : vector<16xf32>
        %swap3A_166 = arith.index_cast %add3A_109 : i32 to index
        %swap3A_167 = arith.constant 64 : index
        %swap3A_168 = tpu.vector_load %arg13[%swap3A_166, %swap3A_167] {strides = array<i32>} : memref<40x128xf32, #tpu.memory_space<vmem>>, vector<1x16xf32>,
        %swap3A_169 = vector.shape_cast %swap3A_168 : vector<1x16xf32> to vector<16xf32>
        %swap3A_170 = vector.shape_cast %mul3A_165 : vector<16xf32> to vector<1x16xf32>
        tpu.vector_store %arg13[%swap3A_166, %swap3A_167], %swap3A_170 {strides = array<i32>} : memref<40x128xf32, #tpu.memory_space<vmem>>, vector<1x16xf32>,
        %get3A_171 = arith.index_cast %add3A_109 : i32 to index
        %get3A_172 = arith.constant 80 : index
        %get3A_173 = tpu.vector_load %arg13[%get3A_171, %get3A_172] {strides = array<i32>} : memref<40x128xf32, #tpu.memory_space<vmem>>, vector<1x16xf32>,
        %get3A_174 = vector.shape_cast %get3A_173 : vector<1x16xf32> to vector<16xf32>
        %mul3A_175 = arith.mulf %get3A_174, %gather3A_121 : vector<16xf32>
        %swap3A_176 = arith.index_cast %add3A_109 : i32 to index
        %swap3A_177 = arith.constant 80 : index
        %swap3A_178 = tpu.vector_load %arg13[%swap3A_176, %swap3A_177] {strides = array<i32>} : memref<40x128xf32, #tpu.memory_space<vmem>>, vector<1x16xf32>,
        %swap3A_179 = vector.shape_cast %swap3A_178 : vector<1x16xf32> to vector<16xf32>
        %swap3A_180 = vector.shape_cast %mul3A_175 : vector<16xf32> to vector<1x16xf32>
        tpu.vector_store %arg13[%swap3A_176, %swap3A_177], %swap3A_180 {strides = array<i32>} : memref<40x128xf32, #tpu.memory_space<vmem>>, vector<1x16xf32>,
        %get3A_181 = arith.index_cast %add3A_109 : i32 to index
        %get3A_182 = arith.constant 96 : index
        %get3A_183 = tpu.vector_load %arg13[%get3A_181, %get3A_182] {strides = array<i32>} : memref<40x128xf32, #tpu.memory_space<vmem>>, vector<1x16xf32>,
        %get3A_184 = vector.shape_cast %get3A_183 : vector<1x16xf32> to vector<16xf32>
        %mul3A_185 = arith.mulf %get3A_184, %gather3A_121 : vector<16xf32>
        %swap3A_186 = arith.index_cast %add3A_109 : i32 to index
        %swap3A_187 = arith.constant 96 : index
        %swap3A_188 = tpu.vector_load %arg13[%swap3A_186, %swap3A_187] {strides = array<i32>} : memref<40x128xf32, #tpu.memory_space<vmem>>, vector<1x16xf32>,
        %swap3A_189 = vector.shape_cast %swap3A_188 : vector<1x16xf32> to vector<16xf32>
        %swap3A_190 = vector.shape_cast %mul3A_185 : vector<16xf32> to vector<1x16xf32>
        tpu.vector_store %arg13[%swap3A_186, %swap3A_187], %swap3A_190 {strides = array<i32>} : memref<40x128xf32, #tpu.memory_space<vmem>>, vector<1x16xf32>,
        %get3A_191 = arith.index_cast %add3A_109 : i32 to index
        %get3A_192 = arith.constant 112 : index
        %get3A_193 = tpu.vector_load %arg13[%get3A_191, %get3A_192] {strides = array<i32>} : memref<40x128xf32, #tpu.memory_space<vmem>>, vector<1x16xf32>,
        %get3A_194 = vector.shape_cast %get3A_193 : vector<1x16xf32> to vector<16xf32>
        %mul3A_195 = arith.mulf %get3A_194, %gather3A_121 : vector<16xf32>
        %swap3A_196 = arith.index_cast %add3A_109 : i32 to index
        %swap3A_197 = arith.constant 112 : index
        %swap3A_198 = tpu.vector_load %arg13[%swap3A_196, %swap3A_197] {strides = array<i32>} : memref<40x128xf32, #tpu.memory_space<vmem>>, vector<1x16xf32>,
        %swap3A_199 = vector.shape_cast %swap3A_198 : vector<1x16xf32> to vector<16xf32>
        %swap3A_200 = vector.shape_cast %mul3A_195 : vector<16xf32> to vector<1x16xf32>
        tpu.vector_store %arg13[%swap3A_196, %swap3A_197], %swap3A_200 {strides = array<i32>} : memref<40x128xf32, #tpu.memory_space<vmem>>, vector<1x16xf32>,
        %mul3A_201 = arith.constant 8 : i32
        %mul3A_202 = arith.muli %scan3A_90, %mul3A_201 : i32
        %mul3A_203 = arith.constant 2 : i32
        %mul3A_204 = arith.muli %scan3A_102, %mul3A_203 : i32
        %add3A_205 = arith.addi %mul3A_202, %mul3A_204 : i32
        %add3A_206 = arith.constant 1 : i32
        %add3A_207 = arith.addi %add3A_205, %add3A_206 : i32
        %mul3A_208 = arith.constant 2 : i32
        %mul3A_209 = arith.muli %scan3A_102, %mul3A_208 : i32
        %add3A_210 = arith.constant 1 : i32
        %add3A_211 = arith.addi %mul3A_209, %add3A_210 : i32
        %broadcast_in_dim3A_212 = vector.broadcast %add3A_211 : i32 to vector<16xi32>
        %lt3A_213 = arith.constant 0 : i32
        %lt3A_214 = vector.broadcast %lt3A_213 : i32 to vector<16xi32>
        %lt3A_215 = arith.cmpi slt, %broadcast_in_dim3A_212, %lt3A_214 : vector<16xi32>
        %add3A_216 = arith.constant 16 : i32
        %add3A_217 = vector.broadcast %add3A_216 : i32 to vector<16xi32>
        %add3A_218 = arith.addi %broadcast_in_dim3A_212, %add3A_217 : vector<16xi32>
        %select_n3A_219 = arith.select %lt3A_215, %add3A_218, %broadcast_in_dim3A_212 : vector<16xi1>, vector<16xi32>
        %broadcast_in_dim3A_220 = vector.shape_cast %select_n3A_219 : vector<16xi32> to vector<16x1xi32>
        %gather3A_221 = vector.shape_cast %broadcast_in_dim3A_220 : vector<16x1xi32> to vector<16xi32>
        %gather3A_222 = tpu.dynamic_gather %get3A_96[%gather3A_221] in [0] : vector<16xf32>, vector<16xi32> -> vector<16xf32>
        %get3A_223 = arith.index_cast %add3A_207 : i32 to index
        %get3A_224 = arith.constant 0 : index
        %get3A_225 = tpu.vector_load %arg13[%get3A_223, %get3A_224] {strides = array<i32>} : memref<40x128xf32, #tpu.memory_space<vmem>>, vector<1x16xf32>,
        %get3A_226 = vector.shape_cast %get3A_225 : vector<1x16xf32> to vector<16xf32>
        %mul3A_227 = arith.mulf %get3A_226, %gather3A_222 : vector<16xf32>
        %swap3A_228 = arith.index_cast %add3A_207 : i32 to index
        %swap3A_229 = arith.constant 0 : index
        %swap3A_230 = tpu.vector_load %arg13[%swap3A_228, %swap3A_229] {strides = array<i32>} : memref<40x128xf32, #tpu.memory_space<vmem>>, vector<1x16xf32>,
        %swap3A_231 = vector.shape_cast %swap3A_230 : vector<1x16xf32> to vector<16xf32>
        %swap3A_232 = vector.shape_cast %mul3A_227 : vector<16xf32> to vector<1x16xf32>
        tpu.vector_store %arg13[%swap3A_228, %swap3A_229], %swap3A_232 {strides = array<i32>} : memref<40x128xf32, #tpu.memory_space<vmem>>, vector<1x16xf32>,
        %get3A_233 = arith.index_cast %add3A_207 : i32 to index
        %get3A_234 = arith.constant 16 : index
        %get3A_235 = tpu.vector_load %arg13[%get3A_233, %get3A_234] {strides = array<i32>} : memref<40x128xf32, #tpu.memory_space<vmem>>, vector<1x16xf32>,
        %get3A_236 = vector.shape_cast %get3A_235 : vector<1x16xf32> to vector<16xf32>
        %mul3A_237 = arith.mulf %get3A_236, %gather3A_222 : vector<16xf32>
        %swap3A_238 = arith.index_cast %add3A_207 : i32 to index
        %swap3A_239 = arith.constant 16 : index
        %swap3A_240 = tpu.vector_load %arg13[%swap3A_238, %swap3A_239] {strides = array<i32>} : memref<40x128xf32, #tpu.memory_space<vmem>>, vector<1x16xf32>,
        %swap3A_241 = vector.shape_cast %swap3A_240 : vector<1x16xf32> to vector<16xf32>
        %swap3A_242 = vector.shape_cast %mul3A_237 : vector<16xf32> to vector<1x16xf32>
        tpu.vector_store %arg13[%swap3A_238, %swap3A_239], %swap3A_242 {strides = array<i32>} : memref<40x128xf32, #tpu.memory_space<vmem>>, vector<1x16xf32>,
        %get3A_243 = arith.index_cast %add3A_207 : i32 to index
        %get3A_244 = arith.constant 32 : index
        %get3A_245 = tpu.vector_load %arg13[%get3A_243, %get3A_244] {strides = array<i32>} : memref<40x128xf32, #tpu.memory_space<vmem>>, vector<1x16xf32>,
        %get3A_246 = vector.shape_cast %get3A_245 : vector<1x16xf32> to vector<16xf32>
        %mul3A_247 = arith.mulf %get3A_246, %gather3A_222 : vector<16xf32>
        %swap3A_248 = arith.index_cast %add3A_207 : i32 to index
        %swap3A_249 = arith.constant 32 : index
        %swap3A_250 = tpu.vector_load %arg13[%swap3A_248, %swap3A_249] {strides = array<i32>} : memref<40x128xf32, #tpu.memory_space<vmem>>, vector<1x16xf32>,
        %swap3A_251 = vector.shape_cast %swap3A_250 : vector<1x16xf32> to vector<16xf32>
        %swap3A_252 = vector.shape_cast %mul3A_247 : vector<16xf32> to vector<1x16xf32>
        tpu.vector_store %arg13[%swap3A_248, %swap3A_249], %swap3A_252 {strides = array<i32>} : memref<40x128xf32, #tpu.memory_space<vmem>>, vector<1x16xf32>,
        %get3A_253 = arith.index_cast %add3A_207 : i32 to index
        %get3A_254 = arith.constant 48 : index
        %get3A_255 = tpu.vector_load %arg13[%get3A_253, %get3A_254] {strides = array<i32>} : memref<40x128xf32, #tpu.memory_space<vmem>>, vector<1x16xf32>,
        %get3A_256 = vector.shape_cast %get3A_255 : vector<1x16xf32> to vector<16xf32>
        %mul3A_257 = arith.mulf %get3A_256, %gather3A_222 : vector<16xf32>
        %swap3A_258 = arith.index_cast %add3A_207 : i32 to index
        %swap3A_259 = arith.constant 48 : index
        %swap3A_260 = tpu.vector_load %arg13[%swap3A_258, %swap3A_259] {strides = array<i32>} : memref<40x128xf32, #tpu.memory_space<vmem>>, vector<1x16xf32>,
        %swap3A_261 = vector.shape_cast %swap3A_260 : vector<1x16xf32> to vector<16xf32>
        %swap3A_262 = vector.shape_cast %mul3A_257 : vector<16xf32> to vector<1x16xf32>
        tpu.vector_store %arg13[%swap3A_258, %swap3A_259], %swap3A_262 {strides = array<i32>} : memref<40x128xf32, #tpu.memory_space<vmem>>, vector<1x16xf32>,
        %get3A_263 = arith.index_cast %add3A_207 : i32 to index
        %get3A_264 = arith.constant 64 : index
        %get3A_265 = tpu.vector_load %arg13[%get3A_263, %get3A_264] {strides = array<i32>} : memref<40x128xf32, #tpu.memory_space<vmem>>, vector<1x16xf32>,
        %get3A_266 = vector.shape_cast %get3A_265 : vector<1x16xf32> to vector<16xf32>
        %mul3A_267 = arith.mulf %get3A_266, %gather3A_222 : vector<16xf32>
        %swap3A_268 = arith.index_cast %add3A_207 : i32 to index
        %swap3A_269 = arith.constant 64 : index
        %swap3A_270 = tpu.vector_load %arg13[%swap3A_268, %swap3A_269] {strides = array<i32>} : memref<40x128xf32, #tpu.memory_space<vmem>>, vector<1x16xf32>,
        %swap3A_271 = vector.shape_cast %swap3A_270 : vector<1x16xf32> to vector<16xf32>
        %swap3A_272 = vector.shape_cast %mul3A_267 : vector<16xf32> to vector<1x16xf32>
        tpu.vector_store %arg13[%swap3A_268, %swap3A_269], %swap3A_272 {strides = array<i32>} : memref<40x128xf32, #tpu.memory_space<vmem>>, vector<1x16xf32>,
        %get3A_273 = arith.index_cast %add3A_207 : i32 to index
        %get3A_274 = arith.constant 80 : index
        %get3A_275 = tpu.vector_load %arg13[%get3A_273, %get3A_274] {strides = array<i32>} : memref<40x128xf32, #tpu.memory_space<vmem>>, vector<1x16xf32>,
        %get3A_276 = vector.shape_cast %get3A_275 : vector<1x16xf32> to vector<16xf32>
        %mul3A_277 = arith.mulf %get3A_276, %gather3A_222 : vector<16xf32>
        %swap3A_278 = arith.index_cast %add3A_207 : i32 to index
        %swap3A_279 = arith.constant 80 : index
        %swap3A_280 = tpu.vector_load %arg13[%swap3A_278, %swap3A_279] {strides = array<i32>} : memref<40x128xf32, #tpu.memory_space<vmem>>, vector<1x16xf32>,
        %swap3A_281 = vector.shape_cast %swap3A_280 : vector<1x16xf32> to vector<16xf32>
        %swap3A_282 = vector.shape_cast %mul3A_277 : vector<16xf32> to vector<1x16xf32>
        tpu.vector_store %arg13[%swap3A_278, %swap3A_279], %swap3A_282 {strides = array<i32>} : memref<40x128xf32, #tpu.memory_space<vmem>>, vector<1x16xf32>,
        %get3A_283 = arith.index_cast %add3A_207 : i32 to index
        %get3A_284 = arith.constant 96 : index
        %get3A_285 = tpu.vector_load %arg13[%get3A_283, %get3A_284] {strides = array<i32>} : memref<40x128xf32, #tpu.memory_space<vmem>>, vector<1x16xf32>,
        %get3A_286 = vector.shape_cast %get3A_285 : vector<1x16xf32> to vector<16xf32>
        %mul3A_287 = arith.mulf %get3A_286, %gather3A_222 : vector<16xf32>
        %swap3A_288 = arith.index_cast %add3A_207 : i32 to index
        %swap3A_289 = arith.constant 96 : index
        %swap3A_290 = tpu.vector_load %arg13[%swap3A_288, %swap3A_289] {strides = array<i32>} : memref<40x128xf32, #tpu.memory_space<vmem>>, vector<1x16xf32>,
        %swap3A_291 = vector.shape_cast %swap3A_290 : vector<1x16xf32> to vector<16xf32>
        %swap3A_292 = vector.shape_cast %mul3A_287 : vector<16xf32> to vector<1x16xf32>
        tpu.vector_store %arg13[%swap3A_288, %swap3A_289], %swap3A_292 {strides = array<i32>} : memref<40x128xf32, #tpu.memory_space<vmem>>, vector<1x16xf32>,
        %get3A_293 = arith.index_cast %add3A_207 : i32 to index
        %get3A_294 = arith.constant 112 : index
        %get3A_295 = tpu.vector_load %arg13[%get3A_293, %get3A_294] {strides = array<i32>} : memref<40x128xf32, #tpu.memory_space<vmem>>, vector<1x16xf32>,
        %get3A_296 = vector.shape_cast %get3A_295 : vector<1x16xf32> to vector<16xf32>
        %mul3A_297 = arith.mulf %get3A_296, %gather3A_222 : vector<16xf32>
        %swap3A_298 = arith.index_cast %add3A_207 : i32 to index
        %swap3A_299 = arith.constant 112 : index
        %swap3A_300 = tpu.vector_load %arg13[%swap3A_298, %swap3A_299] {strides = array<i32>} : memref<40x128xf32, #tpu.memory_space<vmem>>, vector<1x16xf32>,
        %swap3A_301 = vector.shape_cast %swap3A_300 : vector<1x16xf32> to vector<16xf32>
        %swap3A_302 = vector.shape_cast %mul3A_297 : vector<16xf32> to vector<1x16xf32>
        tpu.vector_store %arg13[%swap3A_298, %swap3A_299], %swap3A_302 {strides = array<i32>} : memref<40x128xf32, #tpu.memory_space<vmem>>, vector<1x16xf32>,
      }
      %scan3A_101 = arith.constant 4 : i32
    }
    %scan3A_61 = arith.constant 5 : i32
    %dma_start3A_62 = arith.constant 9960 : i32
    %dma_start3A_63 = tpu.memref_slice %arg9[%dma_start3A_62] : memref<10000xi32, #tpu.memory_space<vmem>> -> memref<40xi32, #tpu.memory_space<vmem>>
    %dma_start3A_64 = arith.constant 0 : i32
    %dma_start3A_65 = arith.constant 0 : i32
    %dma_start3A_66 = tpu.memref_slice %arg8[%dma_start3A_64, %dma_start3A_65] : memref<10000x128xf32, #tpu.memory_space<vmem_shared>> -> memref<10000x128xf32, #tpu.memory_space<vmem_shared>>
    tpu.enqueue_indirect_dma source(%arg13 : memref<40x128xf32, #tpu.memory_space<vmem>>) target(%dma_start3A_66 : memref<10000x128xf32, #tpu.memory_space<vmem_shared>>) offsets(%dma_start3A_63 : memref<40xi32, #tpu.memory_space<vmem>>) semaphore(%arg21 : memref<!tpu.dma_semaphore, #tpu.memory_space<semaphore_mem>>) {add = true}
    %dma_wait3A_67 = arith.constant 0 : i32
    %dma_wait3A_68 = arith.constant 0 : i32
    %dma_wait3A_69 = tpu.memref_slice %arg2[%dma_wait3A_67, %dma_wait3A_68] : memref<10000x128xf32, #tpu.memory_space<hbm>> -> memref<40x128xf32, #tpu.memory_space<hbm>>
    %dma_wait3A_70 = arith.constant 0 : i32
    %dma_wait3A_71 = arith.constant 0 : i32
    %dma_wait3A_72 = tpu.memref_slice %arg2[%dma_wait3A_70, %dma_wait3A_71] : memref<10000x128xf32, #tpu.memory_space<hbm>> -> memref<40x128xf32, #tpu.memory_space<hbm>>
    tpu.wait_dma2 semaphore(%arg20 : memref<!tpu.dma_semaphore, #tpu.memory_space<semaphore_mem>>) src(%dma_wait3A_72 : memref<40x128xf32, #tpu.memory_space<hbm>>) dst(%arg12 : memref<40x128xf32, #tpu.memory_space<vmem>>)
    %dma_wait3A_73 = arith.constant 0 : i32
    %dma_wait3A_74 = arith.constant 0 : i32
    %dma_wait3A_75 = tpu.memref_slice %arg2[%dma_wait3A_73, %dma_wait3A_74] : memref<10000x128xf32, #tpu.memory_space<hbm>> -> memref<40x128xf32, #tpu.memory_space<hbm>>
    %dma_wait3A_76 = arith.constant 0 : i32
    %dma_wait3A_77 = arith.constant 0 : i32
    %dma_wait3A_78 = tpu.memref_slice %arg2[%dma_wait3A_76, %dma_wait3A_77] : memref<10000x128xf32, #tpu.memory_space<hbm>> -> memref<40x128xf32, #tpu.memory_space<hbm>>
    tpu.wait_dma2 semaphore(%arg21 : memref<!tpu.dma_semaphore, #tpu.memory_space<semaphore_mem>>) src(%dma_wait3A_78 : memref<40x128xf32, #tpu.memory_space<hbm>>) dst(%arg13 : memref<40x128xf32, #tpu.memory_space<vmem>>)
    %barrier3A_79 = arith.constant 0 : index
    tpu.barrier barrier_id(%barrier3A_79)
    %lt3A_80 = arith.constant 15 : i32
    %lt3A_81 = arith.cmpi slt, %arg1, %lt3A_80 : i32
    %convert_element_type3A_82 = arith.extui %lt3A_81 : i1 to i32
    %cond3A_83 = arith.constant 0 : i32
    %cond3A_84 = arith.cmpi ne, %convert_element_type3A_82, %cond3A_83 : i32
    scf.if %cond3A_84 {
      "tpu.region"() ({
        %run_scoped3A = tpu.sem_alloc : memref<!tpu.dma_semaphore, #tpu.memory_space<semaphore_mem>>
        %dma_start3A_90 = arith.constant 0 : i32
        %dma_start3A_91 = tpu.memref_slice %arg7[%arg0, %mul3A_2, %dma_start3A_90] : memref<2x10000x128xf32, #tpu.memory_space<hbm>> -> memref<1x624x128xf32, #tpu.memory_space<hbm>>
        %dma_start3A_92 = tpu.memref_squeeze %dma_start3A_91 : memref<1x624x128xf32, #tpu.memory_space<hbm>> -> memref<624x128xf32, #tpu.memory_space<hbm>>
        %dma_start3A_93 = arith.constant 0 : i32
        %dma_start3A_94 = tpu.memref_slice %arg8[%mul3A_2, %dma_start3A_93] : memref<10000x128xf32, #tpu.memory_space<vmem_shared>> -> memref<624x128xf32, #tpu.memory_space<vmem_shared>>
        tpu.enqueue_dma source(%dma_start3A_94 : memref<624x128xf32, #tpu.memory_space<vmem_shared>>) target(%dma_start3A_92 : memref<624x128xf32, #tpu.memory_space<hbm>>) target_semaphore(%run_scoped3A : memref<!tpu.dma_semaphore, #tpu.memory_space<semaphore_mem>>)
        %dma_wait3A_95 = arith.constant 0 : i32
        %dma_wait3A_96 = tpu.memref_slice %arg7[%arg0, %mul3A_2, %dma_wait3A_95] : memref<2x10000x128xf32, #tpu.memory_space<hbm>> -> memref<1x624x128xf32, #tpu.memory_space<hbm>>
        %dma_wait3A_97 = tpu.memref_squeeze %dma_wait3A_96 : memref<1x624x128xf32, #tpu.memory_space<hbm>> -> memref<624x128xf32, #tpu.memory_space<hbm>>
        %dma_wait3A_98 = arith.constant 0 : i32
        %dma_wait3A_99 = tpu.memref_slice %arg8[%mul3A_2, %dma_wait3A_98] : memref<10000x128xf32, #tpu.memory_space<vmem_shared>> -> memref<624x128xf32, #tpu.memory_space<vmem_shared>>
        tpu.wait_dma2 semaphore(%run_scoped3A : memref<!tpu.dma_semaphore, #tpu.memory_space<semaphore_mem>>) src(%dma_wait3A_99 : memref<624x128xf32, #tpu.memory_space<vmem_shared>>) dst(%dma_wait3A_97 : memref<624x128xf32, #tpu.memory_space<hbm>>)
        tpu.yield
      }) : () -> ()
    } else {
    }
    %eq3A_85 = arith.constant 15 : i32
    %eq3A_86 = arith.cmpi eq, %arg1, %eq3A_85 : i32
    %convert_element_type3A_87 = arith.extui %eq3A_86 : i1 to i32
    %cond3A_88 = arith.constant 0 : i32
    %cond3A_89 = arith.cmpi ne, %convert_element_type3A_87, %cond3A_88 : i32
    scf.if %cond3A_89 {
      "tpu.region"() ({
        %run_scoped3A = tpu.sem_alloc : memref<!tpu.dma_semaphore, #tpu.memory_space<semaphore_mem>>
        %dma_start3A_90 = arith.constant 9360 : i32
        %dma_start3A_91 = arith.constant 0 : i32
        %dma_start3A_92 = tpu.memref_slice %arg7[%arg0, %dma_start3A_90, %dma_start3A_91] : memref<2x10000x128xf32, #tpu.memory_space<hbm>> -> memref<1x640x128xf32, #tpu.memory_space<hbm>>
        %dma_start3A_93 = tpu.memref_squeeze %dma_start3A_92 : memref<1x640x128xf32, #tpu.memory_space<hbm>> -> memref<640x128xf32, #tpu.memory_space<hbm>>
        %dma_start3A_94 = arith.constant 9360 : i32
        %dma_start3A_95 = arith.constant 0 : i32
        %dma_start3A_96 = tpu.memref_slice %arg8[%dma_start3A_94, %dma_start3A_95] : memref<10000x128xf32, #tpu.memory_space<vmem_shared>> -> memref<640x128xf32, #tpu.memory_space<vmem_shared>>
        tpu.enqueue_dma source(%dma_start3A_96 : memref<640x128xf32, #tpu.memory_space<vmem_shared>>) target(%dma_start3A_93 : memref<640x128xf32, #tpu.memory_space<hbm>>) target_semaphore(%run_scoped3A : memref<!tpu.dma_semaphore, #tpu.memory_space<semaphore_mem>>)
        %dma_wait3A_97 = arith.constant 9360 : i32
        %dma_wait3A_98 = arith.constant 0 : i32
        %dma_wait3A_99 = tpu.memref_slice %arg7[%arg0, %dma_wait3A_97, %dma_wait3A_98] : memref<2x10000x128xf32, #tpu.memory_space<hbm>> -> memref<1x640x128xf32, #tpu.memory_space<hbm>>
        %dma_wait3A_100 = tpu.memref_squeeze %dma_wait3A_99 : memref<1x640x128xf32, #tpu.memory_space<hbm>> -> memref<640x128xf32, #tpu.memory_space<hbm>>
        %dma_wait3A_101 = arith.constant 9360 : i32
        %dma_wait3A_102 = arith.constant 0 : i32
        %dma_wait3A_103 = tpu.memref_slice %arg8[%dma_wait3A_101, %dma_wait3A_102] : memref<10000x128xf32, #tpu.memory_space<vmem_shared>> -> memref<640x128xf32, #tpu.memory_space<vmem_shared>>
        tpu.wait_dma2 semaphore(%run_scoped3A : memref<!tpu.dma_semaphore, #tpu.memory_space<semaphore_mem>>) src(%dma_wait3A_103 : memref<640x128xf32, #tpu.memory_space<vmem_shared>>) dst(%dma_wait3A_100 : memref<640x128xf32, #tpu.memory_space<hbm>>)
        tpu.yield
      }) : () -> ()
    } else {
    }
    return
  }
}

#map = affine_map<(d0, d1) -> (0, 0)>
#map1 = affine_map<(d0, d1) -> (0, 0, 0)>
module attributes {stable_mosaic.version = 14 : i64} {
  func.func @k(%arg0: i32, %arg1: i32, %arg2: memref<10000x128xf32, #tpu.memory_space<hbm>>, %arg3: memref<32x10000xi32, #tpu.memory_space<hbm>>, %arg4: memref<32x10000xi32, #tpu.memory_space<hbm>>, %arg5: memref<32x10000xf32, #tpu.memory_space<hbm>>, %arg6: memref<10000x128xf32, #tpu.memory_space<hbm>>, %arg7: memref<2x10000x128xf32, #tpu.memory_space<hbm>>, %arg8: memref<10000x128xf32, #tpu.memory_space<vmem_shared>>, %arg9: memref<10000xi32, #tpu.memory_space<vmem>>, %arg10: memref<10000xi32, #tpu.memory_space<vmem>>, %arg11: memref<10000xf32, #tpu.memory_space<vmem>>, %arg12: memref<40x128xf32, #tpu.memory_space<vmem>>, %arg13: memref<40x128xf32, #tpu.memory_space<vmem>>, %arg14: memref<40x128xf32, #tpu.memory_space<vmem>>, %arg15: memref<40x128xf32, #tpu.memory_space<vmem>>, %arg16: memref<!tpu.dma_semaphore, #tpu.memory_space<semaphore_mem>>, %arg17: memref<!tpu.dma_semaphore, #tpu.memory_space<semaphore_mem>>, %arg18: memref<!tpu.dma_semaphore, #tpu.memory_space<semaphore_mem>>, %arg19: memref<!tpu.dma_semaphore, #tpu.memory_space<semaphore_mem>>, %arg20: memref<!tpu.dma_semaphore, #tpu.memory_space<semaphore_mem>>, %arg21: memref<!tpu.dma_semaphore, #tpu.memory_space<semaphore_mem>>, %arg22: memref<!tpu.dma_semaphore, #tpu.memory_space<semaphore_mem>>, %arg23: memref<!tpu.dma_semaphore, #tpu.memory_space<semaphore_mem>>) attributes {dimension_semantics = [#tpu.dimension_semantics<core_parallel>, #tpu.dimension_semantics<subcore_parallel>], iteration_bounds = array<i64: 2, 16>, scalar_prefetch = 0 : i64, scratch_operands = 16 : i64, tpu.core_type = #tpu.core_type<sc_vector_subcore>, window_params = [{transform_indices = #map}, {transform_indices = #map}, {transform_indices = #map}, {transform_indices = #map}, {transform_indices = #map}, {transform_indices = #map1}]} {
    %mul3A = arith.constant 16 : i32
    %mul3A_0 = arith.muli %arg0, %mul3A : i32
    %add3A = arith.addi %mul3A_0, %arg1 : i32
    %mul3A_1 = arith.constant 624 : i32
    %mul3A_2 = arith.muli %arg1, %mul3A_1 : i32
    %lt3A = arith.constant 15 : i32
    %lt3A_3 = arith.cmpi slt, %arg1, %lt3A : i32
    %convert_element_type3A = arith.extui %lt3A_3 : i1 to i32
    %cond3A = arith.constant 0 : i32
    %cond3A_4 = arith.cmpi ne, %convert_element_type3A, %cond3A : i32
    scf.if %cond3A_4 {
      "tpu.region"() ({
        %run_scoped3A = tpu.sem_alloc : memref<!tpu.dma_semaphore, #tpu.memory_space<semaphore_mem>>
        %dma_start3A_90 = arith.constant 0 : i32
        %dma_start3A_91 = tpu.memref_slice %arg8[%mul3A_2, %dma_start3A_90] : memref<10000x128xf32, #tpu.memory_space<vmem_shared>> -> memref<624x128xf32, #tpu.memory_space<vmem_shared>>
        %dma_start3A_92 = arith.constant 0 : i32
        %dma_start3A_93 = tpu.memref_slice %arg6[%mul3A_2, %dma_start3A_92] : memref<10000x128xf32, #tpu.memory_space<hbm>> -> memref<624x128xf32, #tpu.memory_space<hbm>>
        tpu.enqueue_dma source(%dma_start3A_93 : memref<624x128xf32, #tpu.memory_space<hbm>>) target(%dma_start3A_91 : memref<624x128xf32, #tpu.memory_space<vmem_shared>>) target_semaphore(%run_scoped3A : memref<!tpu.dma_semaphore, #tpu.memory_space<semaphore_mem>>)
        %dma_wait3A_94 = arith.constant 0 : i32
        %dma_wait3A_95 = tpu.memref_slice %arg8[%mul3A_2, %dma_wait3A_94] : memref<10000x128xf32, #tpu.memory_space<vmem_shared>> -> memref<624x128xf32, #tpu.memory_space<vmem_shared>>
        %dma_wait3A_96 = arith.constant 0 : i32
        %dma_wait3A_97 = tpu.memref_slice %arg6[%mul3A_2, %dma_wait3A_96] : memref<10000x128xf32, #tpu.memory_space<hbm>> -> memref<624x128xf32, #tpu.memory_space<hbm>>
        tpu.wait_dma2 semaphore(%run_scoped3A : memref<!tpu.dma_semaphore, #tpu.memory_space<semaphore_mem>>) src(%dma_wait3A_97 : memref<624x128xf32, #tpu.memory_space<hbm>>) dst(%dma_wait3A_95 : memref<624x128xf32, #tpu.memory_space<vmem_shared>>)
        tpu.yield
      }) : () -> ()
    } else {
    }
    %eq3A = arith.constant 15 : i32
    %eq3A_5 = arith.cmpi eq, %arg1, %eq3A : i32
    %convert_element_type3A_6 = arith.extui %eq3A_5 : i1 to i32
    %cond3A_7 = arith.constant 0 : i32
    %cond3A_8 = arith.cmpi ne, %convert_element_type3A_6, %cond3A_7 : i32
    scf.if %cond3A_8 {
      "tpu.region"() ({
        %run_scoped3A = tpu.sem_alloc : memref<!tpu.dma_semaphore, #tpu.memory_space<semaphore_mem>>
        %dma_start3A_90 = arith.constant 9360 : i32
        %dma_start3A_91 = arith.constant 0 : i32
        %dma_start3A_92 = tpu.memref_slice %arg8[%dma_start3A_90, %dma_start3A_91] : memref<10000x128xf32, #tpu.memory_space<vmem_shared>> -> memref<640x128xf32, #tpu.memory_space<vmem_shared>>
        %dma_start3A_93 = arith.constant 9360 : i32
        %dma_start3A_94 = arith.constant 0 : i32
        %dma_start3A_95 = tpu.memref_slice %arg6[%dma_start3A_93, %dma_start3A_94] : memref<10000x128xf32, #tpu.memory_space<hbm>> -> memref<640x128xf32, #tpu.memory_space<hbm>>
        tpu.enqueue_dma source(%dma_start3A_95 : memref<640x128xf32, #tpu.memory_space<hbm>>) target(%dma_start3A_92 : memref<640x128xf32, #tpu.memory_space<vmem_shared>>) target_semaphore(%run_scoped3A : memref<!tpu.dma_semaphore, #tpu.memory_space<semaphore_mem>>)
        %dma_wait3A_96 = arith.constant 9360 : i32
        %dma_wait3A_97 = arith.constant 0 : i32
        %dma_wait3A_98 = tpu.memref_slice %arg8[%dma_wait3A_96, %dma_wait3A_97] : memref<10000x128xf32, #tpu.memory_space<vmem_shared>> -> memref<640x128xf32, #tpu.memory_space<vmem_shared>>
        %dma_wait3A_99 = arith.constant 9360 : i32
        %dma_wait3A_100 = arith.constant 0 : i32
        %dma_wait3A_101 = tpu.memref_slice %arg6[%dma_wait3A_99, %dma_wait3A_100] : memref<10000x128xf32, #tpu.memory_space<hbm>> -> memref<640x128xf32, #tpu.memory_space<hbm>>
        tpu.wait_dma2 semaphore(%run_scoped3A : memref<!tpu.dma_semaphore, #tpu.memory_space<semaphore_mem>>) src(%dma_wait3A_101 : memref<640x128xf32, #tpu.memory_space<hbm>>) dst(%dma_wait3A_98 : memref<640x128xf32, #tpu.memory_space<vmem_shared>>)
        tpu.yield
      }) : () -> ()
    } else {
    }
    "tpu.region"() ({
      %run_scoped3A = tpu.sem_alloc : memref<!tpu.dma_semaphore, #tpu.memory_space<semaphore_mem>>
      %dma_start3A_90 = arith.constant 0 : i32
      %dma_start3A_91 = tpu.memref_slice %arg3[%add3A, %dma_start3A_90] : memref<32x10000xi32, #tpu.memory_space<hbm>> -> memref<1x10000xi32, #tpu.memory_space<hbm>>
      %dma_start3A_92 = tpu.memref_squeeze %dma_start3A_91 : memref<1x10000xi32, #tpu.memory_space<hbm>> -> memref<10000xi32, #tpu.memory_space<hbm>>
      %dma_start3A_93 = arith.constant 0 : i32
      %dma_start3A_94 = tpu.memref_slice %arg3[%add3A, %dma_start3A_93] : memref<32x10000xi32, #tpu.memory_space<hbm>> -> memref<1x10000xi32, #tpu.memory_space<hbm>>
      %dma_start3A_95 = tpu.memref_squeeze %dma_start3A_94 : memref<1x10000xi32, #tpu.memory_space<hbm>> -> memref<10000xi32, #tpu.memory_space<hbm>>
      tpu.enqueue_dma source(%dma_start3A_95 : memref<10000xi32, #tpu.memory_space<hbm>>) target(%arg9 : memref<10000xi32, #tpu.memory_space<vmem>>) target_semaphore(%run_scoped3A : memref<!tpu.dma_semaphore, #tpu.memory_space<semaphore_mem>>)
      %dma_wait3A_96 = arith.constant 0 : i32
      %dma_wait3A_97 = tpu.memref_slice %arg3[%add3A, %dma_wait3A_96] : memref<32x10000xi32, #tpu.memory_space<hbm>> -> memref<1x10000xi32, #tpu.memory_space<hbm>>
      %dma_wait3A_98 = tpu.memref_squeeze %dma_wait3A_97 : memref<1x10000xi32, #tpu.memory_space<hbm>> -> memref<10000xi32, #tpu.memory_space<hbm>>
      %dma_wait3A_99 = arith.constant 0 : i32
      %dma_wait3A_100 = tpu.memref_slice %arg3[%add3A, %dma_wait3A_99] : memref<32x10000xi32, #tpu.memory_space<hbm>> -> memref<1x10000xi32, #tpu.memory_space<hbm>>
      %dma_wait3A_101 = tpu.memref_squeeze %dma_wait3A_100 : memref<1x10000xi32, #tpu.memory_space<hbm>> -> memref<10000xi32, #tpu.memory_space<hbm>>
      tpu.wait_dma2 semaphore(%run_scoped3A : memref<!tpu.dma_semaphore, #tpu.memory_space<semaphore_mem>>) src(%dma_wait3A_101 : memref<10000xi32, #tpu.memory_space<hbm>>) dst(%arg9 : memref<10000xi32, #tpu.memory_space<vmem>>)
      tpu.yield
    }) : () -> ()
    "tpu.region"() ({
      %run_scoped3A = tpu.sem_alloc : memref<!tpu.dma_semaphore, #tpu.memory_space<semaphore_mem>>
      %dma_start3A_90 = arith.constant 0 : i32
      %dma_start3A_91 = tpu.memref_slice %arg4[%add3A, %dma_start3A_90] : memref<32x10000xi32, #tpu.memory_space<hbm>> -> memref<1x10000xi32, #tpu.memory_space<hbm>>
      %dma_start3A_92 = tpu.memref_squeeze %dma_start3A_91 : memref<1x10000xi32, #tpu.memory_space<hbm>> -> memref<10000xi32, #tpu.memory_space<hbm>>
      %dma_start3A_93 = arith.constant 0 : i32
      %dma_start3A_94 = tpu.memref_slice %arg4[%add3A, %dma_start3A_93] : memref<32x10000xi32, #tpu.memory_space<hbm>> -> memref<1x10000xi32, #tpu.memory_space<hbm>>
      %dma_start3A_95 = tpu.memref_squeeze %dma_start3A_94 : memref<1x10000xi32, #tpu.memory_space<hbm>> -> memref<10000xi32, #tpu.memory_space<hbm>>
      tpu.enqueue_dma source(%dma_start3A_95 : memref<10000xi32, #tpu.memory_space<hbm>>) target(%arg10 : memref<10000xi32, #tpu.memory_space<vmem>>) target_semaphore(%run_scoped3A : memref<!tpu.dma_semaphore, #tpu.memory_space<semaphore_mem>>)
      %dma_wait3A_96 = arith.constant 0 : i32
      %dma_wait3A_97 = tpu.memref_slice %arg4[%add3A, %dma_wait3A_96] : memref<32x10000xi32, #tpu.memory_space<hbm>> -> memref<1x10000xi32, #tpu.memory_space<hbm>>
      %dma_wait3A_98 = tpu.memref_squeeze %dma_wait3A_97 : memref<1x10000xi32, #tpu.memory_space<hbm>> -> memref<10000xi32, #tpu.memory_space<hbm>>
      %dma_wait3A_99 = arith.constant 0 : i32
      %dma_wait3A_100 = tpu.memref_slice %arg4[%add3A, %dma_wait3A_99] : memref<32x10000xi32, #tpu.memory_space<hbm>> -> memref<1x10000xi32, #tpu.memory_space<hbm>>
      %dma_wait3A_101 = tpu.memref_squeeze %dma_wait3A_100 : memref<1x10000xi32, #tpu.memory_space<hbm>> -> memref<10000xi32, #tpu.memory_space<hbm>>
      tpu.wait_dma2 semaphore(%run_scoped3A : memref<!tpu.dma_semaphore, #tpu.memory_space<semaphore_mem>>) src(%dma_wait3A_101 : memref<10000xi32, #tpu.memory_space<hbm>>) dst(%arg10 : memref<10000xi32, #tpu.memory_space<vmem>>)
      tpu.yield
    }) : () -> ()
    "tpu.region"() ({
      %run_scoped3A = tpu.sem_alloc : memref<!tpu.dma_semaphore, #tpu.memory_space<semaphore_mem>>
      %dma_start3A_90 = arith.constant 0 : i32
      %dma_start3A_91 = tpu.memref_slice %arg5[%add3A, %dma_start3A_90] : memref<32x10000xf32, #tpu.memory_space<hbm>> -> memref<1x10000xf32, #tpu.memory_space<hbm>>
      %dma_start3A_92 = tpu.memref_squeeze %dma_start3A_91 : memref<1x10000xf32, #tpu.memory_space<hbm>> -> memref<10000xf32, #tpu.memory_space<hbm>>
      %dma_start3A_93 = arith.constant 0 : i32
      %dma_start3A_94 = tpu.memref_slice %arg5[%add3A, %dma_start3A_93] : memref<32x10000xf32, #tpu.memory_space<hbm>> -> memref<1x10000xf32, #tpu.memory_space<hbm>>
      %dma_start3A_95 = tpu.memref_squeeze %dma_start3A_94 : memref<1x10000xf32, #tpu.memory_space<hbm>> -> memref<10000xf32, #tpu.memory_space<hbm>>
      tpu.enqueue_dma source(%dma_start3A_95 : memref<10000xf32, #tpu.memory_space<hbm>>) target(%arg11 : memref<10000xf32, #tpu.memory_space<vmem>>) target_semaphore(%run_scoped3A : memref<!tpu.dma_semaphore, #tpu.memory_space<semaphore_mem>>)
      %dma_wait3A_96 = arith.constant 0 : i32
      %dma_wait3A_97 = tpu.memref_slice %arg5[%add3A, %dma_wait3A_96] : memref<32x10000xf32, #tpu.memory_space<hbm>> -> memref<1x10000xf32, #tpu.memory_space<hbm>>
      %dma_wait3A_98 = tpu.memref_squeeze %dma_wait3A_97 : memref<1x10000xf32, #tpu.memory_space<hbm>> -> memref<10000xf32, #tpu.memory_space<hbm>>
      %dma_wait3A_99 = arith.constant 0 : i32
      %dma_wait3A_100 = tpu.memref_slice %arg5[%add3A, %dma_wait3A_99] : memref<32x10000xf32, #tpu.memory_space<hbm>> -> memref<1x10000xf32, #tpu.memory_space<hbm>>
      %dma_wait3A_101 = tpu.memref_squeeze %dma_wait3A_100 : memref<1x10000xf32, #tpu.memory_space<hbm>> -> memref<10000xf32, #tpu.memory_space<hbm>>
      tpu.wait_dma2 semaphore(%run_scoped3A : memref<!tpu.dma_semaphore, #tpu.memory_space<semaphore_mem>>) src(%dma_wait3A_101 : memref<10000xf32, #tpu.memory_space<hbm>>) dst(%arg11 : memref<10000xf32, #tpu.memory_space<vmem>>)
      tpu.yield
    }) : () -> ()
    %barrier3A = arith.constant 0 : index
    tpu.barrier barrier_id(%barrier3A)
    %dma_start3A = arith.constant 0 : i32
    %dma_start3A_9 = tpu.memref_slice %arg10[%dma_start3A] : memref<10000xi32, #tpu.memory_space<vmem>> -> memref<40xi32, #tpu.memory_space<vmem>>
    %dma_start3A_10 = arith.constant 0 : i32
    %dma_start3A_11 = arith.constant 0 : i32
    %dma_start3A_12 = tpu.memref_slice %arg2[%dma_start3A_10, %dma_start3A_11] : memref<10000x128xf32, #tpu.memory_space<hbm>> -> memref<10000x128xf32, #tpu.memory_space<hbm>>
    tpu.enqueue_indirect_dma source(%dma_start3A_12 : memref<10000x128xf32, #tpu.memory_space<hbm>>) target(%arg12 : memref<40x128xf32, #tpu.memory_space<vmem>>) offsets(%dma_start3A_9 : memref<40xi32, #tpu.memory_space<vmem>>) semaphore(%arg16 : memref<!tpu.dma_semaphore, #tpu.memory_space<semaphore_mem>>)
    %dma_start3A_13 = arith.constant 40 : i32
    %dma_start3A_14 = tpu.memref_slice %arg10[%dma_start3A_13] : memref<10000xi32, #tpu.memory_space<vmem>> -> memref<40xi32, #tpu.memory_space<vmem>>
    %dma_start3A_15 = arith.constant 0 : i32
    %dma_start3A_16 = arith.constant 0 : i32
    %dma_start3A_17 = tpu.memref_slice %arg2[%dma_start3A_15, %dma_start3A_16] : memref<10000x128xf32, #tpu.memory_space<hbm>> -> memref<10000x128xf32, #tpu.memory_space<hbm>>
    tpu.enqueue_indirect_dma source(%dma_start3A_17 : memref<10000x128xf32, #tpu.memory_space<hbm>>) target(%arg13 : memref<40x128xf32, #tpu.memory_space<vmem>>) offsets(%dma_start3A_14 : memref<40xi32, #tpu.memory_space<vmem>>) semaphore(%arg17 : memref<!tpu.dma_semaphore, #tpu.memory_space<semaphore_mem>>)
    %dma_start3A_18 = arith.constant 80 : i32
    %dma_start3A_19 = tpu.memref_slice %arg10[%dma_start3A_18] : memref<10000xi32, #tpu.memory_space<vmem>> -> memref<40xi32, #tpu.memory_space<vmem>>
    %dma_start3A_20 = arith.constant 0 : i32
    %dma_start3A_21 = arith.constant 0 : i32
    %dma_start3A_22 = tpu.memref_slice %arg2[%dma_start3A_20, %dma_start3A_21] : memref<10000x128xf32, #tpu.memory_space<hbm>> -> memref<10000x128xf32, #tpu.memory_space<hbm>>
    tpu.enqueue_indirect_dma source(%dma_start3A_22 : memref<10000x128xf32, #tpu.memory_space<hbm>>) target(%arg14 : memref<40x128xf32, #tpu.memory_space<vmem>>) offsets(%dma_start3A_19 : memref<40xi32, #tpu.memory_space<vmem>>) semaphore(%arg18 : memref<!tpu.dma_semaphore, #tpu.memory_space<semaphore_mem>>)
    %scan3A = arith.constant 0 : i32
    %scan3A_23 = arith.constant 0 : i32
    %scan3A_24 = arith.constant 62 : i32
    %scan3A_25 = arith.addi %scan3A_23, %scan3A_24 : i32
    %scan3A_26 = arith.constant 1 : i32
    scf.for %scan3A_90 = %scan3A_23 to %scan3A_25 step %scan3A_26  : i32 {
      %mul3A_91 = arith.constant 4 : i32
      %mul3A_92 = arith.muli %scan3A_90, %mul3A_91 : i32
      %add3A_93 = arith.constant 0 : i32
      %add3A_94 = arith.addi %mul3A_92, %add3A_93 : i32
      %dma_wait3A_95 = arith.constant 0 : i32
      %dma_wait3A_96 = arith.constant 0 : i32
      %dma_wait3A_97 = tpu.memref_slice %arg2[%dma_wait3A_95, %dma_wait3A_96] : memref<10000x128xf32, #tpu.memory_space<hbm>> -> memref<40x128xf32, #tpu.memory_space<hbm>>
      %dma_wait3A_98 = arith.constant 0 : i32
      %dma_wait3A_99 = arith.constant 0 : i32
      %dma_wait3A_100 = tpu.memref_slice %arg2[%dma_wait3A_98, %dma_wait3A_99] : memref<10000x128xf32, #tpu.memory_space<hbm>> -> memref<40x128xf32, #tpu.memory_space<hbm>>
      tpu.wait_dma2 semaphore(%arg16 : memref<!tpu.dma_semaphore, #tpu.memory_space<semaphore_mem>>) src(%dma_wait3A_100 : memref<40x128xf32, #tpu.memory_space<hbm>>) dst(%arg12 : memref<40x128xf32, #tpu.memory_space<vmem>>)
      %mul3A_101 = arith.constant 40 : i32
      %mul3A_102 = arith.muli %add3A_94, %mul3A_101 : i32
      %scan3A_103 = arith.constant 0 : i32
      %scan3A_104 = arith.constant 0 : i32
      %scan3A_105 = arith.constant 5 : i32
      %scan3A_106 = arith.addi %scan3A_104, %scan3A_105 : i32
      %scan3A_107 = arith.constant 1 : i32
      scf.for %scan3A_238 = %scan3A_104 to %scan3A_106 step %scan3A_107  : i32 {
        %mul3A_239 = arith.constant 8 : i32
        %mul3A_240 = arith.muli %scan3A_238, %mul3A_239 : i32
        %add3A_241 = arith.addi %mul3A_102, %mul3A_240 : i32
        %get3A = arith.index_cast %add3A_241 : i32 to index
        %get3A_242 = tpu.vector_load %arg11[%get3A] {strides = array<i32>} : memref<10000xf32, #tpu.memory_space<vmem>>, vector<16xf32>,
        %get3A_243 = vector.shape_cast %get3A_242 : vector<16xf32> to vector<16xf32>
        %scan3A_244 = arith.constant 0 : i32
        %scan3A_245 = arith.constant 4 : i32
        %scan3A_246 = arith.addi %scan3A_244, %scan3A_245 : i32
        %scan3A_247 = arith.constant 1 : i32
        scf.for %scan3A_249 = %scan3A_244 to %scan3A_246 step %scan3A_247  : i32 {
          %mul3A_250 = arith.constant 8 : i32
          %mul3A_251 = arith.muli %scan3A_238, %mul3A_250 : i32
          %mul3A_252 = arith.constant 2 : i32
          %mul3A_253 = arith.muli %scan3A_249, %mul3A_252 : i32
          %add3A_254 = arith.addi %mul3A_251, %mul3A_253 : i32
          %add3A_255 = arith.constant 0 : i32
          %add3A_256 = arith.addi %add3A_254, %add3A_255 : i32
          %mul3A_257 = arith.constant 2 : i32
          %mul3A_258 = arith.muli %scan3A_249, %mul3A_257 : i32
          %add3A_259 = arith.constant 0 : i32
          %add3A_260 = arith.addi %mul3A_258, %add3A_259 : i32
          %broadcast_in_dim3A = vector.broadcast %add3A_260 : i32 to vector<16xi32>
          %lt3A_261 = arith.constant 0 : i32
          %lt3A_262 = vector.broadcast %lt3A_261 : i32 to vector<16xi32>
          %lt3A_263 = arith.cmpi slt, %broadcast_in_dim3A, %lt3A_262 : vector<16xi32>
          %add3A_264 = arith.constant 16 : i32
          %add3A_265 = vector.broadcast %add3A_264 : i32 to vector<16xi32>
          %add3A_266 = arith.addi %broadcast_in_dim3A, %add3A_265 : vector<16xi32>
          %select_n3A = arith.select %lt3A_263, %add3A_266, %broadcast_in_dim3A : vector<16xi1>, vector<16xi32>
          %broadcast_in_dim3A_267 = vector.shape_cast %select_n3A : vector<16xi32> to vector<16x1xi32>
          %gather3A = vector.shape_cast %broadcast_in_dim3A_267 : vector<16x1xi32> to vector<16xi32>
          %gather3A_268 = tpu.dynamic_gather %get3A_243[%gather3A] in [0] : vector<16xf32>, vector<16xi32> -> vector<16xf32>
          %get3A_269 = arith.index_cast %add3A_256 : i32 to index
          %get3A_270 = arith.constant 0 : index
          %get3A_271 = tpu.vector_load %arg12[%get3A_269, %get3A_270] {strides = array<i32>} : memref<40x128xf32, #tpu.memory_space<vmem>>, vector<1x16xf32>,
          %get3A_272 = vector.shape_cast %get3A_271 : vector<1x16xf32> to vector<16xf32>
          %mul3A_273 = arith.mulf %get3A_272, %gather3A_268 : vector<16xf32>
          %swap3A = arith.index_cast %add3A_256 : i32 to index
          %swap3A_274 = arith.constant 0 : index
          %swap3A_275 = tpu.vector_load %arg12[%swap3A, %swap3A_274] {strides = array<i32>} : memref<40x128xf32, #tpu.memory_space<vmem>>, vector<1x16xf32>,
          %swap3A_276 = vector.shape_cast %swap3A_275 : vector<1x16xf32> to vector<16xf32>
          %swap3A_277 = vector.shape_cast %mul3A_273 : vector<16xf32> to vector<1x16xf32>
          tpu.vector_store %arg12[%swap3A, %swap3A_274], %swap3A_277 {strides = array<i32>} : memref<40x128xf32, #tpu.memory_space<vmem>>, vector<1x16xf32>,
          %get3A_278 = arith.index_cast %add3A_256 : i32 to index
          %get3A_279 = arith.constant 16 : index
          %get3A_280 = tpu.vector_load %arg12[%get3A_278, %get3A_279] {strides = array<i32>} : memref<40x128xf32, #tpu.memory_space<vmem>>, vector<1x16xf32>,
          %get3A_281 = vector.shape_cast %get3A_280 : vector<1x16xf32> to vector<16xf32>
          %mul3A_282 = arith.mulf %get3A_281, %gather3A_268 : vector<16xf32>
          %swap3A_283 = arith.index_cast %add3A_256 : i32 to index
          %swap3A_284 = arith.constant 16 : index
          %swap3A_285 = tpu.vector_load %arg12[%swap3A_283, %swap3A_284] {strides = array<i32>} : memref<40x128xf32, #tpu.memory_space<vmem>>, vector<1x16xf32>,
          %swap3A_286 = vector.shape_cast %swap3A_285 : vector<1x16xf32> to vector<16xf32>
          %swap3A_287 = vector.shape_cast %mul3A_282 : vector<16xf32> to vector<1x16xf32>
          tpu.vector_store %arg12[%swap3A_283, %swap3A_284], %swap3A_287 {strides = array<i32>} : memref<40x128xf32, #tpu.memory_space<vmem>>, vector<1x16xf32>,
          %get3A_288 = arith.index_cast %add3A_256 : i32 to index
          %get3A_289 = arith.constant 32 : index
          %get3A_290 = tpu.vector_load %arg12[%get3A_288, %get3A_289] {strides = array<i32>} : memref<40x128xf32, #tpu.memory_space<vmem>>, vector<1x16xf32>,
          %get3A_291 = vector.shape_cast %get3A_290 : vector<1x16xf32> to vector<16xf32>
          %mul3A_292 = arith.mulf %get3A_291, %gather3A_268 : vector<16xf32>
          %swap3A_293 = arith.index_cast %add3A_256 : i32 to index
          %swap3A_294 = arith.constant 32 : index
          %swap3A_295 = tpu.vector_load %arg12[%swap3A_293, %swap3A_294] {strides = array<i32>} : memref<40x128xf32, #tpu.memory_space<vmem>>, vector<1x16xf32>,
          %swap3A_296 = vector.shape_cast %swap3A_295 : vector<1x16xf32> to vector<16xf32>
          %swap3A_297 = vector.shape_cast %mul3A_292 : vector<16xf32> to vector<1x16xf32>
          tpu.vector_store %arg12[%swap3A_293, %swap3A_294], %swap3A_297 {strides = array<i32>} : memref<40x128xf32, #tpu.memory_space<vmem>>, vector<1x16xf32>,
          %get3A_298 = arith.index_cast %add3A_256 : i32 to index
          %get3A_299 = arith.constant 48 : index
          %get3A_300 = tpu.vector_load %arg12[%get3A_298, %get3A_299] {strides = array<i32>} : memref<40x128xf32, #tpu.memory_space<vmem>>, vector<1x16xf32>,
          %get3A_301 = vector.shape_cast %get3A_300 : vector<1x16xf32> to vector<16xf32>
          %mul3A_302 = arith.mulf %get3A_301, %gather3A_268 : vector<16xf32>
          %swap3A_303 = arith.index_cast %add3A_256 : i32 to index
          %swap3A_304 = arith.constant 48 : index
          %swap3A_305 = tpu.vector_load %arg12[%swap3A_303, %swap3A_304] {strides = array<i32>} : memref<40x128xf32, #tpu.memory_space<vmem>>, vector<1x16xf32>,
          %swap3A_306 = vector.shape_cast %swap3A_305 : vector<1x16xf32> to vector<16xf32>
          %swap3A_307 = vector.shape_cast %mul3A_302 : vector<16xf32> to vector<1x16xf32>
          tpu.vector_store %arg12[%swap3A_303, %swap3A_304], %swap3A_307 {strides = array<i32>} : memref<40x128xf32, #tpu.memory_space<vmem>>, vector<1x16xf32>,
          %get3A_308 = arith.index_cast %add3A_256 : i32 to index
          %get3A_309 = arith.constant 64 : index
          %get3A_310 = tpu.vector_load %arg12[%get3A_308, %get3A_309] {strides = array<i32>} : memref<40x128xf32, #tpu.memory_space<vmem>>, vector<1x16xf32>,
          %get3A_311 = vector.shape_cast %get3A_310 : vector<1x16xf32> to vector<16xf32>
          %mul3A_312 = arith.mulf %get3A_311, %gather3A_268 : vector<16xf32>
          %swap3A_313 = arith.index_cast %add3A_256 : i32 to index
          %swap3A_314 = arith.constant 64 : index
          %swap3A_315 = tpu.vector_load %arg12[%swap3A_313, %swap3A_314] {strides = array<i32>} : memref<40x128xf32, #tpu.memory_space<vmem>>, vector<1x16xf32>,
          %swap3A_316 = vector.shape_cast %swap3A_315 : vector<1x16xf32> to vector<16xf32>
          %swap3A_317 = vector.shape_cast %mul3A_312 : vector<16xf32> to vector<1x16xf32>
          tpu.vector_store %arg12[%swap3A_313, %swap3A_314], %swap3A_317 {strides = array<i32>} : memref<40x128xf32, #tpu.memory_space<vmem>>, vector<1x16xf32>,
          %get3A_318 = arith.index_cast %add3A_256 : i32 to index
          %get3A_319 = arith.constant 80 : index
          %get3A_320 = tpu.vector_load %arg12[%get3A_318, %get3A_319] {strides = array<i32>} : memref<40x128xf32, #tpu.memory_space<vmem>>, vector<1x16xf32>,
          %get3A_321 = vector.shape_cast %get3A_320 : vector<1x16xf32> to vector<16xf32>
          %mul3A_322 = arith.mulf %get3A_321, %gather3A_268 : vector<16xf32>
          %swap3A_323 = arith.index_cast %add3A_256 : i32 to index
          %swap3A_324 = arith.constant 80 : index
          %swap3A_325 = tpu.vector_load %arg12[%swap3A_323, %swap3A_324] {strides = array<i32>} : memref<40x128xf32, #tpu.memory_space<vmem>>, vector<1x16xf32>,
          %swap3A_326 = vector.shape_cast %swap3A_325 : vector<1x16xf32> to vector<16xf32>
          %swap3A_327 = vector.shape_cast %mul3A_322 : vector<16xf32> to vector<1x16xf32>
          tpu.vector_store %arg12[%swap3A_323, %swap3A_324], %swap3A_327 {strides = array<i32>} : memref<40x128xf32, #tpu.memory_space<vmem>>, vector<1x16xf32>,
          %get3A_328 = arith.index_cast %add3A_256 : i32 to index
          %get3A_329 = arith.constant 96 : index
          %get3A_330 = tpu.vector_load %arg12[%get3A_328, %get3A_329] {strides = array<i32>} : memref<40x128xf32, #tpu.memory_space<vmem>>, vector<1x16xf32>,
          %get3A_331 = vector.shape_cast %get3A_330 : vector<1x16xf32> to vector<16xf32>
          %mul3A_332 = arith.mulf %get3A_331, %gather3A_268 : vector<16xf32>
          %swap3A_333 = arith.index_cast %add3A_256 : i32 to index
          %swap3A_334 = arith.constant 96 : index
          %swap3A_335 = tpu.vector_load %arg12[%swap3A_333, %swap3A_334] {strides = array<i32>} : memref<40x128xf32, #tpu.memory_space<vmem>>, vector<1x16xf32>,
          %swap3A_336 = vector.shape_cast %swap3A_335 : vector<1x16xf32> to vector<16xf32>
          %swap3A_337 = vector.shape_cast %mul3A_332 : vector<16xf32> to vector<1x16xf32>
          tpu.vector_store %arg12[%swap3A_333, %swap3A_334], %swap3A_337 {strides = array<i32>} : memref<40x128xf32, #tpu.memory_space<vmem>>, vector<1x16xf32>,
          %get3A_338 = arith.index_cast %add3A_256 : i32 to index
          %get3A_339 = arith.constant 112 : index
          %get3A_340 = tpu.vector_load %arg12[%get3A_338, %get3A_339] {strides = array<i32>} : memref<40x128xf32, #tpu.memory_space<vmem>>, vector<1x16xf32>,
          %get3A_341 = vector.shape_cast %get3A_340 : vector<1x16xf32> to vector<16xf32>
          %mul3A_342 = arith.mulf %get3A_341, %gather3A_268 : vector<16xf32>
          %swap3A_343 = arith.index_cast %add3A_256 : i32 to index
          %swap3A_344 = arith.constant 112 : index
          %swap3A_345 = tpu.vector_load %arg12[%swap3A_343, %swap3A_344] {strides = array<i32>} : memref<40x128xf32, #tpu.memory_space<vmem>>, vector<1x16xf32>,
          %swap3A_346 = vector.shape_cast %swap3A_345 : vector<1x16xf32> to vector<16xf32>
          %swap3A_347 = vector.shape_cast %mul3A_342 : vector<16xf32> to vector<1x16xf32>
          tpu.vector_store %arg12[%swap3A_343, %swap3A_344], %swap3A_347 {strides = array<i32>} : memref<40x128xf32, #tpu.memory_space<vmem>>, vector<1x16xf32>,
          %mul3A_348 = arith.constant 8 : i32
          %mul3A_349 = arith.muli %scan3A_238, %mul3A_348 : i32
          %mul3A_350 = arith.constant 2 : i32
          %mul3A_351 = arith.muli %scan3A_249, %mul3A_350 : i32
          %add3A_352 = arith.addi %mul3A_349, %mul3A_351 : i32
          %add3A_353 = arith.constant 1 : i32
          %add3A_354 = arith.addi %add3A_352, %add3A_353 : i32
          %mul3A_355 = arith.constant 2 : i32
          %mul3A_356 = arith.muli %scan3A_249, %mul3A_355 : i32
          %add3A_357 = arith.constant 1 : i32
          %add3A_358 = arith.addi %mul3A_356, %add3A_357 : i32
          %broadcast_in_dim3A_359 = vector.broadcast %add3A_358 : i32 to vector<16xi32>
          %lt3A_360 = arith.constant 0 : i32
          %lt3A_361 = vector.broadcast %lt3A_360 : i32 to vector<16xi32>
          %lt3A_362 = arith.cmpi slt, %broadcast_in_dim3A_359, %lt3A_361 : vector<16xi32>
          %add3A_363 = arith.constant 16 : i32
          %add3A_364 = vector.broadcast %add3A_363 : i32 to vector<16xi32>
          %add3A_365 = arith.addi %broadcast_in_dim3A_359, %add3A_364 : vector<16xi32>
          %select_n3A_366 = arith.select %lt3A_362, %add3A_365, %broadcast_in_dim3A_359 : vector<16xi1>, vector<16xi32>
          %broadcast_in_dim3A_367 = vector.shape_cast %select_n3A_366 : vector<16xi32> to vector<16x1xi32>
          %gather3A_368 = vector.shape_cast %broadcast_in_dim3A_367 : vector<16x1xi32> to vector<16xi32>
          %gather3A_369 = tpu.dynamic_gather %get3A_243[%gather3A_368] in [0] : vector<16xf32>, vector<16xi32> -> vector<16xf32>
          %get3A_370 = arith.index_cast %add3A_354 : i32 to index
          %get3A_371 = arith.constant 0 : index
          %get3A_372 = tpu.vector_load %arg12[%get3A_370, %get3A_371] {strides = array<i32>} : memref<40x128xf32, #tpu.memory_space<vmem>>, vector<1x16xf32>,
          %get3A_373 = vector.shape_cast %get3A_372 : vector<1x16xf32> to vector<16xf32>
          %mul3A_374 = arith.mulf %get3A_373, %gather3A_369 : vector<16xf32>
          %swap3A_375 = arith.index_cast %add3A_354 : i32 to index
          %swap3A_376 = arith.constant 0 : index
          %swap3A_377 = tpu.vector_load %arg12[%swap3A_375, %swap3A_376] {strides = array<i32>} : memref<40x128xf32, #tpu.memory_space<vmem>>, vector<1x16xf32>,
          %swap3A_378 = vector.shape_cast %swap3A_377 : vector<1x16xf32> to vector<16xf32>
          %swap3A_379 = vector.shape_cast %mul3A_374 : vector<16xf32> to vector<1x16xf32>
          tpu.vector_store %arg12[%swap3A_375, %swap3A_376], %swap3A_379 {strides = array<i32>} : memref<40x128xf32, #tpu.memory_space<vmem>>, vector<1x16xf32>,
          %get3A_380 = arith.index_cast %add3A_354 : i32 to index
          %get3A_381 = arith.constant 16 : index
          %get3A_382 = tpu.vector_load %arg12[%get3A_380, %get3A_381] {strides = array<i32>} : memref<40x128xf32, #tpu.memory_space<vmem>>, vector<1x16xf32>,
          %get3A_383 = vector.shape_cast %get3A_382 : vector<1x16xf32> to vector<16xf32>
          %mul3A_384 = arith.mulf %get3A_383, %gather3A_369 : vector<16xf32>
          %swap3A_385 = arith.index_cast %add3A_354 : i32 to index
          %swap3A_386 = arith.constant 16 : index
          %swap3A_387 = tpu.vector_load %arg12[%swap3A_385, %swap3A_386] {strides = array<i32>} : memref<40x128xf32, #tpu.memory_space<vmem>>, vector<1x16xf32>,
          %swap3A_388 = vector.shape_cast %swap3A_387 : vector<1x16xf32> to vector<16xf32>
          %swap3A_389 = vector.shape_cast %mul3A_384 : vector<16xf32> to vector<1x16xf32>
          tpu.vector_store %arg12[%swap3A_385, %swap3A_386], %swap3A_389 {strides = array<i32>} : memref<40x128xf32, #tpu.memory_space<vmem>>, vector<1x16xf32>,
          %get3A_390 = arith.index_cast %add3A_354 : i32 to index
          %get3A_391 = arith.constant 32 : index
          %get3A_392 = tpu.vector_load %arg12[%get3A_390, %get3A_391] {strides = array<i32>} : memref<40x128xf32, #tpu.memory_space<vmem>>, vector<1x16xf32>,
          %get3A_393 = vector.shape_cast %get3A_392 : vector<1x16xf32> to vector<16xf32>
          %mul3A_394 = arith.mulf %get3A_393, %gather3A_369 : vector<16xf32>
          %swap3A_395 = arith.index_cast %add3A_354 : i32 to index
          %swap3A_396 = arith.constant 32 : index
          %swap3A_397 = tpu.vector_load %arg12[%swap3A_395, %swap3A_396] {strides = array<i32>} : memref<40x128xf32, #tpu.memory_space<vmem>>, vector<1x16xf32>,
          %swap3A_398 = vector.shape_cast %swap3A_397 : vector<1x16xf32> to vector<16xf32>
          %swap3A_399 = vector.shape_cast %mul3A_394 : vector<16xf32> to vector<1x16xf32>
          tpu.vector_store %arg12[%swap3A_395, %swap3A_396], %swap3A_399 {strides = array<i32>} : memref<40x128xf32, #tpu.memory_space<vmem>>, vector<1x16xf32>,
          %get3A_400 = arith.index_cast %add3A_354 : i32 to index
          %get3A_401 = arith.constant 48 : index
          %get3A_402 = tpu.vector_load %arg12[%get3A_400, %get3A_401] {strides = array<i32>} : memref<40x128xf32, #tpu.memory_space<vmem>>, vector<1x16xf32>,
          %get3A_403 = vector.shape_cast %get3A_402 : vector<1x16xf32> to vector<16xf32>
          %mul3A_404 = arith.mulf %get3A_403, %gather3A_369 : vector<16xf32>
          %swap3A_405 = arith.index_cast %add3A_354 : i32 to index
          %swap3A_406 = arith.constant 48 : index
          %swap3A_407 = tpu.vector_load %arg12[%swap3A_405, %swap3A_406] {strides = array<i32>} : memref<40x128xf32, #tpu.memory_space<vmem>>, vector<1x16xf32>,
          %swap3A_408 = vector.shape_cast %swap3A_407 : vector<1x16xf32> to vector<16xf32>
          %swap3A_409 = vector.shape_cast %mul3A_404 : vector<16xf32> to vector<1x16xf32>
          tpu.vector_store %arg12[%swap3A_405, %swap3A_406], %swap3A_409 {strides = array<i32>} : memref<40x128xf32, #tpu.memory_space<vmem>>, vector<1x16xf32>,
          %get3A_410 = arith.index_cast %add3A_354 : i32 to index
          %get3A_411 = arith.constant 64 : index
          %get3A_412 = tpu.vector_load %arg12[%get3A_410, %get3A_411] {strides = array<i32>} : memref<40x128xf32, #tpu.memory_space<vmem>>, vector<1x16xf32>,
          %get3A_413 = vector.shape_cast %get3A_412 : vector<1x16xf32> to vector<16xf32>
          %mul3A_414 = arith.mulf %get3A_413, %gather3A_369 : vector<16xf32>
          %swap3A_415 = arith.index_cast %add3A_354 : i32 to index
          %swap3A_416 = arith.constant 64 : index
          %swap3A_417 = tpu.vector_load %arg12[%swap3A_415, %swap3A_416] {strides = array<i32>} : memref<40x128xf32, #tpu.memory_space<vmem>>, vector<1x16xf32>,
          %swap3A_418 = vector.shape_cast %swap3A_417 : vector<1x16xf32> to vector<16xf32>
          %swap3A_419 = vector.shape_cast %mul3A_414 : vector<16xf32> to vector<1x16xf32>
          tpu.vector_store %arg12[%swap3A_415, %swap3A_416], %swap3A_419 {strides = array<i32>} : memref<40x128xf32, #tpu.memory_space<vmem>>, vector<1x16xf32>,
          %get3A_420 = arith.index_cast %add3A_354 : i32 to index
          %get3A_421 = arith.constant 80 : index
          %get3A_422 = tpu.vector_load %arg12[%get3A_420, %get3A_421] {strides = array<i32>} : memref<40x128xf32, #tpu.memory_space<vmem>>, vector<1x16xf32>,
          %get3A_423 = vector.shape_cast %get3A_422 : vector<1x16xf32> to vector<16xf32>
          %mul3A_424 = arith.mulf %get3A_423, %gather3A_369 : vector<16xf32>
          %swap3A_425 = arith.index_cast %add3A_354 : i32 to index
          %swap3A_426 = arith.constant 80 : index
          %swap3A_427 = tpu.vector_load %arg12[%swap3A_425, %swap3A_426] {strides = array<i32>} : memref<40x128xf32, #tpu.memory_space<vmem>>, vector<1x16xf32>,
          %swap3A_428 = vector.shape_cast %swap3A_427 : vector<1x16xf32> to vector<16xf32>
          %swap3A_429 = vector.shape_cast %mul3A_424 : vector<16xf32> to vector<1x16xf32>
          tpu.vector_store %arg12[%swap3A_425, %swap3A_426], %swap3A_429 {strides = array<i32>} : memref<40x128xf32, #tpu.memory_space<vmem>>, vector<1x16xf32>,
          %get3A_430 = arith.index_cast %add3A_354 : i32 to index
          %get3A_431 = arith.constant 96 : index
          %get3A_432 = tpu.vector_load %arg12[%get3A_430, %get3A_431] {strides = array<i32>} : memref<40x128xf32, #tpu.memory_space<vmem>>, vector<1x16xf32>,
          %get3A_433 = vector.shape_cast %get3A_432 : vector<1x16xf32> to vector<16xf32>
          %mul3A_434 = arith.mulf %get3A_433, %gather3A_369 : vector<16xf32>
          %swap3A_435 = arith.index_cast %add3A_354 : i32 to index
          %swap3A_436 = arith.constant 96 : index
          %swap3A_437 = tpu.vector_load %arg12[%swap3A_435, %swap3A_436] {strides = array<i32>} : memref<40x128xf32, #tpu.memory_space<vmem>>, vector<1x16xf32>,
          %swap3A_438 = vector.shape_cast %swap3A_437 : vector<1x16xf32> to vector<16xf32>
          %swap3A_439 = vector.shape_cast %mul3A_434 : vector<16xf32> to vector<1x16xf32>
          tpu.vector_store %arg12[%swap3A_435, %swap3A_436], %swap3A_439 {strides = array<i32>} : memref<40x128xf32, #tpu.memory_space<vmem>>, vector<1x16xf32>,
          %get3A_440 = arith.index_cast %add3A_354 : i32 to index
          %get3A_441 = arith.constant 112 : index
          %get3A_442 = tpu.vector_load %arg12[%get3A_440, %get3A_441] {strides = array<i32>} : memref<40x128xf32, #tpu.memory_space<vmem>>, vector<1x16xf32>,
          %get3A_443 = vector.shape_cast %get3A_442 : vector<1x16xf32> to vector<16xf32>
          %mul3A_444 = arith.mulf %get3A_443, %gather3A_369 : vector<16xf32>
          %swap3A_445 = arith.index_cast %add3A_354 : i32 to index
          %swap3A_446 = arith.constant 112 : index
          %swap3A_447 = tpu.vector_load %arg12[%swap3A_445, %swap3A_446] {strides = array<i32>} : memref<40x128xf32, #tpu.memory_space<vmem>>, vector<1x16xf32>,
          %swap3A_448 = vector.shape_cast %swap3A_447 : vector<1x16xf32> to vector<16xf32>
          %swap3A_449 = vector.shape_cast %mul3A_444 : vector<16xf32> to vector<1x16xf32>
          tpu.vector_store %arg12[%swap3A_445, %swap3A_446], %swap3A_449 {strides = array<i32>} : memref<40x128xf32, #tpu.memory_space<vmem>>, vector<1x16xf32>,
        }
        %scan3A_248 = arith.constant 4 : i32
      }
      %scan3A_108 = arith.constant 5 : i32
      %mul3A_109 = arith.constant 40 : i32
      %mul3A_110 = arith.muli %add3A_94, %mul3A_109 : i32
      %dma_start3A_111 = tpu.memref_slice %arg9[%mul3A_110] : memref<10000xi32, #tpu.memory_space<vmem>> -> memref<40xi32, #tpu.memory_space<vmem>>
      %dma_start3A_112 = arith.constant 0 : i32
      %dma_start3A_113 = arith.constant 0 : i32
      %dma_start3A_114 = tpu.memref_slice %arg8[%dma_start3A_112, %dma_start3A_113] : memref<10000x128xf32, #tpu.memory_space<vmem_shared>> -> memref<10000x128xf32, #tpu.memory_space<vmem_shared>>
      tpu.enqueue_indirect_dma source(%arg12 : memref<40x128xf32, #tpu.memory_space<vmem>>) target(%dma_start3A_114 : memref<10000x128xf32, #tpu.memory_space<vmem_shared>>) offsets(%dma_start3A_111 : memref<40xi32, #tpu.memory_space<vmem>>) semaphore(%arg20 : memref<!tpu.dma_semaphore, #tpu.memory_space<semaphore_mem>>) {add = true}
      %gt3A = arith.constant 0 : i32
      %gt3A_115 = arith.cmpi sgt, %scan3A_90, %gt3A : i32
      %convert_element_type3A_116 = arith.extui %gt3A_115 : i1 to i32
      %cond3A_117 = arith.constant 0 : i32
      %cond3A_118 = arith.cmpi ne, %convert_element_type3A_116, %cond3A_117 : i32
      scf.if %cond3A_118 {
        %dma_wait3A_238 = arith.constant 0 : i32
        %dma_wait3A_239 = arith.constant 0 : i32
        %dma_wait3A_240 = tpu.memref_slice %arg2[%dma_wait3A_238, %dma_wait3A_239] : memref<10000x128xf32, #tpu.memory_space<hbm>> -> memref<40x128xf32, #tpu.memory_space<hbm>>
        %dma_wait3A_241 = arith.constant 0 : i32
        %dma_wait3A_242 = arith.constant 0 : i32
        %dma_wait3A_243 = tpu.memref_slice %arg2[%dma_wait3A_241, %dma_wait3A_242] : memref<10000x128xf32, #tpu.memory_space<hbm>> -> memref<40x128xf32, #tpu.memory_space<hbm>>
        tpu.wait_dma2 semaphore(%arg23 : memref<!tpu.dma_semaphore, #tpu.memory_space<semaphore_mem>>) src(%dma_wait3A_243 : memref<40x128xf32, #tpu.memory_space<hbm>>) dst(%arg15 : memref<40x128xf32, #tpu.memory_space<vmem>>)
      } else {
      }
      %add3A_119 = arith.constant 3 : i32
      %add3A_120 = arith.addi %add3A_94, %add3A_119 : i32
      %mul3A_121 = arith.constant 40 : i32
      %mul3A_122 = arith.muli %add3A_120, %mul3A_121 : i32
      %dma_start3A_123 = tpu.memref_slice %arg10[%mul3A_122] : memref<10000xi32, #tpu.memory_space<vmem>> -> memref<40xi32, #tpu.memory_space<vmem>>
      %dma_start3A_124 = arith.constant 0 : i32
      %dma_start3A_125 = arith.constant 0 : i32
      %dma_start3A_126 = tpu.memref_slice %arg2[%dma_start3A_124, %dma_start3A_125] : memref<10000x128xf32, #tpu.memory_space<hbm>> -> memref<10000x128xf32, #tpu.memory_space<hbm>>
      tpu.enqueue_indirect_dma source(%dma_start3A_126 : memref<10000x128xf32, #tpu.memory_space<hbm>>) target(%arg15 : memref<40x128xf32, #tpu.memory_space<vmem>>) offsets(%dma_start3A_123 : memref<40xi32, #tpu.memory_space<vmem>>) semaphore(%arg19 : memref<!tpu.dma_semaphore, #tpu.memory_space<semaphore_mem>>)
      %mul3A_127 = arith.constant 4 : i32
      %mul3A_128 = arith.muli %scan3A_90, %mul3A_127 : i32
      %add3A_129 = arith.constant 1 : i32
      %add3A_130 = arith.addi %mul3A_128, %add3A_129 : i32
      %dma_wait3A_131 = arith.constant 0 : i32
      %dma_wait3A_132 = arith.constant 0 : i32
      %dma_wait3A_133 = tpu.memref_slice %arg2[%dma_wait3A_131, %dma_wait3A_132] : memref<10000x128xf32, #tpu.memory_space<hbm>> -> memref<40x128xf32, #tpu.memory_space<hbm>>
      %dma_wait3A_134 = arith.constant 0 : i32
      %dma_wait3A_135 = arith.constant 0 : i32
      %dma_wait3A_136 = tpu.memref_slice %arg2[%dma_wait3A_134, %dma_wait3A_135] : memref<10000x128xf32, #tpu.memory_space<hbm>> -> memref<40x128xf32, #tpu.memory_space<hbm>>
      tpu.wait_dma2 semaphore(%arg17 : memref<!tpu.dma_semaphore, #tpu.memory_space<semaphore_mem>>) src(%dma_wait3A_136 : memref<40x128xf32, #tpu.memory_space<hbm>>) dst(%arg13 : memref<40x128xf32, #tpu.memory_space<vmem>>)
      %mul3A_137 = arith.constant 40 : i32
      %mul3A_138 = arith.muli %add3A_130, %mul3A_137 : i32
      %scan3A_139 = arith.constant 0 : i32
      %scan3A_140 = arith.constant 0 : i32
      %scan3A_141 = arith.constant 5 : i32
      %scan3A_142 = arith.addi %scan3A_140, %scan3A_141 : i32
      %scan3A_143 = arith.constant 1 : i32
      scf.for %scan3A_238 = %scan3A_140 to %scan3A_142 step %scan3A_143  : i32 {
        %mul3A_239 = arith.constant 8 : i32
        %mul3A_240 = arith.muli %scan3A_238, %mul3A_239 : i32
        %add3A_241 = arith.addi %mul3A_138, %mul3A_240 : i32
        %get3A = arith.index_cast %add3A_241 : i32 to index
        %get3A_242 = tpu.vector_load %arg11[%get3A] {strides = array<i32>} : memref<10000xf32, #tpu.memory_space<vmem>>, vector<16xf32>,
        %get3A_243 = vector.shape_cast %get3A_242 : vector<16xf32> to vector<16xf32>
        %scan3A_244 = arith.constant 0 : i32
        %scan3A_245 = arith.constant 4 : i32
        %scan3A_246 = arith.addi %scan3A_244, %scan3A_245 : i32
        %scan3A_247 = arith.constant 1 : i32
        scf.for %scan3A_249 = %scan3A_244 to %scan3A_246 step %scan3A_247  : i32 {
          %mul3A_250 = arith.constant 8 : i32
          %mul3A_251 = arith.muli %scan3A_238, %mul3A_250 : i32
          %mul3A_252 = arith.constant 2 : i32
          %mul3A_253 = arith.muli %scan3A_249, %mul3A_252 : i32
          %add3A_254 = arith.addi %mul3A_251, %mul3A_253 : i32
          %add3A_255 = arith.constant 0 : i32
          %add3A_256 = arith.addi %add3A_254, %add3A_255 : i32
          %mul3A_257 = arith.constant 2 : i32
          %mul3A_258 = arith.muli %scan3A_249, %mul3A_257 : i32
          %add3A_259 = arith.constant 0 : i32
          %add3A_260 = arith.addi %mul3A_258, %add3A_259 : i32
          %broadcast_in_dim3A = vector.broadcast %add3A_260 : i32 to vector<16xi32>
          %lt3A_261 = arith.constant 0 : i32
          %lt3A_262 = vector.broadcast %lt3A_261 : i32 to vector<16xi32>
          %lt3A_263 = arith.cmpi slt, %broadcast_in_dim3A, %lt3A_262 : vector<16xi32>
          %add3A_264 = arith.constant 16 : i32
          %add3A_265 = vector.broadcast %add3A_264 : i32 to vector<16xi32>
          %add3A_266 = arith.addi %broadcast_in_dim3A, %add3A_265 : vector<16xi32>
          %select_n3A = arith.select %lt3A_263, %add3A_266, %broadcast_in_dim3A : vector<16xi1>, vector<16xi32>
          %broadcast_in_dim3A_267 = vector.shape_cast %select_n3A : vector<16xi32> to vector<16x1xi32>
          %gather3A = vector.shape_cast %broadcast_in_dim3A_267 : vector<16x1xi32> to vector<16xi32>
          %gather3A_268 = tpu.dynamic_gather %get3A_243[%gather3A] in [0] : vector<16xf32>, vector<16xi32> -> vector<16xf32>
          %get3A_269 = arith.index_cast %add3A_256 : i32 to index
          %get3A_270 = arith.constant 0 : index
          %get3A_271 = tpu.vector_load %arg13[%get3A_269, %get3A_270] {strides = array<i32>} : memref<40x128xf32, #tpu.memory_space<vmem>>, vector<1x16xf32>,
          %get3A_272 = vector.shape_cast %get3A_271 : vector<1x16xf32> to vector<16xf32>
          %mul3A_273 = arith.mulf %get3A_272, %gather3A_268 : vector<16xf32>
          %swap3A = arith.index_cast %add3A_256 : i32 to index
          %swap3A_274 = arith.constant 0 : index
          %swap3A_275 = tpu.vector_load %arg13[%swap3A, %swap3A_274] {strides = array<i32>} : memref<40x128xf32, #tpu.memory_space<vmem>>, vector<1x16xf32>,
          %swap3A_276 = vector.shape_cast %swap3A_275 : vector<1x16xf32> to vector<16xf32>
          %swap3A_277 = vector.shape_cast %mul3A_273 : vector<16xf32> to vector<1x16xf32>
          tpu.vector_store %arg13[%swap3A, %swap3A_274], %swap3A_277 {strides = array<i32>} : memref<40x128xf32, #tpu.memory_space<vmem>>, vector<1x16xf32>,
          %get3A_278 = arith.index_cast %add3A_256 : i32 to index
          %get3A_279 = arith.constant 16 : index
          %get3A_280 = tpu.vector_load %arg13[%get3A_278, %get3A_279] {strides = array<i32>} : memref<40x128xf32, #tpu.memory_space<vmem>>, vector<1x16xf32>,
          %get3A_281 = vector.shape_cast %get3A_280 : vector<1x16xf32> to vector<16xf32>
          %mul3A_282 = arith.mulf %get3A_281, %gather3A_268 : vector<16xf32>
          %swap3A_283 = arith.index_cast %add3A_256 : i32 to index
          %swap3A_284 = arith.constant 16 : index
          %swap3A_285 = tpu.vector_load %arg13[%swap3A_283, %swap3A_284] {strides = array<i32>} : memref<40x128xf32, #tpu.memory_space<vmem>>, vector<1x16xf32>,
          %swap3A_286 = vector.shape_cast %swap3A_285 : vector<1x16xf32> to vector<16xf32>
          %swap3A_287 = vector.shape_cast %mul3A_282 : vector<16xf32> to vector<1x16xf32>
          tpu.vector_store %arg13[%swap3A_283, %swap3A_284], %swap3A_287 {strides = array<i32>} : memref<40x128xf32, #tpu.memory_space<vmem>>, vector<1x16xf32>,
          %get3A_288 = arith.index_cast %add3A_256 : i32 to index
          %get3A_289 = arith.constant 32 : index
          %get3A_290 = tpu.vector_load %arg13[%get3A_288, %get3A_289] {strides = array<i32>} : memref<40x128xf32, #tpu.memory_space<vmem>>, vector<1x16xf32>,
          %get3A_291 = vector.shape_cast %get3A_290 : vector<1x16xf32> to vector<16xf32>
          %mul3A_292 = arith.mulf %get3A_291, %gather3A_268 : vector<16xf32>
          %swap3A_293 = arith.index_cast %add3A_256 : i32 to index
          %swap3A_294 = arith.constant 32 : index
          %swap3A_295 = tpu.vector_load %arg13[%swap3A_293, %swap3A_294] {strides = array<i32>} : memref<40x128xf32, #tpu.memory_space<vmem>>, vector<1x16xf32>,
          %swap3A_296 = vector.shape_cast %swap3A_295 : vector<1x16xf32> to vector<16xf32>
          %swap3A_297 = vector.shape_cast %mul3A_292 : vector<16xf32> to vector<1x16xf32>
          tpu.vector_store %arg13[%swap3A_293, %swap3A_294], %swap3A_297 {strides = array<i32>} : memref<40x128xf32, #tpu.memory_space<vmem>>, vector<1x16xf32>,
          %get3A_298 = arith.index_cast %add3A_256 : i32 to index
          %get3A_299 = arith.constant 48 : index
          %get3A_300 = tpu.vector_load %arg13[%get3A_298, %get3A_299] {strides = array<i32>} : memref<40x128xf32, #tpu.memory_space<vmem>>, vector<1x16xf32>,
          %get3A_301 = vector.shape_cast %get3A_300 : vector<1x16xf32> to vector<16xf32>
          %mul3A_302 = arith.mulf %get3A_301, %gather3A_268 : vector<16xf32>
          %swap3A_303 = arith.index_cast %add3A_256 : i32 to index
          %swap3A_304 = arith.constant 48 : index
          %swap3A_305 = tpu.vector_load %arg13[%swap3A_303, %swap3A_304] {strides = array<i32>} : memref<40x128xf32, #tpu.memory_space<vmem>>, vector<1x16xf32>,
          %swap3A_306 = vector.shape_cast %swap3A_305 : vector<1x16xf32> to vector<16xf32>
          %swap3A_307 = vector.shape_cast %mul3A_302 : vector<16xf32> to vector<1x16xf32>
          tpu.vector_store %arg13[%swap3A_303, %swap3A_304], %swap3A_307 {strides = array<i32>} : memref<40x128xf32, #tpu.memory_space<vmem>>, vector<1x16xf32>,
          %get3A_308 = arith.index_cast %add3A_256 : i32 to index
          %get3A_309 = arith.constant 64 : index
          %get3A_310 = tpu.vector_load %arg13[%get3A_308, %get3A_309] {strides = array<i32>} : memref<40x128xf32, #tpu.memory_space<vmem>>, vector<1x16xf32>,
          %get3A_311 = vector.shape_cast %get3A_310 : vector<1x16xf32> to vector<16xf32>
          %mul3A_312 = arith.mulf %get3A_311, %gather3A_268 : vector<16xf32>
          %swap3A_313 = arith.index_cast %add3A_256 : i32 to index
          %swap3A_314 = arith.constant 64 : index
          %swap3A_315 = tpu.vector_load %arg13[%swap3A_313, %swap3A_314] {strides = array<i32>} : memref<40x128xf32, #tpu.memory_space<vmem>>, vector<1x16xf32>,
          %swap3A_316 = vector.shape_cast %swap3A_315 : vector<1x16xf32> to vector<16xf32>
          %swap3A_317 = vector.shape_cast %mul3A_312 : vector<16xf32> to vector<1x16xf32>
          tpu.vector_store %arg13[%swap3A_313, %swap3A_314], %swap3A_317 {strides = array<i32>} : memref<40x128xf32, #tpu.memory_space<vmem>>, vector<1x16xf32>,
          %get3A_318 = arith.index_cast %add3A_256 : i32 to index
          %get3A_319 = arith.constant 80 : index
          %get3A_320 = tpu.vector_load %arg13[%get3A_318, %get3A_319] {strides = array<i32>} : memref<40x128xf32, #tpu.memory_space<vmem>>, vector<1x16xf32>,
          %get3A_321 = vector.shape_cast %get3A_320 : vector<1x16xf32> to vector<16xf32>
          %mul3A_322 = arith.mulf %get3A_321, %gather3A_268 : vector<16xf32>
          %swap3A_323 = arith.index_cast %add3A_256 : i32 to index
          %swap3A_324 = arith.constant 80 : index
          %swap3A_325 = tpu.vector_load %arg13[%swap3A_323, %swap3A_324] {strides = array<i32>} : memref<40x128xf32, #tpu.memory_space<vmem>>, vector<1x16xf32>,
          %swap3A_326 = vector.shape_cast %swap3A_325 : vector<1x16xf32> to vector<16xf32>
          %swap3A_327 = vector.shape_cast %mul3A_322 : vector<16xf32> to vector<1x16xf32>
          tpu.vector_store %arg13[%swap3A_323, %swap3A_324], %swap3A_327 {strides = array<i32>} : memref<40x128xf32, #tpu.memory_space<vmem>>, vector<1x16xf32>,
          %get3A_328 = arith.index_cast %add3A_256 : i32 to index
          %get3A_329 = arith.constant 96 : index
          %get3A_330 = tpu.vector_load %arg13[%get3A_328, %get3A_329] {strides = array<i32>} : memref<40x128xf32, #tpu.memory_space<vmem>>, vector<1x16xf32>,
          %get3A_331 = vector.shape_cast %get3A_330 : vector<1x16xf32> to vector<16xf32>
          %mul3A_332 = arith.mulf %get3A_331, %gather3A_268 : vector<16xf32>
          %swap3A_333 = arith.index_cast %add3A_256 : i32 to index
          %swap3A_334 = arith.constant 96 : index
          %swap3A_335 = tpu.vector_load %arg13[%swap3A_333, %swap3A_334] {strides = array<i32>} : memref<40x128xf32, #tpu.memory_space<vmem>>, vector<1x16xf32>,
          %swap3A_336 = vector.shape_cast %swap3A_335 : vector<1x16xf32> to vector<16xf32>
          %swap3A_337 = vector.shape_cast %mul3A_332 : vector<16xf32> to vector<1x16xf32>
          tpu.vector_store %arg13[%swap3A_333, %swap3A_334], %swap3A_337 {strides = array<i32>} : memref<40x128xf32, #tpu.memory_space<vmem>>, vector<1x16xf32>,
          %get3A_338 = arith.index_cast %add3A_256 : i32 to index
          %get3A_339 = arith.constant 112 : index
          %get3A_340 = tpu.vector_load %arg13[%get3A_338, %get3A_339] {strides = array<i32>} : memref<40x128xf32, #tpu.memory_space<vmem>>, vector<1x16xf32>,
          %get3A_341 = vector.shape_cast %get3A_340 : vector<1x16xf32> to vector<16xf32>
          %mul3A_342 = arith.mulf %get3A_341, %gather3A_268 : vector<16xf32>
          %swap3A_343 = arith.index_cast %add3A_256 : i32 to index
          %swap3A_344 = arith.constant 112 : index
          %swap3A_345 = tpu.vector_load %arg13[%swap3A_343, %swap3A_344] {strides = array<i32>} : memref<40x128xf32, #tpu.memory_space<vmem>>, vector<1x16xf32>,
          %swap3A_346 = vector.shape_cast %swap3A_345 : vector<1x16xf32> to vector<16xf32>
          %swap3A_347 = vector.shape_cast %mul3A_342 : vector<16xf32> to vector<1x16xf32>
          tpu.vector_store %arg13[%swap3A_343, %swap3A_344], %swap3A_347 {strides = array<i32>} : memref<40x128xf32, #tpu.memory_space<vmem>>, vector<1x16xf32>,
          %mul3A_348 = arith.constant 8 : i32
          %mul3A_349 = arith.muli %scan3A_238, %mul3A_348 : i32
          %mul3A_350 = arith.constant 2 : i32
          %mul3A_351 = arith.muli %scan3A_249, %mul3A_350 : i32
          %add3A_352 = arith.addi %mul3A_349, %mul3A_351 : i32
          %add3A_353 = arith.constant 1 : i32
          %add3A_354 = arith.addi %add3A_352, %add3A_353 : i32
          %mul3A_355 = arith.constant 2 : i32
          %mul3A_356 = arith.muli %scan3A_249, %mul3A_355 : i32
          %add3A_357 = arith.constant 1 : i32
          %add3A_358 = arith.addi %mul3A_356, %add3A_357 : i32
          %broadcast_in_dim3A_359 = vector.broadcast %add3A_358 : i32 to vector<16xi32>
          %lt3A_360 = arith.constant 0 : i32
          %lt3A_361 = vector.broadcast %lt3A_360 : i32 to vector<16xi32>
          %lt3A_362 = arith.cmpi slt, %broadcast_in_dim3A_359, %lt3A_361 : vector<16xi32>
          %add3A_363 = arith.constant 16 : i32
          %add3A_364 = vector.broadcast %add3A_363 : i32 to vector<16xi32>
          %add3A_365 = arith.addi %broadcast_in_dim3A_359, %add3A_364 : vector<16xi32>
          %select_n3A_366 = arith.select %lt3A_362, %add3A_365, %broadcast_in_dim3A_359 : vector<16xi1>, vector<16xi32>
          %broadcast_in_dim3A_367 = vector.shape_cast %select_n3A_366 : vector<16xi32> to vector<16x1xi32>
          %gather3A_368 = vector.shape_cast %broadcast_in_dim3A_367 : vector<16x1xi32> to vector<16xi32>
          %gather3A_369 = tpu.dynamic_gather %get3A_243[%gather3A_368] in [0] : vector<16xf32>, vector<16xi32> -> vector<16xf32>
          %get3A_370 = arith.index_cast %add3A_354 : i32 to index
          %get3A_371 = arith.constant 0 : index
          %get3A_372 = tpu.vector_load %arg13[%get3A_370, %get3A_371] {strides = array<i32>} : memref<40x128xf32, #tpu.memory_space<vmem>>, vector<1x16xf32>,
          %get3A_373 = vector.shape_cast %get3A_372 : vector<1x16xf32> to vector<16xf32>
          %mul3A_374 = arith.mulf %get3A_373, %gather3A_369 : vector<16xf32>
          %swap3A_375 = arith.index_cast %add3A_354 : i32 to index
          %swap3A_376 = arith.constant 0 : index
          %swap3A_377 = tpu.vector_load %arg13[%swap3A_375, %swap3A_376] {strides = array<i32>} : memref<40x128xf32, #tpu.memory_space<vmem>>, vector<1x16xf32>,
          %swap3A_378 = vector.shape_cast %swap3A_377 : vector<1x16xf32> to vector<16xf32>
          %swap3A_379 = vector.shape_cast %mul3A_374 : vector<16xf32> to vector<1x16xf32>
          tpu.vector_store %arg13[%swap3A_375, %swap3A_376], %swap3A_379 {strides = array<i32>} : memref<40x128xf32, #tpu.memory_space<vmem>>, vector<1x16xf32>,
          %get3A_380 = arith.index_cast %add3A_354 : i32 to index
          %get3A_381 = arith.constant 16 : index
          %get3A_382 = tpu.vector_load %arg13[%get3A_380, %get3A_381] {strides = array<i32>} : memref<40x128xf32, #tpu.memory_space<vmem>>, vector<1x16xf32>,
          %get3A_383 = vector.shape_cast %get3A_382 : vector<1x16xf32> to vector<16xf32>
          %mul3A_384 = arith.mulf %get3A_383, %gather3A_369 : vector<16xf32>
          %swap3A_385 = arith.index_cast %add3A_354 : i32 to index
          %swap3A_386 = arith.constant 16 : index
          %swap3A_387 = tpu.vector_load %arg13[%swap3A_385, %swap3A_386] {strides = array<i32>} : memref<40x128xf32, #tpu.memory_space<vmem>>, vector<1x16xf32>,
          %swap3A_388 = vector.shape_cast %swap3A_387 : vector<1x16xf32> to vector<16xf32>
          %swap3A_389 = vector.shape_cast %mul3A_384 : vector<16xf32> to vector<1x16xf32>
          tpu.vector_store %arg13[%swap3A_385, %swap3A_386], %swap3A_389 {strides = array<i32>} : memref<40x128xf32, #tpu.memory_space<vmem>>, vector<1x16xf32>,
          %get3A_390 = arith.index_cast %add3A_354 : i32 to index
          %get3A_391 = arith.constant 32 : index
          %get3A_392 = tpu.vector_load %arg13[%get3A_390, %get3A_391] {strides = array<i32>} : memref<40x128xf32, #tpu.memory_space<vmem>>, vector<1x16xf32>,
          %get3A_393 = vector.shape_cast %get3A_392 : vector<1x16xf32> to vector<16xf32>
          %mul3A_394 = arith.mulf %get3A_393, %gather3A_369 : vector<16xf32>
          %swap3A_395 = arith.index_cast %add3A_354 : i32 to index
          %swap3A_396 = arith.constant 32 : index
          %swap3A_397 = tpu.vector_load %arg13[%swap3A_395, %swap3A_396] {strides = array<i32>} : memref<40x128xf32, #tpu.memory_space<vmem>>, vector<1x16xf32>,
          %swap3A_398 = vector.shape_cast %swap3A_397 : vector<1x16xf32> to vector<16xf32>
          %swap3A_399 = vector.shape_cast %mul3A_394 : vector<16xf32> to vector<1x16xf32>
          tpu.vector_store %arg13[%swap3A_395, %swap3A_396], %swap3A_399 {strides = array<i32>} : memref<40x128xf32, #tpu.memory_space<vmem>>, vector<1x16xf32>,
          %get3A_400 = arith.index_cast %add3A_354 : i32 to index
          %get3A_401 = arith.constant 48 : index
          %get3A_402 = tpu.vector_load %arg13[%get3A_400, %get3A_401] {strides = array<i32>} : memref<40x128xf32, #tpu.memory_space<vmem>>, vector<1x16xf32>,
          %get3A_403 = vector.shape_cast %get3A_402 : vector<1x16xf32> to vector<16xf32>
          %mul3A_404 = arith.mulf %get3A_403, %gather3A_369 : vector<16xf32>
          %swap3A_405 = arith.index_cast %add3A_354 : i32 to index
          %swap3A_406 = arith.constant 48 : index
          %swap3A_407 = tpu.vector_load %arg13[%swap3A_405, %swap3A_406] {strides = array<i32>} : memref<40x128xf32, #tpu.memory_space<vmem>>, vector<1x16xf32>,
          %swap3A_408 = vector.shape_cast %swap3A_407 : vector<1x16xf32> to vector<16xf32>
          %swap3A_409 = vector.shape_cast %mul3A_404 : vector<16xf32> to vector<1x16xf32>
          tpu.vector_store %arg13[%swap3A_405, %swap3A_406], %swap3A_409 {strides = array<i32>} : memref<40x128xf32, #tpu.memory_space<vmem>>, vector<1x16xf32>,
          %get3A_410 = arith.index_cast %add3A_354 : i32 to index
          %get3A_411 = arith.constant 64 : index
          %get3A_412 = tpu.vector_load %arg13[%get3A_410, %get3A_411] {strides = array<i32>} : memref<40x128xf32, #tpu.memory_space<vmem>>, vector<1x16xf32>,
          %get3A_413 = vector.shape_cast %get3A_412 : vector<1x16xf32> to vector<16xf32>
          %mul3A_414 = arith.mulf %get3A_413, %gather3A_369 : vector<16xf32>
          %swap3A_415 = arith.index_cast %add3A_354 : i32 to index
          %swap3A_416 = arith.constant 64 : index
          %swap3A_417 = tpu.vector_load %arg13[%swap3A_415, %swap3A_416] {strides = array<i32>} : memref<40x128xf32, #tpu.memory_space<vmem>>, vector<1x16xf32>,
          %swap3A_418 = vector.shape_cast %swap3A_417 : vector<1x16xf32> to vector<16xf32>
          %swap3A_419 = vector.shape_cast %mul3A_414 : vector<16xf32> to vector<1x16xf32>
          tpu.vector_store %arg13[%swap3A_415, %swap3A_416], %swap3A_419 {strides = array<i32>} : memref<40x128xf32, #tpu.memory_space<vmem>>, vector<1x16xf32>,
          %get3A_420 = arith.index_cast %add3A_354 : i32 to index
          %get3A_421 = arith.constant 80 : index
          %get3A_422 = tpu.vector_load %arg13[%get3A_420, %get3A_421] {strides = array<i32>} : memref<40x128xf32, #tpu.memory_space<vmem>>, vector<1x16xf32>,
          %get3A_423 = vector.shape_cast %get3A_422 : vector<1x16xf32> to vector<16xf32>
          %mul3A_424 = arith.mulf %get3A_423, %gather3A_369 : vector<16xf32>
          %swap3A_425 = arith.index_cast %add3A_354 : i32 to index
          %swap3A_426 = arith.constant 80 : index
          %swap3A_427 = tpu.vector_load %arg13[%swap3A_425, %swap3A_426] {strides = array<i32>} : memref<40x128xf32, #tpu.memory_space<vmem>>, vector<1x16xf32>,
          %swap3A_428 = vector.shape_cast %swap3A_427 : vector<1x16xf32> to vector<16xf32>
          %swap3A_429 = vector.shape_cast %mul3A_424 : vector<16xf32> to vector<1x16xf32>
          tpu.vector_store %arg13[%swap3A_425, %swap3A_426], %swap3A_429 {strides = array<i32>} : memref<40x128xf32, #tpu.memory_space<vmem>>, vector<1x16xf32>,
          %get3A_430 = arith.index_cast %add3A_354 : i32 to index
          %get3A_431 = arith.constant 96 : index
          %get3A_432 = tpu.vector_load %arg13[%get3A_430, %get3A_431] {strides = array<i32>} : memref<40x128xf32, #tpu.memory_space<vmem>>, vector<1x16xf32>,
          %get3A_433 = vector.shape_cast %get3A_432 : vector<1x16xf32> to vector<16xf32>
          %mul3A_434 = arith.mulf %get3A_433, %gather3A_369 : vector<16xf32>
          %swap3A_435 = arith.index_cast %add3A_354 : i32 to index
          %swap3A_436 = arith.constant 96 : index
          %swap3A_437 = tpu.vector_load %arg13[%swap3A_435, %swap3A_436] {strides = array<i32>} : memref<40x128xf32, #tpu.memory_space<vmem>>, vector<1x16xf32>,
          %swap3A_438 = vector.shape_cast %swap3A_437 : vector<1x16xf32> to vector<16xf32>
          %swap3A_439 = vector.shape_cast %mul3A_434 : vector<16xf32> to vector<1x16xf32>
          tpu.vector_store %arg13[%swap3A_435, %swap3A_436], %swap3A_439 {strides = array<i32>} : memref<40x128xf32, #tpu.memory_space<vmem>>, vector<1x16xf32>,
          %get3A_440 = arith.index_cast %add3A_354 : i32 to index
          %get3A_441 = arith.constant 112 : index
          %get3A_442 = tpu.vector_load %arg13[%get3A_440, %get3A_441] {strides = array<i32>} : memref<40x128xf32, #tpu.memory_space<vmem>>, vector<1x16xf32>,
          %get3A_443 = vector.shape_cast %get3A_442 : vector<1x16xf32> to vector<16xf32>
          %mul3A_444 = arith.mulf %get3A_443, %gather3A_369 : vector<16xf32>
          %swap3A_445 = arith.index_cast %add3A_354 : i32 to index
          %swap3A_446 = arith.constant 112 : index
          %swap3A_447 = tpu.vector_load %arg13[%swap3A_445, %swap3A_446] {strides = array<i32>} : memref<40x128xf32, #tpu.memory_space<vmem>>, vector<1x16xf32>,
          %swap3A_448 = vector.shape_cast %swap3A_447 : vector<1x16xf32> to vector<16xf32>
          %swap3A_449 = vector.shape_cast %mul3A_444 : vector<16xf32> to vector<1x16xf32>
          tpu.vector_store %arg13[%swap3A_445, %swap3A_446], %swap3A_449 {strides = array<i32>} : memref<40x128xf32, #tpu.memory_space<vmem>>, vector<1x16xf32>,
        }
        %scan3A_248 = arith.constant 4 : i32
      }
      %scan3A_144 = arith.constant 5 : i32
      %mul3A_145 = arith.constant 40 : i32
      %mul3A_146 = arith.muli %add3A_130, %mul3A_145 : i32
      %dma_start3A_147 = tpu.memref_slice %arg9[%mul3A_146] : memref<10000xi32, #tpu.memory_space<vmem>> -> memref<40xi32, #tpu.memory_space<vmem>>
      %dma_start3A_148 = arith.constant 0 : i32
      %dma_start3A_149 = arith.constant 0 : i32
      %dma_start3A_150 = tpu.memref_slice %arg8[%dma_start3A_148, %dma_start3A_149] : memref<10000x128xf32, #tpu.memory_space<vmem_shared>> -> memref<10000x128xf32, #tpu.memory_space<vmem_shared>>
      tpu.enqueue_indirect_dma source(%arg13 : memref<40x128xf32, #tpu.memory_space<vmem>>) target(%dma_start3A_150 : memref<10000x128xf32, #tpu.memory_space<vmem_shared>>) offsets(%dma_start3A_147 : memref<40xi32, #tpu.memory_space<vmem>>) semaphore(%arg21 : memref<!tpu.dma_semaphore, #tpu.memory_space<semaphore_mem>>) {add = true}
      %dma_wait3A_151 = arith.constant 0 : i32
      %dma_wait3A_152 = arith.constant 0 : i32
      %dma_wait3A_153 = tpu.memref_slice %arg2[%dma_wait3A_151, %dma_wait3A_152] : memref<10000x128xf32, #tpu.memory_space<hbm>> -> memref<40x128xf32, #tpu.memory_space<hbm>>
      %dma_wait3A_154 = arith.constant 0 : i32
      %dma_wait3A_155 = arith.constant 0 : i32
      %dma_wait3A_156 = tpu.memref_slice %arg2[%dma_wait3A_154, %dma_wait3A_155] : memref<10000x128xf32, #tpu.memory_space<hbm>> -> memref<40x128xf32, #tpu.memory_space<hbm>>
      tpu.wait_dma2 semaphore(%arg20 : memref<!tpu.dma_semaphore, #tpu.memory_space<semaphore_mem>>) src(%dma_wait3A_156 : memref<40x128xf32, #tpu.memory_space<hbm>>) dst(%arg12 : memref<40x128xf32, #tpu.memory_space<vmem>>)
      %add3A_157 = arith.constant 3 : i32
      %add3A_158 = arith.addi %add3A_130, %add3A_157 : i32
      %lt3A_159 = arith.constant 250 : i32
      %lt3A_160 = arith.cmpi slt, %add3A_158, %lt3A_159 : i32
      %convert_element_type3A_161 = arith.extui %lt3A_160 : i1 to i32
      %cond3A_162 = arith.constant 0 : i32
      %cond3A_163 = arith.cmpi ne, %convert_element_type3A_161, %cond3A_162 : i32
      scf.if %cond3A_163 {
        %add3A_238 = arith.constant 3 : i32
        %add3A_239 = arith.addi %add3A_130, %add3A_238 : i32
        %mul3A_240 = arith.constant 40 : i32
        %mul3A_241 = arith.muli %add3A_239, %mul3A_240 : i32
        %dma_start3A_242 = tpu.memref_slice %arg10[%mul3A_241] : memref<10000xi32, #tpu.memory_space<vmem>> -> memref<40xi32, #tpu.memory_space<vmem>>
        %dma_start3A_243 = arith.constant 0 : i32
        %dma_start3A_244 = arith.constant 0 : i32
        %dma_start3A_245 = tpu.memref_slice %arg2[%dma_start3A_243, %dma_start3A_244] : memref<10000x128xf32, #tpu.memory_space<hbm>> -> memref<10000x128xf32, #tpu.memory_space<hbm>>
        tpu.enqueue_indirect_dma source(%dma_start3A_245 : memref<10000x128xf32, #tpu.memory_space<hbm>>) target(%arg12 : memref<40x128xf32, #tpu.memory_space<vmem>>) offsets(%dma_start3A_242 : memref<40xi32, #tpu.memory_space<vmem>>) semaphore(%arg16 : memref<!tpu.dma_semaphore, #tpu.memory_space<semaphore_mem>>)
      } else {
      }
      %mul3A_164 = arith.constant 4 : i32
      %mul3A_165 = arith.muli %scan3A_90, %mul3A_164 : i32
      %add3A_166 = arith.constant 2 : i32
      %add3A_167 = arith.addi %mul3A_165, %add3A_166 : i32
      %dma_wait3A_168 = arith.constant 0 : i32
      %dma_wait3A_169 = arith.constant 0 : i32
      %dma_wait3A_170 = tpu.memref_slice %arg2[%dma_wait3A_168, %dma_wait3A_169] : memref<10000x128xf32, #tpu.memory_space<hbm>> -> memref<40x128xf32, #tpu.memory_space<hbm>>
      %dma_wait3A_171 = arith.constant 0 : i32
      %dma_wait3A_172 = arith.constant 0 : i32
      %dma_wait3A_173 = tpu.memref_slice %arg2[%dma_wait3A_171, %dma_wait3A_172] : memref<10000x128xf32, #tpu.memory_space<hbm>> -> memref<40x128xf32, #tpu.memory_space<hbm>>
      tpu.wait_dma2 semaphore(%arg18 : memref<!tpu.dma_semaphore, #tpu.memory_space<semaphore_mem>>) src(%dma_wait3A_173 : memref<40x128xf32, #tpu.memory_space<hbm>>) dst(%arg14 : memref<40x128xf32, #tpu.memory_space<vmem>>)
      %mul3A_174 = arith.constant 40 : i32
      %mul3A_175 = arith.muli %add3A_167, %mul3A_174 : i32
      %scan3A_176 = arith.constant 0 : i32
      %scan3A_177 = arith.constant 0 : i32
      %scan3A_178 = arith.constant 5 : i32
      %scan3A_179 = arith.addi %scan3A_177, %scan3A_178 : i32
      %scan3A_180 = arith.constant 1 : i32
      scf.for %scan3A_238 = %scan3A_177 to %scan3A_179 step %scan3A_180  : i32 {
        %mul3A_239 = arith.constant 8 : i32
        %mul3A_240 = arith.muli %scan3A_238, %mul3A_239 : i32
        %add3A_241 = arith.addi %mul3A_175, %mul3A_240 : i32
        %get3A = arith.index_cast %add3A_241 : i32 to index
        %get3A_242 = tpu.vector_load %arg11[%get3A] {strides = array<i32>} : memref<10000xf32, #tpu.memory_space<vmem>>, vector<16xf32>,
        %get3A_243 = vector.shape_cast %get3A_242 : vector<16xf32> to vector<16xf32>
        %scan3A_244 = arith.constant 0 : i32
        %scan3A_245 = arith.constant 4 : i32
        %scan3A_246 = arith.addi %scan3A_244, %scan3A_245 : i32
        %scan3A_247 = arith.constant 1 : i32
        scf.for %scan3A_249 = %scan3A_244 to %scan3A_246 step %scan3A_247  : i32 {
          %mul3A_250 = arith.constant 8 : i32
          %mul3A_251 = arith.muli %scan3A_238, %mul3A_250 : i32
          %mul3A_252 = arith.constant 2 : i32
          %mul3A_253 = arith.muli %scan3A_249, %mul3A_252 : i32
          %add3A_254 = arith.addi %mul3A_251, %mul3A_253 : i32
          %add3A_255 = arith.constant 0 : i32
          %add3A_256 = arith.addi %add3A_254, %add3A_255 : i32
          %mul3A_257 = arith.constant 2 : i32
          %mul3A_258 = arith.muli %scan3A_249, %mul3A_257 : i32
          %add3A_259 = arith.constant 0 : i32
          %add3A_260 = arith.addi %mul3A_258, %add3A_259 : i32
          %broadcast_in_dim3A = vector.broadcast %add3A_260 : i32 to vector<16xi32>
          %lt3A_261 = arith.constant 0 : i32
          %lt3A_262 = vector.broadcast %lt3A_261 : i32 to vector<16xi32>
          %lt3A_263 = arith.cmpi slt, %broadcast_in_dim3A, %lt3A_262 : vector<16xi32>
          %add3A_264 = arith.constant 16 : i32
          %add3A_265 = vector.broadcast %add3A_264 : i32 to vector<16xi32>
          %add3A_266 = arith.addi %broadcast_in_dim3A, %add3A_265 : vector<16xi32>
          %select_n3A = arith.select %lt3A_263, %add3A_266, %broadcast_in_dim3A : vector<16xi1>, vector<16xi32>
          %broadcast_in_dim3A_267 = vector.shape_cast %select_n3A : vector<16xi32> to vector<16x1xi32>
          %gather3A = vector.shape_cast %broadcast_in_dim3A_267 : vector<16x1xi32> to vector<16xi32>
          %gather3A_268 = tpu.dynamic_gather %get3A_243[%gather3A] in [0] : vector<16xf32>, vector<16xi32> -> vector<16xf32>
          %get3A_269 = arith.index_cast %add3A_256 : i32 to index
          %get3A_270 = arith.constant 0 : index
          %get3A_271 = tpu.vector_load %arg14[%get3A_269, %get3A_270] {strides = array<i32>} : memref<40x128xf32, #tpu.memory_space<vmem>>, vector<1x16xf32>,
          %get3A_272 = vector.shape_cast %get3A_271 : vector<1x16xf32> to vector<16xf32>
          %mul3A_273 = arith.mulf %get3A_272, %gather3A_268 : vector<16xf32>
          %swap3A = arith.index_cast %add3A_256 : i32 to index
          %swap3A_274 = arith.constant 0 : index
          %swap3A_275 = tpu.vector_load %arg14[%swap3A, %swap3A_274] {strides = array<i32>} : memref<40x128xf32, #tpu.memory_space<vmem>>, vector<1x16xf32>,
          %swap3A_276 = vector.shape_cast %swap3A_275 : vector<1x16xf32> to vector<16xf32>
          %swap3A_277 = vector.shape_cast %mul3A_273 : vector<16xf32> to vector<1x16xf32>
          tpu.vector_store %arg14[%swap3A, %swap3A_274], %swap3A_277 {strides = array<i32>} : memref<40x128xf32, #tpu.memory_space<vmem>>, vector<1x16xf32>,
          %get3A_278 = arith.index_cast %add3A_256 : i32 to index
          %get3A_279 = arith.constant 16 : index
          %get3A_280 = tpu.vector_load %arg14[%get3A_278, %get3A_279] {strides = array<i32>} : memref<40x128xf32, #tpu.memory_space<vmem>>, vector<1x16xf32>,
          %get3A_281 = vector.shape_cast %get3A_280 : vector<1x16xf32> to vector<16xf32>
          %mul3A_282 = arith.mulf %get3A_281, %gather3A_268 : vector<16xf32>
          %swap3A_283 = arith.index_cast %add3A_256 : i32 to index
          %swap3A_284 = arith.constant 16 : index
          %swap3A_285 = tpu.vector_load %arg14[%swap3A_283, %swap3A_284] {strides = array<i32>} : memref<40x128xf32, #tpu.memory_space<vmem>>, vector<1x16xf32>,
          %swap3A_286 = vector.shape_cast %swap3A_285 : vector<1x16xf32> to vector<16xf32>
          %swap3A_287 = vector.shape_cast %mul3A_282 : vector<16xf32> to vector<1x16xf32>
          tpu.vector_store %arg14[%swap3A_283, %swap3A_284], %swap3A_287 {strides = array<i32>} : memref<40x128xf32, #tpu.memory_space<vmem>>, vector<1x16xf32>,
          %get3A_288 = arith.index_cast %add3A_256 : i32 to index
          %get3A_289 = arith.constant 32 : index
          %get3A_290 = tpu.vector_load %arg14[%get3A_288, %get3A_289] {strides = array<i32>} : memref<40x128xf32, #tpu.memory_space<vmem>>, vector<1x16xf32>,
          %get3A_291 = vector.shape_cast %get3A_290 : vector<1x16xf32> to vector<16xf32>
          %mul3A_292 = arith.mulf %get3A_291, %gather3A_268 : vector<16xf32>
          %swap3A_293 = arith.index_cast %add3A_256 : i32 to index
          %swap3A_294 = arith.constant 32 : index
          %swap3A_295 = tpu.vector_load %arg14[%swap3A_293, %swap3A_294] {strides = array<i32>} : memref<40x128xf32, #tpu.memory_space<vmem>>, vector<1x16xf32>,
          %swap3A_296 = vector.shape_cast %swap3A_295 : vector<1x16xf32> to vector<16xf32>
          %swap3A_297 = vector.shape_cast %mul3A_292 : vector<16xf32> to vector<1x16xf32>
          tpu.vector_store %arg14[%swap3A_293, %swap3A_294], %swap3A_297 {strides = array<i32>} : memref<40x128xf32, #tpu.memory_space<vmem>>, vector<1x16xf32>,
          %get3A_298 = arith.index_cast %add3A_256 : i32 to index
          %get3A_299 = arith.constant 48 : index
          %get3A_300 = tpu.vector_load %arg14[%get3A_298, %get3A_299] {strides = array<i32>} : memref<40x128xf32, #tpu.memory_space<vmem>>, vector<1x16xf32>,
          %get3A_301 = vector.shape_cast %get3A_300 : vector<1x16xf32> to vector<16xf32>
          %mul3A_302 = arith.mulf %get3A_301, %gather3A_268 : vector<16xf32>
          %swap3A_303 = arith.index_cast %add3A_256 : i32 to index
          %swap3A_304 = arith.constant 48 : index
          %swap3A_305 = tpu.vector_load %arg14[%swap3A_303, %swap3A_304] {strides = array<i32>} : memref<40x128xf32, #tpu.memory_space<vmem>>, vector<1x16xf32>,
          %swap3A_306 = vector.shape_cast %swap3A_305 : vector<1x16xf32> to vector<16xf32>
          %swap3A_307 = vector.shape_cast %mul3A_302 : vector<16xf32> to vector<1x16xf32>
          tpu.vector_store %arg14[%swap3A_303, %swap3A_304], %swap3A_307 {strides = array<i32>} : memref<40x128xf32, #tpu.memory_space<vmem>>, vector<1x16xf32>,
          %get3A_308 = arith.index_cast %add3A_256 : i32 to index
          %get3A_309 = arith.constant 64 : index
          %get3A_310 = tpu.vector_load %arg14[%get3A_308, %get3A_309] {strides = array<i32>} : memref<40x128xf32, #tpu.memory_space<vmem>>, vector<1x16xf32>,
          %get3A_311 = vector.shape_cast %get3A_310 : vector<1x16xf32> to vector<16xf32>
          %mul3A_312 = arith.mulf %get3A_311, %gather3A_268 : vector<16xf32>
          %swap3A_313 = arith.index_cast %add3A_256 : i32 to index
          %swap3A_314 = arith.constant 64 : index
          %swap3A_315 = tpu.vector_load %arg14[%swap3A_313, %swap3A_314] {strides = array<i32>} : memref<40x128xf32, #tpu.memory_space<vmem>>, vector<1x16xf32>,
          %swap3A_316 = vector.shape_cast %swap3A_315 : vector<1x16xf32> to vector<16xf32>
          %swap3A_317 = vector.shape_cast %mul3A_312 : vector<16xf32> to vector<1x16xf32>
          tpu.vector_store %arg14[%swap3A_313, %swap3A_314], %swap3A_317 {strides = array<i32>} : memref<40x128xf32, #tpu.memory_space<vmem>>, vector<1x16xf32>,
          %get3A_318 = arith.index_cast %add3A_256 : i32 to index
          %get3A_319 = arith.constant 80 : index
          %get3A_320 = tpu.vector_load %arg14[%get3A_318, %get3A_319] {strides = array<i32>} : memref<40x128xf32, #tpu.memory_space<vmem>>, vector<1x16xf32>,
          %get3A_321 = vector.shape_cast %get3A_320 : vector<1x16xf32> to vector<16xf32>
          %mul3A_322 = arith.mulf %get3A_321, %gather3A_268 : vector<16xf32>
          %swap3A_323 = arith.index_cast %add3A_256 : i32 to index
          %swap3A_324 = arith.constant 80 : index
          %swap3A_325 = tpu.vector_load %arg14[%swap3A_323, %swap3A_324] {strides = array<i32>} : memref<40x128xf32, #tpu.memory_space<vmem>>, vector<1x16xf32>,
          %swap3A_326 = vector.shape_cast %swap3A_325 : vector<1x16xf32> to vector<16xf32>
          %swap3A_327 = vector.shape_cast %mul3A_322 : vector<16xf32> to vector<1x16xf32>
          tpu.vector_store %arg14[%swap3A_323, %swap3A_324], %swap3A_327 {strides = array<i32>} : memref<40x128xf32, #tpu.memory_space<vmem>>, vector<1x16xf32>,
          %get3A_328 = arith.index_cast %add3A_256 : i32 to index
          %get3A_329 = arith.constant 96 : index
          %get3A_330 = tpu.vector_load %arg14[%get3A_328, %get3A_329] {strides = array<i32>} : memref<40x128xf32, #tpu.memory_space<vmem>>, vector<1x16xf32>,
          %get3A_331 = vector.shape_cast %get3A_330 : vector<1x16xf32> to vector<16xf32>
          %mul3A_332 = arith.mulf %get3A_331, %gather3A_268 : vector<16xf32>
          %swap3A_333 = arith.index_cast %add3A_256 : i32 to index
          %swap3A_334 = arith.constant 96 : index
          %swap3A_335 = tpu.vector_load %arg14[%swap3A_333, %swap3A_334] {strides = array<i32>} : memref<40x128xf32, #tpu.memory_space<vmem>>, vector<1x16xf32>,
          %swap3A_336 = vector.shape_cast %swap3A_335 : vector<1x16xf32> to vector<16xf32>
          %swap3A_337 = vector.shape_cast %mul3A_332 : vector<16xf32> to vector<1x16xf32>
          tpu.vector_store %arg14[%swap3A_333, %swap3A_334], %swap3A_337 {strides = array<i32>} : memref<40x128xf32, #tpu.memory_space<vmem>>, vector<1x16xf32>,
          %get3A_338 = arith.index_cast %add3A_256 : i32 to index
          %get3A_339 = arith.constant 112 : index
          %get3A_340 = tpu.vector_load %arg14[%get3A_338, %get3A_339] {strides = array<i32>} : memref<40x128xf32, #tpu.memory_space<vmem>>, vector<1x16xf32>,
          %get3A_341 = vector.shape_cast %get3A_340 : vector<1x16xf32> to vector<16xf32>
          %mul3A_342 = arith.mulf %get3A_341, %gather3A_268 : vector<16xf32>
          %swap3A_343 = arith.index_cast %add3A_256 : i32 to index
          %swap3A_344 = arith.constant 112 : index
          %swap3A_345 = tpu.vector_load %arg14[%swap3A_343, %swap3A_344] {strides = array<i32>} : memref<40x128xf32, #tpu.memory_space<vmem>>, vector<1x16xf32>,
          %swap3A_346 = vector.shape_cast %swap3A_345 : vector<1x16xf32> to vector<16xf32>
          %swap3A_347 = vector.shape_cast %mul3A_342 : vector<16xf32> to vector<1x16xf32>
          tpu.vector_store %arg14[%swap3A_343, %swap3A_344], %swap3A_347 {strides = array<i32>} : memref<40x128xf32, #tpu.memory_space<vmem>>, vector<1x16xf32>,
          %mul3A_348 = arith.constant 8 : i32
          %mul3A_349 = arith.muli %scan3A_238, %mul3A_348 : i32
          %mul3A_350 = arith.constant 2 : i32
          %mul3A_351 = arith.muli %scan3A_249, %mul3A_350 : i32
          %add3A_352 = arith.addi %mul3A_349, %mul3A_351 : i32
          %add3A_353 = arith.constant 1 : i32
          %add3A_354 = arith.addi %add3A_352, %add3A_353 : i32
          %mul3A_355 = arith.constant 2 : i32
          %mul3A_356 = arith.muli %scan3A_249, %mul3A_355 : i32
          %add3A_357 = arith.constant 1 : i32
          %add3A_358 = arith.addi %mul3A_356, %add3A_357 : i32
          %broadcast_in_dim3A_359 = vector.broadcast %add3A_358 : i32 to vector<16xi32>
          %lt3A_360 = arith.constant 0 : i32
          %lt3A_361 = vector.broadcast %lt3A_360 : i32 to vector<16xi32>
          %lt3A_362 = arith.cmpi slt, %broadcast_in_dim3A_359, %lt3A_361 : vector<16xi32>
          %add3A_363 = arith.constant 16 : i32
          %add3A_364 = vector.broadcast %add3A_363 : i32 to vector<16xi32>
          %add3A_365 = arith.addi %broadcast_in_dim3A_359, %add3A_364 : vector<16xi32>
          %select_n3A_366 = arith.select %lt3A_362, %add3A_365, %broadcast_in_dim3A_359 : vector<16xi1>, vector<16xi32>
          %broadcast_in_dim3A_367 = vector.shape_cast %select_n3A_366 : vector<16xi32> to vector<16x1xi32>
          %gather3A_368 = vector.shape_cast %broadcast_in_dim3A_367 : vector<16x1xi32> to vector<16xi32>
          %gather3A_369 = tpu.dynamic_gather %get3A_243[%gather3A_368] in [0] : vector<16xf32>, vector<16xi32> -> vector<16xf32>
          %get3A_370 = arith.index_cast %add3A_354 : i32 to index
          %get3A_371 = arith.constant 0 : index
          %get3A_372 = tpu.vector_load %arg14[%get3A_370, %get3A_371] {strides = array<i32>} : memref<40x128xf32, #tpu.memory_space<vmem>>, vector<1x16xf32>,
          %get3A_373 = vector.shape_cast %get3A_372 : vector<1x16xf32> to vector<16xf32>
          %mul3A_374 = arith.mulf %get3A_373, %gather3A_369 : vector<16xf32>
          %swap3A_375 = arith.index_cast %add3A_354 : i32 to index
          %swap3A_376 = arith.constant 0 : index
          %swap3A_377 = tpu.vector_load %arg14[%swap3A_375, %swap3A_376] {strides = array<i32>} : memref<40x128xf32, #tpu.memory_space<vmem>>, vector<1x16xf32>,
          %swap3A_378 = vector.shape_cast %swap3A_377 : vector<1x16xf32> to vector<16xf32>
          %swap3A_379 = vector.shape_cast %mul3A_374 : vector<16xf32> to vector<1x16xf32>
          tpu.vector_store %arg14[%swap3A_375, %swap3A_376], %swap3A_379 {strides = array<i32>} : memref<40x128xf32, #tpu.memory_space<vmem>>, vector<1x16xf32>,
          %get3A_380 = arith.index_cast %add3A_354 : i32 to index
          %get3A_381 = arith.constant 16 : index
          %get3A_382 = tpu.vector_load %arg14[%get3A_380, %get3A_381] {strides = array<i32>} : memref<40x128xf32, #tpu.memory_space<vmem>>, vector<1x16xf32>,
          %get3A_383 = vector.shape_cast %get3A_382 : vector<1x16xf32> to vector<16xf32>
          %mul3A_384 = arith.mulf %get3A_383, %gather3A_369 : vector<16xf32>
          %swap3A_385 = arith.index_cast %add3A_354 : i32 to index
          %swap3A_386 = arith.constant 16 : index
          %swap3A_387 = tpu.vector_load %arg14[%swap3A_385, %swap3A_386] {strides = array<i32>} : memref<40x128xf32, #tpu.memory_space<vmem>>, vector<1x16xf32>,
          %swap3A_388 = vector.shape_cast %swap3A_387 : vector<1x16xf32> to vector<16xf32>
          %swap3A_389 = vector.shape_cast %mul3A_384 : vector<16xf32> to vector<1x16xf32>
          tpu.vector_store %arg14[%swap3A_385, %swap3A_386], %swap3A_389 {strides = array<i32>} : memref<40x128xf32, #tpu.memory_space<vmem>>, vector<1x16xf32>,
          %get3A_390 = arith.index_cast %add3A_354 : i32 to index
          %get3A_391 = arith.constant 32 : index
          %get3A_392 = tpu.vector_load %arg14[%get3A_390, %get3A_391] {strides = array<i32>} : memref<40x128xf32, #tpu.memory_space<vmem>>, vector<1x16xf32>,
          %get3A_393 = vector.shape_cast %get3A_392 : vector<1x16xf32> to vector<16xf32>
          %mul3A_394 = arith.mulf %get3A_393, %gather3A_369 : vector<16xf32>
          %swap3A_395 = arith.index_cast %add3A_354 : i32 to index
          %swap3A_396 = arith.constant 32 : index
          %swap3A_397 = tpu.vector_load %arg14[%swap3A_395, %swap3A_396] {strides = array<i32>} : memref<40x128xf32, #tpu.memory_space<vmem>>, vector<1x16xf32>,
          %swap3A_398 = vector.shape_cast %swap3A_397 : vector<1x16xf32> to vector<16xf32>
          %swap3A_399 = vector.shape_cast %mul3A_394 : vector<16xf32> to vector<1x16xf32>
          tpu.vector_store %arg14[%swap3A_395, %swap3A_396], %swap3A_399 {strides = array<i32>} : memref<40x128xf32, #tpu.memory_space<vmem>>, vector<1x16xf32>,
          %get3A_400 = arith.index_cast %add3A_354 : i32 to index
          %get3A_401 = arith.constant 48 : index
          %get3A_402 = tpu.vector_load %arg14[%get3A_400, %get3A_401] {strides = array<i32>} : memref<40x128xf32, #tpu.memory_space<vmem>>, vector<1x16xf32>,
          %get3A_403 = vector.shape_cast %get3A_402 : vector<1x16xf32> to vector<16xf32>
          %mul3A_404 = arith.mulf %get3A_403, %gather3A_369 : vector<16xf32>
          %swap3A_405 = arith.index_cast %add3A_354 : i32 to index
          %swap3A_406 = arith.constant 48 : index
          %swap3A_407 = tpu.vector_load %arg14[%swap3A_405, %swap3A_406] {strides = array<i32>} : memref<40x128xf32, #tpu.memory_space<vmem>>, vector<1x16xf32>,
          %swap3A_408 = vector.shape_cast %swap3A_407 : vector<1x16xf32> to vector<16xf32>
          %swap3A_409 = vector.shape_cast %mul3A_404 : vector<16xf32> to vector<1x16xf32>
          tpu.vector_store %arg14[%swap3A_405, %swap3A_406], %swap3A_409 {strides = array<i32>} : memref<40x128xf32, #tpu.memory_space<vmem>>, vector<1x16xf32>,
          %get3A_410 = arith.index_cast %add3A_354 : i32 to index
          %get3A_411 = arith.constant 64 : index
          %get3A_412 = tpu.vector_load %arg14[%get3A_410, %get3A_411] {strides = array<i32>} : memref<40x128xf32, #tpu.memory_space<vmem>>, vector<1x16xf32>,
          %get3A_413 = vector.shape_cast %get3A_412 : vector<1x16xf32> to vector<16xf32>
          %mul3A_414 = arith.mulf %get3A_413, %gather3A_369 : vector<16xf32>
          %swap3A_415 = arith.index_cast %add3A_354 : i32 to index
          %swap3A_416 = arith.constant 64 : index
          %swap3A_417 = tpu.vector_load %arg14[%swap3A_415, %swap3A_416] {strides = array<i32>} : memref<40x128xf32, #tpu.memory_space<vmem>>, vector<1x16xf32>,
          %swap3A_418 = vector.shape_cast %swap3A_417 : vector<1x16xf32> to vector<16xf32>
          %swap3A_419 = vector.shape_cast %mul3A_414 : vector<16xf32> to vector<1x16xf32>
          tpu.vector_store %arg14[%swap3A_415, %swap3A_416], %swap3A_419 {strides = array<i32>} : memref<40x128xf32, #tpu.memory_space<vmem>>, vector<1x16xf32>,
          %get3A_420 = arith.index_cast %add3A_354 : i32 to index
          %get3A_421 = arith.constant 80 : index
          %get3A_422 = tpu.vector_load %arg14[%get3A_420, %get3A_421] {strides = array<i32>} : memref<40x128xf32, #tpu.memory_space<vmem>>, vector<1x16xf32>,
          %get3A_423 = vector.shape_cast %get3A_422 : vector<1x16xf32> to vector<16xf32>
          %mul3A_424 = arith.mulf %get3A_423, %gather3A_369 : vector<16xf32>
          %swap3A_425 = arith.index_cast %add3A_354 : i32 to index
          %swap3A_426 = arith.constant 80 : index
          %swap3A_427 = tpu.vector_load %arg14[%swap3A_425, %swap3A_426] {strides = array<i32>} : memref<40x128xf32, #tpu.memory_space<vmem>>, vector<1x16xf32>,
          %swap3A_428 = vector.shape_cast %swap3A_427 : vector<1x16xf32> to vector<16xf32>
          %swap3A_429 = vector.shape_cast %mul3A_424 : vector<16xf32> to vector<1x16xf32>
          tpu.vector_store %arg14[%swap3A_425, %swap3A_426], %swap3A_429 {strides = array<i32>} : memref<40x128xf32, #tpu.memory_space<vmem>>, vector<1x16xf32>,
          %get3A_430 = arith.index_cast %add3A_354 : i32 to index
          %get3A_431 = arith.constant 96 : index
          %get3A_432 = tpu.vector_load %arg14[%get3A_430, %get3A_431] {strides = array<i32>} : memref<40x128xf32, #tpu.memory_space<vmem>>, vector<1x16xf32>,
          %get3A_433 = vector.shape_cast %get3A_432 : vector<1x16xf32> to vector<16xf32>
          %mul3A_434 = arith.mulf %get3A_433, %gather3A_369 : vector<16xf32>
          %swap3A_435 = arith.index_cast %add3A_354 : i32 to index
          %swap3A_436 = arith.constant 96 : index
          %swap3A_437 = tpu.vector_load %arg14[%swap3A_435, %swap3A_436] {strides = array<i32>} : memref<40x128xf32, #tpu.memory_space<vmem>>, vector<1x16xf32>,
          %swap3A_438 = vector.shape_cast %swap3A_437 : vector<1x16xf32> to vector<16xf32>
          %swap3A_439 = vector.shape_cast %mul3A_434 : vector<16xf32> to vector<1x16xf32>
          tpu.vector_store %arg14[%swap3A_435, %swap3A_436], %swap3A_439 {strides = array<i32>} : memref<40x128xf32, #tpu.memory_space<vmem>>, vector<1x16xf32>,
          %get3A_440 = arith.index_cast %add3A_354 : i32 to index
          %get3A_441 = arith.constant 112 : index
          %get3A_442 = tpu.vector_load %arg14[%get3A_440, %get3A_441] {strides = array<i32>} : memref<40x128xf32, #tpu.memory_space<vmem>>, vector<1x16xf32>,
          %get3A_443 = vector.shape_cast %get3A_442 : vector<1x16xf32> to vector<16xf32>
          %mul3A_444 = arith.mulf %get3A_443, %gather3A_369 : vector<16xf32>
          %swap3A_445 = arith.index_cast %add3A_354 : i32 to index
          %swap3A_446 = arith.constant 112 : index
          %swap3A_447 = tpu.vector_load %arg14[%swap3A_445, %swap3A_446] {strides = array<i32>} : memref<40x128xf32, #tpu.memory_space<vmem>>, vector<1x16xf32>,
          %swap3A_448 = vector.shape_cast %swap3A_447 : vector<1x16xf32> to vector<16xf32>
          %swap3A_449 = vector.shape_cast %mul3A_444 : vector<16xf32> to vector<1x16xf32>
          tpu.vector_store %arg14[%swap3A_445, %swap3A_446], %swap3A_449 {strides = array<i32>} : memref<40x128xf32, #tpu.memory_space<vmem>>, vector<1x16xf32>,
        }
        %scan3A_248 = arith.constant 4 : i32
      }
      %scan3A_181 = arith.constant 5 : i32
      %mul3A_182 = arith.constant 40 : i32
      %mul3A_183 = arith.muli %add3A_167, %mul3A_182 : i32
      %dma_start3A_184 = tpu.memref_slice %arg9[%mul3A_183] : memref<10000xi32, #tpu.memory_space<vmem>> -> memref<40xi32, #tpu.memory_space<vmem>>
      %dma_start3A_185 = arith.constant 0 : i32
      %dma_start3A_186 = arith.constant 0 : i32
      %dma_start3A_187 = tpu.memref_slice %arg8[%dma_start3A_185, %dma_start3A_186] : memref<10000x128xf32, #tpu.memory_space<vmem_shared>> -> memref<10000x128xf32, #tpu.memory_space<vmem_shared>>
      tpu.enqueue_indirect_dma source(%arg14 : memref<40x128xf32, #tpu.memory_space<vmem>>) target(%dma_start3A_187 : memref<10000x128xf32, #tpu.memory_space<vmem_shared>>) offsets(%dma_start3A_184 : memref<40xi32, #tpu.memory_space<vmem>>) semaphore(%arg22 : memref<!tpu.dma_semaphore, #tpu.memory_space<semaphore_mem>>) {add = true}
      %dma_wait3A_188 = arith.constant 0 : i32
      %dma_wait3A_189 = arith.constant 0 : i32
      %dma_wait3A_190 = tpu.memref_slice %arg2[%dma_wait3A_188, %dma_wait3A_189] : memref<10000x128xf32, #tpu.memory_space<hbm>> -> memref<40x128xf32, #tpu.memory_space<hbm>>
      %dma_wait3A_191 = arith.constant 0 : i32
      %dma_wait3A_192 = arith.constant 0 : i32
      %dma_wait3A_193 = tpu.memref_slice %arg2[%dma_wait3A_191, %dma_wait3A_192] : memref<10000x128xf32, #tpu.memory_space<hbm>> -> memref<40x128xf32, #tpu.memory_space<hbm>>
      tpu.wait_dma2 semaphore(%arg21 : memref<!tpu.dma_semaphore, #tpu.memory_space<semaphore_mem>>) src(%dma_wait3A_193 : memref<40x128xf32, #tpu.memory_space<hbm>>) dst(%arg13 : memref<40x128xf32, #tpu.memory_space<vmem>>)
      %add3A_194 = arith.constant 3 : i32
      %add3A_195 = arith.addi %add3A_167, %add3A_194 : i32
      %lt3A_196 = arith.constant 250 : i32
      %lt3A_197 = arith.cmpi slt, %add3A_195, %lt3A_196 : i32
      %convert_element_type3A_198 = arith.extui %lt3A_197 : i1 to i32
      %cond3A_199 = arith.constant 0 : i32
      %cond3A_200 = arith.cmpi ne, %convert_element_type3A_198, %cond3A_199 : i32
      scf.if %cond3A_200 {
        %add3A_238 = arith.constant 3 : i32
        %add3A_239 = arith.addi %add3A_167, %add3A_238 : i32
        %mul3A_240 = arith.constant 40 : i32
        %mul3A_241 = arith.muli %add3A_239, %mul3A_240 : i32
        %dma_start3A_242 = tpu.memref_slice %arg10[%mul3A_241] : memref<10000xi32, #tpu.memory_space<vmem>> -> memref<40xi32, #tpu.memory_space<vmem>>
        %dma_start3A_243 = arith.constant 0 : i32
        %dma_start3A_244 = arith.constant 0 : i32
        %dma_start3A_245 = tpu.memref_slice %arg2[%dma_start3A_243, %dma_start3A_244] : memref<10000x128xf32, #tpu.memory_space<hbm>> -> memref<10000x128xf32, #tpu.memory_space<hbm>>
        tpu.enqueue_indirect_dma source(%dma_start3A_245 : memref<10000x128xf32, #tpu.memory_space<hbm>>) target(%arg13 : memref<40x128xf32, #tpu.memory_space<vmem>>) offsets(%dma_start3A_242 : memref<40xi32, #tpu.memory_space<vmem>>) semaphore(%arg17 : memref<!tpu.dma_semaphore, #tpu.memory_space<semaphore_mem>>)
      } else {
      }
      %mul3A_201 = arith.constant 4 : i32
      %mul3A_202 = arith.muli %scan3A_90, %mul3A_201 : i32
      %add3A_203 = arith.constant 3 : i32
      %add3A_204 = arith.addi %mul3A_202, %add3A_203 : i32
      %dma_wait3A_205 = arith.constant 0 : i32
      %dma_wait3A_206 = arith.constant 0 : i32
      %dma_wait3A_207 = tpu.memref_slice %arg2[%dma_wait3A_205, %dma_wait3A_206] : memref<10000x128xf32, #tpu.memory_space<hbm>> -> memref<40x128xf32, #tpu.memory_space<hbm>>
      %dma_wait3A_208 = arith.constant 0 : i32
      %dma_wait3A_209 = arith.constant 0 : i32
      %dma_wait3A_210 = tpu.memref_slice %arg2[%dma_wait3A_208, %dma_wait3A_209] : memref<10000x128xf32, #tpu.memory_space<hbm>> -> memref<40x128xf32, #tpu.memory_space<hbm>>
      tpu.wait_dma2 semaphore(%arg19 : memref<!tpu.dma_semaphore, #tpu.memory_space<semaphore_mem>>) src(%dma_wait3A_210 : memref<40x128xf32, #tpu.memory_space<hbm>>) dst(%arg15 : memref<40x128xf32, #tpu.memory_space<vmem>>)
      %mul3A_211 = arith.constant 40 : i32
      %mul3A_212 = arith.muli %add3A_204, %mul3A_211 : i32
      %scan3A_213 = arith.constant 0 : i32
      %scan3A_214 = arith.constant 0 : i32
      %scan3A_215 = arith.constant 5 : i32
      %scan3A_216 = arith.addi %scan3A_214, %scan3A_215 : i32
      %scan3A_217 = arith.constant 1 : i32
      scf.for %scan3A_238 = %scan3A_214 to %scan3A_216 step %scan3A_217  : i32 {
        %mul3A_239 = arith.constant 8 : i32
        %mul3A_240 = arith.muli %scan3A_238, %mul3A_239 : i32
        %add3A_241 = arith.addi %mul3A_212, %mul3A_240 : i32
        %get3A = arith.index_cast %add3A_241 : i32 to index
        %get3A_242 = tpu.vector_load %arg11[%get3A] {strides = array<i32>} : memref<10000xf32, #tpu.memory_space<vmem>>, vector<16xf32>,
        %get3A_243 = vector.shape_cast %get3A_242 : vector<16xf32> to vector<16xf32>
        %scan3A_244 = arith.constant 0 : i32
        %scan3A_245 = arith.constant 4 : i32
        %scan3A_246 = arith.addi %scan3A_244, %scan3A_245 : i32
        %scan3A_247 = arith.constant 1 : i32
        scf.for %scan3A_249 = %scan3A_244 to %scan3A_246 step %scan3A_247  : i32 {
          %mul3A_250 = arith.constant 8 : i32
          %mul3A_251 = arith.muli %scan3A_238, %mul3A_250 : i32
          %mul3A_252 = arith.constant 2 : i32
          %mul3A_253 = arith.muli %scan3A_249, %mul3A_252 : i32
          %add3A_254 = arith.addi %mul3A_251, %mul3A_253 : i32
          %add3A_255 = arith.constant 0 : i32
          %add3A_256 = arith.addi %add3A_254, %add3A_255 : i32
          %mul3A_257 = arith.constant 2 : i32
          %mul3A_258 = arith.muli %scan3A_249, %mul3A_257 : i32
          %add3A_259 = arith.constant 0 : i32
          %add3A_260 = arith.addi %mul3A_258, %add3A_259 : i32
          %broadcast_in_dim3A = vector.broadcast %add3A_260 : i32 to vector<16xi32>
          %lt3A_261 = arith.constant 0 : i32
          %lt3A_262 = vector.broadcast %lt3A_261 : i32 to vector<16xi32>
          %lt3A_263 = arith.cmpi slt, %broadcast_in_dim3A, %lt3A_262 : vector<16xi32>
          %add3A_264 = arith.constant 16 : i32
          %add3A_265 = vector.broadcast %add3A_264 : i32 to vector<16xi32>
          %add3A_266 = arith.addi %broadcast_in_dim3A, %add3A_265 : vector<16xi32>
          %select_n3A = arith.select %lt3A_263, %add3A_266, %broadcast_in_dim3A : vector<16xi1>, vector<16xi32>
          %broadcast_in_dim3A_267 = vector.shape_cast %select_n3A : vector<16xi32> to vector<16x1xi32>
          %gather3A = vector.shape_cast %broadcast_in_dim3A_267 : vector<16x1xi32> to vector<16xi32>
          %gather3A_268 = tpu.dynamic_gather %get3A_243[%gather3A] in [0] : vector<16xf32>, vector<16xi32> -> vector<16xf32>
          %get3A_269 = arith.index_cast %add3A_256 : i32 to index
          %get3A_270 = arith.constant 0 : index
          %get3A_271 = tpu.vector_load %arg15[%get3A_269, %get3A_270] {strides = array<i32>} : memref<40x128xf32, #tpu.memory_space<vmem>>, vector<1x16xf32>,
          %get3A_272 = vector.shape_cast %get3A_271 : vector<1x16xf32> to vector<16xf32>
          %mul3A_273 = arith.mulf %get3A_272, %gather3A_268 : vector<16xf32>
          %swap3A = arith.index_cast %add3A_256 : i32 to index
          %swap3A_274 = arith.constant 0 : index
          %swap3A_275 = tpu.vector_load %arg15[%swap3A, %swap3A_274] {strides = array<i32>} : memref<40x128xf32, #tpu.memory_space<vmem>>, vector<1x16xf32>,
          %swap3A_276 = vector.shape_cast %swap3A_275 : vector<1x16xf32> to vector<16xf32>
          %swap3A_277 = vector.shape_cast %mul3A_273 : vector<16xf32> to vector<1x16xf32>
          tpu.vector_store %arg15[%swap3A, %swap3A_274], %swap3A_277 {strides = array<i32>} : memref<40x128xf32, #tpu.memory_space<vmem>>, vector<1x16xf32>,
          %get3A_278 = arith.index_cast %add3A_256 : i32 to index
          %get3A_279 = arith.constant 16 : index
          %get3A_280 = tpu.vector_load %arg15[%get3A_278, %get3A_279] {strides = array<i32>} : memref<40x128xf32, #tpu.memory_space<vmem>>, vector<1x16xf32>,
          %get3A_281 = vector.shape_cast %get3A_280 : vector<1x16xf32> to vector<16xf32>
          %mul3A_282 = arith.mulf %get3A_281, %gather3A_268 : vector<16xf32>
          %swap3A_283 = arith.index_cast %add3A_256 : i32 to index
          %swap3A_284 = arith.constant 16 : index
          %swap3A_285 = tpu.vector_load %arg15[%swap3A_283, %swap3A_284] {strides = array<i32>} : memref<40x128xf32, #tpu.memory_space<vmem>>, vector<1x16xf32>,
          %swap3A_286 = vector.shape_cast %swap3A_285 : vector<1x16xf32> to vector<16xf32>
          %swap3A_287 = vector.shape_cast %mul3A_282 : vector<16xf32> to vector<1x16xf32>
          tpu.vector_store %arg15[%swap3A_283, %swap3A_284], %swap3A_287 {strides = array<i32>} : memref<40x128xf32, #tpu.memory_space<vmem>>, vector<1x16xf32>,
          %get3A_288 = arith.index_cast %add3A_256 : i32 to index
          %get3A_289 = arith.constant 32 : index
          %get3A_290 = tpu.vector_load %arg15[%get3A_288, %get3A_289] {strides = array<i32>} : memref<40x128xf32, #tpu.memory_space<vmem>>, vector<1x16xf32>,
          %get3A_291 = vector.shape_cast %get3A_290 : vector<1x16xf32> to vector<16xf32>
          %mul3A_292 = arith.mulf %get3A_291, %gather3A_268 : vector<16xf32>
          %swap3A_293 = arith.index_cast %add3A_256 : i32 to index
          %swap3A_294 = arith.constant 32 : index
          %swap3A_295 = tpu.vector_load %arg15[%swap3A_293, %swap3A_294] {strides = array<i32>} : memref<40x128xf32, #tpu.memory_space<vmem>>, vector<1x16xf32>,
          %swap3A_296 = vector.shape_cast %swap3A_295 : vector<1x16xf32> to vector<16xf32>
          %swap3A_297 = vector.shape_cast %mul3A_292 : vector<16xf32> to vector<1x16xf32>
          tpu.vector_store %arg15[%swap3A_293, %swap3A_294], %swap3A_297 {strides = array<i32>} : memref<40x128xf32, #tpu.memory_space<vmem>>, vector<1x16xf32>,
          %get3A_298 = arith.index_cast %add3A_256 : i32 to index
          %get3A_299 = arith.constant 48 : index
          %get3A_300 = tpu.vector_load %arg15[%get3A_298, %get3A_299] {strides = array<i32>} : memref<40x128xf32, #tpu.memory_space<vmem>>, vector<1x16xf32>,
          %get3A_301 = vector.shape_cast %get3A_300 : vector<1x16xf32> to vector<16xf32>
          %mul3A_302 = arith.mulf %get3A_301, %gather3A_268 : vector<16xf32>
          %swap3A_303 = arith.index_cast %add3A_256 : i32 to index
          %swap3A_304 = arith.constant 48 : index
          %swap3A_305 = tpu.vector_load %arg15[%swap3A_303, %swap3A_304] {strides = array<i32>} : memref<40x128xf32, #tpu.memory_space<vmem>>, vector<1x16xf32>,
          %swap3A_306 = vector.shape_cast %swap3A_305 : vector<1x16xf32> to vector<16xf32>
          %swap3A_307 = vector.shape_cast %mul3A_302 : vector<16xf32> to vector<1x16xf32>
          tpu.vector_store %arg15[%swap3A_303, %swap3A_304], %swap3A_307 {strides = array<i32>} : memref<40x128xf32, #tpu.memory_space<vmem>>, vector<1x16xf32>,
          %get3A_308 = arith.index_cast %add3A_256 : i32 to index
          %get3A_309 = arith.constant 64 : index
          %get3A_310 = tpu.vector_load %arg15[%get3A_308, %get3A_309] {strides = array<i32>} : memref<40x128xf32, #tpu.memory_space<vmem>>, vector<1x16xf32>,
          %get3A_311 = vector.shape_cast %get3A_310 : vector<1x16xf32> to vector<16xf32>
          %mul3A_312 = arith.mulf %get3A_311, %gather3A_268 : vector<16xf32>
          %swap3A_313 = arith.index_cast %add3A_256 : i32 to index
          %swap3A_314 = arith.constant 64 : index
          %swap3A_315 = tpu.vector_load %arg15[%swap3A_313, %swap3A_314] {strides = array<i32>} : memref<40x128xf32, #tpu.memory_space<vmem>>, vector<1x16xf32>,
          %swap3A_316 = vector.shape_cast %swap3A_315 : vector<1x16xf32> to vector<16xf32>
          %swap3A_317 = vector.shape_cast %mul3A_312 : vector<16xf32> to vector<1x16xf32>
          tpu.vector_store %arg15[%swap3A_313, %swap3A_314], %swap3A_317 {strides = array<i32>} : memref<40x128xf32, #tpu.memory_space<vmem>>, vector<1x16xf32>,
          %get3A_318 = arith.index_cast %add3A_256 : i32 to index
          %get3A_319 = arith.constant 80 : index
          %get3A_320 = tpu.vector_load %arg15[%get3A_318, %get3A_319] {strides = array<i32>} : memref<40x128xf32, #tpu.memory_space<vmem>>, vector<1x16xf32>,
          %get3A_321 = vector.shape_cast %get3A_320 : vector<1x16xf32> to vector<16xf32>
          %mul3A_322 = arith.mulf %get3A_321, %gather3A_268 : vector<16xf32>
          %swap3A_323 = arith.index_cast %add3A_256 : i32 to index
          %swap3A_324 = arith.constant 80 : index
          %swap3A_325 = tpu.vector_load %arg15[%swap3A_323, %swap3A_324] {strides = array<i32>} : memref<40x128xf32, #tpu.memory_space<vmem>>, vector<1x16xf32>,
          %swap3A_326 = vector.shape_cast %swap3A_325 : vector<1x16xf32> to vector<16xf32>
          %swap3A_327 = vector.shape_cast %mul3A_322 : vector<16xf32> to vector<1x16xf32>
          tpu.vector_store %arg15[%swap3A_323, %swap3A_324], %swap3A_327 {strides = array<i32>} : memref<40x128xf32, #tpu.memory_space<vmem>>, vector<1x16xf32>,
          %get3A_328 = arith.index_cast %add3A_256 : i32 to index
          %get3A_329 = arith.constant 96 : index
          %get3A_330 = tpu.vector_load %arg15[%get3A_328, %get3A_329] {strides = array<i32>} : memref<40x128xf32, #tpu.memory_space<vmem>>, vector<1x16xf32>,
          %get3A_331 = vector.shape_cast %get3A_330 : vector<1x16xf32> to vector<16xf32>
          %mul3A_332 = arith.mulf %get3A_331, %gather3A_268 : vector<16xf32>
          %swap3A_333 = arith.index_cast %add3A_256 : i32 to index
          %swap3A_334 = arith.constant 96 : index
          %swap3A_335 = tpu.vector_load %arg15[%swap3A_333, %swap3A_334] {strides = array<i32>} : memref<40x128xf32, #tpu.memory_space<vmem>>, vector<1x16xf32>,
          %swap3A_336 = vector.shape_cast %swap3A_335 : vector<1x16xf32> to vector<16xf32>
          %swap3A_337 = vector.shape_cast %mul3A_332 : vector<16xf32> to vector<1x16xf32>
          tpu.vector_store %arg15[%swap3A_333, %swap3A_334], %swap3A_337 {strides = array<i32>} : memref<40x128xf32, #tpu.memory_space<vmem>>, vector<1x16xf32>,
          %get3A_338 = arith.index_cast %add3A_256 : i32 to index
          %get3A_339 = arith.constant 112 : index
          %get3A_340 = tpu.vector_load %arg15[%get3A_338, %get3A_339] {strides = array<i32>} : memref<40x128xf32, #tpu.memory_space<vmem>>, vector<1x16xf32>,
          %get3A_341 = vector.shape_cast %get3A_340 : vector<1x16xf32> to vector<16xf32>
          %mul3A_342 = arith.mulf %get3A_341, %gather3A_268 : vector<16xf32>
          %swap3A_343 = arith.index_cast %add3A_256 : i32 to index
          %swap3A_344 = arith.constant 112 : index
          %swap3A_345 = tpu.vector_load %arg15[%swap3A_343, %swap3A_344] {strides = array<i32>} : memref<40x128xf32, #tpu.memory_space<vmem>>, vector<1x16xf32>,
          %swap3A_346 = vector.shape_cast %swap3A_345 : vector<1x16xf32> to vector<16xf32>
          %swap3A_347 = vector.shape_cast %mul3A_342 : vector<16xf32> to vector<1x16xf32>
          tpu.vector_store %arg15[%swap3A_343, %swap3A_344], %swap3A_347 {strides = array<i32>} : memref<40x128xf32, #tpu.memory_space<vmem>>, vector<1x16xf32>,
          %mul3A_348 = arith.constant 8 : i32
          %mul3A_349 = arith.muli %scan3A_238, %mul3A_348 : i32
          %mul3A_350 = arith.constant 2 : i32
          %mul3A_351 = arith.muli %scan3A_249, %mul3A_350 : i32
          %add3A_352 = arith.addi %mul3A_349, %mul3A_351 : i32
          %add3A_353 = arith.constant 1 : i32
          %add3A_354 = arith.addi %add3A_352, %add3A_353 : i32
          %mul3A_355 = arith.constant 2 : i32
          %mul3A_356 = arith.muli %scan3A_249, %mul3A_355 : i32
          %add3A_357 = arith.constant 1 : i32
          %add3A_358 = arith.addi %mul3A_356, %add3A_357 : i32
          %broadcast_in_dim3A_359 = vector.broadcast %add3A_358 : i32 to vector<16xi32>
          %lt3A_360 = arith.constant 0 : i32
          %lt3A_361 = vector.broadcast %lt3A_360 : i32 to vector<16xi32>
          %lt3A_362 = arith.cmpi slt, %broadcast_in_dim3A_359, %lt3A_361 : vector<16xi32>
          %add3A_363 = arith.constant 16 : i32
          %add3A_364 = vector.broadcast %add3A_363 : i32 to vector<16xi32>
          %add3A_365 = arith.addi %broadcast_in_dim3A_359, %add3A_364 : vector<16xi32>
          %select_n3A_366 = arith.select %lt3A_362, %add3A_365, %broadcast_in_dim3A_359 : vector<16xi1>, vector<16xi32>
          %broadcast_in_dim3A_367 = vector.shape_cast %select_n3A_366 : vector<16xi32> to vector<16x1xi32>
          %gather3A_368 = vector.shape_cast %broadcast_in_dim3A_367 : vector<16x1xi32> to vector<16xi32>
          %gather3A_369 = tpu.dynamic_gather %get3A_243[%gather3A_368] in [0] : vector<16xf32>, vector<16xi32> -> vector<16xf32>
          %get3A_370 = arith.index_cast %add3A_354 : i32 to index
          %get3A_371 = arith.constant 0 : index
          %get3A_372 = tpu.vector_load %arg15[%get3A_370, %get3A_371] {strides = array<i32>} : memref<40x128xf32, #tpu.memory_space<vmem>>, vector<1x16xf32>,
          %get3A_373 = vector.shape_cast %get3A_372 : vector<1x16xf32> to vector<16xf32>
          %mul3A_374 = arith.mulf %get3A_373, %gather3A_369 : vector<16xf32>
          %swap3A_375 = arith.index_cast %add3A_354 : i32 to index
          %swap3A_376 = arith.constant 0 : index
          %swap3A_377 = tpu.vector_load %arg15[%swap3A_375, %swap3A_376] {strides = array<i32>} : memref<40x128xf32, #tpu.memory_space<vmem>>, vector<1x16xf32>,
          %swap3A_378 = vector.shape_cast %swap3A_377 : vector<1x16xf32> to vector<16xf32>
          %swap3A_379 = vector.shape_cast %mul3A_374 : vector<16xf32> to vector<1x16xf32>
          tpu.vector_store %arg15[%swap3A_375, %swap3A_376], %swap3A_379 {strides = array<i32>} : memref<40x128xf32, #tpu.memory_space<vmem>>, vector<1x16xf32>,
          %get3A_380 = arith.index_cast %add3A_354 : i32 to index
          %get3A_381 = arith.constant 16 : index
          %get3A_382 = tpu.vector_load %arg15[%get3A_380, %get3A_381] {strides = array<i32>} : memref<40x128xf32, #tpu.memory_space<vmem>>, vector<1x16xf32>,
          %get3A_383 = vector.shape_cast %get3A_382 : vector<1x16xf32> to vector<16xf32>
          %mul3A_384 = arith.mulf %get3A_383, %gather3A_369 : vector<16xf32>
          %swap3A_385 = arith.index_cast %add3A_354 : i32 to index
          %swap3A_386 = arith.constant 16 : index
          %swap3A_387 = tpu.vector_load %arg15[%swap3A_385, %swap3A_386] {strides = array<i32>} : memref<40x128xf32, #tpu.memory_space<vmem>>, vector<1x16xf32>,
          %swap3A_388 = vector.shape_cast %swap3A_387 : vector<1x16xf32> to vector<16xf32>
          %swap3A_389 = vector.shape_cast %mul3A_384 : vector<16xf32> to vector<1x16xf32>
          tpu.vector_store %arg15[%swap3A_385, %swap3A_386], %swap3A_389 {strides = array<i32>} : memref<40x128xf32, #tpu.memory_space<vmem>>, vector<1x16xf32>,
          %get3A_390 = arith.index_cast %add3A_354 : i32 to index
          %get3A_391 = arith.constant 32 : index
          %get3A_392 = tpu.vector_load %arg15[%get3A_390, %get3A_391] {strides = array<i32>} : memref<40x128xf32, #tpu.memory_space<vmem>>, vector<1x16xf32>,
          %get3A_393 = vector.shape_cast %get3A_392 : vector<1x16xf32> to vector<16xf32>
          %mul3A_394 = arith.mulf %get3A_393, %gather3A_369 : vector<16xf32>
          %swap3A_395 = arith.index_cast %add3A_354 : i32 to index
          %swap3A_396 = arith.constant 32 : index
          %swap3A_397 = tpu.vector_load %arg15[%swap3A_395, %swap3A_396] {strides = array<i32>} : memref<40x128xf32, #tpu.memory_space<vmem>>, vector<1x16xf32>,
          %swap3A_398 = vector.shape_cast %swap3A_397 : vector<1x16xf32> to vector<16xf32>
          %swap3A_399 = vector.shape_cast %mul3A_394 : vector<16xf32> to vector<1x16xf32>
          tpu.vector_store %arg15[%swap3A_395, %swap3A_396], %swap3A_399 {strides = array<i32>} : memref<40x128xf32, #tpu.memory_space<vmem>>, vector<1x16xf32>,
          %get3A_400 = arith.index_cast %add3A_354 : i32 to index
          %get3A_401 = arith.constant 48 : index
          %get3A_402 = tpu.vector_load %arg15[%get3A_400, %get3A_401] {strides = array<i32>} : memref<40x128xf32, #tpu.memory_space<vmem>>, vector<1x16xf32>,
          %get3A_403 = vector.shape_cast %get3A_402 : vector<1x16xf32> to vector<16xf32>
          %mul3A_404 = arith.mulf %get3A_403, %gather3A_369 : vector<16xf32>
          %swap3A_405 = arith.index_cast %add3A_354 : i32 to index
          %swap3A_406 = arith.constant 48 : index
          %swap3A_407 = tpu.vector_load %arg15[%swap3A_405, %swap3A_406] {strides = array<i32>} : memref<40x128xf32, #tpu.memory_space<vmem>>, vector<1x16xf32>,
          %swap3A_408 = vector.shape_cast %swap3A_407 : vector<1x16xf32> to vector<16xf32>
          %swap3A_409 = vector.shape_cast %mul3A_404 : vector<16xf32> to vector<1x16xf32>
          tpu.vector_store %arg15[%swap3A_405, %swap3A_406], %swap3A_409 {strides = array<i32>} : memref<40x128xf32, #tpu.memory_space<vmem>>, vector<1x16xf32>,
          %get3A_410 = arith.index_cast %add3A_354 : i32 to index
          %get3A_411 = arith.constant 64 : index
          %get3A_412 = tpu.vector_load %arg15[%get3A_410, %get3A_411] {strides = array<i32>} : memref<40x128xf32, #tpu.memory_space<vmem>>, vector<1x16xf32>,
          %get3A_413 = vector.shape_cast %get3A_412 : vector<1x16xf32> to vector<16xf32>
          %mul3A_414 = arith.mulf %get3A_413, %gather3A_369 : vector<16xf32>
          %swap3A_415 = arith.index_cast %add3A_354 : i32 to index
          %swap3A_416 = arith.constant 64 : index
          %swap3A_417 = tpu.vector_load %arg15[%swap3A_415, %swap3A_416] {strides = array<i32>} : memref<40x128xf32, #tpu.memory_space<vmem>>, vector<1x16xf32>,
          %swap3A_418 = vector.shape_cast %swap3A_417 : vector<1x16xf32> to vector<16xf32>
          %swap3A_419 = vector.shape_cast %mul3A_414 : vector<16xf32> to vector<1x16xf32>
          tpu.vector_store %arg15[%swap3A_415, %swap3A_416], %swap3A_419 {strides = array<i32>} : memref<40x128xf32, #tpu.memory_space<vmem>>, vector<1x16xf32>,
          %get3A_420 = arith.index_cast %add3A_354 : i32 to index
          %get3A_421 = arith.constant 80 : index
          %get3A_422 = tpu.vector_load %arg15[%get3A_420, %get3A_421] {strides = array<i32>} : memref<40x128xf32, #tpu.memory_space<vmem>>, vector<1x16xf32>,
          %get3A_423 = vector.shape_cast %get3A_422 : vector<1x16xf32> to vector<16xf32>
          %mul3A_424 = arith.mulf %get3A_423, %gather3A_369 : vector<16xf32>
          %swap3A_425 = arith.index_cast %add3A_354 : i32 to index
          %swap3A_426 = arith.constant 80 : index
          %swap3A_427 = tpu.vector_load %arg15[%swap3A_425, %swap3A_426] {strides = array<i32>} : memref<40x128xf32, #tpu.memory_space<vmem>>, vector<1x16xf32>,
          %swap3A_428 = vector.shape_cast %swap3A_427 : vector<1x16xf32> to vector<16xf32>
          %swap3A_429 = vector.shape_cast %mul3A_424 : vector<16xf32> to vector<1x16xf32>
          tpu.vector_store %arg15[%swap3A_425, %swap3A_426], %swap3A_429 {strides = array<i32>} : memref<40x128xf32, #tpu.memory_space<vmem>>, vector<1x16xf32>,
          %get3A_430 = arith.index_cast %add3A_354 : i32 to index
          %get3A_431 = arith.constant 96 : index
          %get3A_432 = tpu.vector_load %arg15[%get3A_430, %get3A_431] {strides = array<i32>} : memref<40x128xf32, #tpu.memory_space<vmem>>, vector<1x16xf32>,
          %get3A_433 = vector.shape_cast %get3A_432 : vector<1x16xf32> to vector<16xf32>
          %mul3A_434 = arith.mulf %get3A_433, %gather3A_369 : vector<16xf32>
          %swap3A_435 = arith.index_cast %add3A_354 : i32 to index
          %swap3A_436 = arith.constant 96 : index
          %swap3A_437 = tpu.vector_load %arg15[%swap3A_435, %swap3A_436] {strides = array<i32>} : memref<40x128xf32, #tpu.memory_space<vmem>>, vector<1x16xf32>,
          %swap3A_438 = vector.shape_cast %swap3A_437 : vector<1x16xf32> to vector<16xf32>
          %swap3A_439 = vector.shape_cast %mul3A_434 : vector<16xf32> to vector<1x16xf32>
          tpu.vector_store %arg15[%swap3A_435, %swap3A_436], %swap3A_439 {strides = array<i32>} : memref<40x128xf32, #tpu.memory_space<vmem>>, vector<1x16xf32>,
          %get3A_440 = arith.index_cast %add3A_354 : i32 to index
          %get3A_441 = arith.constant 112 : index
          %get3A_442 = tpu.vector_load %arg15[%get3A_440, %get3A_441] {strides = array<i32>} : memref<40x128xf32, #tpu.memory_space<vmem>>, vector<1x16xf32>,
          %get3A_443 = vector.shape_cast %get3A_442 : vector<1x16xf32> to vector<16xf32>
          %mul3A_444 = arith.mulf %get3A_443, %gather3A_369 : vector<16xf32>
          %swap3A_445 = arith.index_cast %add3A_354 : i32 to index
          %swap3A_446 = arith.constant 112 : index
          %swap3A_447 = tpu.vector_load %arg15[%swap3A_445, %swap3A_446] {strides = array<i32>} : memref<40x128xf32, #tpu.memory_space<vmem>>, vector<1x16xf32>,
          %swap3A_448 = vector.shape_cast %swap3A_447 : vector<1x16xf32> to vector<16xf32>
          %swap3A_449 = vector.shape_cast %mul3A_444 : vector<16xf32> to vector<1x16xf32>
          tpu.vector_store %arg15[%swap3A_445, %swap3A_446], %swap3A_449 {strides = array<i32>} : memref<40x128xf32, #tpu.memory_space<vmem>>, vector<1x16xf32>,
        }
        %scan3A_248 = arith.constant 4 : i32
      }
      %scan3A_218 = arith.constant 5 : i32
      %mul3A_219 = arith.constant 40 : i32
      %mul3A_220 = arith.muli %add3A_204, %mul3A_219 : i32
      %dma_start3A_221 = tpu.memref_slice %arg9[%mul3A_220] : memref<10000xi32, #tpu.memory_space<vmem>> -> memref<40xi32, #tpu.memory_space<vmem>>
      %dma_start3A_222 = arith.constant 0 : i32
      %dma_start3A_223 = arith.constant 0 : i32
      %dma_start3A_224 = tpu.memref_slice %arg8[%dma_start3A_222, %dma_start3A_223] : memref<10000x128xf32, #tpu.memory_space<vmem_shared>> -> memref<10000x128xf32, #tpu.memory_space<vmem_shared>>
      tpu.enqueue_indirect_dma source(%arg15 : memref<40x128xf32, #tpu.memory_space<vmem>>) target(%dma_start3A_224 : memref<10000x128xf32, #tpu.memory_space<vmem_shared>>) offsets(%dma_start3A_221 : memref<40xi32, #tpu.memory_space<vmem>>) semaphore(%arg23 : memref<!tpu.dma_semaphore, #tpu.memory_space<semaphore_mem>>) {add = true}
      %dma_wait3A_225 = arith.constant 0 : i32
      %dma_wait3A_226 = arith.constant 0 : i32
      %dma_wait3A_227 = tpu.memref_slice %arg2[%dma_wait3A_225, %dma_wait3A_226] : memref<10000x128xf32, #tpu.memory_space<hbm>> -> memref<40x128xf32, #tpu.memory_space<hbm>>
      %dma_wait3A_228 = arith.constant 0 : i32
      %dma_wait3A_229 = arith.constant 0 : i32
      %dma_wait3A_230 = tpu.memref_slice %arg2[%dma_wait3A_228, %dma_wait3A_229] : memref<10000x128xf32, #tpu.memory_space<hbm>> -> memref<40x128xf32, #tpu.memory_space<hbm>>
      tpu.wait_dma2 semaphore(%arg22 : memref<!tpu.dma_semaphore, #tpu.memory_space<semaphore_mem>>) src(%dma_wait3A_230 : memref<40x128xf32, #tpu.memory_space<hbm>>) dst(%arg14 : memref<40x128xf32, #tpu.memory_space<vmem>>)
      %add3A_231 = arith.constant 3 : i32
      %add3A_232 = arith.addi %add3A_204, %add3A_231 : i32
      %lt3A_233 = arith.constant 250 : i32
      %lt3A_234 = arith.cmpi slt, %add3A_232, %lt3A_233 : i32
      %convert_element_type3A_235 = arith.extui %lt3A_234 : i1 to i32
      %cond3A_236 = arith.constant 0 : i32
      %cond3A_237 = arith.cmpi ne, %convert_element_type3A_235, %cond3A_236 : i32
      scf.if %cond3A_237 {
        %add3A_238 = arith.constant 3 : i32
        %add3A_239 = arith.addi %add3A_204, %add3A_238 : i32
        %mul3A_240 = arith.constant 40 : i32
        %mul3A_241 = arith.muli %add3A_239, %mul3A_240 : i32
        %dma_start3A_242 = tpu.memref_slice %arg10[%mul3A_241] : memref<10000xi32, #tpu.memory_space<vmem>> -> memref<40xi32, #tpu.memory_space<vmem>>
        %dma_start3A_243 = arith.constant 0 : i32
        %dma_start3A_244 = arith.constant 0 : i32
        %dma_start3A_245 = tpu.memref_slice %arg2[%dma_start3A_243, %dma_start3A_244] : memref<10000x128xf32, #tpu.memory_space<hbm>> -> memref<10000x128xf32, #tpu.memory_space<hbm>>
        tpu.enqueue_indirect_dma source(%dma_start3A_245 : memref<10000x128xf32, #tpu.memory_space<hbm>>) target(%arg14 : memref<40x128xf32, #tpu.memory_space<vmem>>) offsets(%dma_start3A_242 : memref<40xi32, #tpu.memory_space<vmem>>) semaphore(%arg18 : memref<!tpu.dma_semaphore, #tpu.memory_space<semaphore_mem>>)
      } else {
      }
    }
    %scan3A_27 = arith.constant 62 : i32
    %dma_wait3A = arith.constant 0 : i32
    %dma_wait3A_28 = arith.constant 0 : i32
    %dma_wait3A_29 = tpu.memref_slice %arg2[%dma_wait3A, %dma_wait3A_28] : memref<10000x128xf32, #tpu.memory_space<hbm>> -> memref<40x128xf32, #tpu.memory_space<hbm>>
    %dma_wait3A_30 = arith.constant 0 : i32
    %dma_wait3A_31 = arith.constant 0 : i32
    %dma_wait3A_32 = tpu.memref_slice %arg2[%dma_wait3A_30, %dma_wait3A_31] : memref<10000x128xf32, #tpu.memory_space<hbm>> -> memref<40x128xf32, #tpu.memory_space<hbm>>
    tpu.wait_dma2 semaphore(%arg16 : memref<!tpu.dma_semaphore, #tpu.memory_space<semaphore_mem>>) src(%dma_wait3A_32 : memref<40x128xf32, #tpu.memory_space<hbm>>) dst(%arg12 : memref<40x128xf32, #tpu.memory_space<vmem>>)
    %scan3A_33 = arith.constant 0 : i32
    %scan3A_34 = arith.constant 0 : i32
    %scan3A_35 = arith.constant 5 : i32
    %scan3A_36 = arith.addi %scan3A_34, %scan3A_35 : i32
    %scan3A_37 = arith.constant 1 : i32
    scf.for %scan3A_90 = %scan3A_34 to %scan3A_36 step %scan3A_37  : i32 {
      %mul3A_91 = arith.constant 8 : i32
      %mul3A_92 = arith.muli %scan3A_90, %mul3A_91 : i32
      %add3A_93 = arith.constant 9920 : i32
      %add3A_94 = arith.addi %add3A_93, %mul3A_92 : i32
      %get3A = arith.index_cast %add3A_94 : i32 to index
      %get3A_95 = tpu.vector_load %arg11[%get3A] {strides = array<i32>} : memref<10000xf32, #tpu.memory_space<vmem>>, vector<16xf32>,
      %get3A_96 = vector.shape_cast %get3A_95 : vector<16xf32> to vector<16xf32>
      %scan3A_97 = arith.constant 0 : i32
      %scan3A_98 = arith.constant 4 : i32
      %scan3A_99 = arith.addi %scan3A_97, %scan3A_98 : i32
      %scan3A_100 = arith.constant 1 : i32
      scf.for %scan3A_102 = %scan3A_97 to %scan3A_99 step %scan3A_100  : i32 {
        %mul3A_103 = arith.constant 8 : i32
        %mul3A_104 = arith.muli %scan3A_90, %mul3A_103 : i32
        %mul3A_105 = arith.constant 2 : i32
        %mul3A_106 = arith.muli %scan3A_102, %mul3A_105 : i32
        %add3A_107 = arith.addi %mul3A_104, %mul3A_106 : i32
        %add3A_108 = arith.constant 0 : i32
        %add3A_109 = arith.addi %add3A_107, %add3A_108 : i32
        %mul3A_110 = arith.constant 2 : i32
        %mul3A_111 = arith.muli %scan3A_102, %mul3A_110 : i32
        %add3A_112 = arith.constant 0 : i32
        %add3A_113 = arith.addi %mul3A_111, %add3A_112 : i32
        %broadcast_in_dim3A = vector.broadcast %add3A_113 : i32 to vector<16xi32>
        %lt3A_114 = arith.constant 0 : i32
        %lt3A_115 = vector.broadcast %lt3A_114 : i32 to vector<16xi32>
        %lt3A_116 = arith.cmpi slt, %broadcast_in_dim3A, %lt3A_115 : vector<16xi32>
        %add3A_117 = arith.constant 16 : i32
        %add3A_118 = vector.broadcast %add3A_117 : i32 to vector<16xi32>
        %add3A_119 = arith.addi %broadcast_in_dim3A, %add3A_118 : vector<16xi32>
        %select_n3A = arith.select %lt3A_116, %add3A_119, %broadcast_in_dim3A : vector<16xi1>, vector<16xi32>
        %broadcast_in_dim3A_120 = vector.shape_cast %select_n3A : vector<16xi32> to vector<16x1xi32>
        %gather3A = vector.shape_cast %broadcast_in_dim3A_120 : vector<16x1xi32> to vector<16xi32>
        %gather3A_121 = tpu.dynamic_gather %get3A_96[%gather3A] in [0] : vector<16xf32>, vector<16xi32> -> vector<16xf32>
        %get3A_122 = arith.index_cast %add3A_109 : i32 to index
        %get3A_123 = arith.constant 0 : index
        %get3A_124 = tpu.vector_load %arg12[%get3A_122, %get3A_123] {strides = array<i32>} : memref<40x128xf32, #tpu.memory_space<vmem>>, vector<1x16xf32>,
        %get3A_125 = vector.shape_cast %get3A_124 : vector<1x16xf32> to vector<16xf32>
        %mul3A_126 = arith.mulf %get3A_125, %gather3A_121 : vector<16xf32>
        %swap3A = arith.index_cast %add3A_109 : i32 to index
        %swap3A_127 = arith.constant 0 : index
        %swap3A_128 = tpu.vector_load %arg12[%swap3A, %swap3A_127] {strides = array<i32>} : memref<40x128xf32, #tpu.memory_space<vmem>>, vector<1x16xf32>,
        %swap3A_129 = vector.shape_cast %swap3A_128 : vector<1x16xf32> to vector<16xf32>
        %swap3A_130 = vector.shape_cast %mul3A_126 : vector<16xf32> to vector<1x16xf32>
        tpu.vector_store %arg12[%swap3A, %swap3A_127], %swap3A_130 {strides = array<i32>} : memref<40x128xf32, #tpu.memory_space<vmem>>, vector<1x16xf32>,
        %get3A_131 = arith.index_cast %add3A_109 : i32 to index
        %get3A_132 = arith.constant 16 : index
        %get3A_133 = tpu.vector_load %arg12[%get3A_131, %get3A_132] {strides = array<i32>} : memref<40x128xf32, #tpu.memory_space<vmem>>, vector<1x16xf32>,
        %get3A_134 = vector.shape_cast %get3A_133 : vector<1x16xf32> to vector<16xf32>
        %mul3A_135 = arith.mulf %get3A_134, %gather3A_121 : vector<16xf32>
        %swap3A_136 = arith.index_cast %add3A_109 : i32 to index
        %swap3A_137 = arith.constant 16 : index
        %swap3A_138 = tpu.vector_load %arg12[%swap3A_136, %swap3A_137] {strides = array<i32>} : memref<40x128xf32, #tpu.memory_space<vmem>>, vector<1x16xf32>,
        %swap3A_139 = vector.shape_cast %swap3A_138 : vector<1x16xf32> to vector<16xf32>
        %swap3A_140 = vector.shape_cast %mul3A_135 : vector<16xf32> to vector<1x16xf32>
        tpu.vector_store %arg12[%swap3A_136, %swap3A_137], %swap3A_140 {strides = array<i32>} : memref<40x128xf32, #tpu.memory_space<vmem>>, vector<1x16xf32>,
        %get3A_141 = arith.index_cast %add3A_109 : i32 to index
        %get3A_142 = arith.constant 32 : index
        %get3A_143 = tpu.vector_load %arg12[%get3A_141, %get3A_142] {strides = array<i32>} : memref<40x128xf32, #tpu.memory_space<vmem>>, vector<1x16xf32>,
        %get3A_144 = vector.shape_cast %get3A_143 : vector<1x16xf32> to vector<16xf32>
        %mul3A_145 = arith.mulf %get3A_144, %gather3A_121 : vector<16xf32>
        %swap3A_146 = arith.index_cast %add3A_109 : i32 to index
        %swap3A_147 = arith.constant 32 : index
        %swap3A_148 = tpu.vector_load %arg12[%swap3A_146, %swap3A_147] {strides = array<i32>} : memref<40x128xf32, #tpu.memory_space<vmem>>, vector<1x16xf32>,
        %swap3A_149 = vector.shape_cast %swap3A_148 : vector<1x16xf32> to vector<16xf32>
        %swap3A_150 = vector.shape_cast %mul3A_145 : vector<16xf32> to vector<1x16xf32>
        tpu.vector_store %arg12[%swap3A_146, %swap3A_147], %swap3A_150 {strides = array<i32>} : memref<40x128xf32, #tpu.memory_space<vmem>>, vector<1x16xf32>,
        %get3A_151 = arith.index_cast %add3A_109 : i32 to index
        %get3A_152 = arith.constant 48 : index
        %get3A_153 = tpu.vector_load %arg12[%get3A_151, %get3A_152] {strides = array<i32>} : memref<40x128xf32, #tpu.memory_space<vmem>>, vector<1x16xf32>,
        %get3A_154 = vector.shape_cast %get3A_153 : vector<1x16xf32> to vector<16xf32>
        %mul3A_155 = arith.mulf %get3A_154, %gather3A_121 : vector<16xf32>
        %swap3A_156 = arith.index_cast %add3A_109 : i32 to index
        %swap3A_157 = arith.constant 48 : index
        %swap3A_158 = tpu.vector_load %arg12[%swap3A_156, %swap3A_157] {strides = array<i32>} : memref<40x128xf32, #tpu.memory_space<vmem>>, vector<1x16xf32>,
        %swap3A_159 = vector.shape_cast %swap3A_158 : vector<1x16xf32> to vector<16xf32>
        %swap3A_160 = vector.shape_cast %mul3A_155 : vector<16xf32> to vector<1x16xf32>
        tpu.vector_store %arg12[%swap3A_156, %swap3A_157], %swap3A_160 {strides = array<i32>} : memref<40x128xf32, #tpu.memory_space<vmem>>, vector<1x16xf32>,
        %get3A_161 = arith.index_cast %add3A_109 : i32 to index
        %get3A_162 = arith.constant 64 : index
        %get3A_163 = tpu.vector_load %arg12[%get3A_161, %get3A_162] {strides = array<i32>} : memref<40x128xf32, #tpu.memory_space<vmem>>, vector<1x16xf32>,
        %get3A_164 = vector.shape_cast %get3A_163 : vector<1x16xf32> to vector<16xf32>
        %mul3A_165 = arith.mulf %get3A_164, %gather3A_121 : vector<16xf32>
        %swap3A_166 = arith.index_cast %add3A_109 : i32 to index
        %swap3A_167 = arith.constant 64 : index
        %swap3A_168 = tpu.vector_load %arg12[%swap3A_166, %swap3A_167] {strides = array<i32>} : memref<40x128xf32, #tpu.memory_space<vmem>>, vector<1x16xf32>,
        %swap3A_169 = vector.shape_cast %swap3A_168 : vector<1x16xf32> to vector<16xf32>
        %swap3A_170 = vector.shape_cast %mul3A_165 : vector<16xf32> to vector<1x16xf32>
        tpu.vector_store %arg12[%swap3A_166, %swap3A_167], %swap3A_170 {strides = array<i32>} : memref<40x128xf32, #tpu.memory_space<vmem>>, vector<1x16xf32>,
        %get3A_171 = arith.index_cast %add3A_109 : i32 to index
        %get3A_172 = arith.constant 80 : index
        %get3A_173 = tpu.vector_load %arg12[%get3A_171, %get3A_172] {strides = array<i32>} : memref<40x128xf32, #tpu.memory_space<vmem>>, vector<1x16xf32>,
        %get3A_174 = vector.shape_cast %get3A_173 : vector<1x16xf32> to vector<16xf32>
        %mul3A_175 = arith.mulf %get3A_174, %gather3A_121 : vector<16xf32>
        %swap3A_176 = arith.index_cast %add3A_109 : i32 to index
        %swap3A_177 = arith.constant 80 : index
        %swap3A_178 = tpu.vector_load %arg12[%swap3A_176, %swap3A_177] {strides = array<i32>} : memref<40x128xf32, #tpu.memory_space<vmem>>, vector<1x16xf32>,
        %swap3A_179 = vector.shape_cast %swap3A_178 : vector<1x16xf32> to vector<16xf32>
        %swap3A_180 = vector.shape_cast %mul3A_175 : vector<16xf32> to vector<1x16xf32>
        tpu.vector_store %arg12[%swap3A_176, %swap3A_177], %swap3A_180 {strides = array<i32>} : memref<40x128xf32, #tpu.memory_space<vmem>>, vector<1x16xf32>,
        %get3A_181 = arith.index_cast %add3A_109 : i32 to index
        %get3A_182 = arith.constant 96 : index
        %get3A_183 = tpu.vector_load %arg12[%get3A_181, %get3A_182] {strides = array<i32>} : memref<40x128xf32, #tpu.memory_space<vmem>>, vector<1x16xf32>,
        %get3A_184 = vector.shape_cast %get3A_183 : vector<1x16xf32> to vector<16xf32>
        %mul3A_185 = arith.mulf %get3A_184, %gather3A_121 : vector<16xf32>
        %swap3A_186 = arith.index_cast %add3A_109 : i32 to index
        %swap3A_187 = arith.constant 96 : index
        %swap3A_188 = tpu.vector_load %arg12[%swap3A_186, %swap3A_187] {strides = array<i32>} : memref<40x128xf32, #tpu.memory_space<vmem>>, vector<1x16xf32>,
        %swap3A_189 = vector.shape_cast %swap3A_188 : vector<1x16xf32> to vector<16xf32>
        %swap3A_190 = vector.shape_cast %mul3A_185 : vector<16xf32> to vector<1x16xf32>
        tpu.vector_store %arg12[%swap3A_186, %swap3A_187], %swap3A_190 {strides = array<i32>} : memref<40x128xf32, #tpu.memory_space<vmem>>, vector<1x16xf32>,
        %get3A_191 = arith.index_cast %add3A_109 : i32 to index
        %get3A_192 = arith.constant 112 : index
        %get3A_193 = tpu.vector_load %arg12[%get3A_191, %get3A_192] {strides = array<i32>} : memref<40x128xf32, #tpu.memory_space<vmem>>, vector<1x16xf32>,
        %get3A_194 = vector.shape_cast %get3A_193 : vector<1x16xf32> to vector<16xf32>
        %mul3A_195 = arith.mulf %get3A_194, %gather3A_121 : vector<16xf32>
        %swap3A_196 = arith.index_cast %add3A_109 : i32 to index
        %swap3A_197 = arith.constant 112 : index
        %swap3A_198 = tpu.vector_load %arg12[%swap3A_196, %swap3A_197] {strides = array<i32>} : memref<40x128xf32, #tpu.memory_space<vmem>>, vector<1x16xf32>,
        %swap3A_199 = vector.shape_cast %swap3A_198 : vector<1x16xf32> to vector<16xf32>
        %swap3A_200 = vector.shape_cast %mul3A_195 : vector<16xf32> to vector<1x16xf32>
        tpu.vector_store %arg12[%swap3A_196, %swap3A_197], %swap3A_200 {strides = array<i32>} : memref<40x128xf32, #tpu.memory_space<vmem>>, vector<1x16xf32>,
        %mul3A_201 = arith.constant 8 : i32
        %mul3A_202 = arith.muli %scan3A_90, %mul3A_201 : i32
        %mul3A_203 = arith.constant 2 : i32
        %mul3A_204 = arith.muli %scan3A_102, %mul3A_203 : i32
        %add3A_205 = arith.addi %mul3A_202, %mul3A_204 : i32
        %add3A_206 = arith.constant 1 : i32
        %add3A_207 = arith.addi %add3A_205, %add3A_206 : i32
        %mul3A_208 = arith.constant 2 : i32
        %mul3A_209 = arith.muli %scan3A_102, %mul3A_208 : i32
        %add3A_210 = arith.constant 1 : i32
        %add3A_211 = arith.addi %mul3A_209, %add3A_210 : i32
        %broadcast_in_dim3A_212 = vector.broadcast %add3A_211 : i32 to vector<16xi32>
        %lt3A_213 = arith.constant 0 : i32
        %lt3A_214 = vector.broadcast %lt3A_213 : i32 to vector<16xi32>
        %lt3A_215 = arith.cmpi slt, %broadcast_in_dim3A_212, %lt3A_214 : vector<16xi32>
        %add3A_216 = arith.constant 16 : i32
        %add3A_217 = vector.broadcast %add3A_216 : i32 to vector<16xi32>
        %add3A_218 = arith.addi %broadcast_in_dim3A_212, %add3A_217 : vector<16xi32>
        %select_n3A_219 = arith.select %lt3A_215, %add3A_218, %broadcast_in_dim3A_212 : vector<16xi1>, vector<16xi32>
        %broadcast_in_dim3A_220 = vector.shape_cast %select_n3A_219 : vector<16xi32> to vector<16x1xi32>
        %gather3A_221 = vector.shape_cast %broadcast_in_dim3A_220 : vector<16x1xi32> to vector<16xi32>
        %gather3A_222 = tpu.dynamic_gather %get3A_96[%gather3A_221] in [0] : vector<16xf32>, vector<16xi32> -> vector<16xf32>
        %get3A_223 = arith.index_cast %add3A_207 : i32 to index
        %get3A_224 = arith.constant 0 : index
        %get3A_225 = tpu.vector_load %arg12[%get3A_223, %get3A_224] {strides = array<i32>} : memref<40x128xf32, #tpu.memory_space<vmem>>, vector<1x16xf32>,
        %get3A_226 = vector.shape_cast %get3A_225 : vector<1x16xf32> to vector<16xf32>
        %mul3A_227 = arith.mulf %get3A_226, %gather3A_222 : vector<16xf32>
        %swap3A_228 = arith.index_cast %add3A_207 : i32 to index
        %swap3A_229 = arith.constant 0 : index
        %swap3A_230 = tpu.vector_load %arg12[%swap3A_228, %swap3A_229] {strides = array<i32>} : memref<40x128xf32, #tpu.memory_space<vmem>>, vector<1x16xf32>,
        %swap3A_231 = vector.shape_cast %swap3A_230 : vector<1x16xf32> to vector<16xf32>
        %swap3A_232 = vector.shape_cast %mul3A_227 : vector<16xf32> to vector<1x16xf32>
        tpu.vector_store %arg12[%swap3A_228, %swap3A_229], %swap3A_232 {strides = array<i32>} : memref<40x128xf32, #tpu.memory_space<vmem>>, vector<1x16xf32>,
        %get3A_233 = arith.index_cast %add3A_207 : i32 to index
        %get3A_234 = arith.constant 16 : index
        %get3A_235 = tpu.vector_load %arg12[%get3A_233, %get3A_234] {strides = array<i32>} : memref<40x128xf32, #tpu.memory_space<vmem>>, vector<1x16xf32>,
        %get3A_236 = vector.shape_cast %get3A_235 : vector<1x16xf32> to vector<16xf32>
        %mul3A_237 = arith.mulf %get3A_236, %gather3A_222 : vector<16xf32>
        %swap3A_238 = arith.index_cast %add3A_207 : i32 to index
        %swap3A_239 = arith.constant 16 : index
        %swap3A_240 = tpu.vector_load %arg12[%swap3A_238, %swap3A_239] {strides = array<i32>} : memref<40x128xf32, #tpu.memory_space<vmem>>, vector<1x16xf32>,
        %swap3A_241 = vector.shape_cast %swap3A_240 : vector<1x16xf32> to vector<16xf32>
        %swap3A_242 = vector.shape_cast %mul3A_237 : vector<16xf32> to vector<1x16xf32>
        tpu.vector_store %arg12[%swap3A_238, %swap3A_239], %swap3A_242 {strides = array<i32>} : memref<40x128xf32, #tpu.memory_space<vmem>>, vector<1x16xf32>,
        %get3A_243 = arith.index_cast %add3A_207 : i32 to index
        %get3A_244 = arith.constant 32 : index
        %get3A_245 = tpu.vector_load %arg12[%get3A_243, %get3A_244] {strides = array<i32>} : memref<40x128xf32, #tpu.memory_space<vmem>>, vector<1x16xf32>,
        %get3A_246 = vector.shape_cast %get3A_245 : vector<1x16xf32> to vector<16xf32>
        %mul3A_247 = arith.mulf %get3A_246, %gather3A_222 : vector<16xf32>
        %swap3A_248 = arith.index_cast %add3A_207 : i32 to index
        %swap3A_249 = arith.constant 32 : index
        %swap3A_250 = tpu.vector_load %arg12[%swap3A_248, %swap3A_249] {strides = array<i32>} : memref<40x128xf32, #tpu.memory_space<vmem>>, vector<1x16xf32>,
        %swap3A_251 = vector.shape_cast %swap3A_250 : vector<1x16xf32> to vector<16xf32>
        %swap3A_252 = vector.shape_cast %mul3A_247 : vector<16xf32> to vector<1x16xf32>
        tpu.vector_store %arg12[%swap3A_248, %swap3A_249], %swap3A_252 {strides = array<i32>} : memref<40x128xf32, #tpu.memory_space<vmem>>, vector<1x16xf32>,
        %get3A_253 = arith.index_cast %add3A_207 : i32 to index
        %get3A_254 = arith.constant 48 : index
        %get3A_255 = tpu.vector_load %arg12[%get3A_253, %get3A_254] {strides = array<i32>} : memref<40x128xf32, #tpu.memory_space<vmem>>, vector<1x16xf32>,
        %get3A_256 = vector.shape_cast %get3A_255 : vector<1x16xf32> to vector<16xf32>
        %mul3A_257 = arith.mulf %get3A_256, %gather3A_222 : vector<16xf32>
        %swap3A_258 = arith.index_cast %add3A_207 : i32 to index
        %swap3A_259 = arith.constant 48 : index
        %swap3A_260 = tpu.vector_load %arg12[%swap3A_258, %swap3A_259] {strides = array<i32>} : memref<40x128xf32, #tpu.memory_space<vmem>>, vector<1x16xf32>,
        %swap3A_261 = vector.shape_cast %swap3A_260 : vector<1x16xf32> to vector<16xf32>
        %swap3A_262 = vector.shape_cast %mul3A_257 : vector<16xf32> to vector<1x16xf32>
        tpu.vector_store %arg12[%swap3A_258, %swap3A_259], %swap3A_262 {strides = array<i32>} : memref<40x128xf32, #tpu.memory_space<vmem>>, vector<1x16xf32>,
        %get3A_263 = arith.index_cast %add3A_207 : i32 to index
        %get3A_264 = arith.constant 64 : index
        %get3A_265 = tpu.vector_load %arg12[%get3A_263, %get3A_264] {strides = array<i32>} : memref<40x128xf32, #tpu.memory_space<vmem>>, vector<1x16xf32>,
        %get3A_266 = vector.shape_cast %get3A_265 : vector<1x16xf32> to vector<16xf32>
        %mul3A_267 = arith.mulf %get3A_266, %gather3A_222 : vector<16xf32>
        %swap3A_268 = arith.index_cast %add3A_207 : i32 to index
        %swap3A_269 = arith.constant 64 : index
        %swap3A_270 = tpu.vector_load %arg12[%swap3A_268, %swap3A_269] {strides = array<i32>} : memref<40x128xf32, #tpu.memory_space<vmem>>, vector<1x16xf32>,
        %swap3A_271 = vector.shape_cast %swap3A_270 : vector<1x16xf32> to vector<16xf32>
        %swap3A_272 = vector.shape_cast %mul3A_267 : vector<16xf32> to vector<1x16xf32>
        tpu.vector_store %arg12[%swap3A_268, %swap3A_269], %swap3A_272 {strides = array<i32>} : memref<40x128xf32, #tpu.memory_space<vmem>>, vector<1x16xf32>,
        %get3A_273 = arith.index_cast %add3A_207 : i32 to index
        %get3A_274 = arith.constant 80 : index
        %get3A_275 = tpu.vector_load %arg12[%get3A_273, %get3A_274] {strides = array<i32>} : memref<40x128xf32, #tpu.memory_space<vmem>>, vector<1x16xf32>,
        %get3A_276 = vector.shape_cast %get3A_275 : vector<1x16xf32> to vector<16xf32>
        %mul3A_277 = arith.mulf %get3A_276, %gather3A_222 : vector<16xf32>
        %swap3A_278 = arith.index_cast %add3A_207 : i32 to index
        %swap3A_279 = arith.constant 80 : index
        %swap3A_280 = tpu.vector_load %arg12[%swap3A_278, %swap3A_279] {strides = array<i32>} : memref<40x128xf32, #tpu.memory_space<vmem>>, vector<1x16xf32>,
        %swap3A_281 = vector.shape_cast %swap3A_280 : vector<1x16xf32> to vector<16xf32>
        %swap3A_282 = vector.shape_cast %mul3A_277 : vector<16xf32> to vector<1x16xf32>
        tpu.vector_store %arg12[%swap3A_278, %swap3A_279], %swap3A_282 {strides = array<i32>} : memref<40x128xf32, #tpu.memory_space<vmem>>, vector<1x16xf32>,
        %get3A_283 = arith.index_cast %add3A_207 : i32 to index
        %get3A_284 = arith.constant 96 : index
        %get3A_285 = tpu.vector_load %arg12[%get3A_283, %get3A_284] {strides = array<i32>} : memref<40x128xf32, #tpu.memory_space<vmem>>, vector<1x16xf32>,
        %get3A_286 = vector.shape_cast %get3A_285 : vector<1x16xf32> to vector<16xf32>
        %mul3A_287 = arith.mulf %get3A_286, %gather3A_222 : vector<16xf32>
        %swap3A_288 = arith.index_cast %add3A_207 : i32 to index
        %swap3A_289 = arith.constant 96 : index
        %swap3A_290 = tpu.vector_load %arg12[%swap3A_288, %swap3A_289] {strides = array<i32>} : memref<40x128xf32, #tpu.memory_space<vmem>>, vector<1x16xf32>,
        %swap3A_291 = vector.shape_cast %swap3A_290 : vector<1x16xf32> to vector<16xf32>
        %swap3A_292 = vector.shape_cast %mul3A_287 : vector<16xf32> to vector<1x16xf32>
        tpu.vector_store %arg12[%swap3A_288, %swap3A_289], %swap3A_292 {strides = array<i32>} : memref<40x128xf32, #tpu.memory_space<vmem>>, vector<1x16xf32>,
        %get3A_293 = arith.index_cast %add3A_207 : i32 to index
        %get3A_294 = arith.constant 112 : index
        %get3A_295 = tpu.vector_load %arg12[%get3A_293, %get3A_294] {strides = array<i32>} : memref<40x128xf32, #tpu.memory_space<vmem>>, vector<1x16xf32>,
        %get3A_296 = vector.shape_cast %get3A_295 : vector<1x16xf32> to vector<16xf32>
        %mul3A_297 = arith.mulf %get3A_296, %gather3A_222 : vector<16xf32>
        %swap3A_298 = arith.index_cast %add3A_207 : i32 to index
        %swap3A_299 = arith.constant 112 : index
        %swap3A_300 = tpu.vector_load %arg12[%swap3A_298, %swap3A_299] {strides = array<i32>} : memref<40x128xf32, #tpu.memory_space<vmem>>, vector<1x16xf32>,
        %swap3A_301 = vector.shape_cast %swap3A_300 : vector<1x16xf32> to vector<16xf32>
        %swap3A_302 = vector.shape_cast %mul3A_297 : vector<16xf32> to vector<1x16xf32>
        tpu.vector_store %arg12[%swap3A_298, %swap3A_299], %swap3A_302 {strides = array<i32>} : memref<40x128xf32, #tpu.memory_space<vmem>>, vector<1x16xf32>,
      }
      %scan3A_101 = arith.constant 4 : i32
    }
    %scan3A_38 = arith.constant 5 : i32
    %dma_start3A_39 = arith.constant 9920 : i32
    %dma_start3A_40 = tpu.memref_slice %arg9[%dma_start3A_39] : memref<10000xi32, #tpu.memory_space<vmem>> -> memref<40xi32, #tpu.memory_space<vmem>>
    %dma_start3A_41 = arith.constant 0 : i32
    %dma_start3A_42 = arith.constant 0 : i32
    %dma_start3A_43 = tpu.memref_slice %arg8[%dma_start3A_41, %dma_start3A_42] : memref<10000x128xf32, #tpu.memory_space<vmem_shared>> -> memref<10000x128xf32, #tpu.memory_space<vmem_shared>>
    tpu.enqueue_indirect_dma source(%arg12 : memref<40x128xf32, #tpu.memory_space<vmem>>) target(%dma_start3A_43 : memref<10000x128xf32, #tpu.memory_space<vmem_shared>>) offsets(%dma_start3A_40 : memref<40xi32, #tpu.memory_space<vmem>>) semaphore(%arg20 : memref<!tpu.dma_semaphore, #tpu.memory_space<semaphore_mem>>) {add = true}
    %dma_wait3A_44 = arith.constant 0 : i32
    %dma_wait3A_45 = arith.constant 0 : i32
    %dma_wait3A_46 = tpu.memref_slice %arg2[%dma_wait3A_44, %dma_wait3A_45] : memref<10000x128xf32, #tpu.memory_space<hbm>> -> memref<40x128xf32, #tpu.memory_space<hbm>>
    %dma_wait3A_47 = arith.constant 0 : i32
    %dma_wait3A_48 = arith.constant 0 : i32
    %dma_wait3A_49 = tpu.memref_slice %arg2[%dma_wait3A_47, %dma_wait3A_48] : memref<10000x128xf32, #tpu.memory_space<hbm>> -> memref<40x128xf32, #tpu.memory_space<hbm>>
    tpu.wait_dma2 semaphore(%arg23 : memref<!tpu.dma_semaphore, #tpu.memory_space<semaphore_mem>>) src(%dma_wait3A_49 : memref<40x128xf32, #tpu.memory_space<hbm>>) dst(%arg15 : memref<40x128xf32, #tpu.memory_space<vmem>>)
    %dma_wait3A_50 = arith.constant 0 : i32
    %dma_wait3A_51 = arith.constant 0 : i32
    %dma_wait3A_52 = tpu.memref_slice %arg2[%dma_wait3A_50, %dma_wait3A_51] : memref<10000x128xf32, #tpu.memory_space<hbm>> -> memref<40x128xf32, #tpu.memory_space<hbm>>
    %dma_wait3A_53 = arith.constant 0 : i32
    %dma_wait3A_54 = arith.constant 0 : i32
    %dma_wait3A_55 = tpu.memref_slice %arg2[%dma_wait3A_53, %dma_wait3A_54] : memref<10000x128xf32, #tpu.memory_space<hbm>> -> memref<40x128xf32, #tpu.memory_space<hbm>>
    tpu.wait_dma2 semaphore(%arg17 : memref<!tpu.dma_semaphore, #tpu.memory_space<semaphore_mem>>) src(%dma_wait3A_55 : memref<40x128xf32, #tpu.memory_space<hbm>>) dst(%arg13 : memref<40x128xf32, #tpu.memory_space<vmem>>)
    %scan3A_56 = arith.constant 0 : i32
    %scan3A_57 = arith.constant 0 : i32
    %scan3A_58 = arith.constant 5 : i32
    %scan3A_59 = arith.addi %scan3A_57, %scan3A_58 : i32
    %scan3A_60 = arith.constant 1 : i32
    scf.for %scan3A_90 = %scan3A_57 to %scan3A_59 step %scan3A_60  : i32 {
      %mul3A_91 = arith.constant 8 : i32
      %mul3A_92 = arith.muli %scan3A_90, %mul3A_91 : i32
      %add3A_93 = arith.constant 9960 : i32
      %add3A_94 = arith.addi %add3A_93, %mul3A_92 : i32
      %get3A = arith.index_cast %add3A_94 : i32 to index
      %get3A_95 = tpu.vector_load %arg11[%get3A] {strides = array<i32>} : memref<10000xf32, #tpu.memory_space<vmem>>, vector<16xf32>,
      %get3A_96 = vector.shape_cast %get3A_95 : vector<16xf32> to vector<16xf32>
      %scan3A_97 = arith.constant 0 : i32
      %scan3A_98 = arith.constant 4 : i32
      %scan3A_99 = arith.addi %scan3A_97, %scan3A_98 : i32
      %scan3A_100 = arith.constant 1 : i32
      scf.for %scan3A_102 = %scan3A_97 to %scan3A_99 step %scan3A_100  : i32 {
        %mul3A_103 = arith.constant 8 : i32
        %mul3A_104 = arith.muli %scan3A_90, %mul3A_103 : i32
        %mul3A_105 = arith.constant 2 : i32
        %mul3A_106 = arith.muli %scan3A_102, %mul3A_105 : i32
        %add3A_107 = arith.addi %mul3A_104, %mul3A_106 : i32
        %add3A_108 = arith.constant 0 : i32
        %add3A_109 = arith.addi %add3A_107, %add3A_108 : i32
        %mul3A_110 = arith.constant 2 : i32
        %mul3A_111 = arith.muli %scan3A_102, %mul3A_110 : i32
        %add3A_112 = arith.constant 0 : i32
        %add3A_113 = arith.addi %mul3A_111, %add3A_112 : i32
        %broadcast_in_dim3A = vector.broadcast %add3A_113 : i32 to vector<16xi32>
        %lt3A_114 = arith.constant 0 : i32
        %lt3A_115 = vector.broadcast %lt3A_114 : i32 to vector<16xi32>
        %lt3A_116 = arith.cmpi slt, %broadcast_in_dim3A, %lt3A_115 : vector<16xi32>
        %add3A_117 = arith.constant 16 : i32
        %add3A_118 = vector.broadcast %add3A_117 : i32 to vector<16xi32>
        %add3A_119 = arith.addi %broadcast_in_dim3A, %add3A_118 : vector<16xi32>
        %select_n3A = arith.select %lt3A_116, %add3A_119, %broadcast_in_dim3A : vector<16xi1>, vector<16xi32>
        %broadcast_in_dim3A_120 = vector.shape_cast %select_n3A : vector<16xi32> to vector<16x1xi32>
        %gather3A = vector.shape_cast %broadcast_in_dim3A_120 : vector<16x1xi32> to vector<16xi32>
        %gather3A_121 = tpu.dynamic_gather %get3A_96[%gather3A] in [0] : vector<16xf32>, vector<16xi32> -> vector<16xf32>
        %get3A_122 = arith.index_cast %add3A_109 : i32 to index
        %get3A_123 = arith.constant 0 : index
        %get3A_124 = tpu.vector_load %arg13[%get3A_122, %get3A_123] {strides = array<i32>} : memref<40x128xf32, #tpu.memory_space<vmem>>, vector<1x16xf32>,
        %get3A_125 = vector.shape_cast %get3A_124 : vector<1x16xf32> to vector<16xf32>
        %mul3A_126 = arith.mulf %get3A_125, %gather3A_121 : vector<16xf32>
        %swap3A = arith.index_cast %add3A_109 : i32 to index
        %swap3A_127 = arith.constant 0 : index
        %swap3A_128 = tpu.vector_load %arg13[%swap3A, %swap3A_127] {strides = array<i32>} : memref<40x128xf32, #tpu.memory_space<vmem>>, vector<1x16xf32>,
        %swap3A_129 = vector.shape_cast %swap3A_128 : vector<1x16xf32> to vector<16xf32>
        %swap3A_130 = vector.shape_cast %mul3A_126 : vector<16xf32> to vector<1x16xf32>
        tpu.vector_store %arg13[%swap3A, %swap3A_127], %swap3A_130 {strides = array<i32>} : memref<40x128xf32, #tpu.memory_space<vmem>>, vector<1x16xf32>,
        %get3A_131 = arith.index_cast %add3A_109 : i32 to index
        %get3A_132 = arith.constant 16 : index
        %get3A_133 = tpu.vector_load %arg13[%get3A_131, %get3A_132] {strides = array<i32>} : memref<40x128xf32, #tpu.memory_space<vmem>>, vector<1x16xf32>,
        %get3A_134 = vector.shape_cast %get3A_133 : vector<1x16xf32> to vector<16xf32>
        %mul3A_135 = arith.mulf %get3A_134, %gather3A_121 : vector<16xf32>
        %swap3A_136 = arith.index_cast %add3A_109 : i32 to index
        %swap3A_137 = arith.constant 16 : index
        %swap3A_138 = tpu.vector_load %arg13[%swap3A_136, %swap3A_137] {strides = array<i32>} : memref<40x128xf32, #tpu.memory_space<vmem>>, vector<1x16xf32>,
        %swap3A_139 = vector.shape_cast %swap3A_138 : vector<1x16xf32> to vector<16xf32>
        %swap3A_140 = vector.shape_cast %mul3A_135 : vector<16xf32> to vector<1x16xf32>
        tpu.vector_store %arg13[%swap3A_136, %swap3A_137], %swap3A_140 {strides = array<i32>} : memref<40x128xf32, #tpu.memory_space<vmem>>, vector<1x16xf32>,
        %get3A_141 = arith.index_cast %add3A_109 : i32 to index
        %get3A_142 = arith.constant 32 : index
        %get3A_143 = tpu.vector_load %arg13[%get3A_141, %get3A_142] {strides = array<i32>} : memref<40x128xf32, #tpu.memory_space<vmem>>, vector<1x16xf32>,
        %get3A_144 = vector.shape_cast %get3A_143 : vector<1x16xf32> to vector<16xf32>
        %mul3A_145 = arith.mulf %get3A_144, %gather3A_121 : vector<16xf32>
        %swap3A_146 = arith.index_cast %add3A_109 : i32 to index
        %swap3A_147 = arith.constant 32 : index
        %swap3A_148 = tpu.vector_load %arg13[%swap3A_146, %swap3A_147] {strides = array<i32>} : memref<40x128xf32, #tpu.memory_space<vmem>>, vector<1x16xf32>,
        %swap3A_149 = vector.shape_cast %swap3A_148 : vector<1x16xf32> to vector<16xf32>
        %swap3A_150 = vector.shape_cast %mul3A_145 : vector<16xf32> to vector<1x16xf32>
        tpu.vector_store %arg13[%swap3A_146, %swap3A_147], %swap3A_150 {strides = array<i32>} : memref<40x128xf32, #tpu.memory_space<vmem>>, vector<1x16xf32>,
        %get3A_151 = arith.index_cast %add3A_109 : i32 to index
        %get3A_152 = arith.constant 48 : index
        %get3A_153 = tpu.vector_load %arg13[%get3A_151, %get3A_152] {strides = array<i32>} : memref<40x128xf32, #tpu.memory_space<vmem>>, vector<1x16xf32>,
        %get3A_154 = vector.shape_cast %get3A_153 : vector<1x16xf32> to vector<16xf32>
        %mul3A_155 = arith.mulf %get3A_154, %gather3A_121 : vector<16xf32>
        %swap3A_156 = arith.index_cast %add3A_109 : i32 to index
        %swap3A_157 = arith.constant 48 : index
        %swap3A_158 = tpu.vector_load %arg13[%swap3A_156, %swap3A_157] {strides = array<i32>} : memref<40x128xf32, #tpu.memory_space<vmem>>, vector<1x16xf32>,
        %swap3A_159 = vector.shape_cast %swap3A_158 : vector<1x16xf32> to vector<16xf32>
        %swap3A_160 = vector.shape_cast %mul3A_155 : vector<16xf32> to vector<1x16xf32>
        tpu.vector_store %arg13[%swap3A_156, %swap3A_157], %swap3A_160 {strides = array<i32>} : memref<40x128xf32, #tpu.memory_space<vmem>>, vector<1x16xf32>,
        %get3A_161 = arith.index_cast %add3A_109 : i32 to index
        %get3A_162 = arith.constant 64 : index
        %get3A_163 = tpu.vector_load %arg13[%get3A_161, %get3A_162] {strides = array<i32>} : memref<40x128xf32, #tpu.memory_space<vmem>>, vector<1x16xf32>,
        %get3A_164 = vector.shape_cast %get3A_163 : vector<1x16xf32> to vector<16xf32>
        %mul3A_165 = arith.mulf %get3A_164, %gather3A_121 : vector<16xf32>
        %swap3A_166 = arith.index_cast %add3A_109 : i32 to index
        %swap3A_167 = arith.constant 64 : index
        %swap3A_168 = tpu.vector_load %arg13[%swap3A_166, %swap3A_167] {strides = array<i32>} : memref<40x128xf32, #tpu.memory_space<vmem>>, vector<1x16xf32>,
        %swap3A_169 = vector.shape_cast %swap3A_168 : vector<1x16xf32> to vector<16xf32>
        %swap3A_170 = vector.shape_cast %mul3A_165 : vector<16xf32> to vector<1x16xf32>
        tpu.vector_store %arg13[%swap3A_166, %swap3A_167], %swap3A_170 {strides = array<i32>} : memref<40x128xf32, #tpu.memory_space<vmem>>, vector<1x16xf32>,
        %get3A_171 = arith.index_cast %add3A_109 : i32 to index
        %get3A_172 = arith.constant 80 : index
        %get3A_173 = tpu.vector_load %arg13[%get3A_171, %get3A_172] {strides = array<i32>} : memref<40x128xf32, #tpu.memory_space<vmem>>, vector<1x16xf32>,
        %get3A_174 = vector.shape_cast %get3A_173 : vector<1x16xf32> to vector<16xf32>
        %mul3A_175 = arith.mulf %get3A_174, %gather3A_121 : vector<16xf32>
        %swap3A_176 = arith.index_cast %add3A_109 : i32 to index
        %swap3A_177 = arith.constant 80 : index
        %swap3A_178 = tpu.vector_load %arg13[%swap3A_176, %swap3A_177] {strides = array<i32>} : memref<40x128xf32, #tpu.memory_space<vmem>>, vector<1x16xf32>,
        %swap3A_179 = vector.shape_cast %swap3A_178 : vector<1x16xf32> to vector<16xf32>
        %swap3A_180 = vector.shape_cast %mul3A_175 : vector<16xf32> to vector<1x16xf32>
        tpu.vector_store %arg13[%swap3A_176, %swap3A_177], %swap3A_180 {strides = array<i32>} : memref<40x128xf32, #tpu.memory_space<vmem>>, vector<1x16xf32>,
        %get3A_181 = arith.index_cast %add3A_109 : i32 to index
        %get3A_182 = arith.constant 96 : index
        %get3A_183 = tpu.vector_load %arg13[%get3A_181, %get3A_182] {strides = array<i32>} : memref<40x128xf32, #tpu.memory_space<vmem>>, vector<1x16xf32>,
        %get3A_184 = vector.shape_cast %get3A_183 : vector<1x16xf32> to vector<16xf32>
        %mul3A_185 = arith.mulf %get3A_184, %gather3A_121 : vector<16xf32>
        %swap3A_186 = arith.index_cast %add3A_109 : i32 to index
        %swap3A_187 = arith.constant 96 : index
        %swap3A_188 = tpu.vector_load %arg13[%swap3A_186, %swap3A_187] {strides = array<i32>} : memref<40x128xf32, #tpu.memory_space<vmem>>, vector<1x16xf32>,
        %swap3A_189 = vector.shape_cast %swap3A_188 : vector<1x16xf32> to vector<16xf32>
        %swap3A_190 = vector.shape_cast %mul3A_185 : vector<16xf32> to vector<1x16xf32>
        tpu.vector_store %arg13[%swap3A_186, %swap3A_187], %swap3A_190 {strides = array<i32>} : memref<40x128xf32, #tpu.memory_space<vmem>>, vector<1x16xf32>,
        %get3A_191 = arith.index_cast %add3A_109 : i32 to index
        %get3A_192 = arith.constant 112 : index
        %get3A_193 = tpu.vector_load %arg13[%get3A_191, %get3A_192] {strides = array<i32>} : memref<40x128xf32, #tpu.memory_space<vmem>>, vector<1x16xf32>,
        %get3A_194 = vector.shape_cast %get3A_193 : vector<1x16xf32> to vector<16xf32>
        %mul3A_195 = arith.mulf %get3A_194, %gather3A_121 : vector<16xf32>
        %swap3A_196 = arith.index_cast %add3A_109 : i32 to index
        %swap3A_197 = arith.constant 112 : index
        %swap3A_198 = tpu.vector_load %arg13[%swap3A_196, %swap3A_197] {strides = array<i32>} : memref<40x128xf32, #tpu.memory_space<vmem>>, vector<1x16xf32>,
        %swap3A_199 = vector.shape_cast %swap3A_198 : vector<1x16xf32> to vector<16xf32>
        %swap3A_200 = vector.shape_cast %mul3A_195 : vector<16xf32> to vector<1x16xf32>
        tpu.vector_store %arg13[%swap3A_196, %swap3A_197], %swap3A_200 {strides = array<i32>} : memref<40x128xf32, #tpu.memory_space<vmem>>, vector<1x16xf32>,
        %mul3A_201 = arith.constant 8 : i32
        %mul3A_202 = arith.muli %scan3A_90, %mul3A_201 : i32
        %mul3A_203 = arith.constant 2 : i32
        %mul3A_204 = arith.muli %scan3A_102, %mul3A_203 : i32
        %add3A_205 = arith.addi %mul3A_202, %mul3A_204 : i32
        %add3A_206 = arith.constant 1 : i32
        %add3A_207 = arith.addi %add3A_205, %add3A_206 : i32
        %mul3A_208 = arith.constant 2 : i32
        %mul3A_209 = arith.muli %scan3A_102, %mul3A_208 : i32
        %add3A_210 = arith.constant 1 : i32
        %add3A_211 = arith.addi %mul3A_209, %add3A_210 : i32
        %broadcast_in_dim3A_212 = vector.broadcast %add3A_211 : i32 to vector<16xi32>
        %lt3A_213 = arith.constant 0 : i32
        %lt3A_214 = vector.broadcast %lt3A_213 : i32 to vector<16xi32>
        %lt3A_215 = arith.cmpi slt, %broadcast_in_dim3A_212, %lt3A_214 : vector<16xi32>
        %add3A_216 = arith.constant 16 : i32
        %add3A_217 = vector.broadcast %add3A_216 : i32 to vector<16xi32>
        %add3A_218 = arith.addi %broadcast_in_dim3A_212, %add3A_217 : vector<16xi32>
        %select_n3A_219 = arith.select %lt3A_215, %add3A_218, %broadcast_in_dim3A_212 : vector<16xi1>, vector<16xi32>
        %broadcast_in_dim3A_220 = vector.shape_cast %select_n3A_219 : vector<16xi32> to vector<16x1xi32>
        %gather3A_221 = vector.shape_cast %broadcast_in_dim3A_220 : vector<16x1xi32> to vector<16xi32>
        %gather3A_222 = tpu.dynamic_gather %get3A_96[%gather3A_221] in [0] : vector<16xf32>, vector<16xi32> -> vector<16xf32>
        %get3A_223 = arith.index_cast %add3A_207 : i32 to index
        %get3A_224 = arith.constant 0 : index
        %get3A_225 = tpu.vector_load %arg13[%get3A_223, %get3A_224] {strides = array<i32>} : memref<40x128xf32, #tpu.memory_space<vmem>>, vector<1x16xf32>,
        %get3A_226 = vector.shape_cast %get3A_225 : vector<1x16xf32> to vector<16xf32>
        %mul3A_227 = arith.mulf %get3A_226, %gather3A_222 : vector<16xf32>
        %swap3A_228 = arith.index_cast %add3A_207 : i32 to index
        %swap3A_229 = arith.constant 0 : index
        %swap3A_230 = tpu.vector_load %arg13[%swap3A_228, %swap3A_229] {strides = array<i32>} : memref<40x128xf32, #tpu.memory_space<vmem>>, vector<1x16xf32>,
        %swap3A_231 = vector.shape_cast %swap3A_230 : vector<1x16xf32> to vector<16xf32>
        %swap3A_232 = vector.shape_cast %mul3A_227 : vector<16xf32> to vector<1x16xf32>
        tpu.vector_store %arg13[%swap3A_228, %swap3A_229], %swap3A_232 {strides = array<i32>} : memref<40x128xf32, #tpu.memory_space<vmem>>, vector<1x16xf32>,
        %get3A_233 = arith.index_cast %add3A_207 : i32 to index
        %get3A_234 = arith.constant 16 : index
        %get3A_235 = tpu.vector_load %arg13[%get3A_233, %get3A_234] {strides = array<i32>} : memref<40x128xf32, #tpu.memory_space<vmem>>, vector<1x16xf32>,
        %get3A_236 = vector.shape_cast %get3A_235 : vector<1x16xf32> to vector<16xf32>
        %mul3A_237 = arith.mulf %get3A_236, %gather3A_222 : vector<16xf32>
        %swap3A_238 = arith.index_cast %add3A_207 : i32 to index
        %swap3A_239 = arith.constant 16 : index
        %swap3A_240 = tpu.vector_load %arg13[%swap3A_238, %swap3A_239] {strides = array<i32>} : memref<40x128xf32, #tpu.memory_space<vmem>>, vector<1x16xf32>,
        %swap3A_241 = vector.shape_cast %swap3A_240 : vector<1x16xf32> to vector<16xf32>
        %swap3A_242 = vector.shape_cast %mul3A_237 : vector<16xf32> to vector<1x16xf32>
        tpu.vector_store %arg13[%swap3A_238, %swap3A_239], %swap3A_242 {strides = array<i32>} : memref<40x128xf32, #tpu.memory_space<vmem>>, vector<1x16xf32>,
        %get3A_243 = arith.index_cast %add3A_207 : i32 to index
        %get3A_244 = arith.constant 32 : index
        %get3A_245 = tpu.vector_load %arg13[%get3A_243, %get3A_244] {strides = array<i32>} : memref<40x128xf32, #tpu.memory_space<vmem>>, vector<1x16xf32>,
        %get3A_246 = vector.shape_cast %get3A_245 : vector<1x16xf32> to vector<16xf32>
        %mul3A_247 = arith.mulf %get3A_246, %gather3A_222 : vector<16xf32>
        %swap3A_248 = arith.index_cast %add3A_207 : i32 to index
        %swap3A_249 = arith.constant 32 : index
        %swap3A_250 = tpu.vector_load %arg13[%swap3A_248, %swap3A_249] {strides = array<i32>} : memref<40x128xf32, #tpu.memory_space<vmem>>, vector<1x16xf32>,
        %swap3A_251 = vector.shape_cast %swap3A_250 : vector<1x16xf32> to vector<16xf32>
        %swap3A_252 = vector.shape_cast %mul3A_247 : vector<16xf32> to vector<1x16xf32>
        tpu.vector_store %arg13[%swap3A_248, %swap3A_249], %swap3A_252 {strides = array<i32>} : memref<40x128xf32, #tpu.memory_space<vmem>>, vector<1x16xf32>,
        %get3A_253 = arith.index_cast %add3A_207 : i32 to index
        %get3A_254 = arith.constant 48 : index
        %get3A_255 = tpu.vector_load %arg13[%get3A_253, %get3A_254] {strides = array<i32>} : memref<40x128xf32, #tpu.memory_space<vmem>>, vector<1x16xf32>,
        %get3A_256 = vector.shape_cast %get3A_255 : vector<1x16xf32> to vector<16xf32>
        %mul3A_257 = arith.mulf %get3A_256, %gather3A_222 : vector<16xf32>
        %swap3A_258 = arith.index_cast %add3A_207 : i32 to index
        %swap3A_259 = arith.constant 48 : index
        %swap3A_260 = tpu.vector_load %arg13[%swap3A_258, %swap3A_259] {strides = array<i32>} : memref<40x128xf32, #tpu.memory_space<vmem>>, vector<1x16xf32>,
        %swap3A_261 = vector.shape_cast %swap3A_260 : vector<1x16xf32> to vector<16xf32>
        %swap3A_262 = vector.shape_cast %mul3A_257 : vector<16xf32> to vector<1x16xf32>
        tpu.vector_store %arg13[%swap3A_258, %swap3A_259], %swap3A_262 {strides = array<i32>} : memref<40x128xf32, #tpu.memory_space<vmem>>, vector<1x16xf32>,
        %get3A_263 = arith.index_cast %add3A_207 : i32 to index
        %get3A_264 = arith.constant 64 : index
        %get3A_265 = tpu.vector_load %arg13[%get3A_263, %get3A_264] {strides = array<i32>} : memref<40x128xf32, #tpu.memory_space<vmem>>, vector<1x16xf32>,
        %get3A_266 = vector.shape_cast %get3A_265 : vector<1x16xf32> to vector<16xf32>
        %mul3A_267 = arith.mulf %get3A_266, %gather3A_222 : vector<16xf32>
        %swap3A_268 = arith.index_cast %add3A_207 : i32 to index
        %swap3A_269 = arith.constant 64 : index
        %swap3A_270 = tpu.vector_load %arg13[%swap3A_268, %swap3A_269] {strides = array<i32>} : memref<40x128xf32, #tpu.memory_space<vmem>>, vector<1x16xf32>,
        %swap3A_271 = vector.shape_cast %swap3A_270 : vector<1x16xf32> to vector<16xf32>
        %swap3A_272 = vector.shape_cast %mul3A_267 : vector<16xf32> to vector<1x16xf32>
        tpu.vector_store %arg13[%swap3A_268, %swap3A_269], %swap3A_272 {strides = array<i32>} : memref<40x128xf32, #tpu.memory_space<vmem>>, vector<1x16xf32>,
        %get3A_273 = arith.index_cast %add3A_207 : i32 to index
        %get3A_274 = arith.constant 80 : index
        %get3A_275 = tpu.vector_load %arg13[%get3A_273, %get3A_274] {strides = array<i32>} : memref<40x128xf32, #tpu.memory_space<vmem>>, vector<1x16xf32>,
        %get3A_276 = vector.shape_cast %get3A_275 : vector<1x16xf32> to vector<16xf32>
        %mul3A_277 = arith.mulf %get3A_276, %gather3A_222 : vector<16xf32>
        %swap3A_278 = arith.index_cast %add3A_207 : i32 to index
        %swap3A_279 = arith.constant 80 : index
        %swap3A_280 = tpu.vector_load %arg13[%swap3A_278, %swap3A_279] {strides = array<i32>} : memref<40x128xf32, #tpu.memory_space<vmem>>, vector<1x16xf32>,
        %swap3A_281 = vector.shape_cast %swap3A_280 : vector<1x16xf32> to vector<16xf32>
        %swap3A_282 = vector.shape_cast %mul3A_277 : vector<16xf32> to vector<1x16xf32>
        tpu.vector_store %arg13[%swap3A_278, %swap3A_279], %swap3A_282 {strides = array<i32>} : memref<40x128xf32, #tpu.memory_space<vmem>>, vector<1x16xf32>,
        %get3A_283 = arith.index_cast %add3A_207 : i32 to index
        %get3A_284 = arith.constant 96 : index
        %get3A_285 = tpu.vector_load %arg13[%get3A_283, %get3A_284] {strides = array<i32>} : memref<40x128xf32, #tpu.memory_space<vmem>>, vector<1x16xf32>,
        %get3A_286 = vector.shape_cast %get3A_285 : vector<1x16xf32> to vector<16xf32>
        %mul3A_287 = arith.mulf %get3A_286, %gather3A_222 : vector<16xf32>
        %swap3A_288 = arith.index_cast %add3A_207 : i32 to index
        %swap3A_289 = arith.constant 96 : index
        %swap3A_290 = tpu.vector_load %arg13[%swap3A_288, %swap3A_289] {strides = array<i32>} : memref<40x128xf32, #tpu.memory_space<vmem>>, vector<1x16xf32>,
        %swap3A_291 = vector.shape_cast %swap3A_290 : vector<1x16xf32> to vector<16xf32>
        %swap3A_292 = vector.shape_cast %mul3A_287 : vector<16xf32> to vector<1x16xf32>
        tpu.vector_store %arg13[%swap3A_288, %swap3A_289], %swap3A_292 {strides = array<i32>} : memref<40x128xf32, #tpu.memory_space<vmem>>, vector<1x16xf32>,
        %get3A_293 = arith.index_cast %add3A_207 : i32 to index
        %get3A_294 = arith.constant 112 : index
        %get3A_295 = tpu.vector_load %arg13[%get3A_293, %get3A_294] {strides = array<i32>} : memref<40x128xf32, #tpu.memory_space<vmem>>, vector<1x16xf32>,
        %get3A_296 = vector.shape_cast %get3A_295 : vector<1x16xf32> to vector<16xf32>
        %mul3A_297 = arith.mulf %get3A_296, %gather3A_222 : vector<16xf32>
        %swap3A_298 = arith.index_cast %add3A_207 : i32 to index
        %swap3A_299 = arith.constant 112 : index
        %swap3A_300 = tpu.vector_load %arg13[%swap3A_298, %swap3A_299] {strides = array<i32>} : memref<40x128xf32, #tpu.memory_space<vmem>>, vector<1x16xf32>,
        %swap3A_301 = vector.shape_cast %swap3A_300 : vector<1x16xf32> to vector<16xf32>
        %swap3A_302 = vector.shape_cast %mul3A_297 : vector<16xf32> to vector<1x16xf32>
        tpu.vector_store %arg13[%swap3A_298, %swap3A_299], %swap3A_302 {strides = array<i32>} : memref<40x128xf32, #tpu.memory_space<vmem>>, vector<1x16xf32>,
      }
      %scan3A_101 = arith.constant 4 : i32
    }
    %scan3A_61 = arith.constant 5 : i32
    %dma_start3A_62 = arith.constant 9960 : i32
    %dma_start3A_63 = tpu.memref_slice %arg9[%dma_start3A_62] : memref<10000xi32, #tpu.memory_space<vmem>> -> memref<40xi32, #tpu.memory_space<vmem>>
    %dma_start3A_64 = arith.constant 0 : i32
    %dma_start3A_65 = arith.constant 0 : i32
    %dma_start3A_66 = tpu.memref_slice %arg8[%dma_start3A_64, %dma_start3A_65] : memref<10000x128xf32, #tpu.memory_space<vmem_shared>> -> memref<10000x128xf32, #tpu.memory_space<vmem_shared>>
    tpu.enqueue_indirect_dma source(%arg13 : memref<40x128xf32, #tpu.memory_space<vmem>>) target(%dma_start3A_66 : memref<10000x128xf32, #tpu.memory_space<vmem_shared>>) offsets(%dma_start3A_63 : memref<40xi32, #tpu.memory_space<vmem>>) semaphore(%arg21 : memref<!tpu.dma_semaphore, #tpu.memory_space<semaphore_mem>>) {add = true}
    %dma_wait3A_67 = arith.constant 0 : i32
    %dma_wait3A_68 = arith.constant 0 : i32
    %dma_wait3A_69 = tpu.memref_slice %arg2[%dma_wait3A_67, %dma_wait3A_68] : memref<10000x128xf32, #tpu.memory_space<hbm>> -> memref<40x128xf32, #tpu.memory_space<hbm>>
    %dma_wait3A_70 = arith.constant 0 : i32
    %dma_wait3A_71 = arith.constant 0 : i32
    %dma_wait3A_72 = tpu.memref_slice %arg2[%dma_wait3A_70, %dma_wait3A_71] : memref<10000x128xf32, #tpu.memory_space<hbm>> -> memref<40x128xf32, #tpu.memory_space<hbm>>
    tpu.wait_dma2 semaphore(%arg20 : memref<!tpu.dma_semaphore, #tpu.memory_space<semaphore_mem>>) src(%dma_wait3A_72 : memref<40x128xf32, #tpu.memory_space<hbm>>) dst(%arg12 : memref<40x128xf32, #tpu.memory_space<vmem>>)
    %dma_wait3A_73 = arith.constant 0 : i32
    %dma_wait3A_74 = arith.constant 0 : i32
    %dma_wait3A_75 = tpu.memref_slice %arg2[%dma_wait3A_73, %dma_wait3A_74] : memref<10000x128xf32, #tpu.memory_space<hbm>> -> memref<40x128xf32, #tpu.memory_space<hbm>>
    %dma_wait3A_76 = arith.constant 0 : i32
    %dma_wait3A_77 = arith.constant 0 : i32
    %dma_wait3A_78 = tpu.memref_slice %arg2[%dma_wait3A_76, %dma_wait3A_77] : memref<10000x128xf32, #tpu.memory_space<hbm>> -> memref<40x128xf32, #tpu.memory_space<hbm>>
    tpu.wait_dma2 semaphore(%arg21 : memref<!tpu.dma_semaphore, #tpu.memory_space<semaphore_mem>>) src(%dma_wait3A_78 : memref<40x128xf32, #tpu.memory_space<hbm>>) dst(%arg13 : memref<40x128xf32, #tpu.memory_space<vmem>>)
    %barrier3A_79 = arith.constant 0 : index
    tpu.barrier barrier_id(%barrier3A_79)
    %lt3A_80 = arith.constant 15 : i32
    %lt3A_81 = arith.cmpi slt, %arg1, %lt3A_80 : i32
    %convert_element_type3A_82 = arith.extui %lt3A_81 : i1 to i32
    %cond3A_83 = arith.constant 0 : i32
    %cond3A_84 = arith.cmpi ne, %convert_element_type3A_82, %cond3A_83 : i32
    scf.if %cond3A_84 {
      "tpu.region"() ({
        %run_scoped3A = tpu.sem_alloc : memref<!tpu.dma_semaphore, #tpu.memory_space<semaphore_mem>>
        %dma_start3A_90 = arith.constant 0 : i32
        %dma_start3A_91 = tpu.memref_slice %arg7[%arg0, %mul3A_2, %dma_start3A_90] : memref<2x10000x128xf32, #tpu.memory_space<hbm>> -> memref<1x624x128xf32, #tpu.memory_space<hbm>>
        %dma_start3A_92 = tpu.memref_squeeze %dma_start3A_91 : memref<1x624x128xf32, #tpu.memory_space<hbm>> -> memref<624x128xf32, #tpu.memory_space<hbm>>
        %dma_start3A_93 = arith.constant 0 : i32
        %dma_start3A_94 = tpu.memref_slice %arg8[%mul3A_2, %dma_start3A_93] : memref<10000x128xf32, #tpu.memory_space<vmem_shared>> -> memref<624x128xf32, #tpu.memory_space<vmem_shared>>
        tpu.enqueue_dma source(%dma_start3A_94 : memref<624x128xf32, #tpu.memory_space<vmem_shared>>) target(%dma_start3A_92 : memref<624x128xf32, #tpu.memory_space<hbm>>) target_semaphore(%run_scoped3A : memref<!tpu.dma_semaphore, #tpu.memory_space<semaphore_mem>>)
        %dma_wait3A_95 = arith.constant 0 : i32
        %dma_wait3A_96 = tpu.memref_slice %arg7[%arg0, %mul3A_2, %dma_wait3A_95] : memref<2x10000x128xf32, #tpu.memory_space<hbm>> -> memref<1x624x128xf32, #tpu.memory_space<hbm>>
        %dma_wait3A_97 = tpu.memref_squeeze %dma_wait3A_96 : memref<1x624x128xf32, #tpu.memory_space<hbm>> -> memref<624x128xf32, #tpu.memory_space<hbm>>
        %dma_wait3A_98 = arith.constant 0 : i32
        %dma_wait3A_99 = tpu.memref_slice %arg8[%mul3A_2, %dma_wait3A_98] : memref<10000x128xf32, #tpu.memory_space<vmem_shared>> -> memref<624x128xf32, #tpu.memory_space<vmem_shared>>
        tpu.wait_dma2 semaphore(%run_scoped3A : memref<!tpu.dma_semaphore, #tpu.memory_space<semaphore_mem>>) src(%dma_wait3A_99 : memref<624x128xf32, #tpu.memory_space<vmem_shared>>) dst(%dma_wait3A_97 : memref<624x128xf32, #tpu.memory_space<hbm>>)
        tpu.yield
      }) : () -> ()
    } else {
    }
    %eq3A_85 = arith.constant 15 : i32
    %eq3A_86 = arith.cmpi eq, %arg1, %eq3A_85 : i32
    %convert_element_type3A_87 = arith.extui %eq3A_86 : i1 to i32
    %cond3A_88 = arith.constant 0 : i32
    %cond3A_89 = arith.cmpi ne, %convert_element_type3A_87, %cond3A_88 : i32
    scf.if %cond3A_89 {
      "tpu.region"() ({
        %run_scoped3A = tpu.sem_alloc : memref<!tpu.dma_semaphore, #tpu.memory_space<semaphore_mem>>
        %dma_start3A_90 = arith.constant 9360 : i32
        %dma_start3A_91 = arith.constant 0 : i32
        %dma_start3A_92 = tpu.memref_slice %arg7[%arg0, %dma_start3A_90, %dma_start3A_91] : memref<2x10000x128xf32, #tpu.memory_space<hbm>> -> memref<1x640x128xf32, #tpu.memory_space<hbm>>
        %dma_start3A_93 = tpu.memref_squeeze %dma_start3A_92 : memref<1x640x128xf32, #tpu.memory_space<hbm>> -> memref<640x128xf32, #tpu.memory_space<hbm>>
        %dma_start3A_94 = arith.constant 9360 : i32
        %dma_start3A_95 = arith.constant 0 : i32
        %dma_start3A_96 = tpu.memref_slice %arg8[%dma_start3A_94, %dma_start3A_95] : memref<10000x128xf32, #tpu.memory_space<vmem_shared>> -> memref<640x128xf32, #tpu.memory_space<vmem_shared>>
        tpu.enqueue_dma source(%dma_start3A_96 : memref<640x128xf32, #tpu.memory_space<vmem_shared>>) target(%dma_start3A_93 : memref<640x128xf32, #tpu.memory_space<hbm>>) target_semaphore(%run_scoped3A : memref<!tpu.dma_semaphore, #tpu.memory_space<semaphore_mem>>)
        %dma_wait3A_97 = arith.constant 9360 : i32
        %dma_wait3A_98 = arith.constant 0 : i32
        %dma_wait3A_99 = tpu.memref_slice %arg7[%arg0, %dma_wait3A_97, %dma_wait3A_98] : memref<2x10000x128xf32, #tpu.memory_space<hbm>> -> memref<1x640x128xf32, #tpu.memory_space<hbm>>
        %dma_wait3A_100 = tpu.memref_squeeze %dma_wait3A_99 : memref<1x640x128xf32, #tpu.memory_space<hbm>> -> memref<640x128xf32, #tpu.memory_space<hbm>>
        %dma_wait3A_101 = arith.constant 9360 : i32
        %dma_wait3A_102 = arith.constant 0 : i32
        %dma_wait3A_103 = tpu.memref_slice %arg8[%dma_wait3A_101, %dma_wait3A_102] : memref<10000x128xf32, #tpu.memory_space<vmem_shared>> -> memref<640x128xf32, #tpu.memory_space<vmem_shared>>
        tpu.wait_dma2 semaphore(%run_scoped3A : memref<!tpu.dma_semaphore, #tpu.memory_space<semaphore_mem>>) src(%dma_wait3A_103 : memref<640x128xf32, #tpu.memory_space<vmem_shared>>) dst(%dma_wait3A_100 : memref<640x128xf32, #tpu.memory_space<hbm>>)
        tpu.yield
      }) : () -> ()
    } else {
    }
    return
  }
}

module attributes {stable_mosaic.version = 14 : i64} {
  func.func @body(%arg0: memref<2x10000x128xf32, #tpu.memory_space<vmem>>, %arg1: memref<128x128xf32, #tpu.memory_space<vmem>>, %arg2: memref<1x128xf32, #tpu.memory_space<vmem>>, %arg3: memref<1x128xf32, #tpu.memory_space<vmem>>, %arg4: memref<1x128xf32, #tpu.memory_space<vmem>>, %arg5: memref<10000x128xf32, #tpu.memory_space<vmem>>) attributes {dimension_semantics = [], scalar_prefetch = 0 : i64, scratch_operands = 0 : i64, tpu.core_type = #tpu.core_type<tc>} {
    %get3A = arith.constant 0 : index
    %get3A_0 = arith.constant 0 : index
    %get3A_1 = arith.constant 0 : index
    %get3A_2 = vector.load %arg0[%get3A, %get3A_0, %get3A_1] : memref<2x10000x128xf32, #tpu.memory_space<vmem>>, vector<1x10000x128xf32>
    %get3A_3 = vector.shape_cast %get3A_2 : vector<1x10000x128xf32> to vector<10000x128xf32>
    %get3A_4 = arith.constant 1 : index
    %get3A_5 = arith.constant 0 : index
    %get3A_6 = arith.constant 0 : index
    %get3A_7 = vector.load %arg0[%get3A_4, %get3A_5, %get3A_6] : memref<2x10000x128xf32, #tpu.memory_space<vmem>>, vector<1x10000x128xf32>
    %get3A_8 = vector.shape_cast %get3A_7 : vector<1x10000x128xf32> to vector<10000x128xf32>
    %add3A = arith.addf %get3A_3, %get3A_8 : vector<10000x128xf32>
    %get3A_9 = arith.constant 0 : index
    %get3A_10 = arith.constant 0 : index
    %get3A_11 = vector.load %arg1[%get3A_9, %get3A_10] : memref<128x128xf32, #tpu.memory_space<vmem>>, vector<128x128xf32>
    %dot_general3A = arith.constant dense<0.000000e+00> : vector<10000x128xf32>
    %dot_general3A_12 = tpu.matmul %add3A, %get3A_11, %dot_general3A {dimension_numbers = #tpu.dot_dimension_numbers<[1], [1], [0], [0], [0, 0, 1, 0], [], []>, transpose_lhs_hint = false} : vector<10000x128xf32>, vector<128x128xf32>, vector<10000x128xf32> -> vector<10000x128xf32>
    %get3A_13 = arith.constant 0 : index
    %get3A_14 = arith.constant 0 : index
    %get3A_15 = vector.load %arg2[%get3A_13, %get3A_14] : memref<1x128xf32, #tpu.memory_space<vmem>>, vector<1x128xf32>
    %add3A_16 = vector.broadcast %get3A_15 : vector<1x128xf32> to vector<10000x128xf32>
    %add3A_17 = arith.addf %dot_general3A_12, %add3A_16 : vector<10000x128xf32>
    %reduce_sum3A = arith.constant dense<0.000000e+00> : vector<128xf32>
    %reduce_sum3A_18 = vector.multi_reduction <add>, %add3A_17, %reduce_sum3A [0] : vector<10000x128xf32> to vector<128xf32>
    %broadcast_in_dim3A = vector.shape_cast %reduce_sum3A_18 : vector<128xf32> to vector<1x128xf32>
    %div3A = arith.constant 1.000000e+04 : f32
    %div3A_19 = vector.broadcast %div3A : f32 to vector<1x128xf32>
    %div3A_20 = arith.divf %broadcast_in_dim3A, %div3A_19 : vector<1x128xf32>
    %sub3A = vector.broadcast %div3A_20 : vector<1x128xf32> to vector<10000x128xf32>
    %sub3A_21 = arith.subf %add3A_17, %sub3A : vector<10000x128xf32>
    %mul3A = arith.mulf %sub3A_21, %sub3A_21 : vector<10000x128xf32>
    %reduce_sum3A_22 = arith.constant dense<0.000000e+00> : vector<128xf32>
    %reduce_sum3A_23 = vector.multi_reduction <add>, %mul3A, %reduce_sum3A_22 [0] : vector<10000x128xf32> to vector<128xf32>
    %broadcast_in_dim3A_24 = vector.shape_cast %reduce_sum3A_23 : vector<128xf32> to vector<1x128xf32>
    %div3A_25 = arith.constant 1.000000e+04 : f32
    %div3A_26 = vector.broadcast %div3A_25 : f32 to vector<1x128xf32>
    %div3A_27 = arith.divf %broadcast_in_dim3A_24, %div3A_26 : vector<1x128xf32>
    %add3A_28 = arith.constant 9.99999974E-6 : f32
    %add3A_29 = vector.broadcast %add3A_28 : f32 to vector<1x128xf32>
    %add3A_30 = arith.addf %div3A_27, %add3A_29 : vector<1x128xf32>
    %rsqrt3A = math.rsqrt %add3A_30 : vector<1x128xf32>
    %mul3A_31 = vector.broadcast %rsqrt3A : vector<1x128xf32> to vector<10000x128xf32>
    %mul3A_32 = arith.mulf %sub3A_21, %mul3A_31 : vector<10000x128xf32>
    %get3A_33 = arith.constant 0 : index
    %get3A_34 = arith.constant 0 : index
    %get3A_35 = vector.load %arg3[%get3A_33, %get3A_34] : memref<1x128xf32, #tpu.memory_space<vmem>>, vector<1x128xf32>
    %mul3A_36 = vector.broadcast %get3A_35 : vector<1x128xf32> to vector<10000x128xf32>
    %mul3A_37 = arith.mulf %mul3A_32, %mul3A_36 : vector<10000x128xf32>
    %get3A_38 = arith.constant 0 : index
    %get3A_39 = arith.constant 0 : index
    %get3A_40 = vector.load %arg4[%get3A_38, %get3A_39] : memref<1x128xf32, #tpu.memory_space<vmem>>, vector<1x128xf32>
    %add3A_41 = vector.broadcast %get3A_40 : vector<1x128xf32> to vector<10000x128xf32>
    %add3A_42 = arith.addf %mul3A_37, %add3A_41 : vector<10000x128xf32>
    %max3A = arith.constant 0.000000e+00 : f32
    %max3A_43 = vector.broadcast %max3A : f32 to vector<10000x128xf32>
    %max3A_44 = arith.maximumf %add3A_42, %max3A_43 : vector<10000x128xf32>
    %swap3A = arith.constant 0 : index
    %swap3A_45 = arith.constant 0 : index
    %swap3A_46 = vector.load %arg5[%swap3A, %swap3A_45] : memref<10000x128xf32, #tpu.memory_space<vmem>>, vector<10000x128xf32>
    tpu.vector_store %arg5[%swap3A, %swap3A_45], %max3A_44 {strides = array<i32>} : memref<10000x128xf32, #tpu.memory_space<vmem>>, vector<10000x128xf32>,
    return
  }
}

module attributes {stable_mosaic.version = 14 : i64} {
  func.func @body(%arg0: memref<2x10000x128xf32, #tpu.memory_space<vmem>>, %arg1: memref<64x128xf32, #tpu.memory_space<vmem>>, %arg2: memref<1x64xf32, #tpu.memory_space<vmem>>, %arg3: memref<10000x64xf32, #tpu.memory_space<vmem>>) attributes {dimension_semantics = [], scalar_prefetch = 0 : i64, scratch_operands = 0 : i64, tpu.core_type = #tpu.core_type<tc>} {
    %get3A = arith.constant 0 : index
    %get3A_0 = arith.constant 0 : index
    %get3A_1 = arith.constant 0 : index
    %get3A_2 = vector.load %arg0[%get3A, %get3A_0, %get3A_1] : memref<2x10000x128xf32, #tpu.memory_space<vmem>>, vector<1x10000x128xf32>
    %get3A_3 = vector.shape_cast %get3A_2 : vector<1x10000x128xf32> to vector<10000x128xf32>
    %get3A_4 = arith.constant 1 : index
    %get3A_5 = arith.constant 0 : index
    %get3A_6 = arith.constant 0 : index
    %get3A_7 = vector.load %arg0[%get3A_4, %get3A_5, %get3A_6] : memref<2x10000x128xf32, #tpu.memory_space<vmem>>, vector<1x10000x128xf32>
    %get3A_8 = vector.shape_cast %get3A_7 : vector<1x10000x128xf32> to vector<10000x128xf32>
    %add3A = arith.addf %get3A_3, %get3A_8 : vector<10000x128xf32>
    %get3A_9 = arith.constant 0 : index
    %get3A_10 = arith.constant 0 : index
    %get3A_11 = vector.load %arg1[%get3A_9, %get3A_10] : memref<64x128xf32, #tpu.memory_space<vmem>>, vector<64x128xf32>
    %dot_general3A = arith.constant dense<0.000000e+00> : vector<10000x64xf32>
    %dot_general3A_12 = tpu.matmul %add3A, %get3A_11, %dot_general3A {dimension_numbers = #tpu.dot_dimension_numbers<[1], [1], [0], [0], [0, 0, 1, 0], [], []>, transpose_lhs_hint = false} : vector<10000x128xf32>, vector<64x128xf32>, vector<10000x64xf32> -> vector<10000x64xf32>
    %get3A_13 = arith.constant 0 : index
    %get3A_14 = arith.constant 0 : index
    %get3A_15 = vector.load %arg2[%get3A_13, %get3A_14] : memref<1x64xf32, #tpu.memory_space<vmem>>, vector<1x64xf32>
    %add3A_16 = vector.broadcast %get3A_15 : vector<1x64xf32> to vector<10000x64xf32>
    %add3A_17 = arith.addf %dot_general3A_12, %add3A_16 : vector<10000x64xf32>
    %reduce_max3A = arith.constant dense<0xFF800000> : vector<10000xf32>
    %reduce_max3A_18 = vector.multi_reduction <maximumf>, %add3A_17, %reduce_max3A [1] : vector<10000x64xf32> to vector<10000xf32>
    %broadcast_in_dim3A = vector.shape_cast %reduce_max3A_18 : vector<10000xf32> to vector<10000x1xf32>
    %sub3A = vector.broadcast %broadcast_in_dim3A : vector<10000x1xf32> to vector<10000x64xf32>
    %sub3A_19 = arith.subf %add3A_17, %sub3A : vector<10000x64xf32>
    %exp3A = math.exp %sub3A_19 : vector<10000x64xf32>
    %reduce_sum3A = arith.constant dense<0.000000e+00> : vector<10000xf32>
    %reduce_sum3A_20 = vector.multi_reduction <add>, %exp3A, %reduce_sum3A [1] : vector<10000x64xf32> to vector<10000xf32>
    %broadcast_in_dim3A_21 = vector.shape_cast %reduce_sum3A_20 : vector<10000xf32> to vector<10000x1xf32>
    %log3A = math.log %broadcast_in_dim3A_21 : vector<10000x1xf32>
    %sub3A_22 = vector.broadcast %log3A : vector<10000x1xf32> to vector<10000x64xf32>
    %sub3A_23 = arith.subf %sub3A_19, %sub3A_22 : vector<10000x64xf32>
    %swap3A = arith.constant 0 : index
    %swap3A_24 = arith.constant 0 : index
    %swap3A_25 = vector.load %arg3[%swap3A, %swap3A_24] : memref<10000x64xf32, #tpu.memory_space<vmem>>, vector<10000x64xf32>
    tpu.vector_store %arg3[%swap3A, %swap3A_24], %sub3A_23 {strides = array<i32>} : memref<10000x64xf32, #tpu.memory_space<vmem>>, vector<10000x64xf32>,
    return
  }
}

</mosaic_0001>

<sc_bundles>
// kernel: kernel.6.cloned.1.call-start
scs
__scs_entry_jumppad:
0x0: {  	(pc) =	sbr.rel $0x88, $3  }
0x1: {  	(tag) =	ssettag $0x0;
	lr =	simm.s32 $0x1  }
0x2: {  	[smem:$0x3F98] =	sst lr;
	_ =	strace $0xD0000000  }
0x3: {  	_ = 	snop  }
0x4: {  	_ = 	snop  }
0x5: {  	_ = 	snop  }
0x6: {  	_ = 	snop  }
0x7: {  	_ = 	snop  }
__scs_overlays_trampoline_lowered:
0x8: {  	[smem:$0x3FA7] =	sst s0  }
0x9: {  	[smem:$0x3FA8] =	sst s1  }
0xa: {  	[smem:$0x3FA9] =	sst s2  }
0xb: {  	[smem:$0x3FAA] =	sst s3  }
0xc: {  	[smem:$0x3FAB] =	sst s4  }
0xd: {  	[smem:$0x3FAC] =	sst s5  }
0xe: {  	[smem:$0x3FAD] =	sst s6  }
0xf: {  	[smem:$0x3FAE] =	sst s7  }
0x10: {  	[smem:$0x3FAF] =	sst s8  }
0x11: {  	[smem:$0x3FB0] =	sst s9;
	s0 =	simm.s32 @!p0 $0x0  }
0x12: {  	s1 =	sld [smem:$0x3F96];
	s0 =	simm.s32 @p0 $0x1  }
0x13: {  	[smem:$0x3FB1] =	sst s0;
	s0 =	simm.s32 @!p1 $0x0  }
0x14: {  	s2 =	sld [smem:$0x3F95];
	s0 =	simm.s32 @p1 $0x1  }
0x15: {  	[smem:$0x3FB2] =	sst s0;
	s0 =	simm.s32 @!p2 $0x0  }
0x16: {  	s3 =	sld [smem:$0x3FDB];
	s0 =	simm.s32 @p2 $0x1  }
0x17: {  	s4 =	simm.s32 $0x1BF5;
	[smem:$0x3FB4] =	sst s0  }
0x18: {  	s0 =	sld [smem:$0x3F97];
	_ =	swait.ge [sflag:s4], $0x0  }
0x19: {  	s7 =	sld [smem:$0x3F98]  }
0x1a: {  	s8 =	sadd.s32 $0xFFFFE003, lr  }
0x1b: {  	s9 =	sadd.s32 $0xFFFFFEF7, lr;
	s5 =	simm.s32 $0xFFFFFFFF;
	p2 =	slt.u32 s8, $0xFFFFF086  }
0x1c: {  	p1 =	slt.u32 s9, $0xF7A;
	s5 =	simm.s32 @!p2 $0x0  }
0x1d: {  	s5 =	simm.s32 @p1 $0x1;
	p0 =	seq.s32 s7, s2  }
0x1e: {  	s7 =	smul.u32 @!p0 $0xF7A, s2;
	p2 =	seq.s32 @!p0 s5, $0x0  }
0x1f: {  	s9 =	smul.u32 $0xF7A, s1;
	s8 =	simm.s32 @!p0 $0x1BF5;
	p2 =	por !p2, p0  }
0x20: {  	[sflag:s8] =	ssyncset.s32 @!p0 $0xFFFFF086;
	s6 =	sadd.s32 @!p0 s3, s7;
	s7 =	simm.s32 @!p0 $0x108  }
0x21: {  	s3 =	sadd.s32 s3, s9;
	s6 =	sadd.s32 @!p0 $0x88, s6;
	s7 =	simm.s32 @p2 $0x1082  }
0x22: {  	[simem:s7], [sflag:s8] =	dma.local @!p0 [hbm:s6], $0xF7A  }
0x23: {  	s9 =	sor.u32 $0xD0000000, s2;
	s6 =	simm.s32 $0x108;
	_ =	swait.ge @!p0 [sflag:s8], $0x0  }
0x24: {  	s3 =	sadd.s32 $0x88, s3;
	s6 =	simm.s32 @!p1 $0x1082;
	[sflag:s4] =	ssyncset.s32 $0xFFFFF086  }
0x25: {  	[simem:s6], [sflag:s4] =	dma.local [hbm:s3], $0xF7A  }
0x26: {  	[smem:$0x3F98] =	sst s1;
	(tag) =	ssettag s2;
	_ =	strace s9  }
0x27: {  	s1 =	sld [smem:$0x3FA8]  }
0x28: {  	s2 =	sld [smem:$0x3FA9]  }
0x29: {  	s4 =	sld [smem:$0x3FAB]  }
0x2a: {  	p0 =	seq.s32 s5, $0x0;
	s5 =	sld [smem:$0x3FAC]  }
0x2b: {  	s6 =	sld [smem:$0x3FAD]  }
0x2c: {  	s7 =	sld [smem:$0x3FAE]  }
0x2d: {  	s3 =	simm.s32 $0x108;
	s8 =	sld [smem:$0x3FAF]  }
0x2e: {  	s3 =	simm.s32 @!p0 $0x1082;
	s9 =	sld [smem:$0x3FB0]  }
0x2f: {  	lr =	sadd.s32 s0, s3;
	s0 =	sld [smem:$0x3FA7]  }
0x30: {  	s3 =	sld [smem:$0x3FAA]  }
0x31: {  	[smem:$0x3FB3] =	sst s10  }
0x32: {  	s10 =	sld [smem:$0x3FB1];
	_ =	sdelay $0x3  }
0x33: {  	p0 =	seq.s32 s10, $0x1;
	s10 =	sld [smem:$0x3FB3];
	_ =	sdelay $0x3  }
0x34: {  	[smem:$0x3FB3] =	sst s10  }
0x35: {  	s10 =	sld [smem:$0x3FB2];
	_ =	sdelay $0x3  }
0x36: {  	p1 =	seq.s32 s10, $0x1;
	s10 =	sld [smem:$0x3FB3];
	_ =	sdelay $0x3  }
0x37: {  	[smem:$0x3FB3] =	sst s10  }
0x38: {  	s10 =	sld [smem:$0x3FB4]  }
0x39: {  	_ = 	snop;
	(pc) =	sbr.ind lr, $3  }
0x3a: {  	_ = 	snop  }
0x3b: {  	_ = 	snop  }
0x3c: {  	p2 =	seq.s32 s10, $0x1;
	s10 =	sld [smem:$0x3FB3]  }
0x3d: {  	_ =	shalt  }
0x3e: {  	_ =	shalt  }
0x3f: {  	_ =	shalt  }
0x40: {  	_ =	shalt  }
0x41: {  	_ =	shalt  }
0x42: {  	_ =	shalt  }
0x43: {  	_ =	shalt  }
0x44: {  	_ =	shalt  }
0x45: {  	_ =	shalt  }
0x46: {  	_ =	shalt  }
0x47: {  	_ =	shalt  }
0x48: {  	_ =	shalt  }
0x49: {  	_ =	shalt  }
0x4a: {  	_ =	shalt  }
0x4b: {  	_ =	shalt  }
0x4c: {  	_ =	shalt  }
0x4d: {  	_ =	shalt  }
0x4e: {  	_ =	shalt  }
0x4f: {  	_ =	shalt  }
0x50: {  	_ =	shalt  }
0x51: {  	_ =	shalt  }
0x52: {  	_ =	shalt  }
0x53: {  	_ =	shalt  }
0x54: {  	_ =	shalt  }
0x55: {  	_ =	shalt  }
0x56: {  	_ =	shalt  }
0x57: {  	_ =	shalt  }
0x58: {  	_ =	shalt  }
0x59: {  	_ =	shalt  }
0x5a: {  	_ =	shalt  }
0x5b: {  	_ =	shalt  }
0x5c: {  	_ =	shalt  }
0x5d: {  	_ =	shalt  }
0x5e: {  	_ =	shalt  }
0x5f: {  	_ =	shalt  }
0x60: {  	_ =	shalt  }
0x61: {  	_ =	shalt  }
0x62: {  	_ =	shalt  }
0x63: {  	_ =	shalt  }
0x64: {  	_ =	shalt  }
0x65: {  	_ =	shalt  }
0x66: {  	_ =	shalt  }
0x67: {  	_ =	shalt  }
0x68: {  	_ =	shalt  }
0x69: {  	_ =	shalt  }
0x6a: {  	_ =	shalt  }
0x6b: {  	_ =	shalt  }
0x6c: {  	_ =	shalt  }
0x6d: {  	_ =	shalt  }
0x6e: {  	_ =	shalt  }
0x6f: {  	_ =	shalt  }
0x70: {  	_ =	shalt  }
0x71: {  	_ =	shalt  }
0x72: {  	_ =	shalt  }
0x73: {  	_ =	shalt  }
0x74: {  	_ =	shalt  }
0x75: {  	_ =	shalt  }
0x76: {  	_ =	shalt  }
0x77: {  	_ =	shalt  }
0x78: {  	_ =	shalt  }
0x79: {  	_ =	shalt  }
0x7a: {  	_ =	shalt  }
0x7b: {  	_ =	shalt  }
0x7c: {  	_ =	shalt  }
0x7d: {  	_ =	shalt  }
0x7e: {  	_ =	shalt  }
0x7f: {  	_ =	shalt  }
0x80: {  	_ =	shalt  }
0x81: {  	_ =	shalt  }
0x82: {  	_ =	shalt  }
0x83: {  	_ =	shalt  }
0x84: {  	_ =	shalt  }
0x85: {  	_ =	shalt  }
0x86: {  	_ =	shalt  }
0x87: {  	_ =	shalt  }
.Lfunc_end0:
.L_simem_size_0:
called_computation_lowered:
.L_overlay_start_0:
0x88: {  	s2 =	sld [smem:$0x3FD9]  }
0x89: {  	s3 =	sld [smem:$0x3FFE];
	_ =	sdelay $0x1  }
0x8a: {  	s1 =	srdreg.scid  }
0x8b: {  	s0 =	sand.u32 $0x1, s1  }
0x8c: {  	s17 =	sshll.u32 s0, $0xA;
	s2 =	sadd.s32 s3, s2  }
0x8d: {  	s2 =	sadd.s32 s2, s17  }
0x8e: {  	[smem:$0x3FBF] =	sst s2  }
0x8f: {  	_ = 	snop  }
0x90: {  	s2 =	sld [smem:$0x3FC9]  }
0x91: {  	s18 =	sld [smem:$0x3FD0];
	(tm) =	ssettm $0x1  }
0x92: {  	s4 =	sld [smem:$0x3FFB];
	_ =	sdelay $0x3  }
0x93: {  	_ =	strace s4  }
0x94: {  	s4 =	sld [smem:$0x3FFC];
	_ =	sdelay $0x3  }
0x95: {  	_ =	strace s4  }
0x96: {  	s4 =	sld [smem:$0x3FFD];
	_ =	sdelay $0x3  }
0x97: {  	_ =	strace s4  }
0x98: {  	_ =	strace $0x8FFFFFFF  }
0x99: {  	s19 =	sld [smem:$0x3FDB];
	_ =	sdelay $0x1  }
0x9a: {  	s5 =	simm.s32 $_scs_section_size  }
0x9b: {  	s6 =	simm.s32 $_size__tile_overlayer_lowered;
	s7 =	simm.s32 $_tile_overlayer_lowered  }
0x9c: {  	s22 =	simm.s32 $0x1BFF;
	s21 =	sshll.u32 s7, $0x1;
	s4 =	sadd.s32 s5, s19  }
0x9d: {  	s8 =	simm.s32 $0x0;
	s20 =	sshll.u32 s6, $0x1;
	s6 =	sadd.s32 s21, s4  }
0x9e: {  	[timem:s8], [sflag:s22] =	dma.local [hbm:s6], s20  }
0x9f: {  	_ =	swait.ge [sflag:s22], s20  }
0xa0: {  	s5 =	ssub.s32 $0x0, s20;
	[sflag:s22] =	ssyncset.done $0x0  }
0xa1: {  	[sflag:s22] =	ssyncadd.s32 s5;
	_ =	sdelay $0x1  }
0xa2: {  	s23 =	simm.s32 $0x1B8B  }
0xa3: {  	_ =	swait.ge [sflag:s23], $0x1  }
0xa4: {  	[sflag:s23] =	ssyncset.done $0x0  }
0xa5: {  	s25 =	simm.s32 $0x1B8E;
	s24 =	sld [smem:$0x3FFE];
	[sflag:s23] =	ssyncadd.s32 $0xFFFFFFFF  }
0xa6: {  	s26 =	simm.s32 $execute0_lowered;
	[smem:$0x3FD2] =	sst s25  }
0xa7: {  	s6 =	sshll.u32 s26, $0x1;
	_ =	strace $0x80000046;
	[dreg:$0x1] =	wrdreg $0xFFFFFFFF  }
0xa8: {  	s28 =	simm.s32 $_size_execute0_lowered;
	s4 =	sadd.s32 s4, s6;
	[dreg:$0x0] =	wrdreg $0x0  }
0xa9: {  	s6 =	sshll.u32 s28, $0x1;
	[dreg:$0x2] =	wrdreg s4  }
0xaa: {  	[dreg:$0x3] =	wrdreg s6  }
0xab: {  	[dreg:$0x4] =	wrdreg $0xC0  }
0xac: {  	_ =	task [dreg:s8], $0x5FFFF  }
0xad: {  	[dreg:$0x1] =	wrdreg $0xFFFFFFFF  }
0xae: {  	[dreg:$0x0] =	wrdreg $0x60  }
0xaf: {  	[dreg:$0x2] =	wrdreg s2  }
0xb0: {  	[dreg:$0x3] =	wrdreg s18  }
0xb1: {  	[dreg:$0x4] =	wrdreg s24  }
0xb2: {  	[dreg:$0x5] =	wrdreg $0x0  }
0xb3: {  	[dreg:$0x6] =	wrdreg $0x9  }
0xb4: {  	_ =	task.clear_ibuf [dreg:s8], $0x7FFFF;
	_ =	strace $0x90000046  }
0xb5: {  	s29 =	simm.s32 $0x9;
	_ =	strace $0x80000048  }
0xb6: {  	_ =	swait.ge [sflag:s29], $0x1  }
0xb7: {  	[sflag:s29] =	ssyncadd.s32 $0xFFFFFFFF  }
0xb8: {  	_ =	strace $0x90000048  }
0xb9: {  	_ =	sfence  }
0xba: {  	s30 =	sld [smem:$0x0];
	_ =	sdelay $0x2  }
0xbb: {  	s31 =	sshll.u32 s1, $0xD;
	s1 =	sshrl.u32 s1, $0x2  }
0xbc: {  	s3 =	sand.u32 $0x4000, s31;
	s1 =	sadd.s32 s1, s30  }
0xbd: {  	s0 =	sor.u32 s3, s0;
	s1 =	sshll.u32 s1, $0x11  }
0xbe: {  	s0 =	sor.u32 s1, s0  }
0xbf: {  	s0 =	sadd.s32 $0x8F2B, s0  }
0xc0: {  	[sflag:s0] =	ssyncadd.remote.s32 $0x1  }
0xc1: {  	_ =	sfence.sel $0xFFFF  }
0xc2: {  	[dreg:$0x0] =	wrdreg $0xFFFFFFFF;
	(pc) =	sbr.abs _section_cstart, $3  }
0xc3: {  	[dreg:$0x1] =	wrdreg $0xFFFFFFFF  }
0xc4: {  	_ =	task.clear_ibuf [dreg:s8], $0x2FFFF;
	_ =	strace $0x9FFFFFFF  }
0xc5: {  	(tm) =	ssettm $0x7FFFFFFF  }
tec
execute0_lowered:
.L_overlay_start_1:
0x0: {  	(tag) =	ssettag $0x1  }
0x1: {  	s1 =	rddreg [dreg:$0x0]  }
0x2: {  	s5 =	rddreg [dreg:$0x1]  }
0x3: {  	s0 =	srdreg.scid;
	s6 =	rddreg [dreg:$0x2]  }
0x4: {  	s13 =	stileid.u32;
	s3 =	rddreg [dreg:$0x3];
	s4 =	simm.s32 $0x0  }
0x5: {  	s19 =	simm.s32 $0x9;
	s28 =	simm.s32 $0x1D700;
	s29 =	simm.s32 $0x1  }
0x6: {  	s30 =	simm.s32 $0x1EB00;
	s31 =	simm.s32 $0x2;
	s18 =	simm.s32 $0x6  }
0x7: {  	s0 =	sand.u32 $0x1, s0;
	s7 =	sshll.u32 s13, $0x7;
	s21 =	smul.u32 $0x2700, s13  }
0x8: {  	[smem:$0x7FF] =	sst s4;
	s8 =	smul.u32 $0x4E000, s13;
	s11 =	sadd.s32 $0x3C200, s6  }
0x9: {  	s22 =	smul.u32 $0x13800, s13;
	p0 =	seq.s32 s13, $0xF;
	s2 =	sshll.u32 s0, $0x4  }
0xa: {  	s7 =	sand.u32 $0x380, s7;
	_ =	strace $0x80000047;
	s10 =	ssub.s32 $0x2, s0  }
0xb: {  	s0 =	smul.u32 $0x138800, s0;
	s2 =	sor.u32 s13, s2;
	s12 =	sshrl.u32 s10, $0x1  }
0xc: {  	s8 =	sshrl.u32 s8, $0x2;
	s2 =	sshrl.u32 s2, $0x3;
	s10 =	ssub.s32 s10, s12  }
0xd: {  	s8 =	sadd.s32 s8, s3;
	s25 =	sadd.s32 s22, s0;
	s0 =	sshrl.u32 s0, $0x3  }
0xe: {  	s22 =	simm.s32 $0x28;
	s2 =	smul.u32 $0x13C00, s2;
	s0 =	sadd.s32 s11, s0  }
0xf: {  	s26 =	smax.u32 s10, $0x1;
	s15 =	sshrl.u32 @!p0 s8, $0x3;
	s0 =	sadd.s32 $0x24900, s0  }
0x10: {  	[dreg:$0xc] =	wrdreg s26;
	s26 =	simm.s32 $0x8;
	s2 =	sor.u32 s7, s2  }
0x11: {  	s7 =	sadd.s32 s21, s6;
	[dreg:$0xb] =	wrdreg s0;
	s0 =	sshll.u32 @!p0 s13, $0x6  }
0x12: {  	s21 =	simm.s32 $0x4;
	s2 =	sshrl.u32 s2, $0x3;
	s7 =	sadd.s32 $0x15000, s7  }
0x13: {  	s9 =	sadd.s32 s2, s6;
	[dreg:$0x5] =	wrdreg s7;
	s6 =	sadd.s32 $0x39900, s6  }
0x14: {  	s14 =	sor.u32 @!p0 $0x1C09, s0;
	s2 =	sadd.s32 s5, s2;
	[dreg:$0x6] =	wrdreg s6  }
0x15: {  	s0 =	simm.s32 $0x3;
	s7 =	sadd.s32 $0x124800, s3;
	[dreg:$0x7] =	wrdreg s2  }
0x16: {  	s23 =	sadd.s32 $0xB200, s9;
	s24 =	sadd.s32 $0x1400, s9;
	s2 =	sshrl.u32 s25, $0x3  }
0x17: {  	s13 =	sshrl.u32 @p0 s7, $0x3;
	s25 =	simm.s32 $0x1C300;
	[dreg:$0x8] =	wrdreg s23  }
0x18: {  	[dreg:$0x9] =	wrdreg s24;
	s2 =	sadd.s32 s11, s2;
	s23 =	simm.s32 $0x1AF00  }
0x19: {  	s24 =	simm.s32 $0x7;
	[dreg:$0xa] =	wrdreg s2;
	s2 =	simm.s32 $0x5  }
.LBB2_1:
0x1a: {  	s5 =	simm.s32 @p0 $0x1FC9;
	s6 =	rddreg [dreg:$0x6]  }
0x1b: {  	[spmem:s13], [sflag:s5] =	dma.local @p0 [hbm:s6], $0x2800  }
0x1c: {  	s5 =	simm.s32 @p0 $0x9  }
0x1d: {  	_ =	swait.ge @p0 [sflag:s5], $0x2800  }
0x1e: {  	[sflag:s5] =	ssyncset.done @p0 $0x0  }
0x1f: {  	[sflag:s5] =	ssyncadd.s32 @p0 $0xFFFFD800;
	s5 =	rddreg [dreg:$0x5]  }
0x20: {  	[spmem:s15], [sflag:s14] =	dma.local @!p0 [hbm:s5], $0x2700  }
0x21: {  	s5 =	simm.s32 @!p0 $0x9  }
0x22: {  	_ =	swait.ge @!p0 [sflag:s5], $0x2700  }
0x23: {  	s10 =	simm.s32 $0x80;
	s7 =	simm.s32 $0x400;
	[sflag:s5] =	ssyncset.done @!p0 $0x0  }
0x24: {  	s8 =	simm.s32 $0x13880;
	s9 =	rddreg [dreg:$0x7];
	[sflag:s5] =	ssyncadd.s32 @!p0 $0xFFFFD900  }
0x25: {  	[tilespmem:s8], [sflag:$0x9] =	stream.strided.gather [hbm4b:s9+s10], $0x2780, s7, s10, $0x38;
	[tilespmem:$0x1FF00] =	vst v63  }
0x26: {  	_ =	swait.ge [sflag:s19], $0x2780  }
0x27: {  	[sflag:s19] =	ssyncset.done $0x0  }
0x28: {  	s12 =	simm.s32 $0x16000;
	s11 =	rddreg [dreg:$0x8];
	[sflag:s19] =	ssyncadd.s32 $0xFFFFD880  }
0x29: {  	[tilespmem:s12], [sflag:$0x9] =	stream.strided.gather [hbm4b:s11+s10], $0x2780, s7, s10, $0x38;
	[tilespmem:$0x1FF00] =	vst v63  }
0x2a: {  	_ =	swait.ge [sflag:s19], $0x2780  }
0x2b: {  	[sflag:s19] =	ssyncset.done $0x0  }
0x2c: {  	s9 =	simm.s32 $0x18780;
	s16 =	rddreg [dreg:$0x9];
	[sflag:s19] =	ssyncadd.s32 $0xFFFFD880  }
0x2d: {  	[tilespmem:s9], [sflag:$0x9] =	stream.strided.gather [hbm4b:s16+s10], $0x2780, s7, s10, $0x38;
	[tilespmem:$0x1FF00] =	vst v63  }
0x2e: {  	_ =	swait.ge [sflag:s19], $0x2780  }
0x2f: {  	[sflag:s19] =	ssyncset.done $0x0  }
0x30: {  	[sflag:s19] =	ssyncadd.s32 $0xFFFFD880  }
0x31: {  	[bflag:$0x0] =	sbarrier.arrive $0xFFFF  }
0x32: {  	[tilespmem:s23], [sflag:$0x1] =	stream.indirect.gather [hbm4b:s1+s22], $0x80, s12, s22, $0xb8;
	[tilespmem:$0x1FF00] =	vst v63  }
0x33: {  	s17 =	simm.s32 $0x16028  }
0x34: {  	[tilespmem:s25], [sflag:$0x2] =	stream.indirect.gather [hbm4b:s1+s22], $0x80, s17, s22, $0xb8;
	[tilespmem:$0x1FF00] =	vst v63  }
0x35: {  	s20 =	simm.s32 $0x16050;
	s5 =	simm.s32 $0x0  }
0x36: {  	[tilespmem:s28], [sflag:$0x3] =	stream.indirect.gather [hbm4b:s1+s22], $0x80, s20, s22, $0xb8;
	[tilespmem:$0x1FF00] =	vst v63  }
.LBB2_2:
0x37: {  	s7 =	smul.u32 $0xA0, s5  }
0x38: {  	_ =	swait.ge [sflag:s29], $0x1400  }
0x39: {  	s6 =	simm.s32 $0x0;
	[sflag:s29] =	ssyncset.done $0x0;
	s9 =	sadd.s32 $0x18780, s7  }
0x3a: {  	s8 =	simm.s32 $0x1AF80;
	[sflag:s29] =	ssyncadd.s32 $0xFFFFEC00;
	v0 =	vmov s9;
	s9 =	simm.s32 $0x0  }
.LBB2_3:
0x3b: {  	_ =	sdelay $0x2  }
0x3c: {  	s10 =	sshll.u32 s9, $0x3  }
0x3d: {  	v2 =	vld.idx.msk [tilespmem:v0+s10+$0x0 ss:$0x1], $0xffff;
	_ =	sdelay $0x1  }
0x3e: {  	v3 =	vld [tilespmem:s8+$0xFFFFFF80]  }
0x3f: {  	v4 =	vld [tilespmem:s8+$0xFFFFFF90]  }
0x40: {  	v1 =	vmov s6;
	v5 =	vld [tilespmem:s8+$0xFFFFFFA0]  }
0x41: {  	v6 =	vld [tilespmem:s8+$0xFFFFFFB0];
	v1 =	vperm.xlane v2, v1  }
0x42: {  	v7 =	vld [tilespmem:s8+$0xFFFFFFC0]  }
0x43: {  	v8 =	vld [tilespmem:s8+$0xFFFFFFD0];
	v3 =	vmul.f32 v3, v1  }
0x44: {  	v9 =	vld [tilespmem:s8+$0xFFFFFFE0];
	v4 =	vmul.f32 v4, v1  }
0x45: {  	v10 =	vld [tilespmem:s8+$0x0];
	[tilespmem:s8+$0xFFFFFF80] =	vst v3;
	v3 =	vmul.f32 v5, v1  }
0x46: {  	s20 =	simm.s32 $0x1;
	v11 =	vld [tilespmem:s8+$0x10];
	[tilespmem:s8+$0xFFFFFF90] =	vst v4;
	v4 =	vmul.f32 v6, v1  }
0x47: {  	v12 =	vld [tilespmem:s8+$0x20];
	v5 =	vmul.f32 v7, v1;
	[tilespmem:s8+$0xFFFFFFA0] =	vst v3;
	v3 =	vmov s20  }
0x48: {  	v6 =	vmul.f32 v8, v1;
	[tilespmem:s8+$0xFFFFFFB0] =	vst v4;
	v4 =	vld [tilespmem:s8+$0x30];
	v3 =	vperm.xlane v2, v3  }
0x49: {  	v8 =	vmul.f32 v9, v1;
	[tilespmem:s8+$0xFFFFFFC0] =	vst v5;
	v5 =	vld [tilespmem:s8+$0x40]  }
0x4a: {  	v7 =	vld [tilespmem:s8+$0x50];
	[tilespmem:s8+$0xFFFFFFD0] =	vst v6;
	v9 =	vmul.f32 v10, v3  }
0x4b: {  	[tilespmem:s8+$0xFFFFFFE0] =	vst v8;
	v6 =	vld [tilespmem:s8+$0x60];
	v10 =	vmul.f32 v11, v3  }
0x4c: {  	s11 =	simm.s32 $0x2;
	s12 =	smov.u32 s8;
	s10 =	smov.u32 s8;
	v8 =	vld [tilespmem:s8+$0x70];
	[tilespmem:s8+$0x0] =	vst v9;
	v9 =	vmul.f32 v12, v3  }
.LBB2_4:
0x4d: {  	p1 =	sne.s32 s11, $0x6;
	v11 =	vld [tilespmem:s10+$0xFFFFFFF0];
	[tilespmem:s10+$0x10] =	vst v10;
	v4 =	vmul.f32 v4, v3;
	s12 =	sadd.s32 $0x100, s12  }
0x4e: {  	v10 =	vld [tilespmem:s12+$0xFFFFFF80];
	[tilespmem:s10+$0x20] =	vst v9;
	v5 =	vmul.f32 v5, v3  }
0x4f: {  	v9 =	vld [tilespmem:s12+$0xFFFFFF90];
	[tilespmem:s10+$0x30] =	vst v4;
	v4 =	vmul.f32 v7, v3  }
0x50: {  	v7 =	vmov s11;
	v12 =	vld [tilespmem:s12+$0xFFFFFFA0];
	[tilespmem:s10+$0x40] =	vst v5;
	v5 =	vmul.f32 v6, v3  }
0x51: {  	v6 =	vperm.xlane v2, v7;
	v7 =	vld [tilespmem:s12+$0xFFFFFFB0];
	[tilespmem:s10+$0x50] =	vst v4;
	v3 =	vmul.f32 v8, v3  }
0x52: {  	v4 =	vld [tilespmem:s12+$0xFFFFFFC0];
	v8 =	vmul.f32 v11, v1;
	[tilespmem:s10+$0x60] =	vst v5  }
0x53: {  	v1 =	vmov v6;
	v5 =	vmul.f32 v10, v6;
	v10 =	vld [tilespmem:s12+$0xFFFFFFD0];
	[tilespmem:s10+$0x70] =	vst v3  }
0x54: {  	v3 =	vmul.f32 v9, v1;
	v6 =	vld [tilespmem:s12+$0xFFFFFFE0];
	[tilespmem:s10+$0xFFFFFFF0] =	vst v8;
	s10 =	smov.u32 s12  }
0x55: {  	[tilespmem:s12+$0xFFFFFF80] =	vst v5;
	v5 =	vmul.f32 v12, v1;
	v8 =	vld [tilespmem:s12+$0x0]  }
0x56: {  	s16 =	sadd.s32 $0x1, s11;
	[tilespmem:s12+$0xFFFFFF90] =	vst v3;
	v3 =	vmul.f32 v7, v1;
	v9 =	vld [tilespmem:s12+$0x10]  }
0x57: {  	[tilespmem:s12+$0xFFFFFFA0] =	vst v5;
	v5 =	vmul.f32 v4, v1;
	v4 =	vmov s16;
	v11 =	vld [tilespmem:s12+$0x20]  }
.Ltmp0:
0x58: {  	[tilespmem:s12+$0xFFFFFFB0] =	vst v3;
	v7 =	vmul.f32 v10, v1;
	v3 =	vperm.xlane v2, v4;
	v4 =	vld [tilespmem:s12+$0x30];
	(pc) =	sbr.rel @p1 .LBB2_4-.Ltmp0, $4  }
0x59: {  	[tilespmem:s12+$0xFFFFFFC0] =	vst v5;
	v6 =	vmul.f32 v6, v1;
	v5 =	vld [tilespmem:s12+$0x40]  }
0x5a: {  	[tilespmem:s12+$0xFFFFFFD0] =	vst v7;
	v8 =	vmul.f32 v8, v3;
	v7 =	vld [tilespmem:s12+$0x50]  }
0x5b: {  	[tilespmem:s12+$0xFFFFFFE0] =	vst v6;
	v10 =	vmul.f32 v9, v3;
	v6 =	vld [tilespmem:s12+$0x60]  }
0x5c: {  	s11 =	sadd.s32 $0x2, s11;
	[tilespmem:s12+$0x0] =	vst v8;
	v9 =	vmul.f32 v11, v3;
	v8 =	vld [tilespmem:s12+$0x70]  }
0x5d: {  	v2 =	vld [tilespmem:s10+$0xFFFFFFF0];
	[tilespmem:s10+$0x10] =	vst v10;
	v4 =	vmul.f32 v4, v3  }
0x5e: {  	s9 =	sadd.s32 $0x1, s9;
	[tilespmem:s10+$0x20] =	vst v9;
	v5 =	vmul.f32 v5, v3  }
0x5f: {  	p1 =	sne.s32 s9, $0x5;
	[tilespmem:s10+$0x30] =	vst v4;
	v62 =	vmul.f32 v7, v3  }
.Ltmp1:
0x60: {  	[tilespmem:s10+$0x40] =	vst v5;
	v63 =	vmul.f32 v6, v3;
	(pc) =	sbr.rel @p1 .LBB2_3-.Ltmp1, $4  }
0x61: {  	[tilespmem:s10+$0x50] =	vst v62;
	v3 =	vmul.f32 v8, v3  }
0x62: {  	v1 =	vmul.f32 v2, v1;
	[tilespmem:s10+$0x60] =	vst v63  }
0x63: {  	[tilespmem:s10+$0x70] =	vst v3  }
0x64: {  	s8 =	sadd.s32 $0x400, s8;
	[tilespmem:s10+$0xFFFFFFF0] =	vst v1  }
0x65: {  	s6 =	sadd.s32 $0x13880, s7;
	p1 =	seq.s32 s5, $0x0  }
0x66: {  	[spmem:s3] =	stream.indirect.scatter.add.f32 [tilespmem:s23], [sflag:$0x5], $0x80, s6, s22, $0xb8;
	[tilespmem:$0x1FF00] =	vst v63  }
0x67: {  	s6 =	simm.s32 @!p1 $0x8  }
0x68: {  	_ =	swait.ge @!p1 [sflag:s6], $0x1400  }
0x69: {  	[sflag:s6] =	ssyncset.done @!p1 $0x0  }
0x6a: {  	s20 =	sadd.s32 $0x16078, s7;
	[sflag:s6] =	ssyncadd.s32 @!p1 $0xFFFFEC00  }
0x6b: {  	[tilespmem:s30], [sflag:$0x4] =	stream.indirect.gather [hbm4b:s1+s22], $0x80, s20, s22, $0xb8;
	[tilespmem:$0x1FF00] =	vst v63  }
0x6c: {  	s8 =	sadd.s32 $0x28, s7;
	s10 =	sadd.s32 $0x187A8, s7;
	_ =	swait.ge [sflag:s31], $0x1400  }
0x6d: {  	s9 =	simm.s32 $0x0;
	s16 =	simm.s32 $0x1C380;
	[sflag:s31] =	ssyncset.done $0x0  }
0x6e: {  	v0 =	vmov s10;
	s10 =	simm.s32 $0x0;
	s6 =	sadd.s32 $0x78, s7;
	[sflag:s31] =	ssyncadd.s32 $0xFFFFEC00  }
.LBB2_7:
0x6f: {  	_ =	sdelay $0x2  }
0x70: {  	s11 =	sshll.u32 s10, $0x3  }
0x71: {  	v2 =	vld.idx.msk [tilespmem:v0+s11+$0x0 ss:$0x1], $0xffff;
	_ =	sdelay $0x1  }
0x72: {  	v3 =	vld [tilespmem:s16+$0xFFFFFF80]  }
0x73: {  	v4 =	vld [tilespmem:s16+$0xFFFFFF90]  }
0x74: {  	v1 =	vmov s9;
	v5 =	vld [tilespmem:s16+$0xFFFFFFA0]  }
0x75: {  	v6 =	vld [tilespmem:s16+$0xFFFFFFB0];
	v1 =	vperm.xlane v2, v1  }
0x76: {  	v7 =	vld [tilespmem:s16+$0xFFFFFFC0]  }
0x77: {  	v8 =	vld [tilespmem:s16+$0xFFFFFFD0];
	v3 =	vmul.f32 v3, v1  }
0x78: {  	v9 =	vld [tilespmem:s16+$0xFFFFFFE0];
	v4 =	vmul.f32 v4, v1  }
0x79: {  	v10 =	vld [tilespmem:s16+$0x0];
	[tilespmem:s16+$0xFFFFFF80] =	vst v3;
	v3 =	vmul.f32 v5, v1  }
0x7a: {  	s20 =	simm.s32 $0x1;
	v11 =	vld [tilespmem:s16+$0x10];
	[tilespmem:s16+$0xFFFFFF90] =	vst v4;
	v4 =	vmul.f32 v6, v1  }
0x7b: {  	v12 =	vld [tilespmem:s16+$0x20];
	v5 =	vmul.f32 v7, v1;
	[tilespmem:s16+$0xFFFFFFA0] =	vst v3;
	v3 =	vmov s20  }
0x7c: {  	v6 =	vmul.f32 v8, v1;
	[tilespmem:s16+$0xFFFFFFB0] =	vst v4;
	v4 =	vld [tilespmem:s16+$0x30];
	v3 =	vperm.xlane v2, v3  }
0x7d: {  	v8 =	vmul.f32 v9, v1;
	[tilespmem:s16+$0xFFFFFFC0] =	vst v5;
	v5 =	vld [tilespmem:s16+$0x40]  }
0x7e: {  	v7 =	vld [tilespmem:s16+$0x50];
	[tilespmem:s16+$0xFFFFFFD0] =	vst v6;
	v9 =	vmul.f32 v10, v3  }
0x7f: {  	[tilespmem:s16+$0xFFFFFFE0] =	vst v8;
	v6 =	vld [tilespmem:s16+$0x60];
	v10 =	vmul.f32 v11, v3  }
0x80: {  	s12 =	simm.s32 $0x2;
	s11 =	smov.u32 s16;
	v8 =	vld [tilespmem:s16+$0x70];
	s20 =	smov.u32 s16;
	[tilespmem:s16+$0x0] =	vst v9;
	v9 =	vmul.f32 v12, v3  }
.LBB2_8:
0x81: {  	p1 =	sne.s32 s12, $0x6;
	v11 =	vld [tilespmem:s20+$0xFFFFFFF0];
	[tilespmem:s20+$0x10] =	vst v10;
	v4 =	vmul.f32 v4, v3;
	s11 =	sadd.s32 $0x100, s11  }
0x82: {  	v10 =	vld [tilespmem:s11+$0xFFFFFF80];
	[tilespmem:s20+$0x20] =	vst v9;
	v5 =	vmul.f32 v5, v3  }
0x83: {  	v9 =	vld [tilespmem:s11+$0xFFFFFF90];
	[tilespmem:s20+$0x30] =	vst v4;
	v4 =	vmul.f32 v7, v3  }
0x84: {  	v7 =	vmov s12;
	v12 =	vld [tilespmem:s11+$0xFFFFFFA0];
	[tilespmem:s20+$0x40] =	vst v5;
	v5 =	vmul.f32 v6, v3  }
0x85: {  	v6 =	vperm.xlane v2, v7;
	v7 =	vld [tilespmem:s11+$0xFFFFFFB0];
	[tilespmem:s20+$0x50] =	vst v4;
	v3 =	vmul.f32 v8, v3  }
0x86: {  	v4 =	vld [tilespmem:s11+$0xFFFFFFC0];
	v8 =	vmul.f32 v11, v1;
	[tilespmem:s20+$0x60] =	vst v5  }
0x87: {  	v1 =	vmov v6;
	v5 =	vmul.f32 v10, v6;
	v10 =	vld [tilespmem:s11+$0xFFFFFFD0];
	[tilespmem:s20+$0x70] =	vst v3  }
0x88: {  	v3 =	vmul.f32 v9, v1;
	v6 =	vld [tilespmem:s11+$0xFFFFFFE0];
	[tilespmem:s20+$0xFFFFFFF0] =	vst v8;
	s20 =	smov.u32 s11  }
0x89: {  	[tilespmem:s11+$0xFFFFFF80] =	vst v5;
	v5 =	vmul.f32 v12, v1;
	v8 =	vld [tilespmem:s11+$0x0]  }
0x8a: {  	s17 =	sadd.s32 $0x1, s12;
	[tilespmem:s11+$0xFFFFFF90] =	vst v3;
	v3 =	vmul.f32 v7, v1;
	v9 =	vld [tilespmem:s11+$0x10]  }
0x8b: {  	[tilespmem:s11+$0xFFFFFFA0] =	vst v5;
	v5 =	vmul.f32 v4, v1;
	v4 =	vmov s17;
	v11 =	vld [tilespmem:s11+$0x20]  }
.Ltmp2:
0x8c: {  	[tilespmem:s11+$0xFFFFFFB0] =	vst v3;
	v7 =	vmul.f32 v10, v1;
	v3 =	vperm.xlane v2, v4;
	v4 =	vld [tilespmem:s11+$0x30];
	(pc) =	sbr.rel @p1 .LBB2_8-.Ltmp2, $4  }
0x8d: {  	[tilespmem:s11+$0xFFFFFFC0] =	vst v5;
	v6 =	vmul.f32 v6, v1;
	v5 =	vld [tilespmem:s11+$0x40]  }
0x8e: {  	[tilespmem:s11+$0xFFFFFFD0] =	vst v7;
	v8 =	vmul.f32 v8, v3;
	v7 =	vld [tilespmem:s11+$0x50]  }
0x8f: {  	[tilespmem:s11+$0xFFFFFFE0] =	vst v6;
	v10 =	vmul.f32 v9, v3;
	v6 =	vld [tilespmem:s11+$0x60]  }
0x90: {  	s12 =	sadd.s32 $0x2, s12;
	[tilespmem:s11+$0x0] =	vst v8;
	v9 =	vmul.f32 v11, v3;
	v8 =	vld [tilespmem:s11+$0x70]  }
0x91: {  	v2 =	vld [tilespmem:s20+$0xFFFFFFF0];
	[tilespmem:s20+$0x10] =	vst v10;
	v4 =	vmul.f32 v4, v3  }
0x92: {  	s10 =	sadd.s32 $0x1, s10;
	[tilespmem:s20+$0x20] =	vst v9;
	v5 =	vmul.f32 v5, v3  }
0x93: {  	p1 =	sne.s32 s10, $0x5;
	[tilespmem:s20+$0x30] =	vst v4;
	v62 =	vmul.f32 v7, v3  }
.Ltmp3:
0x94: {  	[tilespmem:s20+$0x40] =	vst v5;
	v63 =	vmul.f32 v6, v3;
	(pc) =	sbr.rel @p1 .LBB2_7-.Ltmp3, $4  }
0x95: {  	[tilespmem:s20+$0x50] =	vst v62;
	v3 =	vmul.f32 v8, v3  }
0x96: {  	v1 =	vmul.f32 v2, v1;
	[tilespmem:s20+$0x60] =	vst v63  }
0x97: {  	[tilespmem:s20+$0x70] =	vst v3  }
0x98: {  	s16 =	sadd.s32 $0x400, s16;
	[tilespmem:s20+$0xFFFFFFF0] =	vst v1  }
0x99: {  	s8 =	sadd.s32 $0x13880, s8;
	s20 =	smul.u32 $0x280, s5  }
0x9a: {  	[spmem:s3] =	stream.indirect.scatter.add.f32 [tilespmem:s25], [sflag:$0x6], $0x80, s8, s22, $0xb8;
	[tilespmem:$0x1FF00] =	vst v63  }
0x9b: {  	_ =	swait.ge [sflag:s2], $0x1400  }
0x9c: {  	s8 =	sshra.s32 s20, $0x2;
	[sflag:s2] =	ssyncset.done $0x0  }
0x9d: {  	s9 =	sadd.s32 $0x160A0, s8;
	[sflag:s2] =	ssyncadd.s32 $0xFFFFEC00  }
0x9e: {  	[tilespmem:s23], [sflag:$0x1] =	stream.indirect.gather [hbm4b:s1+s22], $0x80, s9, s22, $0xb8;
	[tilespmem:$0x1FF00] =	vst v63  }
0x9f: {  	s10 =	sadd.s32 $0x187D0, s7;
	_ =	swait.ge [sflag:s0], $0x1400  }
0xa0: {  	v0 =	vmov s10;
	s10 =	simm.s32 $0x0;
	s20 =	simm.s32 $0x1D780;
	[sflag:s0] =	ssyncset.done $0x0  }
0xa1: {  	s9 =	sadd.s32 $0x50, s7;
	s7 =	simm.s32 $0x0;
	[sflag:s0] =	ssyncadd.s32 $0xFFFFEC00  }
.LBB2_11:
0xa2: {  	_ =	sdelay $0x2  }
0xa3: {  	s11 =	sshll.u32 s10, $0x3  }
0xa4: {  	v2 =	vld.idx.msk [tilespmem:v0+s11+$0x0 ss:$0x1], $0xffff;
	_ =	sdelay $0x1  }
0xa5: {  	v3 =	vld [tilespmem:s20+$0xFFFFFF80]  }
0xa6: {  	v4 =	vld [tilespmem:s20+$0xFFFFFF90]  }
0xa7: {  	v1 =	vmov s7;
	v5 =	vld [tilespmem:s20+$0xFFFFFFA0]  }
0xa8: {  	v6 =	vld [tilespmem:s20+$0xFFFFFFB0];
	v1 =	vperm.xlane v2, v1  }
0xa9: {  	v7 =	vld [tilespmem:s20+$0xFFFFFFC0]  }
0xaa: {  	v8 =	vld [tilespmem:s20+$0xFFFFFFD0];
	v3 =	vmul.f32 v3, v1  }
0xab: {  	v9 =	vld [tilespmem:s20+$0xFFFFFFE0];
	v4 =	vmul.f32 v4, v1  }
0xac: {  	v10 =	vld [tilespmem:s20+$0x0];
	[tilespmem:s20+$0xFFFFFF80] =	vst v3;
	v3 =	vmul.f32 v5, v1  }
0xad: {  	s17 =	simm.s32 $0x1;
	v11 =	vld [tilespmem:s20+$0x10];
	[tilespmem:s20+$0xFFFFFF90] =	vst v4;
	v4 =	vmul.f32 v6, v1  }
0xae: {  	v12 =	vld [tilespmem:s20+$0x20];
	v5 =	vmul.f32 v7, v1;
	[tilespmem:s20+$0xFFFFFFA0] =	vst v3;
	v3 =	vmov s17  }
0xaf: {  	v6 =	vmul.f32 v8, v1;
	[tilespmem:s20+$0xFFFFFFB0] =	vst v4;
	v4 =	vld [tilespmem:s20+$0x30];
	v3 =	vperm.xlane v2, v3  }
0xb0: {  	v8 =	vmul.f32 v9, v1;
	[tilespmem:s20+$0xFFFFFFC0] =	vst v5;
	v5 =	vld [tilespmem:s20+$0x40]  }
0xb1: {  	v7 =	vld [tilespmem:s20+$0x50];
	[tilespmem:s20+$0xFFFFFFD0] =	vst v6;
	v9 =	vmul.f32 v10, v3  }
0xb2: {  	[tilespmem:s20+$0xFFFFFFE0] =	vst v8;
	v6 =	vld [tilespmem:s20+$0x60];
	v10 =	vmul.f32 v11, v3  }
0xb3: {  	s12 =	simm.s32 $0x2;
	s16 =	smov.u32 s20;
	s11 =	smov.u32 s20;
	v8 =	vld [tilespmem:s20+$0x70];
	[tilespmem:s20+$0x0] =	vst v9;
	v9 =	vmul.f32 v12, v3  }
.LBB2_12:
0xb4: {  	p1 =	sne.s32 s12, $0x6;
	v11 =	vld [tilespmem:s11+$0xFFFFFFF0];
	[tilespmem:s11+$0x10] =	vst v10;
	v4 =	vmul.f32 v4, v3;
	s16 =	sadd.s32 $0x100, s16  }
0xb5: {  	v10 =	vld [tilespmem:s16+$0xFFFFFF80];
	[tilespmem:s11+$0x20] =	vst v9;
	v5 =	vmul.f32 v5, v3  }
0xb6: {  	v9 =	vld [tilespmem:s16+$0xFFFFFF90];
	[tilespmem:s11+$0x30] =	vst v4;
	v4 =	vmul.f32 v7, v3  }
0xb7: {  	v7 =	vmov s12;
	v12 =	vld [tilespmem:s16+$0xFFFFFFA0];
	[tilespmem:s11+$0x40] =	vst v5;
	v5 =	vmul.f32 v6, v3  }
0xb8: {  	v6 =	vperm.xlane v2, v7;
	v7 =	vld [tilespmem:s16+$0xFFFFFFB0];
	[tilespmem:s11+$0x50] =	vst v4;
	v3 =	vmul.f32 v8, v3  }
0xb9: {  	v4 =	vld [tilespmem:s16+$0xFFFFFFC0];
	v8 =	vmul.f32 v11, v1;
	[tilespmem:s11+$0x60] =	vst v5  }
0xba: {  	v1 =	vmov v6;
	v5 =	vmul.f32 v10, v6;
	v10 =	vld [tilespmem:s16+$0xFFFFFFD0];
	[tilespmem:s11+$0x70] =	vst v3  }
0xbb: {  	v3 =	vmul.f32 v9, v1;
	v6 =	vld [tilespmem:s16+$0xFFFFFFE0];
	[tilespmem:s11+$0xFFFFFFF0] =	vst v8;
	s11 =	smov.u32 s16  }
0xbc: {  	[tilespmem:s16+$0xFFFFFF80] =	vst v5;
	v5 =	vmul.f32 v12, v1;
	v8 =	vld [tilespmem:s16+$0x0]  }
0xbd: {  	s17 =	sadd.s32 $0x1, s12;
	[tilespmem:s16+$0xFFFFFF90] =	vst v3;
	v3 =	vmul.f32 v7, v1;
	v9 =	vld [tilespmem:s16+$0x10]  }
0xbe: {  	[tilespmem:s16+$0xFFFFFFA0] =	vst v5;
	v5 =	vmul.f32 v4, v1;
	v4 =	vmov s17;
	v11 =	vld [tilespmem:s16+$0x20]  }
.Ltmp4:
0xbf: {  	[tilespmem:s16+$0xFFFFFFB0] =	vst v3;
	v7 =	vmul.f32 v10, v1;
	v3 =	vperm.xlane v2, v4;
	v4 =	vld [tilespmem:s16+$0x30];
	(pc) =	sbr.rel @p1 .LBB2_12-.Ltmp4, $4  }
0xc0: {  	[tilespmem:s16+$0xFFFFFFC0] =	vst v5;
	v6 =	vmul.f32 v6, v1;
	v5 =	vld [tilespmem:s16+$0x40]  }
0xc1: {  	[tilespmem:s16+$0xFFFFFFD0] =	vst v7;
	v8 =	vmul.f32 v8, v3;
	v7 =	vld [tilespmem:s16+$0x50]  }
0xc2: {  	[tilespmem:s16+$0xFFFFFFE0] =	vst v6;
	v10 =	vmul.f32 v9, v3;
	v6 =	vld [tilespmem:s16+$0x60]  }
0xc3: {  	s12 =	sadd.s32 $0x2, s12;
	[tilespmem:s16+$0x0] =	vst v8;
	v9 =	vmul.f32 v11, v3;
	v8 =	vld [tilespmem:s16+$0x70]  }
0xc4: {  	v2 =	vld [tilespmem:s11+$0xFFFFFFF0];
	[tilespmem:s11+$0x10] =	vst v10;
	v4 =	vmul.f32 v4, v3  }
0xc5: {  	s10 =	sadd.s32 $0x1, s10;
	[tilespmem:s11+$0x20] =	vst v9;
	v5 =	vmul.f32 v5, v3  }
0xc6: {  	p1 =	sne.s32 s10, $0x5;
	[tilespmem:s11+$0x30] =	vst v4;
	v62 =	vmul.f32 v7, v3  }
.Ltmp5:
0xc7: {  	[tilespmem:s11+$0x40] =	vst v5;
	v63 =	vmul.f32 v6, v3;
	(pc) =	sbr.rel @p1 .LBB2_11-.Ltmp5, $4  }
0xc8: {  	[tilespmem:s11+$0x50] =	vst v62;
	v3 =	vmul.f32 v8, v3  }
0xc9: {  	v1 =	vmul.f32 v2, v1;
	[tilespmem:s11+$0x60] =	vst v63  }
0xca: {  	[tilespmem:s11+$0x70] =	vst v3  }
0xcb: {  	s20 =	sadd.s32 $0x400, s20;
	[tilespmem:s11+$0xFFFFFFF0] =	vst v1  }
0xcc: {  	s7 =	sadd.s32 $0x13880, s9  }
0xcd: {  	[spmem:s3] =	stream.indirect.scatter.add.f32 [tilespmem:s28], [sflag:$0x7], $0x80, s7, s22, $0xb8;
	[tilespmem:$0x1FF00] =	vst v63  }
0xce: {  	_ =	swait.ge [sflag:s18], $0x1400  }
0xcf: {  	[sflag:s18] =	ssyncset.done $0x0  }
0xd0: {  	s20 =	sadd.s32 $0x160C8, s8;
	[sflag:s18] =	ssyncadd.s32 $0xFFFFEC00  }
0xd1: {  	[tilespmem:s25], [sflag:$0x2] =	stream.indirect.gather [hbm4b:s1+s22], $0x80, s20, s22, $0xb8;
	[tilespmem:$0x1FF00] =	vst v63  }
0xd2: {  	_ =	swait.ge [sflag:s21], $0x1400  }
0xd3: {  	s10 =	sadd.s32 $0x18780, s6;
	s9 =	simm.s32 $0x1EB80;
	[sflag:s21] =	ssyncset.done $0x0  }
0xd4: {  	s7 =	simm.s32 $0x0;
	v0 =	vmov s10;
	s10 =	simm.s32 $0x0;
	[sflag:s21] =	ssyncadd.s32 $0xFFFFEC00  }
.LBB2_15:
0xd5: {  	_ =	sdelay $0x2  }
0xd6: {  	s11 =	sshll.u32 s10, $0x3  }
0xd7: {  	v2 =	vld.idx.msk [tilespmem:v0+s11+$0x0 ss:$0x1], $0xffff;
	_ =	sdelay $0x1  }
0xd8: {  	v3 =	vld [tilespmem:s9+$0xFFFFFF80]  }
0xd9: {  	v4 =	vld [tilespmem:s9+$0xFFFFFF90]  }
0xda: {  	v1 =	vmov s7;
	v5 =	vld [tilespmem:s9+$0xFFFFFFA0]  }
0xdb: {  	v6 =	vld [tilespmem:s9+$0xFFFFFFB0];
	v1 =	vperm.xlane v2, v1  }
0xdc: {  	v7 =	vld [tilespmem:s9+$0xFFFFFFC0]  }
0xdd: {  	v8 =	vld [tilespmem:s9+$0xFFFFFFD0];
	v3 =	vmul.f32 v3, v1  }
0xde: {  	v9 =	vld [tilespmem:s9+$0xFFFFFFE0];
	v4 =	vmul.f32 v4, v1  }
0xdf: {  	v10 =	vld [tilespmem:s9+$0x0];
	[tilespmem:s9+$0xFFFFFF80] =	vst v3;
	v3 =	vmul.f32 v5, v1  }
0xe0: {  	s20 =	simm.s32 $0x1;
	v11 =	vld [tilespmem:s9+$0x10];
	[tilespmem:s9+$0xFFFFFF90] =	vst v4;
	v4 =	vmul.f32 v6, v1  }
0xe1: {  	v12 =	vld [tilespmem:s9+$0x20];
	v5 =	vmul.f32 v7, v1;
	[tilespmem:s9+$0xFFFFFFA0] =	vst v3;
	v3 =	vmov s20  }
0xe2: {  	v6 =	vmul.f32 v8, v1;
	[tilespmem:s9+$0xFFFFFFB0] =	vst v4;
	v4 =	vld [tilespmem:s9+$0x30];
	v3 =	vperm.xlane v2, v3  }
0xe3: {  	v8 =	vmul.f32 v9, v1;
	[tilespmem:s9+$0xFFFFFFC0] =	vst v5;
	v5 =	vld [tilespmem:s9+$0x40]  }
0xe4: {  	v7 =	vld [tilespmem:s9+$0x50];
	[tilespmem:s9+$0xFFFFFFD0] =	vst v6;
	v9 =	vmul.f32 v10, v3  }
0xe5: {  	[tilespmem:s9+$0xFFFFFFE0] =	vst v8;
	v6 =	vld [tilespmem:s9+$0x60];
	v10 =	vmul.f32 v11, v3  }
0xe6: {  	s12 =	simm.s32 $0x2;
	s16 =	smov.u32 s9;
	s11 =	smov.u32 s9;
	v8 =	vld [tilespmem:s9+$0x70];
	[tilespmem:s9+$0x0] =	vst v9;
	v9 =	vmul.f32 v12, v3  }
.LBB2_16:
0xe7: {  	p1 =	sne.s32 s12, $0x6;
	v11 =	vld [tilespmem:s11+$0xFFFFFFF0];
	[tilespmem:s11+$0x10] =	vst v10;
	v4 =	vmul.f32 v4, v3;
	s16 =	sadd.s32 $0x100, s16  }
0xe8: {  	v10 =	vld [tilespmem:s16+$0xFFFFFF80];
	[tilespmem:s11+$0x20] =	vst v9;
	v5 =	vmul.f32 v5, v3  }
0xe9: {  	v9 =	vld [tilespmem:s16+$0xFFFFFF90];
	[tilespmem:s11+$0x30] =	vst v4;
	v4 =	vmul.f32 v7, v3  }
0xea: {  	v7 =	vmov s12;
	v12 =	vld [tilespmem:s16+$0xFFFFFFA0];
	[tilespmem:s11+$0x40] =	vst v5;
	v5 =	vmul.f32 v6, v3  }
0xeb: {  	v6 =	vperm.xlane v2, v7;
	v7 =	vld [tilespmem:s16+$0xFFFFFFB0];
	[tilespmem:s11+$0x50] =	vst v4;
	v3 =	vmul.f32 v8, v3  }
0xec: {  	v4 =	vld [tilespmem:s16+$0xFFFFFFC0];
	v8 =	vmul.f32 v11, v1;
	[tilespmem:s11+$0x60] =	vst v5  }
0xed: {  	v1 =	vmov v6;
	v5 =	vmul.f32 v10, v6;
	v10 =	vld [tilespmem:s16+$0xFFFFFFD0];
	[tilespmem:s11+$0x70] =	vst v3  }
0xee: {  	v3 =	vmul.f32 v9, v1;
	v6 =	vld [tilespmem:s16+$0xFFFFFFE0];
	[tilespmem:s11+$0xFFFFFFF0] =	vst v8;
	s11 =	smov.u32 s16  }
0xef: {  	[tilespmem:s16+$0xFFFFFF80] =	vst v5;
	v5 =	vmul.f32 v12, v1;
	v8 =	vld [tilespmem:s16+$0x0]  }
0xf0: {  	s17 =	sadd.s32 $0x1, s12;
	[tilespmem:s16+$0xFFFFFF90] =	vst v3;
	v3 =	vmul.f32 v7, v1;
	v9 =	vld [tilespmem:s16+$0x10]  }
0xf1: {  	[tilespmem:s16+$0xFFFFFFA0] =	vst v5;
	v5 =	vmul.f32 v4, v1;
	v4 =	vmov s17;
	v11 =	vld [tilespmem:s16+$0x20]  }
.Ltmp6:
0xf2: {  	[tilespmem:s16+$0xFFFFFFB0] =	vst v3;
	v7 =	vmul.f32 v10, v1;
	v3 =	vperm.xlane v2, v4;
	v4 =	vld [tilespmem:s16+$0x30];
	(pc) =	sbr.rel @p1 .LBB2_16-.Ltmp6, $4  }
0xf3: {  	[tilespmem:s16+$0xFFFFFFC0] =	vst v5;
	v6 =	vmul.f32 v6, v1;
	v5 =	vld [tilespmem:s16+$0x40]  }
0xf4: {  	[tilespmem:s16+$0xFFFFFFD0] =	vst v7;
	v8 =	vmul.f32 v8, v3;
	v7 =	vld [tilespmem:s16+$0x50]  }
0xf5: {  	[tilespmem:s16+$0xFFFFFFE0] =	vst v6;
	v10 =	vmul.f32 v9, v3;
	v6 =	vld [tilespmem:s16+$0x60]  }
0xf6: {  	s12 =	sadd.s32 $0x2, s12;
	[tilespmem:s16+$0x0] =	vst v8;
	v9 =	vmul.f32 v11, v3;
	v8 =	vld [tilespmem:s16+$0x70]  }
0xf7: {  	v2 =	vld [tilespmem:s11+$0xFFFFFFF0];
	[tilespmem:s11+$0x10] =	vst v10;
	v4 =	vmul.f32 v4, v3  }
0xf8: {  	s10 =	sadd.s32 $0x1, s10;
	[tilespmem:s11+$0x20] =	vst v9;
	v5 =	vmul.f32 v5, v3  }
0xf9: {  	p1 =	sne.s32 s10, $0x5;
	[tilespmem:s11+$0x30] =	vst v4;
	v62 =	vmul.f32 v7, v3  }
.Ltmp7:
0xfa: {  	[tilespmem:s11+$0x40] =	vst v5;
	v63 =	vmul.f32 v6, v3;
	(pc) =	sbr.rel @p1 .LBB2_15-.Ltmp7, $4  }
0xfb: {  	[tilespmem:s11+$0x50] =	vst v62;
	v3 =	vmul.f32 v8, v3  }
0xfc: {  	v1 =	vmul.f32 v2, v1;
	[tilespmem:s11+$0x60] =	vst v63  }
0xfd: {  	[tilespmem:s11+$0x70] =	vst v3  }
0xfe: {  	s9 =	sadd.s32 $0x400, s9;
	[tilespmem:s11+$0xFFFFFFF0] =	vst v1  }
0xff: {  	p1 =	seq.s32 s5, $0x3D  }
.Ltmp8:
0x100: {  	s6 =	sadd.s32 $0x13880, s6;
	(pc) =	sbr.rel @p1 .LBB2_20-.Ltmp8, $4  }
0x101: {  	[spmem:s3] =	stream.indirect.scatter.add.f32 [tilespmem:s30], [sflag:$0x8], $0x80, s6, s22, $0xb8;
	[tilespmem:$0x1FF00] =	vst v63  }
0x102: {  	_ =	swait.ge [sflag:s24], $0x1400  }
0x103: {  	[sflag:s24] =	ssyncset.done $0x0  }
0x104: {  	[sflag:s24] =	ssyncadd.s32 $0xFFFFEC00  }
.Ltmp9:
0x105: {  	(pc) =	sbr.rel .LBB2_2-.Ltmp9, $3  }
0x106: {  	_ =	sdelay $0x1  }
0x107: {  	s6 =	sadd.s32 $0x160F0, s8;
	s5 =	sadd.s32 $0x1, s5  }
0x108: {  	[tilespmem:s28], [sflag:$0x3] =	stream.indirect.gather [hbm4b:s1+s22], $0x80, s6, s22, $0xb8;
	[tilespmem:$0x1FF00] =	vst v63  }
.LBB2_20:
0x109: {  	_ =	swait.ge [sflag:s29], $0x1400  }
0x10a: {  	s5 =	simm.s32 $0x0;
	[sflag:s29] =	ssyncset.done $0x0  }
0x10b: {  	s6 =	simm.s32 $0x1AF80;
	s7 =	simm.s32 $0x0;
	[sflag:s29] =	ssyncadd.s32 $0xFFFFEC00  }
.LBB2_21:
0x10c: {  	s8 =	sshll.u32 s7, $0x3  }
0x10d: {  	v1 =	vld [tilespmem:s8+$0x1AE40];
	_ =	sdelay $0x1  }
0x10e: {  	v2 =	vld [tilespmem:s6+$0xFFFFFF80]  }
0x10f: {  	v3 =	vld [tilespmem:s6+$0xFFFFFF90]  }
0x110: {  	v0 =	vmov s5;
	v4 =	vld [tilespmem:s6+$0xFFFFFFA0]  }
0x111: {  	v5 =	vld [tilespmem:s6+$0xFFFFFFB0];
	v0 =	vperm.xlane v1, v0  }
0x112: {  	v6 =	vld [tilespmem:s6+$0xFFFFFFC0]  }
0x113: {  	v7 =	vld [tilespmem:s6+$0xFFFFFFD0];
	v2 =	vmul.f32 v2, v0  }
0x114: {  	v8 =	vld [tilespmem:s6+$0xFFFFFFE0];
	v3 =	vmul.f32 v3, v0  }
0x115: {  	v9 =	vld [tilespmem:s6+$0x0];
	[tilespmem:s6+$0xFFFFFF80] =	vst v2;
	v2 =	vmul.f32 v4, v0  }
0x116: {  	s20 =	simm.s32 $0x1;
	v10 =	vld [tilespmem:s6+$0x10];
	[tilespmem:s6+$0xFFFFFF90] =	vst v3;
	v3 =	vmul.f32 v5, v0  }
0x117: {  	v11 =	vld [tilespmem:s6+$0x20];
	v4 =	vmul.f32 v6, v0;
	[tilespmem:s6+$0xFFFFFFA0] =	vst v2;
	v2 =	vmov s20  }
0x118: {  	v5 =	vmul.f32 v7, v0;
	[tilespmem:s6+$0xFFFFFFB0] =	vst v3;
	v3 =	vld [tilespmem:s6+$0x30];
	v2 =	vperm.xlane v1, v2  }
0x119: {  	v7 =	vmul.f32 v8, v0;
	[tilespmem:s6+$0xFFFFFFC0] =	vst v4;
	v4 =	vld [tilespmem:s6+$0x40]  }
0x11a: {  	v6 =	vld [tilespmem:s6+$0x50];
	[tilespmem:s6+$0xFFFFFFD0] =	vst v5;
	v8 =	vmul.f32 v9, v2  }
0x11b: {  	[tilespmem:s6+$0xFFFFFFE0] =	vst v7;
	v5 =	vld [tilespmem:s6+$0x60];
	v9 =	vmul.f32 v10, v2  }
0x11c: {  	s9 =	simm.s32 $0x2;
	s10 =	smov.u32 s6;
	s8 =	smov.u32 s6;
	v7 =	vld [tilespmem:s6+$0x70];
	[tilespmem:s6+$0x0] =	vst v8;
	v8 =	vmul.f32 v11, v2  }
.LBB2_22:
0x11d: {  	p1 =	sne.s32 s9, $0x6;
	v10 =	vld [tilespmem:s8+$0xFFFFFFF0];
	[tilespmem:s8+$0x10] =	vst v9;
	v3 =	vmul.f32 v3, v2;
	s10 =	sadd.s32 $0x100, s10  }
0x11e: {  	v9 =	vld [tilespmem:s10+$0xFFFFFF80];
	[tilespmem:s8+$0x20] =	vst v8;
	v4 =	vmul.f32 v4, v2  }
0x11f: {  	v8 =	vld [tilespmem:s10+$0xFFFFFF90];
	[tilespmem:s8+$0x30] =	vst v3;
	v3 =	vmul.f32 v6, v2  }
0x120: {  	v6 =	vmov s9;
	v11 =	vld [tilespmem:s10+$0xFFFFFFA0];
	[tilespmem:s8+$0x40] =	vst v4;
	v4 =	vmul.f32 v5, v2  }
0x121: {  	v5 =	vperm.xlane v1, v6;
	v6 =	vld [tilespmem:s10+$0xFFFFFFB0];
	[tilespmem:s8+$0x50] =	vst v3;
	v2 =	vmul.f32 v7, v2  }
0x122: {  	v3 =	vld [tilespmem:s10+$0xFFFFFFC0];
	v7 =	vmul.f32 v10, v0;
	[tilespmem:s8+$0x60] =	vst v4  }
0x123: {  	v0 =	vmov v5;
	v4 =	vmul.f32 v9, v5;
	v9 =	vld [tilespmem:s10+$0xFFFFFFD0];
	[tilespmem:s8+$0x70] =	vst v2  }
0x124: {  	v2 =	vmul.f32 v8, v0;
	v5 =	vld [tilespmem:s10+$0xFFFFFFE0];
	[tilespmem:s8+$0xFFFFFFF0] =	vst v7;
	s8 =	smov.u32 s10  }
0x125: {  	[tilespmem:s10+$0xFFFFFF80] =	vst v4;
	v4 =	vmul.f32 v11, v0;
	v7 =	vld [tilespmem:s10+$0x0]  }
0x126: {  	s11 =	sadd.s32 $0x1, s9;
	[tilespmem:s10+$0xFFFFFF90] =	vst v2;
	v2 =	vmul.f32 v6, v0;
	v8 =	vld [tilespmem:s10+$0x10]  }
0x127: {  	[tilespmem:s10+$0xFFFFFFA0] =	vst v4;
	v4 =	vmul.f32 v3, v0;
	v3 =	vmov s11;
	v10 =	vld [tilespmem:s10+$0x20]  }
.Ltmp10:
0x128: {  	[tilespmem:s10+$0xFFFFFFB0] =	vst v2;
	v6 =	vmul.f32 v9, v0;
	v2 =	vperm.xlane v1, v3;
	v3 =	vld [tilespmem:s10+$0x30];
	(pc) =	sbr.rel @p1 .LBB2_22-.Ltmp10, $4  }
0x129: {  	[tilespmem:s10+$0xFFFFFFC0] =	vst v4;
	v5 =	vmul.f32 v5, v0;
	v4 =	vld [tilespmem:s10+$0x40]  }
0x12a: {  	[tilespmem:s10+$0xFFFFFFD0] =	vst v6;
	v7 =	vmul.f32 v7, v2;
	v6 =	vld [tilespmem:s10+$0x50]  }
0x12b: {  	[tilespmem:s10+$0xFFFFFFE0] =	vst v5;
	v9 =	vmul.f32 v8, v2;
	v5 =	vld [tilespmem:s10+$0x60]  }
0x12c: {  	s9 =	sadd.s32 $0x2, s9;
	[tilespmem:s10+$0x0] =	vst v7;
	v8 =	vmul.f32 v10, v2;
	v7 =	vld [tilespmem:s10+$0x70]  }
0x12d: {  	v1 =	vld [tilespmem:s8+$0xFFFFFFF0];
	[tilespmem:s8+$0x10] =	vst v9;
	v3 =	vmul.f32 v3, v2  }
0x12e: {  	s7 =	sadd.s32 $0x1, s7;
	[tilespmem:s8+$0x20] =	vst v8;
	v4 =	vmul.f32 v4, v2  }
0x12f: {  	p1 =	sne.s32 s7, $0x5;
	[tilespmem:s8+$0x30] =	vst v3;
	v61 =	vmul.f32 v6, v2  }
.Ltmp11:
0x130: {  	[tilespmem:s8+$0x40] =	vst v4;
	v62 =	vmul.f32 v5, v2;
	(pc) =	sbr.rel @p1 .LBB2_21-.Ltmp11, $4  }
0x131: {  	[tilespmem:s8+$0x50] =	vst v61;
	v63 =	vmul.f32 v7, v2  }
0x132: {  	v0 =	vmul.f32 v1, v0;
	[tilespmem:s8+$0x60] =	vst v62  }
0x133: {  	[tilespmem:s8+$0x70] =	vst v63  }
0x134: {  	s6 =	sadd.s32 $0x400, s6;
	[tilespmem:s8+$0xFFFFFFF0] =	vst v0  }
0x135: {  	s5 =	simm.s32 $0x15F40  }
0x136: {  	[spmem:s3] =	stream.indirect.scatter.add.f32 [tilespmem:s23], [sflag:$0x5], $0x80, s5, s22, $0xb8;
	[tilespmem:$0x1FF00] =	vst v63  }
0x137: {  	_ =	swait.ge [sflag:s26], $0x1400  }
0x138: {  	[sflag:s26] =	ssyncset.done $0x0  }
0x139: {  	[sflag:s26] =	ssyncadd.s32 $0xFFFFEC00  }
0x13a: {  	_ =	swait.ge [sflag:s31], $0x1400  }
0x13b: {  	s6 =	simm.s32 $0x1C380;
	[sflag:s31] =	ssyncset.done $0x0  }
0x13c: {  	s7 =	simm.s32 $0x0;
	s5 =	simm.s32 $0x0;
	[sflag:s31] =	ssyncadd.s32 $0xFFFFEC00  }
.LBB2_25:
0x13d: {  	s8 =	sshll.u32 s7, $0x3  }
0x13e: {  	v1 =	vld [tilespmem:s8+$0x1AE68];
	_ =	sdelay $0x1  }
0x13f: {  	v2 =	vld [tilespmem:s6+$0xFFFFFF80]  }
0x140: {  	v3 =	vld [tilespmem:s6+$0xFFFFFF90]  }
0x141: {  	v0 =	vmov s5;
	v4 =	vld [tilespmem:s6+$0xFFFFFFA0]  }
0x142: {  	v5 =	vld [tilespmem:s6+$0xFFFFFFB0];
	v0 =	vperm.xlane v1, v0  }
0x143: {  	v6 =	vld [tilespmem:s6+$0xFFFFFFC0]  }
0x144: {  	v7 =	vld [tilespmem:s6+$0xFFFFFFD0];
	v2 =	vmul.f32 v2, v0  }
0x145: {  	v8 =	vld [tilespmem:s6+$0xFFFFFFE0];
	v3 =	vmul.f32 v3, v0  }
0x146: {  	v9 =	vld [tilespmem:s6+$0x0];
	[tilespmem:s6+$0xFFFFFF80] =	vst v2;
	v2 =	vmul.f32 v4, v0  }
0x147: {  	s20 =	simm.s32 $0x1;
	v10 =	vld [tilespmem:s6+$0x10];
	[tilespmem:s6+$0xFFFFFF90] =	vst v3;
	v3 =	vmul.f32 v5, v0  }
0x148: {  	v11 =	vld [tilespmem:s6+$0x20];
	v4 =	vmul.f32 v6, v0;
	[tilespmem:s6+$0xFFFFFFA0] =	vst v2;
	v2 =	vmov s20  }
0x149: {  	v5 =	vmul.f32 v7, v0;
	[tilespmem:s6+$0xFFFFFFB0] =	vst v3;
	v3 =	vld [tilespmem:s6+$0x30];
	v2 =	vperm.xlane v1, v2  }
0x14a: {  	v7 =	vmul.f32 v8, v0;
	[tilespmem:s6+$0xFFFFFFC0] =	vst v4;
	v4 =	vld [tilespmem:s6+$0x40]  }
0x14b: {  	v6 =	vld [tilespmem:s6+$0x50];
	[tilespmem:s6+$0xFFFFFFD0] =	vst v5;
	v8 =	vmul.f32 v9, v2  }
0x14c: {  	[tilespmem:s6+$0xFFFFFFE0] =	vst v7;
	v5 =	vld [tilespmem:s6+$0x60];
	v9 =	vmul.f32 v10, v2  }
0x14d: {  	s9 =	simm.s32 $0x2;
	s10 =	smov.u32 s6;
	s8 =	smov.u32 s6;
	v7 =	vld [tilespmem:s6+$0x70];
	[tilespmem:s6+$0x0] =	vst v8;
	v8 =	vmul.f32 v11, v2  }
.LBB2_26:
0x14e: {  	p1 =	sne.s32 s9, $0x6;
	v10 =	vld [tilespmem:s8+$0xFFFFFFF0];
	[tilespmem:s8+$0x10] =	vst v9;
	v3 =	vmul.f32 v3, v2;
	s10 =	sadd.s32 $0x100, s10  }
0x14f: {  	v9 =	vld [tilespmem:s10+$0xFFFFFF80];
	[tilespmem:s8+$0x20] =	vst v8;
	v4 =	vmul.f32 v4, v2  }
0x150: {  	v8 =	vld [tilespmem:s10+$0xFFFFFF90];
	[tilespmem:s8+$0x30] =	vst v3;
	v3 =	vmul.f32 v6, v2  }
0x151: {  	v6 =	vmov s9;
	v11 =	vld [tilespmem:s10+$0xFFFFFFA0];
	[tilespmem:s8+$0x40] =	vst v4;
	v4 =	vmul.f32 v5, v2  }
0x152: {  	v5 =	vperm.xlane v1, v6;
	v6 =	vld [tilespmem:s10+$0xFFFFFFB0];
	[tilespmem:s8+$0x50] =	vst v3;
	v2 =	vmul.f32 v7, v2  }
0x153: {  	v3 =	vld [tilespmem:s10+$0xFFFFFFC0];
	v7 =	vmul.f32 v10, v0;
	[tilespmem:s8+$0x60] =	vst v4  }
0x154: {  	v0 =	vmov v5;
	v4 =	vmul.f32 v9, v5;
	v9 =	vld [tilespmem:s10+$0xFFFFFFD0];
	[tilespmem:s8+$0x70] =	vst v2  }
0x155: {  	v2 =	vmul.f32 v8, v0;
	v5 =	vld [tilespmem:s10+$0xFFFFFFE0];
	[tilespmem:s8+$0xFFFFFFF0] =	vst v7;
	s8 =	smov.u32 s10  }
0x156: {  	[tilespmem:s10+$0xFFFFFF80] =	vst v4;
	v4 =	vmul.f32 v11, v0;
	v7 =	vld [tilespmem:s10+$0x0]  }
0x157: {  	s11 =	sadd.s32 $0x1, s9;
	[tilespmem:s10+$0xFFFFFF90] =	vst v2;
	v2 =	vmul.f32 v6, v0;
	v8 =	vld [tilespmem:s10+$0x10]  }
0x158: {  	[tilespmem:s10+$0xFFFFFFA0] =	vst v4;
	v4 =	vmul.f32 v3, v0;
	v3 =	vmov s11;
	v10 =	vld [tilespmem:s10+$0x20]  }
.Ltmp12:
0x159: {  	[tilespmem:s10+$0xFFFFFFB0] =	vst v2;
	v6 =	vmul.f32 v9, v0;
	v2 =	vperm.xlane v1, v3;
	v3 =	vld [tilespmem:s10+$0x30];
	(pc) =	sbr.rel @p1 .LBB2_26-.Ltmp12, $4  }
0x15a: {  	[tilespmem:s10+$0xFFFFFFC0] =	vst v4;
	v5 =	vmul.f32 v5, v0;
	v4 =	vld [tilespmem:s10+$0x40]  }
0x15b: {  	[tilespmem:s10+$0xFFFFFFD0] =	vst v6;
	v7 =	vmul.f32 v7, v2;
	v6 =	vld [tilespmem:s10+$0x50]  }
0x15c: {  	[tilespmem:s10+$0xFFFFFFE0] =	vst v5;
	v9 =	vmul.f32 v8, v2;
	v5 =	vld [tilespmem:s10+$0x60]  }
0x15d: {  	s9 =	sadd.s32 $0x2, s9;
	[tilespmem:s10+$0x0] =	vst v7;
	v8 =	vmul.f32 v10, v2;
	v7 =	vld [tilespmem:s10+$0x70]  }
0x15e: {  	v1 =	vld [tilespmem:s8+$0xFFFFFFF0];
	[tilespmem:s8+$0x10] =	vst v9;
	v3 =	vmul.f32 v3, v2  }
0x15f: {  	s7 =	sadd.s32 $0x1, s7;
	[tilespmem:s8+$0x20] =	vst v8;
	v4 =	vmul.f32 v4, v2  }
0x160: {  	p1 =	sne.s32 s7, $0x5;
	[tilespmem:s8+$0x30] =	vst v3;
	v61 =	vmul.f32 v6, v2  }
.Ltmp13:
0x161: {  	[tilespmem:s8+$0x40] =	vst v4;
	v62 =	vmul.f32 v5, v2;
	(pc) =	sbr.rel @p1 .LBB2_25-.Ltmp13, $4  }
0x162: {  	[tilespmem:s8+$0x50] =	vst v61;
	v63 =	vmul.f32 v7, v2  }
0x163: {  	v0 =	vmul.f32 v1, v0;
	[tilespmem:s8+$0x60] =	vst v62  }
0x164: {  	[tilespmem:s8+$0x70] =	vst v63  }
0x165: {  	s6 =	sadd.s32 $0x400, s6;
	[tilespmem:s8+$0xFFFFFFF0] =	vst v0  }
0x166: {  	s5 =	simm.s32 $0x15F68  }
0x167: {  	[spmem:s3] =	stream.indirect.scatter.add.f32 [tilespmem:s25], [sflag:$0x6], $0x80, s5, s22, $0xb8;
	[tilespmem:$0x1FF00] =	vst v63  }
0x168: {  	_ =	swait.ge [sflag:s2], $0x1400  }
0x169: {  	[sflag:s2] =	ssyncset.done $0x0  }
0x16a: {  	[sflag:s2] =	ssyncadd.s32 $0xFFFFEC00  }
0x16b: {  	_ =	swait.ge [sflag:s18], $0x1400  }
0x16c: {  	[sflag:s18] =	ssyncset.done $0x0  }
0x16d: {  	[sflag:s18] =	ssyncadd.s32 $0xFFFFEC00  }
0x16e: {  	[bflag:$0x0] =	sbarrier.arrive $0xFFFF  }
0x16f: {  	s5 =	simm.s32 @p0 $0x1FC9;
	s6 =	rddreg [dreg:$0xb]  }
0x170: {  	[hbm:s6], [sflag:s5] =	dma.local @p0 [spmem:s13], $0x2800  }
0x171: {  	s5 =	simm.s32 @p0 $0x9  }
0x172: {  	_ =	swait.ge @p0 [sflag:s5], $0x2800  }
0x173: {  	[sflag:s5] =	ssyncset.done @p0 $0x0  }
0x174: {  	[sflag:s5] =	ssyncadd.s32 @p0 $0xFFFFD800;
	s5 =	rddreg [dreg:$0xa]  }
0x175: {  	[hbm:s5], [sflag:s14] =	dma.local @!p0 [spmem:s15], $0x2700  }
0x176: {  	s5 =	simm.s32 @!p0 $0x9  }
0x177: {  	_ =	swait.ge @!p0 [sflag:s5], $0x2700  }
0x178: {  	s4 =	sadd.s32 $0x1, s4;
	s20 =	rddreg [dreg:$0xc]  }
0x179: {  	p1 =	sne.s32 s4, s20  }
.Ltmp14:
0x17a: {  	_ = 	snop;
	(pc) =	sbr.rel @p1 .LBB2_1-.Ltmp14, $3  }
0x17b: {  	_ =	sdelay $0x1  }
0x17c: {  	[sflag:s5] =	ssyncset.done @!p0 $0x0  }
0x17d: {  	[sflag:s5] =	ssyncadd.s32 @!p0 $0xFFFFD900  }
0x17e: {  	_ =	sfence.sel $0x180000  }
0x17f: {  	[bflag:$0x0] =	sbarrier.arrive $0xFFFF  }
0x180: {  	_ =	strace $0x90000047  }
0x181: {  	s0 =	stileid.u32;
	[bflag:$0x2] =	sbarrier.arrive $0xFFFF  }
0x182: {  	p0 =	sne.s32 s0, $0x0;
	s0 =	rddreg [dreg:$0x4]  }
0x183: {  	s0 =	sadd.s32 @!p0 $0x100000, s0  }
0x184: {  	[sflag:s0] =	ssyncadd.tile.s32 @!p0 $0x1;
	_ =	shalt  }
.Lfunc_end2:
_tile_overlayer_lowered:
.L_overlay_start_2:
0x185: {  	(tag) =	ssettag $0x2  }
0x186: {  	s0 =	rddreg [dreg:$0x0];
	s2 =	stileid.u32  }
0x187: {  	s1 =	rddreg [dreg:$0x1];
	p0 =	sne.s32 s2, $0x0  }
0x188: {  	s3 =	rddreg [dreg:$0x2];
	[bflag:$0x3] =	sbarrier.arrive $0xFFFF;
	s2 =	simm.s32 @!p0 $0x1C09  }
0x189: {  	[timem:s3], [sflag:s2] =	dma.local @!p0 [hbm:s0], s1  }
0x18a: {  	s0 =	simm.s32 @!p0 $0x9  }
0x18b: {  	_ =	swait.ge @!p0 [sflag:s0], s1  }
0x18c: {  	s1 =	ssub.s32 @!p0 $0x0, s1;
	[sflag:s0] =	ssyncset.done @!p0 $0x0  }
0x18d: {  	[sflag:s0] =	ssyncadd.s32 @!p0 s1  }
0x18e: {  	[bflag:$0x3] =	sbarrier.arrive $0xFFFF  }
0x18f: {  	_ =	shalt  }

// kernel: kernel.9.cloned.1.call-start
scs
__scs_entry_jumppad:
0x0: {  	(pc) =	sbr.rel $0x88, $3  }
0x1: {  	(tag) =	ssettag $0x0;
	lr =	simm.s32 $0x1  }
0x2: {  	[smem:$0x3F98] =	sst lr;
	_ =	strace $0xD0000000  }
0x3: {  	_ = 	snop  }
0x4: {  	_ = 	snop  }
0x5: {  	_ = 	snop  }
0x6: {  	_ = 	snop  }
0x7: {  	_ = 	snop  }
__scs_overlays_trampoline_lowered:
0x8: {  	[smem:$0x3FA7] =	sst s0  }
0x9: {  	[smem:$0x3FA8] =	sst s1  }
0xa: {  	[smem:$0x3FA9] =	sst s2  }
0xb: {  	[smem:$0x3FAA] =	sst s3  }
0xc: {  	[smem:$0x3FAB] =	sst s4  }
0xd: {  	[smem:$0x3FAC] =	sst s5  }
0xe: {  	[smem:$0x3FAD] =	sst s6  }
0xf: {  	[smem:$0x3FAE] =	sst s7  }
0x10: {  	[smem:$0x3FAF] =	sst s8  }
0x11: {  	[smem:$0x3FB0] =	sst s9;
	s0 =	simm.s32 @!p0 $0x0  }
0x12: {  	s1 =	sld [smem:$0x3F96];
	s0 =	simm.s32 @p0 $0x1  }
0x13: {  	[smem:$0x3FB1] =	sst s0;
	s0 =	simm.s32 @!p1 $0x0  }
0x14: {  	s2 =	sld [smem:$0x3F95];
	s0 =	simm.s32 @p1 $0x1  }
0x15: {  	[smem:$0x3FB2] =	sst s0;
	s0 =	simm.s32 @!p2 $0x0  }
0x16: {  	s3 =	sld [smem:$0x3FDB];
	s0 =	simm.s32 @p2 $0x1  }
0x17: {  	s4 =	simm.s32 $0x1BF5;
	[smem:$0x3FB4] =	sst s0  }
0x18: {  	s0 =	sld [smem:$0x3F97];
	_ =	swait.ge [sflag:s4], $0x0  }
0x19: {  	s7 =	sld [smem:$0x3F98]  }
0x1a: {  	s8 =	sadd.s32 $0xFFFFE003, lr  }
0x1b: {  	s9 =	sadd.s32 $0xFFFFFEF7, lr;
	s5 =	simm.s32 $0xFFFFFFFF;
	p2 =	slt.u32 s8, $0xFFFFF086  }
0x1c: {  	p1 =	slt.u32 s9, $0xF7A;
	s5 =	simm.s32 @!p2 $0x0  }
0x1d: {  	s5 =	simm.s32 @p1 $0x1;
	p0 =	seq.s32 s7, s2  }
0x1e: {  	s7 =	smul.u32 @!p0 $0xF7A, s2;
	p2 =	seq.s32 @!p0 s5, $0x0  }
0x1f: {  	s9 =	smul.u32 $0xF7A, s1;
	s8 =	simm.s32 @!p0 $0x1BF5;
	p2 =	por !p2, p0  }
0x20: {  	[sflag:s8] =	ssyncset.s32 @!p0 $0xFFFFF086;
	s6 =	sadd.s32 @!p0 s3, s7;
	s7 =	simm.s32 @!p0 $0x108  }
0x21: {  	s3 =	sadd.s32 s3, s9;
	s6 =	sadd.s32 @!p0 $0x88, s6;
	s7 =	simm.s32 @p2 $0x1082  }
0x22: {  	[simem:s7], [sflag:s8] =	dma.local @!p0 [hbm:s6], $0xF7A  }
0x23: {  	s9 =	sor.u32 $0xD0000000, s2;
	s6 =	simm.s32 $0x108;
	_ =	swait.ge @!p0 [sflag:s8], $0x0  }
0x24: {  	s3 =	sadd.s32 $0x88, s3;
	s6 =	simm.s32 @!p1 $0x1082;
	[sflag:s4] =	ssyncset.s32 $0xFFFFF086  }
0x25: {  	[simem:s6], [sflag:s4] =	dma.local [hbm:s3], $0xF7A  }
0x26: {  	[smem:$0x3F98] =	sst s1;
	(tag) =	ssettag s2;
	_ =	strace s9  }
0x27: {  	s1 =	sld [smem:$0x3FA8]  }
0x28: {  	s2 =	sld [smem:$0x3FA9]  }
0x29: {  	s4 =	sld [smem:$0x3FAB]  }
0x2a: {  	p0 =	seq.s32 s5, $0x0;
	s5 =	sld [smem:$0x3FAC]  }
0x2b: {  	s6 =	sld [smem:$0x3FAD]  }
0x2c: {  	s7 =	sld [smem:$0x3FAE]  }
0x2d: {  	s3 =	simm.s32 $0x108;
	s8 =	sld [smem:$0x3FAF]  }
0x2e: {  	s3 =	simm.s32 @!p0 $0x1082;
	s9 =	sld [smem:$0x3FB0]  }
0x2f: {  	lr =	sadd.s32 s0, s3;
	s0 =	sld [smem:$0x3FA7]  }
0x30: {  	s3 =	sld [smem:$0x3FAA]  }
0x31: {  	[smem:$0x3FB3] =	sst s10  }
0x32: {  	s10 =	sld [smem:$0x3FB1];
	_ =	sdelay $0x3  }
0x33: {  	p0 =	seq.s32 s10, $0x1;
	s10 =	sld [smem:$0x3FB3];
	_ =	sdelay $0x3  }
0x34: {  	[smem:$0x3FB3] =	sst s10  }
0x35: {  	s10 =	sld [smem:$0x3FB2];
	_ =	sdelay $0x3  }
0x36: {  	p1 =	seq.s32 s10, $0x1;
	s10 =	sld [smem:$0x3FB3];
	_ =	sdelay $0x3  }
0x37: {  	[smem:$0x3FB3] =	sst s10  }
0x38: {  	s10 =	sld [smem:$0x3FB4]  }
0x39: {  	_ = 	snop;
	(pc) =	sbr.ind lr, $3  }
0x3a: {  	_ = 	snop  }
0x3b: {  	_ = 	snop  }
0x3c: {  	p2 =	seq.s32 s10, $0x1;
	s10 =	sld [smem:$0x3FB3]  }
0x3d: {  	_ =	shalt  }
0x3e: {  	_ =	shalt  }
0x3f: {  	_ =	shalt  }
0x40: {  	_ =	shalt  }
0x41: {  	_ =	shalt  }
0x42: {  	_ =	shalt  }
0x43: {  	_ =	shalt  }
0x44: {  	_ =	shalt  }
0x45: {  	_ =	shalt  }
0x46: {  	_ =	shalt  }
0x47: {  	_ =	shalt  }
0x48: {  	_ =	shalt  }
0x49: {  	_ =	shalt  }
0x4a: {  	_ =	shalt  }
0x4b: {  	_ =	shalt  }
0x4c: {  	_ =	shalt  }
0x4d: {  	_ =	shalt  }
0x4e: {  	_ =	shalt  }
0x4f: {  	_ =	shalt  }
0x50: {  	_ =	shalt  }
0x51: {  	_ =	shalt  }
0x52: {  	_ =	shalt  }
0x53: {  	_ =	shalt  }
0x54: {  	_ =	shalt  }
0x55: {  	_ =	shalt  }
0x56: {  	_ =	shalt  }
0x57: {  	_ =	shalt  }
0x58: {  	_ =	shalt  }
0x59: {  	_ =	shalt  }
0x5a: {  	_ =	shalt  }
0x5b: {  	_ =	shalt  }
0x5c: {  	_ =	shalt  }
0x5d: {  	_ =	shalt  }
0x5e: {  	_ =	shalt  }
0x5f: {  	_ =	shalt  }
0x60: {  	_ =	shalt  }
0x61: {  	_ =	shalt  }
0x62: {  	_ =	shalt  }
0x63: {  	_ =	shalt  }
0x64: {  	_ =	shalt  }
0x65: {  	_ =	shalt  }
0x66: {  	_ =	shalt  }
0x67: {  	_ =	shalt  }
0x68: {  	_ =	shalt  }
0x69: {  	_ =	shalt  }
0x6a: {  	_ =	shalt  }
0x6b: {  	_ =	shalt  }
0x6c: {  	_ =	shalt  }
0x6d: {  	_ =	shalt  }
0x6e: {  	_ =	shalt  }
0x6f: {  	_ =	shalt  }
0x70: {  	_ =	shalt  }
0x71: {  	_ =	shalt  }
0x72: {  	_ =	shalt  }
0x73: {  	_ =	shalt  }
0x74: {  	_ =	shalt  }
0x75: {  	_ =	shalt  }
0x76: {  	_ =	shalt  }
0x77: {  	_ =	shalt  }
0x78: {  	_ =	shalt  }
0x79: {  	_ =	shalt  }
0x7a: {  	_ =	shalt  }
0x7b: {  	_ =	shalt  }
0x7c: {  	_ =	shalt  }
0x7d: {  	_ =	shalt  }
0x7e: {  	_ =	shalt  }
0x7f: {  	_ =	shalt  }
0x80: {  	_ =	shalt  }
0x81: {  	_ =	shalt  }
0x82: {  	_ =	shalt  }
0x83: {  	_ =	shalt  }
0x84: {  	_ =	shalt  }
0x85: {  	_ =	shalt  }
0x86: {  	_ =	shalt  }
0x87: {  	_ =	shalt  }
.Lfunc_end0:
.L_simem_size_0:
called_computation.1_lowered:
.L_overlay_start_0:
0x88: {  	s2 =	sld [smem:$0x3FD9]  }
0x89: {  	s3 =	sld [smem:$0x3FFE];
	_ =	sdelay $0x1  }
0x8a: {  	s1 =	srdreg.scid  }
0x8b: {  	s0 =	sand.u32 $0x1, s1  }
0x8c: {  	s17 =	sshll.u32 s0, $0xA;
	s2 =	sadd.s32 s3, s2  }
0x8d: {  	s2 =	sadd.s32 s2, s17  }
0x8e: {  	[smem:$0x3FBF] =	sst s2  }
0x8f: {  	_ = 	snop  }
0x90: {  	s2 =	sld [smem:$0x3FD0];
	(tm) =	ssettm $0x1  }
0x91: {  	s18 =	sld [smem:$0x3FFB];
	_ =	sdelay $0x3  }
0x92: {  	_ =	strace s18  }
0x93: {  	s3 =	sld [smem:$0x3FFC];
	_ =	sdelay $0x3  }
0x94: {  	_ =	strace s3  }
0x95: {  	s3 =	sld [smem:$0x3FFD];
	_ =	sdelay $0x3  }
0x96: {  	_ =	strace s3  }
0x97: {  	_ =	strace $0x8FFFFFFF  }
0x98: {  	s19 =	sld [smem:$0x3FDB];
	_ =	sdelay $0x1  }
0x99: {  	s4 =	simm.s32 $_scs_section_size  }
0x9a: {  	s5 =	simm.s32 $_size__tile_overlayer_lowered;
	s6 =	simm.s32 $_tile_overlayer_lowered  }
0x9b: {  	s22 =	simm.s32 $0x1BFF;
	s21 =	sshll.u32 s6, $0x1;
	s3 =	sadd.s32 s4, s19  }
0x9c: {  	s7 =	simm.s32 $0x0;
	s20 =	sshll.u32 s5, $0x1;
	s5 =	sadd.s32 s21, s3  }
0x9d: {  	[timem:s7], [sflag:s22] =	dma.local [hbm:s5], s20  }
0x9e: {  	_ =	swait.ge [sflag:s22], s20  }
0x9f: {  	s4 =	ssub.s32 $0x0, s20;
	[sflag:s22] =	ssyncset.done $0x0  }
0xa0: {  	[sflag:s22] =	ssyncadd.s32 s4;
	_ =	sdelay $0x1  }
0xa1: {  	s23 =	simm.s32 $0x1B8B  }
0xa2: {  	_ =	swait.ge [sflag:s23], $0x1  }
0xa3: {  	[sflag:s23] =	ssyncset.done $0x0  }
0xa4: {  	s25 =	simm.s32 $0x1B8E;
	s24 =	sld [smem:$0x3FFE];
	[sflag:s23] =	ssyncadd.s32 $0xFFFFFFFF  }
0xa5: {  	s26 =	simm.s32 $execute0_lowered;
	[smem:$0x3FD2] =	sst s25  }
0xa6: {  	s5 =	sshll.u32 s26, $0x1;
	_ =	strace $0x80000049;
	[dreg:$0x1] =	wrdreg $0xFFFFFFFF  }
0xa7: {  	s28 =	simm.s32 $_size_execute0_lowered;
	s3 =	sadd.s32 s3, s5;
	[dreg:$0x0] =	wrdreg $0x0  }
0xa8: {  	s5 =	sshll.u32 s28, $0x1;
	[dreg:$0x2] =	wrdreg s3  }
0xa9: {  	[dreg:$0x3] =	wrdreg s5  }
0xaa: {  	[dreg:$0x4] =	wrdreg $0xC0  }
0xab: {  	_ =	task [dreg:s7], $0x5FFFF  }
0xac: {  	[dreg:$0x1] =	wrdreg $0xFFFFFFFF  }
0xad: {  	[dreg:$0x0] =	wrdreg $0x60  }
0xae: {  	[dreg:$0x2] =	wrdreg s24  }
0xaf: {  	[dreg:$0x3] =	wrdreg s2  }
0xb0: {  	[dreg:$0x4] =	wrdreg $0x0  }
0xb1: {  	[dreg:$0x5] =	wrdreg $0x9  }
0xb2: {  	_ =	task.clear_ibuf [dreg:s7], $0x6FFFF;
	_ =	strace $0x90000049  }
0xb3: {  	s29 =	simm.s32 $0x9;
	_ =	strace $0x8000004B  }
0xb4: {  	_ =	swait.ge [sflag:s29], $0x1  }
0xb5: {  	[sflag:s29] =	ssyncadd.s32 $0xFFFFFFFF  }
0xb6: {  	_ =	strace $0x9000004B  }
0xb7: {  	_ =	sfence  }
0xb8: {  	s30 =	sld [smem:$0x0];
	_ =	sdelay $0x2  }
0xb9: {  	s31 =	sshll.u32 s1, $0xD;
	s1 =	sshrl.u32 s1, $0x2  }
0xba: {  	s3 =	sand.u32 $0x4000, s31;
	s1 =	sadd.s32 s1, s30  }
0xbb: {  	s0 =	sor.u32 s3, s0;
	s1 =	sshll.u32 s1, $0x11  }
0xbc: {  	s0 =	sor.u32 s1, s0  }
0xbd: {  	s0 =	sadd.s32 $0x8F2B, s0  }
0xbe: {  	[sflag:s0] =	ssyncadd.remote.s32 $0x1  }
0xbf: {  	_ =	sfence.sel $0xFFFF  }
0xc0: {  	[dreg:$0x0] =	wrdreg $0xFFFFFFFF;
	(pc) =	sbr.abs _section_cstart, $3  }
0xc1: {  	[dreg:$0x1] =	wrdreg $0xFFFFFFFF  }
0xc2: {  	_ =	task.clear_ibuf [dreg:s7], $0x2FFFF;
	_ =	strace $0x9FFFFFFF  }
0xc3: {  	(tm) =	ssettm $0x7FFFFFFF  }
tec
execute0_lowered:
.L_overlay_start_1:
0x0: {  	(tag) =	ssettag $0x1  }
0x1: {  	s0 =	srdreg.scid;
	s1 =	rddreg [dreg:$0x0]  }
0x2: {  	s5 =	rddreg [dreg:$0x1];
	s13 =	stileid.u32  }
0x3: {  	s2 =	rddreg [dreg:$0x2];
	s19 =	simm.s32 $0x9;
	s28 =	simm.s32 $0x1D700  }
0x4: {  	s29 =	simm.s32 $0x1;
	s30 =	simm.s32 $0x1EB00;
	s31 =	simm.s32 $0x2  }
0x5: {  	s18 =	simm.s32 $0x6;
	s0 =	sand.u32 $0x1, s0;
	s7 =	smul.u32 $0x2700, s13  }
0x6: {  	s6 =	sshll.u32 s13, $0x7;
	s8 =	smul.u32 $0x4E000, s13;
	s11 =	sadd.s32 $0x63400, s1  }
0x7: {  	s21 =	smul.u32 $0x13800, s13;
	p0 =	seq.s32 s13, $0xF;
	s3 =	sshll.u32 s0, $0x4  }
0x8: {  	s6 =	sand.u32 $0x380, s6;
	s10 =	ssub.s32 $0x2, s0;
	s0 =	smul.u32 $0x138800, s0  }
0x9: {  	s3 =	sor.u32 s13, s3;
	s7 =	sadd.s32 s7, s1;
	s12 =	sshrl.u32 s10, $0x1  }
0xa: {  	s8 =	sshrl.u32 s8, $0x2;
	s4 =	sshrl.u32 s3, $0x3;
	s3 =	simm.s32 $0x0  }
0xb: {  	s10 =	ssub.s32 s10, s12;
	s8 =	sadd.s32 s8, s2;
	s7 =	sadd.s32 $0x15000, s7  }
0xc: {  	s25 =	sadd.s32 s21, s0;
	s0 =	sshrl.u32 s0, $0x3;
	s21 =	simm.s32 $0x4  }
0xd: {  	s4 =	smul.u32 $0x13C00, s4;
	[smem:$0x7FF] =	sst s3;
	s0 =	sadd.s32 s11, s0  }
0xe: {  	s26 =	smax.u32 s10, $0x1;
	s15 =	sshrl.u32 @!p0 s8, $0x3;
	_ =	strace $0x8000004A  }
0xf: {  	[dreg:$0x4] =	wrdreg s7;
	s7 =	sadd.s32 $0x124800, s2;
	s0 =	sadd.s32 $0x24900, s0  }
0x10: {  	[dreg:$0xb] =	wrdreg s26;
	s26 =	simm.s32 $0x8;
	s6 =	sor.u32 s6, s4  }
0x11: {  	s4 =	sadd.s32 $0x3C200, s1;
	[dreg:$0xa] =	wrdreg s0;
	s6 =	sshrl.u32 s6, $0x3  }
0x12: {  	s0 =	sshll.u32 @!p0 s13, $0x6;
	s9 =	sadd.s32 s6, s1;
	s1 =	sadd.s32 $0x39900, s1  }
0x13: {  	s13 =	sshrl.u32 @p0 s7, $0x3;
	s22 =	sadd.s32 s5, s6;
	[dreg:$0x5] =	wrdreg s1  }
0x14: {  	s14 =	sor.u32 @!p0 $0x1C09, s0;
	s0 =	simm.s32 $0x3;
	[dreg:$0x6] =	wrdreg s22  }
0x15: {  	s23 =	sadd.s32 $0xB200, s9;
	s24 =	sadd.s32 $0x1400, s9;
	s1 =	sshrl.u32 s25, $0x3  }
0x16: {  	s22 =	simm.s32 $0x28;
	s25 =	simm.s32 $0x1C300;
	[dreg:$0x7] =	wrdreg s23  }
0x17: {  	[dreg:$0x8] =	wrdreg s24;
	s1 =	sadd.s32 s11, s1;
	s23 =	simm.s32 $0x1AF00  }
0x18: {  	s24 =	simm.s32 $0x7;
	[dreg:$0x9] =	wrdreg s1;
	s1 =	simm.s32 $0x5  }
.LBB2_1:
0x19: {  	s5 =	simm.s32 @p0 $0x1FC9;
	s6 =	rddreg [dreg:$0x5]  }
0x1a: {  	[spmem:s13], [sflag:s5] =	dma.local @p0 [hbm:s6], $0x2800  }
0x1b: {  	s5 =	simm.s32 @p0 $0x9  }
0x1c: {  	_ =	swait.ge @p0 [sflag:s5], $0x2800  }
0x1d: {  	[sflag:s5] =	ssyncset.done @p0 $0x0  }
0x1e: {  	[sflag:s5] =	ssyncadd.s32 @p0 $0xFFFFD800;
	s5 =	rddreg [dreg:$0x4]  }
0x1f: {  	[spmem:s15], [sflag:s14] =	dma.local @!p0 [hbm:s5], $0x2700  }
0x20: {  	s5 =	simm.s32 @!p0 $0x9  }
0x21: {  	_ =	swait.ge @!p0 [sflag:s5], $0x2700  }
0x22: {  	s10 =	simm.s32 $0x80;
	s7 =	simm.s32 $0x400;
	[sflag:s5] =	ssyncset.done @!p0 $0x0  }
0x23: {  	s8 =	simm.s32 $0x13880;
	s9 =	rddreg [dreg:$0x6];
	[sflag:s5] =	ssyncadd.s32 @!p0 $0xFFFFD900  }
0x24: {  	[tilespmem:s8], [sflag:$0x9] =	stream.strided.gather [hbm4b:s9+s10], $0x2780, s7, s10, $0x38;
	[tilespmem:$0x1FF00] =	vst v63  }
0x25: {  	_ =	swait.ge [sflag:s19], $0x2780  }
0x26: {  	[sflag:s19] =	ssyncset.done $0x0  }
0x27: {  	s12 =	simm.s32 $0x16000;
	s11 =	rddreg [dreg:$0x7];
	[sflag:s19] =	ssyncadd.s32 $0xFFFFD880  }
0x28: {  	[tilespmem:s12], [sflag:$0x9] =	stream.strided.gather [hbm4b:s11+s10], $0x2780, s7, s10, $0x38;
	[tilespmem:$0x1FF00] =	vst v63  }
0x29: {  	_ =	swait.ge [sflag:s19], $0x2780  }
0x2a: {  	[sflag:s19] =	ssyncset.done $0x0  }
0x2b: {  	s9 =	simm.s32 $0x18780;
	s16 =	rddreg [dreg:$0x8];
	[sflag:s19] =	ssyncadd.s32 $0xFFFFD880  }
0x2c: {  	[tilespmem:s9], [sflag:$0x9] =	stream.strided.gather [hbm4b:s16+s10], $0x2780, s7, s10, $0x38;
	[tilespmem:$0x1FF00] =	vst v63  }
0x2d: {  	_ =	swait.ge [sflag:s19], $0x2780  }
0x2e: {  	[sflag:s19] =	ssyncset.done $0x0  }
0x2f: {  	[sflag:s19] =	ssyncadd.s32 $0xFFFFD880  }
0x30: {  	[bflag:$0x0] =	sbarrier.arrive $0xFFFF  }
0x31: {  	[tilespmem:s23], [sflag:$0x1] =	stream.indirect.gather [hbm4b:s4+s22], $0x80, s12, s22, $0xb8;
	[tilespmem:$0x1FF00] =	vst v63  }
0x32: {  	s17 =	simm.s32 $0x16028  }
0x33: {  	[tilespmem:s25], [sflag:$0x2] =	stream.indirect.gather [hbm4b:s4+s22], $0x80, s17, s22, $0xb8;
	[tilespmem:$0x1FF00] =	vst v63  }
0x34: {  	s20 =	simm.s32 $0x16050;
	s5 =	simm.s32 $0x0  }
0x35: {  	[tilespmem:s28], [sflag:$0x3] =	stream.indirect.gather [hbm4b:s4+s22], $0x80, s20, s22, $0xb8;
	[tilespmem:$0x1FF00] =	vst v63  }
.LBB2_2:
0x36: {  	s7 =	smul.u32 $0xA0, s5  }
0x37: {  	_ =	swait.ge [sflag:s29], $0x1400  }
0x38: {  	s6 =	simm.s32 $0x0;
	[sflag:s29] =	ssyncset.done $0x0;
	s9 =	sadd.s32 $0x18780, s7  }
0x39: {  	s8 =	simm.s32 $0x1AF80;
	[sflag:s29] =	ssyncadd.s32 $0xFFFFEC00;
	v0 =	vmov s9;
	s9 =	simm.s32 $0x0  }
.LBB2_3:
0x3a: {  	_ =	sdelay $0x2  }
0x3b: {  	s10 =	sshll.u32 s9, $0x3  }
0x3c: {  	v2 =	vld.idx.msk [tilespmem:v0+s10+$0x0 ss:$0x1], $0xffff;
	_ =	sdelay $0x1  }
0x3d: {  	v3 =	vld [tilespmem:s8+$0xFFFFFF80]  }
0x3e: {  	v4 =	vld [tilespmem:s8+$0xFFFFFF90]  }
0x3f: {  	v1 =	vmov s6;
	v5 =	vld [tilespmem:s8+$0xFFFFFFA0]  }
0x40: {  	v6 =	vld [tilespmem:s8+$0xFFFFFFB0];
	v1 =	vperm.xlane v2, v1  }
0x41: {  	v7 =	vld [tilespmem:s8+$0xFFFFFFC0]  }
0x42: {  	v8 =	vld [tilespmem:s8+$0xFFFFFFD0];
	v3 =	vmul.f32 v3, v1  }
0x43: {  	v9 =	vld [tilespmem:s8+$0xFFFFFFE0];
	v4 =	vmul.f32 v4, v1  }
0x44: {  	v10 =	vld [tilespmem:s8+$0x0];
	[tilespmem:s8+$0xFFFFFF80] =	vst v3;
	v3 =	vmul.f32 v5, v1  }
0x45: {  	s20 =	simm.s32 $0x1;
	v11 =	vld [tilespmem:s8+$0x10];
	[tilespmem:s8+$0xFFFFFF90] =	vst v4;
	v4 =	vmul.f32 v6, v1  }
0x46: {  	v12 =	vld [tilespmem:s8+$0x20];
	v5 =	vmul.f32 v7, v1;
	[tilespmem:s8+$0xFFFFFFA0] =	vst v3;
	v3 =	vmov s20  }
0x47: {  	v6 =	vmul.f32 v8, v1;
	[tilespmem:s8+$0xFFFFFFB0] =	vst v4;
	v4 =	vld [tilespmem:s8+$0x30];
	v3 =	vperm.xlane v2, v3  }
0x48: {  	v8 =	vmul.f32 v9, v1;
	[tilespmem:s8+$0xFFFFFFC0] =	vst v5;
	v5 =	vld [tilespmem:s8+$0x40]  }
0x49: {  	v7 =	vld [tilespmem:s8+$0x50];
	[tilespmem:s8+$0xFFFFFFD0] =	vst v6;
	v9 =	vmul.f32 v10, v3  }
0x4a: {  	[tilespmem:s8+$0xFFFFFFE0] =	vst v8;
	v6 =	vld [tilespmem:s8+$0x60];
	v10 =	vmul.f32 v11, v3  }
0x4b: {  	s11 =	simm.s32 $0x2;
	s12 =	smov.u32 s8;
	s10 =	smov.u32 s8;
	v8 =	vld [tilespmem:s8+$0x70];
	[tilespmem:s8+$0x0] =	vst v9;
	v9 =	vmul.f32 v12, v3  }
.LBB2_4:
0x4c: {  	p1 =	sne.s32 s11, $0x6;
	v11 =	vld [tilespmem:s10+$0xFFFFFFF0];
	[tilespmem:s10+$0x10] =	vst v10;
	v4 =	vmul.f32 v4, v3;
	s12 =	sadd.s32 $0x100, s12  }
0x4d: {  	v10 =	vld [tilespmem:s12+$0xFFFFFF80];
	[tilespmem:s10+$0x20] =	vst v9;
	v5 =	vmul.f32 v5, v3  }
0x4e: {  	v9 =	vld [tilespmem:s12+$0xFFFFFF90];
	[tilespmem:s10+$0x30] =	vst v4;
	v4 =	vmul.f32 v7, v3  }
0x4f: {  	v7 =	vmov s11;
	v12 =	vld [tilespmem:s12+$0xFFFFFFA0];
	[tilespmem:s10+$0x40] =	vst v5;
	v5 =	vmul.f32 v6, v3  }
0x50: {  	v6 =	vperm.xlane v2, v7;
	v7 =	vld [tilespmem:s12+$0xFFFFFFB0];
	[tilespmem:s10+$0x50] =	vst v4;
	v3 =	vmul.f32 v8, v3  }
0x51: {  	v4 =	vld [tilespmem:s12+$0xFFFFFFC0];
	v8 =	vmul.f32 v11, v1;
	[tilespmem:s10+$0x60] =	vst v5  }
0x52: {  	v1 =	vmov v6;
	v5 =	vmul.f32 v10, v6;
	v10 =	vld [tilespmem:s12+$0xFFFFFFD0];
	[tilespmem:s10+$0x70] =	vst v3  }
0x53: {  	v3 =	vmul.f32 v9, v1;
	v6 =	vld [tilespmem:s12+$0xFFFFFFE0];
	[tilespmem:s10+$0xFFFFFFF0] =	vst v8;
	s10 =	smov.u32 s12  }
0x54: {  	[tilespmem:s12+$0xFFFFFF80] =	vst v5;
	v5 =	vmul.f32 v12, v1;
	v8 =	vld [tilespmem:s12+$0x0]  }
0x55: {  	s16 =	sadd.s32 $0x1, s11;
	[tilespmem:s12+$0xFFFFFF90] =	vst v3;
	v3 =	vmul.f32 v7, v1;
	v9 =	vld [tilespmem:s12+$0x10]  }
0x56: {  	[tilespmem:s12+$0xFFFFFFA0] =	vst v5;
	v5 =	vmul.f32 v4, v1;
	v4 =	vmov s16;
	v11 =	vld [tilespmem:s12+$0x20]  }
.Ltmp0:
0x57: {  	[tilespmem:s12+$0xFFFFFFB0] =	vst v3;
	v7 =	vmul.f32 v10, v1;
	v3 =	vperm.xlane v2, v4;
	v4 =	vld [tilespmem:s12+$0x30];
	(pc) =	sbr.rel @p1 .LBB2_4-.Ltmp0, $4  }
0x58: {  	[tilespmem:s12+$0xFFFFFFC0] =	vst v5;
	v6 =	vmul.f32 v6, v1;
	v5 =	vld [tilespmem:s12+$0x40]  }
0x59: {  	[tilespmem:s12+$0xFFFFFFD0] =	vst v7;
	v8 =	vmul.f32 v8, v3;
	v7 =	vld [tilespmem:s12+$0x50]  }
0x5a: {  	[tilespmem:s12+$0xFFFFFFE0] =	vst v6;
	v10 =	vmul.f32 v9, v3;
	v6 =	vld [tilespmem:s12+$0x60]  }
0x5b: {  	s11 =	sadd.s32 $0x2, s11;
	[tilespmem:s12+$0x0] =	vst v8;
	v9 =	vmul.f32 v11, v3;
	v8 =	vld [tilespmem:s12+$0x70]  }
0x5c: {  	v2 =	vld [tilespmem:s10+$0xFFFFFFF0];
	[tilespmem:s10+$0x10] =	vst v10;
	v4 =	vmul.f32 v4, v3  }
0x5d: {  	s9 =	sadd.s32 $0x1, s9;
	[tilespmem:s10+$0x20] =	vst v9;
	v5 =	vmul.f32 v5, v3  }
0x5e: {  	p1 =	sne.s32 s9, $0x5;
	[tilespmem:s10+$0x30] =	vst v4;
	v62 =	vmul.f32 v7, v3  }
.Ltmp1:
0x5f: {  	[tilespmem:s10+$0x40] =	vst v5;
	v63 =	vmul.f32 v6, v3;
	(pc) =	sbr.rel @p1 .LBB2_3-.Ltmp1, $4  }
0x60: {  	[tilespmem:s10+$0x50] =	vst v62;
	v3 =	vmul.f32 v8, v3  }
0x61: {  	v1 =	vmul.f32 v2, v1;
	[tilespmem:s10+$0x60] =	vst v63  }
0x62: {  	[tilespmem:s10+$0x70] =	vst v3  }
0x63: {  	s8 =	sadd.s32 $0x400, s8;
	[tilespmem:s10+$0xFFFFFFF0] =	vst v1  }
0x64: {  	s6 =	sadd.s32 $0x13880, s7;
	p1 =	seq.s32 s5, $0x0  }
0x65: {  	[spmem:s2] =	stream.indirect.scatter.add.f32 [tilespmem:s23], [sflag:$0x5], $0x80, s6, s22, $0xb8;
	[tilespmem:$0x1FF00] =	vst v63  }
0x66: {  	s6 =	simm.s32 @!p1 $0x8  }
0x67: {  	_ =	swait.ge @!p1 [sflag:s6], $0x1400  }
0x68: {  	[sflag:s6] =	ssyncset.done @!p1 $0x0  }
0x69: {  	s20 =	sadd.s32 $0x16078, s7;
	[sflag:s6] =	ssyncadd.s32 @!p1 $0xFFFFEC00  }
0x6a: {  	[tilespmem:s30], [sflag:$0x4] =	stream.indirect.gather [hbm4b:s4+s22], $0x80, s20, s22, $0xb8;
	[tilespmem:$0x1FF00] =	vst v63  }
0x6b: {  	s8 =	sadd.s32 $0x28, s7;
	s10 =	sadd.s32 $0x187A8, s7;
	_ =	swait.ge [sflag:s31], $0x1400  }
0x6c: {  	s9 =	simm.s32 $0x0;
	s16 =	simm.s32 $0x1C380;
	[sflag:s31] =	ssyncset.done $0x0  }
0x6d: {  	v0 =	vmov s10;
	s10 =	simm.s32 $0x0;
	s6 =	sadd.s32 $0x78, s7;
	[sflag:s31] =	ssyncadd.s32 $0xFFFFEC00  }
.LBB2_7:
0x6e: {  	_ =	sdelay $0x2  }
0x6f: {  	s11 =	sshll.u32 s10, $0x3  }
0x70: {  	v2 =	vld.idx.msk [tilespmem:v0+s11+$0x0 ss:$0x1], $0xffff;
	_ =	sdelay $0x1  }
0x71: {  	v3 =	vld [tilespmem:s16+$0xFFFFFF80]  }
0x72: {  	v4 =	vld [tilespmem:s16+$0xFFFFFF90]  }
0x73: {  	v1 =	vmov s9;
	v5 =	vld [tilespmem:s16+$0xFFFFFFA0]  }
0x74: {  	v6 =	vld [tilespmem:s16+$0xFFFFFFB0];
	v1 =	vperm.xlane v2, v1  }
0x75: {  	v7 =	vld [tilespmem:s16+$0xFFFFFFC0]  }
0x76: {  	v8 =	vld [tilespmem:s16+$0xFFFFFFD0];
	v3 =	vmul.f32 v3, v1  }
0x77: {  	v9 =	vld [tilespmem:s16+$0xFFFFFFE0];
	v4 =	vmul.f32 v4, v1  }
0x78: {  	v10 =	vld [tilespmem:s16+$0x0];
	[tilespmem:s16+$0xFFFFFF80] =	vst v3;
	v3 =	vmul.f32 v5, v1  }
0x79: {  	s20 =	simm.s32 $0x1;
	v11 =	vld [tilespmem:s16+$0x10];
	[tilespmem:s16+$0xFFFFFF90] =	vst v4;
	v4 =	vmul.f32 v6, v1  }
0x7a: {  	v12 =	vld [tilespmem:s16+$0x20];
	v5 =	vmul.f32 v7, v1;
	[tilespmem:s16+$0xFFFFFFA0] =	vst v3;
	v3 =	vmov s20  }
0x7b: {  	v6 =	vmul.f32 v8, v1;
	[tilespmem:s16+$0xFFFFFFB0] =	vst v4;
	v4 =	vld [tilespmem:s16+$0x30];
	v3 =	vperm.xlane v2, v3  }
0x7c: {  	v8 =	vmul.f32 v9, v1;
	[tilespmem:s16+$0xFFFFFFC0] =	vst v5;
	v5 =	vld [tilespmem:s16+$0x40]  }
0x7d: {  	v7 =	vld [tilespmem:s16+$0x50];
	[tilespmem:s16+$0xFFFFFFD0] =	vst v6;
	v9 =	vmul.f32 v10, v3  }
0x7e: {  	[tilespmem:s16+$0xFFFFFFE0] =	vst v8;
	v6 =	vld [tilespmem:s16+$0x60];
	v10 =	vmul.f32 v11, v3  }
0x7f: {  	s12 =	simm.s32 $0x2;
	s11 =	smov.u32 s16;
	v8 =	vld [tilespmem:s16+$0x70];
	s20 =	smov.u32 s16;
	[tilespmem:s16+$0x0] =	vst v9;
	v9 =	vmul.f32 v12, v3  }
.LBB2_8:
0x80: {  	p1 =	sne.s32 s12, $0x6;
	v11 =	vld [tilespmem:s20+$0xFFFFFFF0];
	[tilespmem:s20+$0x10] =	vst v10;
	v4 =	vmul.f32 v4, v3;
	s11 =	sadd.s32 $0x100, s11  }
0x81: {  	v10 =	vld [tilespmem:s11+$0xFFFFFF80];
	[tilespmem:s20+$0x20] =	vst v9;
	v5 =	vmul.f32 v5, v3  }
0x82: {  	v9 =	vld [tilespmem:s11+$0xFFFFFF90];
	[tilespmem:s20+$0x30] =	vst v4;
	v4 =	vmul.f32 v7, v3  }
0x83: {  	v7 =	vmov s12;
	v12 =	vld [tilespmem:s11+$0xFFFFFFA0];
	[tilespmem:s20+$0x40] =	vst v5;
	v5 =	vmul.f32 v6, v3  }
0x84: {  	v6 =	vperm.xlane v2, v7;
	v7 =	vld [tilespmem:s11+$0xFFFFFFB0];
	[tilespmem:s20+$0x50] =	vst v4;
	v3 =	vmul.f32 v8, v3  }
0x85: {  	v4 =	vld [tilespmem:s11+$0xFFFFFFC0];
	v8 =	vmul.f32 v11, v1;
	[tilespmem:s20+$0x60] =	vst v5  }
0x86: {  	v1 =	vmov v6;
	v5 =	vmul.f32 v10, v6;
	v10 =	vld [tilespmem:s11+$0xFFFFFFD0];
	[tilespmem:s20+$0x70] =	vst v3  }
0x87: {  	v3 =	vmul.f32 v9, v1;
	v6 =	vld [tilespmem:s11+$0xFFFFFFE0];
	[tilespmem:s20+$0xFFFFFFF0] =	vst v8;
	s20 =	smov.u32 s11  }
0x88: {  	[tilespmem:s11+$0xFFFFFF80] =	vst v5;
	v5 =	vmul.f32 v12, v1;
	v8 =	vld [tilespmem:s11+$0x0]  }
0x89: {  	s17 =	sadd.s32 $0x1, s12;
	[tilespmem:s11+$0xFFFFFF90] =	vst v3;
	v3 =	vmul.f32 v7, v1;
	v9 =	vld [tilespmem:s11+$0x10]  }
0x8a: {  	[tilespmem:s11+$0xFFFFFFA0] =	vst v5;
	v5 =	vmul.f32 v4, v1;
	v4 =	vmov s17;
	v11 =	vld [tilespmem:s11+$0x20]  }
.Ltmp2:
0x8b: {  	[tilespmem:s11+$0xFFFFFFB0] =	vst v3;
	v7 =	vmul.f32 v10, v1;
	v3 =	vperm.xlane v2, v4;
	v4 =	vld [tilespmem:s11+$0x30];
	(pc) =	sbr.rel @p1 .LBB2_8-.Ltmp2, $4  }
0x8c: {  	[tilespmem:s11+$0xFFFFFFC0] =	vst v5;
	v6 =	vmul.f32 v6, v1;
	v5 =	vld [tilespmem:s11+$0x40]  }
0x8d: {  	[tilespmem:s11+$0xFFFFFFD0] =	vst v7;
	v8 =	vmul.f32 v8, v3;
	v7 =	vld [tilespmem:s11+$0x50]  }
0x8e: {  	[tilespmem:s11+$0xFFFFFFE0] =	vst v6;
	v10 =	vmul.f32 v9, v3;
	v6 =	vld [tilespmem:s11+$0x60]  }
0x8f: {  	s12 =	sadd.s32 $0x2, s12;
	[tilespmem:s11+$0x0] =	vst v8;
	v9 =	vmul.f32 v11, v3;
	v8 =	vld [tilespmem:s11+$0x70]  }
0x90: {  	v2 =	vld [tilespmem:s20+$0xFFFFFFF0];
	[tilespmem:s20+$0x10] =	vst v10;
	v4 =	vmul.f32 v4, v3  }
0x91: {  	s10 =	sadd.s32 $0x1, s10;
	[tilespmem:s20+$0x20] =	vst v9;
	v5 =	vmul.f32 v5, v3  }
0x92: {  	p1 =	sne.s32 s10, $0x5;
	[tilespmem:s20+$0x30] =	vst v4;
	v62 =	vmul.f32 v7, v3  }
.Ltmp3:
0x93: {  	[tilespmem:s20+$0x40] =	vst v5;
	v63 =	vmul.f32 v6, v3;
	(pc) =	sbr.rel @p1 .LBB2_7-.Ltmp3, $4  }
0x94: {  	[tilespmem:s20+$0x50] =	vst v62;
	v3 =	vmul.f32 v8, v3  }
0x95: {  	v1 =	vmul.f32 v2, v1;
	[tilespmem:s20+$0x60] =	vst v63  }
0x96: {  	[tilespmem:s20+$0x70] =	vst v3  }
0x97: {  	s16 =	sadd.s32 $0x400, s16;
	[tilespmem:s20+$0xFFFFFFF0] =	vst v1  }
0x98: {  	s8 =	sadd.s32 $0x13880, s8;
	s20 =	smul.u32 $0x280, s5  }
0x99: {  	[spmem:s2] =	stream.indirect.scatter.add.f32 [tilespmem:s25], [sflag:$0x6], $0x80, s8, s22, $0xb8;
	[tilespmem:$0x1FF00] =	vst v63  }
0x9a: {  	_ =	swait.ge [sflag:s1], $0x1400  }
0x9b: {  	s8 =	sshra.s32 s20, $0x2;
	[sflag:s1] =	ssyncset.done $0x0  }
0x9c: {  	s9 =	sadd.s32 $0x160A0, s8;
	[sflag:s1] =	ssyncadd.s32 $0xFFFFEC00  }
0x9d: {  	[tilespmem:s23], [sflag:$0x1] =	stream.indirect.gather [hbm4b:s4+s22], $0x80, s9, s22, $0xb8;
	[tilespmem:$0x1FF00] =	vst v63  }
0x9e: {  	s10 =	sadd.s32 $0x187D0, s7;
	_ =	swait.ge [sflag:s0], $0x1400  }
0x9f: {  	v0 =	vmov s10;
	s10 =	simm.s32 $0x0;
	s20 =	simm.s32 $0x1D780;
	[sflag:s0] =	ssyncset.done $0x0  }
0xa0: {  	s9 =	sadd.s32 $0x50, s7;
	s7 =	simm.s32 $0x0;
	[sflag:s0] =	ssyncadd.s32 $0xFFFFEC00  }
.LBB2_11:
0xa1: {  	_ =	sdelay $0x2  }
0xa2: {  	s11 =	sshll.u32 s10, $0x3  }
0xa3: {  	v2 =	vld.idx.msk [tilespmem:v0+s11+$0x0 ss:$0x1], $0xffff;
	_ =	sdelay $0x1  }
0xa4: {  	v3 =	vld [tilespmem:s20+$0xFFFFFF80]  }
0xa5: {  	v4 =	vld [tilespmem:s20+$0xFFFFFF90]  }
0xa6: {  	v1 =	vmov s7;
	v5 =	vld [tilespmem:s20+$0xFFFFFFA0]  }
0xa7: {  	v6 =	vld [tilespmem:s20+$0xFFFFFFB0];
	v1 =	vperm.xlane v2, v1  }
0xa8: {  	v7 =	vld [tilespmem:s20+$0xFFFFFFC0]  }
0xa9: {  	v8 =	vld [tilespmem:s20+$0xFFFFFFD0];
	v3 =	vmul.f32 v3, v1  }
0xaa: {  	v9 =	vld [tilespmem:s20+$0xFFFFFFE0];
	v4 =	vmul.f32 v4, v1  }
0xab: {  	v10 =	vld [tilespmem:s20+$0x0];
	[tilespmem:s20+$0xFFFFFF80] =	vst v3;
	v3 =	vmul.f32 v5, v1  }
0xac: {  	s17 =	simm.s32 $0x1;
	v11 =	vld [tilespmem:s20+$0x10];
	[tilespmem:s20+$0xFFFFFF90] =	vst v4;
	v4 =	vmul.f32 v6, v1  }
0xad: {  	v12 =	vld [tilespmem:s20+$0x20];
	v5 =	vmul.f32 v7, v1;
	[tilespmem:s20+$0xFFFFFFA0] =	vst v3;
	v3 =	vmov s17  }
0xae: {  	v6 =	vmul.f32 v8, v1;
	[tilespmem:s20+$0xFFFFFFB0] =	vst v4;
	v4 =	vld [tilespmem:s20+$0x30];
	v3 =	vperm.xlane v2, v3  }
0xaf: {  	v8 =	vmul.f32 v9, v1;
	[tilespmem:s20+$0xFFFFFFC0] =	vst v5;
	v5 =	vld [tilespmem:s20+$0x40]  }
0xb0: {  	v7 =	vld [tilespmem:s20+$0x50];
	[tilespmem:s20+$0xFFFFFFD0] =	vst v6;
	v9 =	vmul.f32 v10, v3  }
0xb1: {  	[tilespmem:s20+$0xFFFFFFE0] =	vst v8;
	v6 =	vld [tilespmem:s20+$0x60];
	v10 =	vmul.f32 v11, v3  }
0xb2: {  	s12 =	simm.s32 $0x2;
	s16 =	smov.u32 s20;
	s11 =	smov.u32 s20;
	v8 =	vld [tilespmem:s20+$0x70];
	[tilespmem:s20+$0x0] =	vst v9;
	v9 =	vmul.f32 v12, v3  }
.LBB2_12:
0xb3: {  	p1 =	sne.s32 s12, $0x6;
	v11 =	vld [tilespmem:s11+$0xFFFFFFF0];
	[tilespmem:s11+$0x10] =	vst v10;
	v4 =	vmul.f32 v4, v3;
	s16 =	sadd.s32 $0x100, s16  }
0xb4: {  	v10 =	vld [tilespmem:s16+$0xFFFFFF80];
	[tilespmem:s11+$0x20] =	vst v9;
	v5 =	vmul.f32 v5, v3  }
0xb5: {  	v9 =	vld [tilespmem:s16+$0xFFFFFF90];
	[tilespmem:s11+$0x30] =	vst v4;
	v4 =	vmul.f32 v7, v3  }
0xb6: {  	v7 =	vmov s12;
	v12 =	vld [tilespmem:s16+$0xFFFFFFA0];
	[tilespmem:s11+$0x40] =	vst v5;
	v5 =	vmul.f32 v6, v3  }
0xb7: {  	v6 =	vperm.xlane v2, v7;
	v7 =	vld [tilespmem:s16+$0xFFFFFFB0];
	[tilespmem:s11+$0x50] =	vst v4;
	v3 =	vmul.f32 v8, v3  }
0xb8: {  	v4 =	vld [tilespmem:s16+$0xFFFFFFC0];
	v8 =	vmul.f32 v11, v1;
	[tilespmem:s11+$0x60] =	vst v5  }
0xb9: {  	v1 =	vmov v6;
	v5 =	vmul.f32 v10, v6;
	v10 =	vld [tilespmem:s16+$0xFFFFFFD0];
	[tilespmem:s11+$0x70] =	vst v3  }
0xba: {  	v3 =	vmul.f32 v9, v1;
	v6 =	vld [tilespmem:s16+$0xFFFFFFE0];
	[tilespmem:s11+$0xFFFFFFF0] =	vst v8;
	s11 =	smov.u32 s16  }
0xbb: {  	[tilespmem:s16+$0xFFFFFF80] =	vst v5;
	v5 =	vmul.f32 v12, v1;
	v8 =	vld [tilespmem:s16+$0x0]  }
0xbc: {  	s17 =	sadd.s32 $0x1, s12;
	[tilespmem:s16+$0xFFFFFF90] =	vst v3;
	v3 =	vmul.f32 v7, v1;
	v9 =	vld [tilespmem:s16+$0x10]  }
0xbd: {  	[tilespmem:s16+$0xFFFFFFA0] =	vst v5;
	v5 =	vmul.f32 v4, v1;
	v4 =	vmov s17;
	v11 =	vld [tilespmem:s16+$0x20]  }
.Ltmp4:
0xbe: {  	[tilespmem:s16+$0xFFFFFFB0] =	vst v3;
	v7 =	vmul.f32 v10, v1;
	v3 =	vperm.xlane v2, v4;
	v4 =	vld [tilespmem:s16+$0x30];
	(pc) =	sbr.rel @p1 .LBB2_12-.Ltmp4, $4  }
0xbf: {  	[tilespmem:s16+$0xFFFFFFC0] =	vst v5;
	v6 =	vmul.f32 v6, v1;
	v5 =	vld [tilespmem:s16+$0x40]  }
0xc0: {  	[tilespmem:s16+$0xFFFFFFD0] =	vst v7;
	v8 =	vmul.f32 v8, v3;
	v7 =	vld [tilespmem:s16+$0x50]  }
0xc1: {  	[tilespmem:s16+$0xFFFFFFE0] =	vst v6;
	v10 =	vmul.f32 v9, v3;
	v6 =	vld [tilespmem:s16+$0x60]  }
0xc2: {  	s12 =	sadd.s32 $0x2, s12;
	[tilespmem:s16+$0x0] =	vst v8;
	v9 =	vmul.f32 v11, v3;
	v8 =	vld [tilespmem:s16+$0x70]  }
0xc3: {  	v2 =	vld [tilespmem:s11+$0xFFFFFFF0];
	[tilespmem:s11+$0x10] =	vst v10;
	v4 =	vmul.f32 v4, v3  }
0xc4: {  	s10 =	sadd.s32 $0x1, s10;
	[tilespmem:s11+$0x20] =	vst v9;
	v5 =	vmul.f32 v5, v3  }
0xc5: {  	p1 =	sne.s32 s10, $0x5;
	[tilespmem:s11+$0x30] =	vst v4;
	v62 =	vmul.f32 v7, v3  }
.Ltmp5:
0xc6: {  	[tilespmem:s11+$0x40] =	vst v5;
	v63 =	vmul.f32 v6, v3;
	(pc) =	sbr.rel @p1 .LBB2_11-.Ltmp5, $4  }
0xc7: {  	[tilespmem:s11+$0x50] =	vst v62;
	v3 =	vmul.f32 v8, v3  }
0xc8: {  	v1 =	vmul.f32 v2, v1;
	[tilespmem:s11+$0x60] =	vst v63  }
0xc9: {  	[tilespmem:s11+$0x70] =	vst v3  }
0xca: {  	s20 =	sadd.s32 $0x400, s20;
	[tilespmem:s11+$0xFFFFFFF0] =	vst v1  }
0xcb: {  	s7 =	sadd.s32 $0x13880, s9  }
0xcc: {  	[spmem:s2] =	stream.indirect.scatter.add.f32 [tilespmem:s28], [sflag:$0x7], $0x80, s7, s22, $0xb8;
	[tilespmem:$0x1FF00] =	vst v63  }
0xcd: {  	_ =	swait.ge [sflag:s18], $0x1400  }
0xce: {  	[sflag:s18] =	ssyncset.done $0x0  }
0xcf: {  	s20 =	sadd.s32 $0x160C8, s8;
	[sflag:s18] =	ssyncadd.s32 $0xFFFFEC00  }
0xd0: {  	[tilespmem:s25], [sflag:$0x2] =	stream.indirect.gather [hbm4b:s4+s22], $0x80, s20, s22, $0xb8;
	[tilespmem:$0x1FF00] =	vst v63  }
0xd1: {  	_ =	swait.ge [sflag:s21], $0x1400  }
0xd2: {  	s10 =	sadd.s32 $0x18780, s6;
	s9 =	simm.s32 $0x1EB80;
	[sflag:s21] =	ssyncset.done $0x0  }
0xd3: {  	s7 =	simm.s32 $0x0;
	v0 =	vmov s10;
	s10 =	simm.s32 $0x0;
	[sflag:s21] =	ssyncadd.s32 $0xFFFFEC00  }
.LBB2_15:
0xd4: {  	_ =	sdelay $0x2  }
0xd5: {  	s11 =	sshll.u32 s10, $0x3  }
0xd6: {  	v2 =	vld.idx.msk [tilespmem:v0+s11+$0x0 ss:$0x1], $0xffff;
	_ =	sdelay $0x1  }
0xd7: {  	v3 =	vld [tilespmem:s9+$0xFFFFFF80]  }
0xd8: {  	v4 =	vld [tilespmem:s9+$0xFFFFFF90]  }
0xd9: {  	v1 =	vmov s7;
	v5 =	vld [tilespmem:s9+$0xFFFFFFA0]  }
0xda: {  	v6 =	vld [tilespmem:s9+$0xFFFFFFB0];
	v1 =	vperm.xlane v2, v1  }
0xdb: {  	v7 =	vld [tilespmem:s9+$0xFFFFFFC0]  }
0xdc: {  	v8 =	vld [tilespmem:s9+$0xFFFFFFD0];
	v3 =	vmul.f32 v3, v1  }
0xdd: {  	v9 =	vld [tilespmem:s9+$0xFFFFFFE0];
	v4 =	vmul.f32 v4, v1  }
0xde: {  	v10 =	vld [tilespmem:s9+$0x0];
	[tilespmem:s9+$0xFFFFFF80] =	vst v3;
	v3 =	vmul.f32 v5, v1  }
0xdf: {  	s20 =	simm.s32 $0x1;
	v11 =	vld [tilespmem:s9+$0x10];
	[tilespmem:s9+$0xFFFFFF90] =	vst v4;
	v4 =	vmul.f32 v6, v1  }
0xe0: {  	v12 =	vld [tilespmem:s9+$0x20];
	v5 =	vmul.f32 v7, v1;
	[tilespmem:s9+$0xFFFFFFA0] =	vst v3;
	v3 =	vmov s20  }
0xe1: {  	v6 =	vmul.f32 v8, v1;
	[tilespmem:s9+$0xFFFFFFB0] =	vst v4;
	v4 =	vld [tilespmem:s9+$0x30];
	v3 =	vperm.xlane v2, v3  }
0xe2: {  	v8 =	vmul.f32 v9, v1;
	[tilespmem:s9+$0xFFFFFFC0] =	vst v5;
	v5 =	vld [tilespmem:s9+$0x40]  }
0xe3: {  	v7 =	vld [tilespmem:s9+$0x50];
	[tilespmem:s9+$0xFFFFFFD0] =	vst v6;
	v9 =	vmul.f32 v10, v3  }
0xe4: {  	[tilespmem:s9+$0xFFFFFFE0] =	vst v8;
	v6 =	vld [tilespmem:s9+$0x60];
	v10 =	vmul.f32 v11, v3  }
0xe5: {  	s12 =	simm.s32 $0x2;
	s16 =	smov.u32 s9;
	s11 =	smov.u32 s9;
	v8 =	vld [tilespmem:s9+$0x70];
	[tilespmem:s9+$0x0] =	vst v9;
	v9 =	vmul.f32 v12, v3  }
.LBB2_16:
0xe6: {  	p1 =	sne.s32 s12, $0x6;
	v11 =	vld [tilespmem:s11+$0xFFFFFFF0];
	[tilespmem:s11+$0x10] =	vst v10;
	v4 =	vmul.f32 v4, v3;
	s16 =	sadd.s32 $0x100, s16  }
0xe7: {  	v10 =	vld [tilespmem:s16+$0xFFFFFF80];
	[tilespmem:s11+$0x20] =	vst v9;
	v5 =	vmul.f32 v5, v3  }
0xe8: {  	v9 =	vld [tilespmem:s16+$0xFFFFFF90];
	[tilespmem:s11+$0x30] =	vst v4;
	v4 =	vmul.f32 v7, v3  }
0xe9: {  	v7 =	vmov s12;
	v12 =	vld [tilespmem:s16+$0xFFFFFFA0];
	[tilespmem:s11+$0x40] =	vst v5;
	v5 =	vmul.f32 v6, v3  }
0xea: {  	v6 =	vperm.xlane v2, v7;
	v7 =	vld [tilespmem:s16+$0xFFFFFFB0];
	[tilespmem:s11+$0x50] =	vst v4;
	v3 =	vmul.f32 v8, v3  }
0xeb: {  	v4 =	vld [tilespmem:s16+$0xFFFFFFC0];
	v8 =	vmul.f32 v11, v1;
	[tilespmem:s11+$0x60] =	vst v5  }
0xec: {  	v1 =	vmov v6;
	v5 =	vmul.f32 v10, v6;
	v10 =	vld [tilespmem:s16+$0xFFFFFFD0];
	[tilespmem:s11+$0x70] =	vst v3  }
0xed: {  	v3 =	vmul.f32 v9, v1;
	v6 =	vld [tilespmem:s16+$0xFFFFFFE0];
	[tilespmem:s11+$0xFFFFFFF0] =	vst v8;
	s11 =	smov.u32 s16  }
0xee: {  	[tilespmem:s16+$0xFFFFFF80] =	vst v5;
	v5 =	vmul.f32 v12, v1;
	v8 =	vld [tilespmem:s16+$0x0]  }
0xef: {  	s17 =	sadd.s32 $0x1, s12;
	[tilespmem:s16+$0xFFFFFF90] =	vst v3;
	v3 =	vmul.f32 v7, v1;
	v9 =	vld [tilespmem:s16+$0x10]  }
0xf0: {  	[tilespmem:s16+$0xFFFFFFA0] =	vst v5;
	v5 =	vmul.f32 v4, v1;
	v4 =	vmov s17;
	v11 =	vld [tilespmem:s16+$0x20]  }
.Ltmp6:
0xf1: {  	[tilespmem:s16+$0xFFFFFFB0] =	vst v3;
	v7 =	vmul.f32 v10, v1;
	v3 =	vperm.xlane v2, v4;
	v4 =	vld [tilespmem:s16+$0x30];
	(pc) =	sbr.rel @p1 .LBB2_16-.Ltmp6, $4  }
0xf2: {  	[tilespmem:s16+$0xFFFFFFC0] =	vst v5;
	v6 =	vmul.f32 v6, v1;
	v5 =	vld [tilespmem:s16+$0x40]  }
0xf3: {  	[tilespmem:s16+$0xFFFFFFD0] =	vst v7;
	v8 =	vmul.f32 v8, v3;
	v7 =	vld [tilespmem:s16+$0x50]  }
0xf4: {  	[tilespmem:s16+$0xFFFFFFE0] =	vst v6;
	v10 =	vmul.f32 v9, v3;
	v6 =	vld [tilespmem:s16+$0x60]  }
0xf5: {  	s12 =	sadd.s32 $0x2, s12;
	[tilespmem:s16+$0x0] =	vst v8;
	v9 =	vmul.f32 v11, v3;
	v8 =	vld [tilespmem:s16+$0x70]  }
0xf6: {  	v2 =	vld [tilespmem:s11+$0xFFFFFFF0];
	[tilespmem:s11+$0x10] =	vst v10;
	v4 =	vmul.f32 v4, v3  }
0xf7: {  	s10 =	sadd.s32 $0x1, s10;
	[tilespmem:s11+$0x20] =	vst v9;
	v5 =	vmul.f32 v5, v3  }
0xf8: {  	p1 =	sne.s32 s10, $0x5;
	[tilespmem:s11+$0x30] =	vst v4;
	v62 =	vmul.f32 v7, v3  }
.Ltmp7:
0xf9: {  	[tilespmem:s11+$0x40] =	vst v5;
	v63 =	vmul.f32 v6, v3;
	(pc) =	sbr.rel @p1 .LBB2_15-.Ltmp7, $4  }
0xfa: {  	[tilespmem:s11+$0x50] =	vst v62;
	v3 =	vmul.f32 v8, v3  }
0xfb: {  	v1 =	vmul.f32 v2, v1;
	[tilespmem:s11+$0x60] =	vst v63  }
0xfc: {  	[tilespmem:s11+$0x70] =	vst v3  }
0xfd: {  	s9 =	sadd.s32 $0x400, s9;
	[tilespmem:s11+$0xFFFFFFF0] =	vst v1  }
0xfe: {  	p1 =	seq.s32 s5, $0x3D  }
.Ltmp8:
0xff: {  	s6 =	sadd.s32 $0x13880, s6;
	(pc) =	sbr.rel @p1 .LBB2_20-.Ltmp8, $4  }
0x100: {  	[spmem:s2] =	stream.indirect.scatter.add.f32 [tilespmem:s30], [sflag:$0x8], $0x80, s6, s22, $0xb8;
	[tilespmem:$0x1FF00] =	vst v63  }
0x101: {  	_ =	swait.ge [sflag:s24], $0x1400  }
0x102: {  	[sflag:s24] =	ssyncset.done $0x0  }
0x103: {  	[sflag:s24] =	ssyncadd.s32 $0xFFFFEC00  }
.Ltmp9:
0x104: {  	(pc) =	sbr.rel .LBB2_2-.Ltmp9, $3  }
0x105: {  	_ =	sdelay $0x1  }
0x106: {  	s6 =	sadd.s32 $0x160F0, s8;
	s5 =	sadd.s32 $0x1, s5  }
0x107: {  	[tilespmem:s28], [sflag:$0x3] =	stream.indirect.gather [hbm4b:s4+s22], $0x80, s6, s22, $0xb8;
	[tilespmem:$0x1FF00] =	vst v63  }
.LBB2_20:
0x108: {  	_ =	swait.ge [sflag:s29], $0x1400  }
0x109: {  	s5 =	simm.s32 $0x0;
	[sflag:s29] =	ssyncset.done $0x0  }
0x10a: {  	s6 =	simm.s32 $0x1AF80;
	s7 =	simm.s32 $0x0;
	[sflag:s29] =	ssyncadd.s32 $0xFFFFEC00  }
.LBB2_21:
0x10b: {  	s8 =	sshll.u32 s7, $0x3  }
0x10c: {  	v1 =	vld [tilespmem:s8+$0x1AE40];
	_ =	sdelay $0x1  }
0x10d: {  	v2 =	vld [tilespmem:s6+$0xFFFFFF80]  }
0x10e: {  	v3 =	vld [tilespmem:s6+$0xFFFFFF90]  }
0x10f: {  	v0 =	vmov s5;
	v4 =	vld [tilespmem:s6+$0xFFFFFFA0]  }
0x110: {  	v5 =	vld [tilespmem:s6+$0xFFFFFFB0];
	v0 =	vperm.xlane v1, v0  }
0x111: {  	v6 =	vld [tilespmem:s6+$0xFFFFFFC0]  }
0x112: {  	v7 =	vld [tilespmem:s6+$0xFFFFFFD0];
	v2 =	vmul.f32 v2, v0  }
0x113: {  	v8 =	vld [tilespmem:s6+$0xFFFFFFE0];
	v3 =	vmul.f32 v3, v0  }
0x114: {  	v9 =	vld [tilespmem:s6+$0x0];
	[tilespmem:s6+$0xFFFFFF80] =	vst v2;
	v2 =	vmul.f32 v4, v0  }
0x115: {  	s20 =	simm.s32 $0x1;
	v10 =	vld [tilespmem:s6+$0x10];
	[tilespmem:s6+$0xFFFFFF90] =	vst v3;
	v3 =	vmul.f32 v5, v0  }
0x116: {  	v11 =	vld [tilespmem:s6+$0x20];
	v4 =	vmul.f32 v6, v0;
	[tilespmem:s6+$0xFFFFFFA0] =	vst v2;
	v2 =	vmov s20  }
0x117: {  	v5 =	vmul.f32 v7, v0;
	[tilespmem:s6+$0xFFFFFFB0] =	vst v3;
	v3 =	vld [tilespmem:s6+$0x30];
	v2 =	vperm.xlane v1, v2  }
0x118: {  	v7 =	vmul.f32 v8, v0;
	[tilespmem:s6+$0xFFFFFFC0] =	vst v4;
	v4 =	vld [tilespmem:s6+$0x40]  }
0x119: {  	v6 =	vld [tilespmem:s6+$0x50];
	[tilespmem:s6+$0xFFFFFFD0] =	vst v5;
	v8 =	vmul.f32 v9, v2  }
0x11a: {  	[tilespmem:s6+$0xFFFFFFE0] =	vst v7;
	v5 =	vld [tilespmem:s6+$0x60];
	v9 =	vmul.f32 v10, v2  }
0x11b: {  	s9 =	simm.s32 $0x2;
	s10 =	smov.u32 s6;
	s8 =	smov.u32 s6;
	v7 =	vld [tilespmem:s6+$0x70];
	[tilespmem:s6+$0x0] =	vst v8;
	v8 =	vmul.f32 v11, v2  }
.LBB2_22:
0x11c: {  	p1 =	sne.s32 s9, $0x6;
	v10 =	vld [tilespmem:s8+$0xFFFFFFF0];
	[tilespmem:s8+$0x10] =	vst v9;
	v3 =	vmul.f32 v3, v2;
	s10 =	sadd.s32 $0x100, s10  }
0x11d: {  	v9 =	vld [tilespmem:s10+$0xFFFFFF80];
	[tilespmem:s8+$0x20] =	vst v8;
	v4 =	vmul.f32 v4, v2  }
0x11e: {  	v8 =	vld [tilespmem:s10+$0xFFFFFF90];
	[tilespmem:s8+$0x30] =	vst v3;
	v3 =	vmul.f32 v6, v2  }
0x11f: {  	v6 =	vmov s9;
	v11 =	vld [tilespmem:s10+$0xFFFFFFA0];
	[tilespmem:s8+$0x40] =	vst v4;
	v4 =	vmul.f32 v5, v2  }
0x120: {  	v5 =	vperm.xlane v1, v6;
	v6 =	vld [tilespmem:s10+$0xFFFFFFB0];
	[tilespmem:s8+$0x50] =	vst v3;
	v2 =	vmul.f32 v7, v2  }
0x121: {  	v3 =	vld [tilespmem:s10+$0xFFFFFFC0];
	v7 =	vmul.f32 v10, v0;
	[tilespmem:s8+$0x60] =	vst v4  }
0x122: {  	v0 =	vmov v5;
	v4 =	vmul.f32 v9, v5;
	v9 =	vld [tilespmem:s10+$0xFFFFFFD0];
	[tilespmem:s8+$0x70] =	vst v2  }
0x123: {  	v2 =	vmul.f32 v8, v0;
	v5 =	vld [tilespmem:s10+$0xFFFFFFE0];
	[tilespmem:s8+$0xFFFFFFF0] =	vst v7;
	s8 =	smov.u32 s10  }
0x124: {  	[tilespmem:s10+$0xFFFFFF80] =	vst v4;
	v4 =	vmul.f32 v11, v0;
	v7 =	vld [tilespmem:s10+$0x0]  }
0x125: {  	s11 =	sadd.s32 $0x1, s9;
	[tilespmem:s10+$0xFFFFFF90] =	vst v2;
	v2 =	vmul.f32 v6, v0;
	v8 =	vld [tilespmem:s10+$0x10]  }
0x126: {  	[tilespmem:s10+$0xFFFFFFA0] =	vst v4;
	v4 =	vmul.f32 v3, v0;
	v3 =	vmov s11;
	v10 =	vld [tilespmem:s10+$0x20]  }
.Ltmp10:
0x127: {  	[tilespmem:s10+$0xFFFFFFB0] =	vst v2;
	v6 =	vmul.f32 v9, v0;
	v2 =	vperm.xlane v1, v3;
	v3 =	vld [tilespmem:s10+$0x30];
	(pc) =	sbr.rel @p1 .LBB2_22-.Ltmp10, $4  }
0x128: {  	[tilespmem:s10+$0xFFFFFFC0] =	vst v4;
	v5 =	vmul.f32 v5, v0;
	v4 =	vld [tilespmem:s10+$0x40]  }
0x129: {  	[tilespmem:s10+$0xFFFFFFD0] =	vst v6;
	v7 =	vmul.f32 v7, v2;
	v6 =	vld [tilespmem:s10+$0x50]  }
0x12a: {  	[tilespmem:s10+$0xFFFFFFE0] =	vst v5;
	v9 =	vmul.f32 v8, v2;
	v5 =	vld [tilespmem:s10+$0x60]  }
0x12b: {  	s9 =	sadd.s32 $0x2, s9;
	[tilespmem:s10+$0x0] =	vst v7;
	v8 =	vmul.f32 v10, v2;
	v7 =	vld [tilespmem:s10+$0x70]  }
0x12c: {  	v1 =	vld [tilespmem:s8+$0xFFFFFFF0];
	[tilespmem:s8+$0x10] =	vst v9;
	v3 =	vmul.f32 v3, v2  }
0x12d: {  	s7 =	sadd.s32 $0x1, s7;
	[tilespmem:s8+$0x20] =	vst v8;
	v4 =	vmul.f32 v4, v2  }
0x12e: {  	p1 =	sne.s32 s7, $0x5;
	[tilespmem:s8+$0x30] =	vst v3;
	v61 =	vmul.f32 v6, v2  }
.Ltmp11:
0x12f: {  	[tilespmem:s8+$0x40] =	vst v4;
	v62 =	vmul.f32 v5, v2;
	(pc) =	sbr.rel @p1 .LBB2_21-.Ltmp11, $4  }
0x130: {  	[tilespmem:s8+$0x50] =	vst v61;
	v63 =	vmul.f32 v7, v2  }
0x131: {  	v0 =	vmul.f32 v1, v0;
	[tilespmem:s8+$0x60] =	vst v62  }
0x132: {  	[tilespmem:s8+$0x70] =	vst v63  }
0x133: {  	s6 =	sadd.s32 $0x400, s6;
	[tilespmem:s8+$0xFFFFFFF0] =	vst v0  }
0x134: {  	s5 =	simm.s32 $0x15F40  }
0x135: {  	[spmem:s2] =	stream.indirect.scatter.add.f32 [tilespmem:s23], [sflag:$0x5], $0x80, s5, s22, $0xb8;
	[tilespmem:$0x1FF00] =	vst v63  }
0x136: {  	_ =	swait.ge [sflag:s26], $0x1400  }
0x137: {  	[sflag:s26] =	ssyncset.done $0x0  }
0x138: {  	[sflag:s26] =	ssyncadd.s32 $0xFFFFEC00  }
0x139: {  	_ =	swait.ge [sflag:s31], $0x1400  }
0x13a: {  	s6 =	simm.s32 $0x1C380;
	[sflag:s31] =	ssyncset.done $0x0  }
0x13b: {  	s7 =	simm.s32 $0x0;
	s5 =	simm.s32 $0x0;
	[sflag:s31] =	ssyncadd.s32 $0xFFFFEC00  }
.LBB2_25:
0x13c: {  	s8 =	sshll.u32 s7, $0x3  }
0x13d: {  	v1 =	vld [tilespmem:s8+$0x1AE68];
	_ =	sdelay $0x1  }
0x13e: {  	v2 =	vld [tilespmem:s6+$0xFFFFFF80]  }
0x13f: {  	v3 =	vld [tilespmem:s6+$0xFFFFFF90]  }
0x140: {  	v0 =	vmov s5;
	v4 =	vld [tilespmem:s6+$0xFFFFFFA0]  }
0x141: {  	v5 =	vld [tilespmem:s6+$0xFFFFFFB0];
	v0 =	vperm.xlane v1, v0  }
0x142: {  	v6 =	vld [tilespmem:s6+$0xFFFFFFC0]  }
0x143: {  	v7 =	vld [tilespmem:s6+$0xFFFFFFD0];
	v2 =	vmul.f32 v2, v0  }
0x144: {  	v8 =	vld [tilespmem:s6+$0xFFFFFFE0];
	v3 =	vmul.f32 v3, v0  }
0x145: {  	v9 =	vld [tilespmem:s6+$0x0];
	[tilespmem:s6+$0xFFFFFF80] =	vst v2;
	v2 =	vmul.f32 v4, v0  }
0x146: {  	s20 =	simm.s32 $0x1;
	v10 =	vld [tilespmem:s6+$0x10];
	[tilespmem:s6+$0xFFFFFF90] =	vst v3;
	v3 =	vmul.f32 v5, v0  }
0x147: {  	v11 =	vld [tilespmem:s6+$0x20];
	v4 =	vmul.f32 v6, v0;
	[tilespmem:s6+$0xFFFFFFA0] =	vst v2;
	v2 =	vmov s20  }
0x148: {  	v5 =	vmul.f32 v7, v0;
	[tilespmem:s6+$0xFFFFFFB0] =	vst v3;
	v3 =	vld [tilespmem:s6+$0x30];
	v2 =	vperm.xlane v1, v2  }
0x149: {  	v7 =	vmul.f32 v8, v0;
	[tilespmem:s6+$0xFFFFFFC0] =	vst v4;
	v4 =	vld [tilespmem:s6+$0x40]  }
0x14a: {  	v6 =	vld [tilespmem:s6+$0x50];
	[tilespmem:s6+$0xFFFFFFD0] =	vst v5;
	v8 =	vmul.f32 v9, v2  }
0x14b: {  	[tilespmem:s6+$0xFFFFFFE0] =	vst v7;
	v5 =	vld [tilespmem:s6+$0x60];
	v9 =	vmul.f32 v10, v2  }
0x14c: {  	s9 =	simm.s32 $0x2;
	s10 =	smov.u32 s6;
	s8 =	smov.u32 s6;
	v7 =	vld [tilespmem:s6+$0x70];
	[tilespmem:s6+$0x0] =	vst v8;
	v8 =	vmul.f32 v11, v2  }
.LBB2_26:
0x14d: {  	p1 =	sne.s32 s9, $0x6;
	v10 =	vld [tilespmem:s8+$0xFFFFFFF0];
	[tilespmem:s8+$0x10] =	vst v9;
	v3 =	vmul.f32 v3, v2;
	s10 =	sadd.s32 $0x100, s10  }
0x14e: {  	v9 =	vld [tilespmem:s10+$0xFFFFFF80];
	[tilespmem:s8+$0x20] =	vst v8;
	v4 =	vmul.f32 v4, v2  }
0x14f: {  	v8 =	vld [tilespmem:s10+$0xFFFFFF90];
	[tilespmem:s8+$0x30] =	vst v3;
	v3 =	vmul.f32 v6, v2  }
0x150: {  	v6 =	vmov s9;
	v11 =	vld [tilespmem:s10+$0xFFFFFFA0];
	[tilespmem:s8+$0x40] =	vst v4;
	v4 =	vmul.f32 v5, v2  }
0x151: {  	v5 =	vperm.xlane v1, v6;
	v6 =	vld [tilespmem:s10+$0xFFFFFFB0];
	[tilespmem:s8+$0x50] =	vst v3;
	v2 =	vmul.f32 v7, v2  }
0x152: {  	v3 =	vld [tilespmem:s10+$0xFFFFFFC0];
	v7 =	vmul.f32 v10, v0;
	[tilespmem:s8+$0x60] =	vst v4  }
0x153: {  	v0 =	vmov v5;
	v4 =	vmul.f32 v9, v5;
	v9 =	vld [tilespmem:s10+$0xFFFFFFD0];
	[tilespmem:s8+$0x70] =	vst v2  }
0x154: {  	v2 =	vmul.f32 v8, v0;
	v5 =	vld [tilespmem:s10+$0xFFFFFFE0];
	[tilespmem:s8+$0xFFFFFFF0] =	vst v7;
	s8 =	smov.u32 s10  }
0x155: {  	[tilespmem:s10+$0xFFFFFF80] =	vst v4;
	v4 =	vmul.f32 v11, v0;
	v7 =	vld [tilespmem:s10+$0x0]  }
0x156: {  	s11 =	sadd.s32 $0x1, s9;
	[tilespmem:s10+$0xFFFFFF90] =	vst v2;
	v2 =	vmul.f32 v6, v0;
	v8 =	vld [tilespmem:s10+$0x10]  }
0x157: {  	[tilespmem:s10+$0xFFFFFFA0] =	vst v4;
	v4 =	vmul.f32 v3, v0;
	v3 =	vmov s11;
	v10 =	vld [tilespmem:s10+$0x20]  }
.Ltmp12:
0x158: {  	[tilespmem:s10+$0xFFFFFFB0] =	vst v2;
	v6 =	vmul.f32 v9, v0;
	v2 =	vperm.xlane v1, v3;
	v3 =	vld [tilespmem:s10+$0x30];
	(pc) =	sbr.rel @p1 .LBB2_26-.Ltmp12, $4  }
0x159: {  	[tilespmem:s10+$0xFFFFFFC0] =	vst v4;
	v5 =	vmul.f32 v5, v0;
	v4 =	vld [tilespmem:s10+$0x40]  }
0x15a: {  	[tilespmem:s10+$0xFFFFFFD0] =	vst v6;
	v7 =	vmul.f32 v7, v2;
	v6 =	vld [tilespmem:s10+$0x50]  }
0x15b: {  	[tilespmem:s10+$0xFFFFFFE0] =	vst v5;
	v9 =	vmul.f32 v8, v2;
	v5 =	vld [tilespmem:s10+$0x60]  }
0x15c: {  	s9 =	sadd.s32 $0x2, s9;
	[tilespmem:s10+$0x0] =	vst v7;
	v8 =	vmul.f32 v10, v2;
	v7 =	vld [tilespmem:s10+$0x70]  }
0x15d: {  	v1 =	vld [tilespmem:s8+$0xFFFFFFF0];
	[tilespmem:s8+$0x10] =	vst v9;
	v3 =	vmul.f32 v3, v2  }
0x15e: {  	s7 =	sadd.s32 $0x1, s7;
	[tilespmem:s8+$0x20] =	vst v8;
	v4 =	vmul.f32 v4, v2  }
0x15f: {  	p1 =	sne.s32 s7, $0x5;
	[tilespmem:s8+$0x30] =	vst v3;
	v61 =	vmul.f32 v6, v2  }
.Ltmp13:
0x160: {  	[tilespmem:s8+$0x40] =	vst v4;
	v62 =	vmul.f32 v5, v2;
	(pc) =	sbr.rel @p1 .LBB2_25-.Ltmp13, $4  }
0x161: {  	[tilespmem:s8+$0x50] =	vst v61;
	v63 =	vmul.f32 v7, v2  }
0x162: {  	v0 =	vmul.f32 v1, v0;
	[tilespmem:s8+$0x60] =	vst v62  }
0x163: {  	[tilespmem:s8+$0x70] =	vst v63  }
0x164: {  	s6 =	sadd.s32 $0x400, s6;
	[tilespmem:s8+$0xFFFFFFF0] =	vst v0  }
0x165: {  	s5 =	simm.s32 $0x15F68  }
0x166: {  	[spmem:s2] =	stream.indirect.scatter.add.f32 [tilespmem:s25], [sflag:$0x6], $0x80, s5, s22, $0xb8;
	[tilespmem:$0x1FF00] =	vst v63  }
0x167: {  	_ =	swait.ge [sflag:s1], $0x1400  }
0x168: {  	[sflag:s1] =	ssyncset.done $0x0  }
0x169: {  	[sflag:s1] =	ssyncadd.s32 $0xFFFFEC00  }
0x16a: {  	_ =	swait.ge [sflag:s18], $0x1400  }
0x16b: {  	[sflag:s18] =	ssyncset.done $0x0  }
0x16c: {  	[sflag:s18] =	ssyncadd.s32 $0xFFFFEC00  }
0x16d: {  	[bflag:$0x0] =	sbarrier.arrive $0xFFFF  }
0x16e: {  	s5 =	simm.s32 @p0 $0x1FC9;
	s6 =	rddreg [dreg:$0xa]  }
0x16f: {  	[hbm:s6], [sflag:s5] =	dma.local @p0 [spmem:s13], $0x2800  }
0x170: {  	s5 =	simm.s32 @p0 $0x9  }
0x171: {  	_ =	swait.ge @p0 [sflag:s5], $0x2800  }
0x172: {  	[sflag:s5] =	ssyncset.done @p0 $0x0  }
0x173: {  	[sflag:s5] =	ssyncadd.s32 @p0 $0xFFFFD800;
	s5 =	rddreg [dreg:$0x9]  }
0x174: {  	[hbm:s5], [sflag:s14] =	dma.local @!p0 [spmem:s15], $0x2700  }
0x175: {  	s5 =	simm.s32 @!p0 $0x9  }
0x176: {  	_ =	swait.ge @!p0 [sflag:s5], $0x2700  }
0x177: {  	s3 =	sadd.s32 $0x1, s3;
	s20 =	rddreg [dreg:$0xb]  }
0x178: {  	p1 =	sne.s32 s3, s20  }
.Ltmp14:
0x179: {  	_ = 	snop;
	(pc) =	sbr.rel @p1 .LBB2_1-.Ltmp14, $3  }
0x17a: {  	_ =	sdelay $0x1  }
0x17b: {  	[sflag:s5] =	ssyncset.done @!p0 $0x0  }
0x17c: {  	[sflag:s5] =	ssyncadd.s32 @!p0 $0xFFFFD900  }
0x17d: {  	_ =	sfence.sel $0x180000  }
0x17e: {  	[bflag:$0x0] =	sbarrier.arrive $0xFFFF  }
0x17f: {  	_ =	strace $0x9000004A  }
0x180: {  	s0 =	stileid.u32;
	[bflag:$0x2] =	sbarrier.arrive $0xFFFF  }
0x181: {  	p0 =	sne.s32 s0, $0x0;
	s0 =	rddreg [dreg:$0x3]  }
0x182: {  	s0 =	sadd.s32 @!p0 $0x100000, s0  }
0x183: {  	[sflag:s0] =	ssyncadd.tile.s32 @!p0 $0x1;
	_ =	shalt  }
.Lfunc_end2:
_tile_overlayer_lowered:
.L_overlay_start_2:
0x184: {  	(tag) =	ssettag $0x2  }
0x185: {  	s0 =	rddreg [dreg:$0x0];
	s2 =	stileid.u32  }
0x186: {  	s1 =	rddreg [dreg:$0x1];
	p0 =	sne.s32 s2, $0x0  }
0x187: {  	s3 =	rddreg [dreg:$0x2];
	[bflag:$0x3] =	sbarrier.arrive $0xFFFF;
	s2 =	simm.s32 @!p0 $0x1C09  }
0x188: {  	[timem:s3], [sflag:s2] =	dma.local @!p0 [hbm:s0], s1  }
0x189: {  	s0 =	simm.s32 @!p0 $0x9  }
0x18a: {  	_ =	swait.ge @!p0 [sflag:s0], s1  }
0x18b: {  	s1 =	ssub.s32 @!p0 $0x0, s1;
	[sflag:s0] =	ssyncset.done @!p0 $0x0  }
0x18c: {  	[sflag:s0] =	ssyncadd.s32 @!p0 s1  }
0x18d: {  	[bflag:$0x3] =	sbarrier.arrive $0xFFFF  }
0x18e: {  	_ =	shalt  }

</sc_bundles>
